<compile_context>
chip_gen: v7x
topology: tpu7x:2x2x1
jax: 0.10.2.dev20260603
libtpu: 0.0.44.dev20260713+nightly
codegen_flags: <defaults>
</compile_context>

<pallas_src>
import functools

import jax
import jax.numpy as jnp
from jax import lax
from jax.experimental import pallas as pl
from jax.experimental.pallas import tpu as pltpu
from jax.experimental.pallas import tpu_sc as plsc

BATCH = 2
SEQ = 4096
D_MODEL = 2048
NC = 2
NS = 16
NW = NC * NS
B_PER_W = BATCH * SEQ // NW
W_PER_BATCH = SEQ // B_PER_W
CHUNK = 8
NCHUNK = B_PER_W // CHUNK
NBUF = 6
LA = 5

_mesh = plsc.VectorSubcoreMesh(core_axis_name="c", subcore_axis_name="s")


@functools.partial(
    pl.kernel,
    out_type=jax.ShapeDtypeStruct((BATCH, SEQ, D_MODEL), jnp.float32),
    mesh=_mesh,
    scratch_types=[
        pltpu.VMEM((B_PER_W,), jnp.int32),
        pltpu.VMEM((NBUF, CHUNK, D_MODEL), jnp.float32),
        pltpu.SemaphoreType.DMA((NBUF,)),
        pltpu.SemaphoreType.DMA((NBUF,)),
    ],
)
def _sc_gather(idx_hbm, table_hbm, out_hbm, idx_v, bufs, gsem, ssem):
    wid = lax.axis_index("s") * NC + lax.axis_index("c")
    b = wid // W_PER_BATCH
    seq0 = (wid % W_PER_BATCH) * B_PER_W
    pltpu.sync_copy(idx_hbm.at[b, pl.ds(seq0, B_PER_W)], idx_v)
    gath = [None] * NCHUNK
    outc = [None] * NCHUNK
    for t in range(NCHUNK + LA):
        if t < NCHUNK:
            buf = t % NBUF
            if t >= NBUF:
                outc[t - NBUF].wait()
            gath[t] = pltpu.async_copy(
                table_hbm.at[idx_v.at[pl.ds(t * CHUNK, CHUNK)]],
                bufs.at[buf], gsem.at[buf])
        j = t - LA
        if j >= 0:
            gath[j].wait()
            outc[j] = pltpu.async_copy(
                bufs.at[j % NBUF],
                out_hbm.at[b, pl.ds(seq0 + j * CHUNK, CHUNK)],
                ssem.at[j % NBUF])
    for j in range(NCHUNK - NBUF, NCHUNK):
        outc[j].wait()


def kernel(input_ids, embed_table):
    return _sc_gather(input_ids, embed_table)

# --- scband reference (transcript-rebuilt; emitter-appended) ---
"""Pipeline reference for scband-llama-embeddings-5669356830945 (READ-ONLY COPY).

The authoritative reference and input builder live on the scoring server;
editing this copy changes nothing except your own understanding.
"""

import jax, jax.numpy as jnp
import numpy as np

VOCAB = 32000
D_MODEL = 2048
BATCH = 2
SEQ_LEN = 4096


def setup_inputs(seed: int = 0) -> dict:
    key = jax.random.key(seed)
    k_ids, k_tab = jax.random.split(key)
    input_ids = jax.random.randint(k_ids, (BATCH, SEQ_LEN), 0, VOCAB, dtype=jnp.int32)
    # Learned word-embedding table (Llama uses rotary position embeddings, so the
    # embeddings module is a pure word-embedding lookup; position_ids is unused here).
    embed_table = jax.random.normal(k_tab, (VOCAB, D_MODEL), dtype=jnp.float32) * 0.02
    return {"input_ids": input_ids, "embed_table": embed_table}


def reference(input_ids, embed_table):
    # LlamaEmbeddings_ with process_group=None / sequence_parallel=False:
    # hidden_states = self.embeddings(input_ids, position_ids=None)
    # -> plain word-embedding gather: table[input_ids]
    hidden_states = jnp.take(embed_table, input_ids, axis=0)
    return hidden_states

if __name__ == "__main__":
    import jax
    _d = setup_inputs()
    print(jax.jit(kernel)(*tuple(_d.values())))

</pallas_src>

<mosaic_0001>
#map = affine_map<(d0, d1) -> (0, 0)>
#map1 = affine_map<(d0, d1) -> (0, 0, 0)>
module attributes {stable_mosaic.version = 14 : i64} {
  func.func @_sc_gather(%arg0: i32, %arg1: i32, %arg2: memref<2x4096xi32, #tpu.memory_space<hbm>>, %arg3: memref<32000x2048xf32, #tpu.memory_space<hbm>>, %arg4: memref<2x4096x2048xf32, #tpu.memory_space<hbm>>, %arg5: memref<256xi32, #tpu.memory_space<vmem>>, %arg6: memref<6x8x2048xf32, #tpu.memory_space<vmem>>, %arg7: memref<6x!tpu.dma_semaphore, #tpu.memory_space<semaphore_mem>>, %arg8: memref<6x!tpu.dma_semaphore, #tpu.memory_space<semaphore_mem>>) attributes {dimension_semantics = [#tpu.dimension_semantics<core_parallel>, #tpu.dimension_semantics<subcore_parallel>], iteration_bounds = array<i64: 2, 16>, scalar_prefetch = 0 : i64, scratch_operands = 4 : i64, tpu.core_type = #tpu.core_type<sc_vector_subcore>, window_params = [{transform_indices = #map}, {transform_indices = #map}, {transform_indices = #map1}]} {
    %mul3A = arith.constant 2 : i32
    %mul3A_0 = arith.muli %arg1, %mul3A : i32
    %add3A = arith.addi %mul3A_0, %arg0 : i32
    %jit3A = arith.constant 16 : i32
    %div3A = arith.divsi %add3A, %jit3A : i32
    %sign3A = arith.constant 0 : i32
    %sign3A_1 = arith.cmpi sgt, %add3A, %sign3A : i32
    %sign3A_2 = arith.extui %sign3A_1 : i1 to i32
    %sign3A_3 = arith.constant 0 : i32
    %sign3A_4 = arith.cmpi slt, %add3A, %sign3A_3 : i32
    %sign3A_5 = arith.extui %sign3A_4 : i1 to i32
    %sign3A_6 = arith.subi %sign3A_2, %sign3A_5 : i32
    %sign3A_7 = arith.constant 0 : i32
    %sign3A_8 = arith.cmpi sgt, %jit3A, %sign3A_7 : i32
    %sign3A_9 = arith.extui %sign3A_8 : i1 to i32
    %sign3A_10 = arith.constant 0 : i32
    %sign3A_11 = arith.cmpi slt, %jit3A, %sign3A_10 : i32
    %sign3A_12 = arith.extui %sign3A_11 : i1 to i32
    %sign3A_13 = arith.subi %sign3A_9, %sign3A_12 : i32
    %ne3A = arith.cmpi ne, %sign3A_6, %sign3A_13 : i32
    %rem3A = arith.remsi %add3A, %jit3A : i32
    %ne3A_14 = arith.constant 0 : i32
    %ne3A_15 = arith.cmpi ne, %rem3A, %ne3A_14 : i32
    %and3A = arith.andi %ne3A, %ne3A_15 : i1
    %sub3A = arith.constant 1 : i32
    %sub3A_16 = arith.subi %div3A, %sub3A : i32
    %select_n3A = arith.select %and3A, %sub3A_16, %div3A : i32
    %jit3A_17 = arith.constant 16 : i32
    %eq3A = arith.constant 0 : i32
    %eq3A_18 = arith.cmpi eq, %jit3A_17, %eq3A : i32
    %jit3A_19 = arith.constant 1 : i32
    %select_n3A_20 = arith.select %eq3A_18, %jit3A_19, %jit3A_17 : i32
    %rem3A_21 = arith.remsi %add3A, %select_n3A_20 : i32
    %ne3A_22 = arith.constant 0 : i32
    %ne3A_23 = arith.cmpi ne, %rem3A_21, %ne3A_22 : i32
    %lt3A = arith.constant 0 : i32
    %lt3A_24 = arith.cmpi slt, %rem3A_21, %lt3A : i32
    %lt3A_25 = arith.constant 0 : i32
    %lt3A_26 = arith.cmpi slt, %select_n3A_20, %lt3A_25 : i32
    %ne3A_27 = arith.xori %lt3A_24, %lt3A_26 : i1
    %and3A_28 = arith.andi %ne3A_27, %ne3A_23 : i1
    %add3A_29 = arith.addi %rem3A_21, %select_n3A_20 : i32
    %select_n3A_30 = arith.select %and3A_28, %add3A_29, %rem3A_21 : i32
    %mul3A_31 = arith.constant 256 : i32
    %mul3A_32 = arith.muli %select_n3A_30, %mul3A_31 : i32
    "tpu.region"() ({
      %run_scoped3A = tpu.sem_alloc : memref<!tpu.dma_semaphore, #tpu.memory_space<semaphore_mem>>
      %dma_start3A_2079 = tpu.memref_slice %arg2[%select_n3A, %mul3A_32] : memref<2x4096xi32, #tpu.memory_space<hbm>> -> memref<1x256xi32, #tpu.memory_space<hbm>>
      %dma_start3A_2080 = tpu.memref_squeeze %dma_start3A_2079 : memref<1x256xi32, #tpu.memory_space<hbm>> -> memref<256xi32, #tpu.memory_space<hbm>>
      %dma_start3A_2081 = tpu.memref_slice %arg2[%select_n3A, %mul3A_32] : memref<2x4096xi32, #tpu.memory_space<hbm>> -> memref<1x256xi32, #tpu.memory_space<hbm>>
      %dma_start3A_2082 = tpu.memref_squeeze %dma_start3A_2081 : memref<1x256xi32, #tpu.memory_space<hbm>> -> memref<256xi32, #tpu.memory_space<hbm>>
      tpu.enqueue_dma source(%dma_start3A_2082 : memref<256xi32, #tpu.memory_space<hbm>>) target(%arg5 : memref<256xi32, #tpu.memory_space<vmem>>) target_semaphore(%run_scoped3A : memref<!tpu.dma_semaphore, #tpu.memory_space<semaphore_mem>>)
      %dma_wait3A_2083 = tpu.memref_slice %arg2[%select_n3A, %mul3A_32] : memref<2x4096xi32, #tpu.memory_space<hbm>> -> memref<1x256xi32, #tpu.memory_space<hbm>>
      %dma_wait3A_2084 = tpu.memref_squeeze %dma_wait3A_2083 : memref<1x256xi32, #tpu.memory_space<hbm>> -> memref<256xi32, #tpu.memory_space<hbm>>
      %dma_wait3A_2085 = tpu.memref_slice %arg2[%select_n3A, %mul3A_32] : memref<2x4096xi32, #tpu.memory_space<hbm>> -> memref<1x256xi32, #tpu.memory_space<hbm>>
      %dma_wait3A_2086 = tpu.memref_squeeze %dma_wait3A_2085 : memref<1x256xi32, #tpu.memory_space<hbm>> -> memref<256xi32, #tpu.memory_space<hbm>>
      tpu.wait_dma2 semaphore(%run_scoped3A : memref<!tpu.dma_semaphore, #tpu.memory_space<semaphore_mem>>) src(%dma_wait3A_2086 : memref<256xi32, #tpu.memory_space<hbm>>) dst(%arg5 : memref<256xi32, #tpu.memory_space<vmem>>)
      tpu.yield
    }) : () -> ()
    %dma_start3A = arith.constant 0 : i32
    %dma_start3A_33 = arith.constant 0 : i32
    %dma_start3A_34 = arith.constant 0 : i32
    %dma_start3A_35 = arith.constant 0 : i32
    %dma_start3A_36 = tpu.memref_slice %arg6[%dma_start3A, %dma_start3A_34, %dma_start3A_35] : memref<6x8x2048xf32, #tpu.memory_space<vmem>> -> memref<1x8x2048xf32, #tpu.memory_space<vmem>>
    %dma_start3A_37 = tpu.memref_squeeze %dma_start3A_36 : memref<1x8x2048xf32, #tpu.memory_space<vmem>> -> memref<8x2048xf32, #tpu.memory_space<vmem>>
    %dma_start3A_38 = arith.constant 0 : i32
    %dma_start3A_39 = tpu.memref_slice %arg5[%dma_start3A_38] : memref<256xi32, #tpu.memory_space<vmem>> -> memref<8xi32, #tpu.memory_space<vmem>>
    %dma_start3A_40 = arith.constant 0 : i32
    %dma_start3A_41 = arith.constant 0 : i32
    %dma_start3A_42 = tpu.memref_slice %arg3[%dma_start3A_40, %dma_start3A_41] : memref<32000x2048xf32, #tpu.memory_space<hbm>> -> memref<32000x2048xf32, #tpu.memory_space<hbm>>
    %dma_start3A_43 = tpu.memref_slice %arg7[%dma_start3A_33] : memref<6x!tpu.dma_semaphore, #tpu.memory_space<semaphore_mem>> -> memref<1x!tpu.dma_semaphore, #tpu.memory_space<semaphore_mem>>
    %dma_start3A_44 = tpu.memref_squeeze %dma_start3A_43 : memref<1x!tpu.dma_semaphore, #tpu.memory_space<semaphore_mem>> -> memref<!tpu.dma_semaphore, #tpu.memory_space<semaphore_mem>>
    tpu.enqueue_indirect_dma source(%dma_start3A_42 : memref<32000x2048xf32, #tpu.memory_space<hbm>>) target(%dma_start3A_37 : memref<8x2048xf32, #tpu.memory_space<vmem>>) offsets(%dma_start3A_39 : memref<8xi32, #tpu.memory_space<vmem>>) semaphore(%dma_start3A_44 : memref<!tpu.dma_semaphore, #tpu.memory_space<semaphore_mem>>)
    %dma_start3A_45 = arith.constant 1 : i32
    %dma_start3A_46 = arith.constant 1 : i32
    %dma_start3A_47 = arith.constant 0 : i32
    %dma_start3A_48 = arith.constant 0 : i32
    %dma_start3A_49 = tpu.memref_slice %arg6[%dma_start3A_45, %dma_start3A_47, %dma_start3A_48] : memref<6x8x2048xf32, #tpu.memory_space<vmem>> -> memref<1x8x2048xf32, #tpu.memory_space<vmem>>
    %dma_start3A_50 = tpu.memref_squeeze %dma_start3A_49 : memref<1x8x2048xf32, #tpu.memory_space<vmem>> -> memref<8x2048xf32, #tpu.memory_space<vmem>>
    %dma_start3A_51 = arith.constant 8 : i32
    %dma_start3A_52 = tpu.memref_slice %arg5[%dma_start3A_51] : memref<256xi32, #tpu.memory_space<vmem>> -> memref<8xi32, #tpu.memory_space<vmem>>
    %dma_start3A_53 = arith.constant 0 : i32
    %dma_start3A_54 = arith.constant 0 : i32
    %dma_start3A_55 = tpu.memref_slice %arg3[%dma_start3A_53, %dma_start3A_54] : memref<32000x2048xf32, #tpu.memory_space<hbm>> -> memref<32000x2048xf32, #tpu.memory_space<hbm>>
    %dma_start3A_56 = tpu.memref_slice %arg7[%dma_start3A_46] : memref<6x!tpu.dma_semaphore, #tpu.memory_space<semaphore_mem>> -> memref<1x!tpu.dma_semaphore, #tpu.memory_space<semaphore_mem>>
    %dma_start3A_57 = tpu.memref_squeeze %dma_start3A_56 : memref<1x!tpu.dma_semaphore, #tpu.memory_space<semaphore_mem>> -> memref<!tpu.dma_semaphore, #tpu.memory_space<semaphore_mem>>
    tpu.enqueue_indirect_dma source(%dma_start3A_55 : memref<32000x2048xf32, #tpu.memory_space<hbm>>) target(%dma_start3A_50 : memref<8x2048xf32, #tpu.memory_space<vmem>>) offsets(%dma_start3A_52 : memref<8xi32, #tpu.memory_space<vmem>>) semaphore(%dma_start3A_57 : memref<!tpu.dma_semaphore, #tpu.memory_space<semaphore_mem>>)
    %dma_start3A_58 = arith.constant 2 : i32
    %dma_start3A_59 = arith.constant 2 : i32
    %dma_start3A_60 = arith.constant 0 : i32
    %dma_start3A_61 = arith.constant 0 : i32
    %dma_start3A_62 = tpu.memref_slice %arg6[%dma_start3A_58, %dma_start3A_60, %dma_start3A_61] : memref<6x8x2048xf32, #tpu.memory_space<vmem>> -> memref<1x8x2048xf32, #tpu.memory_space<vmem>>
    %dma_start3A_63 = tpu.memref_squeeze %dma_start3A_62 : memref<1x8x2048xf32, #tpu.memory_space<vmem>> -> memref<8x2048xf32, #tpu.memory_space<vmem>>
    %dma_start3A_64 = arith.constant 16 : i32
    %dma_start3A_65 = tpu.memref_slice %arg5[%dma_start3A_64] : memref<256xi32, #tpu.memory_space<vmem>> -> memref<8xi32, #tpu.memory_space<vmem>>
    %dma_start3A_66 = arith.constant 0 : i32
    %dma_start3A_67 = arith.constant 0 : i32
    %dma_start3A_68 = tpu.memref_slice %arg3[%dma_start3A_66, %dma_start3A_67] : memref<32000x2048xf32, #tpu.memory_space<hbm>> -> memref<32000x2048xf32, #tpu.memory_space<hbm>>
    %dma_start3A_69 = tpu.memref_slice %arg7[%dma_start3A_59] : memref<6x!tpu.dma_semaphore, #tpu.memory_space<semaphore_mem>> -> memref<1x!tpu.dma_semaphore, #tpu.memory_space<semaphore_mem>>
    %dma_start3A_70 = tpu.memref_squeeze %dma_start3A_69 : memref<1x!tpu.dma_semaphore, #tpu.memory_space<semaphore_mem>> -> memref<!tpu.dma_semaphore, #tpu.memory_space<semaphore_mem>>
    tpu.enqueue_indirect_dma source(%dma_start3A_68 : memref<32000x2048xf32, #tpu.memory_space<hbm>>) target(%dma_start3A_63 : memref<8x2048xf32, #tpu.memory_space<vmem>>) offsets(%dma_start3A_65 : memref<8xi32, #tpu.memory_space<vmem>>) semaphore(%dma_start3A_70 : memref<!tpu.dma_semaphore, #tpu.memory_space<semaphore_mem>>)
    %dma_start3A_71 = arith.constant 3 : i32
    %dma_start3A_72 = arith.constant 3 : i32
    %dma_start3A_73 = arith.constant 0 : i32
    %dma_start3A_74 = arith.constant 0 : i32
    %dma_start3A_75 = tpu.memref_slice %arg6[%dma_start3A_71, %dma_start3A_73, %dma_start3A_74] : memref<6x8x2048xf32, #tpu.memory_space<vmem>> -> memref<1x8x2048xf32, #tpu.memory_space<vmem>>
    %dma_start3A_76 = tpu.memref_squeeze %dma_start3A_75 : memref<1x8x2048xf32, #tpu.memory_space<vmem>> -> memref<8x2048xf32, #tpu.memory_space<vmem>>
    %dma_start3A_77 = arith.constant 24 : i32
    %dma_start3A_78 = tpu.memref_slice %arg5[%dma_start3A_77] : memref<256xi32, #tpu.memory_space<vmem>> -> memref<8xi32, #tpu.memory_space<vmem>>
    %dma_start3A_79 = arith.constant 0 : i32
    %dma_start3A_80 = arith.constant 0 : i32
    %dma_start3A_81 = tpu.memref_slice %arg3[%dma_start3A_79, %dma_start3A_80] : memref<32000x2048xf32, #tpu.memory_space<hbm>> -> memref<32000x2048xf32, #tpu.memory_space<hbm>>
    %dma_start3A_82 = tpu.memref_slice %arg7[%dma_start3A_72] : memref<6x!tpu.dma_semaphore, #tpu.memory_space<semaphore_mem>> -> memref<1x!tpu.dma_semaphore, #tpu.memory_space<semaphore_mem>>
    %dma_start3A_83 = tpu.memref_squeeze %dma_start3A_82 : memref<1x!tpu.dma_semaphore, #tpu.memory_space<semaphore_mem>> -> memref<!tpu.dma_semaphore, #tpu.memory_space<semaphore_mem>>
    tpu.enqueue_indirect_dma source(%dma_start3A_81 : memref<32000x2048xf32, #tpu.memory_space<hbm>>) target(%dma_start3A_76 : memref<8x2048xf32, #tpu.memory_space<vmem>>) offsets(%dma_start3A_78 : memref<8xi32, #tpu.memory_space<vmem>>) semaphore(%dma_start3A_83 : memref<!tpu.dma_semaphore, #tpu.memory_space<semaphore_mem>>)
    %dma_start3A_84 = arith.constant 4 : i32
    %dma_start3A_85 = arith.constant 4 : i32
    %dma_start3A_86 = arith.constant 0 : i32
    %dma_start3A_87 = arith.constant 0 : i32
    %dma_start3A_88 = tpu.memref_slice %arg6[%dma_start3A_84, %dma_start3A_86, %dma_start3A_87] : memref<6x8x2048xf32, #tpu.memory_space<vmem>> -> memref<1x8x2048xf32, #tpu.memory_space<vmem>>
    %dma_start3A_89 = tpu.memref_squeeze %dma_start3A_88 : memref<1x8x2048xf32, #tpu.memory_space<vmem>> -> memref<8x2048xf32, #tpu.memory_space<vmem>>
    %dma_start3A_90 = arith.constant 32 : i32
    %dma_start3A_91 = tpu.memref_slice %arg5[%dma_start3A_90] : memref<256xi32, #tpu.memory_space<vmem>> -> memref<8xi32, #tpu.memory_space<vmem>>
    %dma_start3A_92 = arith.constant 0 : i32
    %dma_start3A_93 = arith.constant 0 : i32
    %dma_start3A_94 = tpu.memref_slice %arg3[%dma_start3A_92, %dma_start3A_93] : memref<32000x2048xf32, #tpu.memory_space<hbm>> -> memref<32000x2048xf32, #tpu.memory_space<hbm>>
    %dma_start3A_95 = tpu.memref_slice %arg7[%dma_start3A_85] : memref<6x!tpu.dma_semaphore, #tpu.memory_space<semaphore_mem>> -> memref<1x!tpu.dma_semaphore, #tpu.memory_space<semaphore_mem>>
    %dma_start3A_96 = tpu.memref_squeeze %dma_start3A_95 : memref<1x!tpu.dma_semaphore, #tpu.memory_space<semaphore_mem>> -> memref<!tpu.dma_semaphore, #tpu.memory_space<semaphore_mem>>
    tpu.enqueue_indirect_dma source(%dma_start3A_94 : memref<32000x2048xf32, #tpu.memory_space<hbm>>) target(%dma_start3A_89 : memref<8x2048xf32, #tpu.memory_space<vmem>>) offsets(%dma_start3A_91 : memref<8xi32, #tpu.memory_space<vmem>>) semaphore(%dma_start3A_96 : memref<!tpu.dma_semaphore, #tpu.memory_space<semaphore_mem>>)
    %dma_start3A_97 = arith.constant 5 : i32
    %dma_start3A_98 = arith.constant 5 : i32
    %dma_start3A_99 = arith.constant 0 : i32
    %dma_start3A_100 = arith.constant 0 : i32
    %dma_start3A_101 = tpu.memref_slice %arg6[%dma_start3A_97, %dma_start3A_99, %dma_start3A_100] : memref<6x8x2048xf32, #tpu.memory_space<vmem>> -> memref<1x8x2048xf32, #tpu.memory_space<vmem>>
    %dma_start3A_102 = tpu.memref_squeeze %dma_start3A_101 : memref<1x8x2048xf32, #tpu.memory_space<vmem>> -> memref<8x2048xf32, #tpu.memory_space<vmem>>
    %dma_start3A_103 = arith.constant 40 : i32
    %dma_start3A_104 = tpu.memref_slice %arg5[%dma_start3A_103] : memref<256xi32, #tpu.memory_space<vmem>> -> memref<8xi32, #tpu.memory_space<vmem>>
    %dma_start3A_105 = arith.constant 0 : i32
    %dma_start3A_106 = arith.constant 0 : i32
    %dma_start3A_107 = tpu.memref_slice %arg3[%dma_start3A_105, %dma_start3A_106] : memref<32000x2048xf32, #tpu.memory_space<hbm>> -> memref<32000x2048xf32, #tpu.memory_space<hbm>>
    %dma_start3A_108 = tpu.memref_slice %arg7[%dma_start3A_98] : memref<6x!tpu.dma_semaphore, #tpu.memory_space<semaphore_mem>> -> memref<1x!tpu.dma_semaphore, #tpu.memory_space<semaphore_mem>>
    %dma_start3A_109 = tpu.memref_squeeze %dma_start3A_108 : memref<1x!tpu.dma_semaphore, #tpu.memory_space<semaphore_mem>> -> memref<!tpu.dma_semaphore, #tpu.memory_space<semaphore_mem>>
    tpu.enqueue_indirect_dma source(%dma_start3A_107 : memref<32000x2048xf32, #tpu.memory_space<hbm>>) target(%dma_start3A_102 : memref<8x2048xf32, #tpu.memory_space<vmem>>) offsets(%dma_start3A_104 : memref<8xi32, #tpu.memory_space<vmem>>) semaphore(%dma_start3A_109 : memref<!tpu.dma_semaphore, #tpu.memory_space<semaphore_mem>>)
    %dma_wait3A = arith.constant 0 : i32
    %dma_wait3A_110 = arith.constant 0 : i32
    %dma_wait3A_111 = arith.constant 0 : i32
    %dma_wait3A_112 = arith.constant 0 : i32
    %dma_wait3A_113 = tpu.memref_slice %arg6[%dma_wait3A, %dma_wait3A_111, %dma_wait3A_112] : memref<6x8x2048xf32, #tpu.memory_space<vmem>> -> memref<1x8x2048xf32, #tpu.memory_space<vmem>>
    %dma_wait3A_114 = tpu.memref_squeeze %dma_wait3A_113 : memref<1x8x2048xf32, #tpu.memory_space<vmem>> -> memref<8x2048xf32, #tpu.memory_space<vmem>>
    %dma_wait3A_115 = arith.constant 0 : i32
    %dma_wait3A_116 = tpu.memref_slice %arg5[%dma_wait3A_115] : memref<256xi32, #tpu.memory_space<vmem>> -> memref<8xi32, #tpu.memory_space<vmem>>
    %dma_wait3A_117 = arith.constant 0 : i32
    %dma_wait3A_118 = arith.constant 0 : i32
    %dma_wait3A_119 = tpu.memref_slice %arg3[%dma_wait3A_117, %dma_wait3A_118] : memref<32000x2048xf32, #tpu.memory_space<hbm>> -> memref<32000x2048xf32, #tpu.memory_space<hbm>>
    %dma_wait3A_120 = tpu.memref_slice %arg7[%dma_wait3A_110] : memref<6x!tpu.dma_semaphore, #tpu.memory_space<semaphore_mem>> -> memref<1x!tpu.dma_semaphore, #tpu.memory_space<semaphore_mem>>
    %dma_wait3A_121 = tpu.memref_squeeze %dma_wait3A_120 : memref<1x!tpu.dma_semaphore, #tpu.memory_space<semaphore_mem>> -> memref<!tpu.dma_semaphore, #tpu.memory_space<semaphore_mem>>
    tpu.wait_indirect_dma semaphore(%dma_wait3A_121 : memref<!tpu.dma_semaphore, #tpu.memory_space<semaphore_mem>>) src(%dma_wait3A_119 : memref<32000x2048xf32, #tpu.memory_space<hbm>>) dst(%dma_wait3A_114 : memref<8x2048xf32, #tpu.memory_space<vmem>>)
    %add3A_122 = arith.constant 0 : i32
    %add3A_123 = arith.addi %mul3A_32, %add3A_122 : i32
    %dma_start3A_124 = arith.constant 0 : i32
    %dma_start3A_125 = arith.constant 0 : i32
    %dma_start3A_126 = arith.constant 0 : i32
    %dma_start3A_127 = arith.constant 0 : i32
    %dma_start3A_128 = tpu.memref_slice %arg6[%dma_start3A_124, %dma_start3A_126, %dma_start3A_127] : memref<6x8x2048xf32, #tpu.memory_space<vmem>> -> memref<1x8x2048xf32, #tpu.memory_space<vmem>>
    %dma_start3A_129 = tpu.memref_squeeze %dma_start3A_128 : memref<1x8x2048xf32, #tpu.memory_space<vmem>> -> memref<8x2048xf32, #tpu.memory_space<vmem>>
    %dma_start3A_130 = arith.constant 0 : i32
    %dma_start3A_131 = tpu.memref_slice %arg4[%select_n3A, %add3A_123, %dma_start3A_130] : memref<2x4096x2048xf32, #tpu.memory_space<hbm>> -> memref<1x8x2048xf32, #tpu.memory_space<hbm>>
    %dma_start3A_132 = tpu.memref_squeeze %dma_start3A_131 : memref<1x8x2048xf32, #tpu.memory_space<hbm>> -> memref<8x2048xf32, #tpu.memory_space<hbm>>
    %dma_start3A_133 = tpu.memref_slice %arg8[%dma_start3A_125] : memref<6x!tpu.dma_semaphore, #tpu.memory_space<semaphore_mem>> -> memref<1x!tpu.dma_semaphore, #tpu.memory_space<semaphore_mem>>
    %dma_start3A_134 = tpu.memref_squeeze %dma_start3A_133 : memref<1x!tpu.dma_semaphore, #tpu.memory_space<semaphore_mem>> -> memref<!tpu.dma_semaphore, #tpu.memory_space<semaphore_mem>>
    %dma_start3A_135 = arith.constant 0 : i32
    %dma_start3A_136 = tpu.memref_slice %arg4[%select_n3A, %add3A_123, %dma_start3A_135] : memref<2x4096x2048xf32, #tpu.memory_space<hbm>> -> memref<1x8x2048xf32, #tpu.memory_space<hbm>>
    %dma_start3A_137 = tpu.memref_squeeze %dma_start3A_136 : memref<1x8x2048xf32, #tpu.memory_space<hbm>> -> memref<8x2048xf32, #tpu.memory_space<hbm>>
    %dma_start3A_138 = arith.constant 0 : i32
    %dma_start3A_139 = arith.constant 0 : i32
    %dma_start3A_140 = tpu.memref_slice %arg6[%dma_start3A_124, %dma_start3A_138, %dma_start3A_139] : memref<6x8x2048xf32, #tpu.memory_space<vmem>> -> memref<1x8x2048xf32, #tpu.memory_space<vmem>>
    %dma_start3A_141 = tpu.memref_squeeze %dma_start3A_140 : memref<1x8x2048xf32, #tpu.memory_space<vmem>> -> memref<8x2048xf32, #tpu.memory_space<vmem>>
    tpu.enqueue_dma source(%dma_start3A_141 : memref<8x2048xf32, #tpu.memory_space<vmem>>) target(%dma_start3A_137 : memref<8x2048xf32, #tpu.memory_space<hbm>>) target_semaphore(%dma_start3A_134 : memref<!tpu.dma_semaphore, #tpu.memory_space<semaphore_mem>>)
    %dma_wait3A_142 = arith.constant 0 : i32
    %dma_wait3A_143 = arith.constant 0 : i32
    %dma_wait3A_144 = arith.constant 0 : i32
    %dma_wait3A_145 = arith.constant 0 : i32
    %dma_wait3A_146 = tpu.memref_slice %arg6[%dma_wait3A_142, %dma_wait3A_144, %dma_wait3A_145] : memref<6x8x2048xf32, #tpu.memory_space<vmem>> -> memref<1x8x2048xf32, #tpu.memory_space<vmem>>
    %dma_wait3A_147 = tpu.memref_squeeze %dma_wait3A_146 : memref<1x8x2048xf32, #tpu.memory_space<vmem>> -> memref<8x2048xf32, #tpu.memory_space<vmem>>
    %dma_wait3A_148 = arith.constant 0 : i32
    %dma_wait3A_149 = tpu.memref_slice %arg4[%select_n3A, %add3A_123, %dma_wait3A_148] : memref<2x4096x2048xf32, #tpu.memory_space<hbm>> -> memref<1x8x2048xf32, #tpu.memory_space<hbm>>
    %dma_wait3A_150 = tpu.memref_squeeze %dma_wait3A_149 : memref<1x8x2048xf32, #tpu.memory_space<hbm>> -> memref<8x2048xf32, #tpu.memory_space<hbm>>
    %dma_wait3A_151 = tpu.memref_slice %arg8[%dma_wait3A_143] : memref<6x!tpu.dma_semaphore, #tpu.memory_space<semaphore_mem>> -> memref<1x!tpu.dma_semaphore, #tpu.memory_space<semaphore_mem>>
    %dma_wait3A_152 = tpu.memref_squeeze %dma_wait3A_151 : memref<1x!tpu.dma_semaphore, #tpu.memory_space<semaphore_mem>> -> memref<!tpu.dma_semaphore, #tpu.memory_space<semaphore_mem>>
    %dma_wait3A_153 = arith.constant 0 : i32
    %dma_wait3A_154 = tpu.memref_slice %arg4[%select_n3A, %add3A_123, %dma_wait3A_153] : memref<2x4096x2048xf32, #tpu.memory_space<hbm>> -> memref<1x8x2048xf32, #tpu.memory_space<hbm>>
    %dma_wait3A_155 = tpu.memref_squeeze %dma_wait3A_154 : memref<1x8x2048xf32, #tpu.memory_space<hbm>> -> memref<8x2048xf32, #tpu.memory_space<hbm>>
    %dma_wait3A_156 = arith.constant 0 : i32
    %dma_wait3A_157 = arith.constant 0 : i32
    %dma_wait3A_158 = tpu.memref_slice %arg6[%dma_wait3A_142, %dma_wait3A_156, %dma_wait3A_157] : memref<6x8x2048xf32, #tpu.memory_space<vmem>> -> memref<1x8x2048xf32, #tpu.memory_space<vmem>>
    %dma_wait3A_159 = tpu.memref_squeeze %dma_wait3A_158 : memref<1x8x2048xf32, #tpu.memory_space<vmem>> -> memref<8x2048xf32, #tpu.memory_space<vmem>>
    tpu.wait_dma2 semaphore(%dma_wait3A_152 : memref<!tpu.dma_semaphore, #tpu.memory_space<semaphore_mem>>) src(%dma_wait3A_159 : memref<8x2048xf32, #tpu.memory_space<vmem>>) dst(%dma_wait3A_155 : memref<8x2048xf32, #tpu.memory_space<hbm>>)
    %dma_start3A_160 = arith.constant 0 : i32
    %dma_start3A_161 = arith.constant 0 : i32
    %dma_start3A_162 = arith.constant 0 : i32
    %dma_start3A_163 = arith.constant 0 : i32
    %dma_start3A_164 = tpu.memref_slice %arg6[%dma_start3A_160, %dma_start3A_162, %dma_start3A_163] : memref<6x8x2048xf32, #tpu.memory_space<vmem>> -> memref<1x8x2048xf32, #tpu.memory_space<vmem>>
    %dma_start3A_165 = tpu.memref_squeeze %dma_start3A_164 : memref<1x8x2048xf32, #tpu.memory_space<vmem>> -> memref<8x2048xf32, #tpu.memory_space<vmem>>
    %dma_start3A_166 = arith.constant 48 : i32
    %dma_start3A_167 = tpu.memref_slice %arg5[%dma_start3A_166] : memref<256xi32, #tpu.memory_space<vmem>> -> memref<8xi32, #tpu.memory_space<vmem>>
    %dma_start3A_168 = arith.constant 0 : i32
    %dma_start3A_169 = arith.constant 0 : i32
    %dma_start3A_170 = tpu.memref_slice %arg3[%dma_start3A_168, %dma_start3A_169] : memref<32000x2048xf32, #tpu.memory_space<hbm>> -> memref<32000x2048xf32, #tpu.memory_space<hbm>>
    %dma_start3A_171 = tpu.memref_slice %arg7[%dma_start3A_161] : memref<6x!tpu.dma_semaphore, #tpu.memory_space<semaphore_mem>> -> memref<1x!tpu.dma_semaphore, #tpu.memory_space<semaphore_mem>>
    %dma_start3A_172 = tpu.memref_squeeze %dma_start3A_171 : memref<1x!tpu.dma_semaphore, #tpu.memory_space<semaphore_mem>> -> memref<!tpu.dma_semaphore, #tpu.memory_space<semaphore_mem>>
    tpu.enqueue_indirect_dma source(%dma_start3A_170 : memref<32000x2048xf32, #tpu.memory_space<hbm>>) target(%dma_start3A_165 : memref<8x2048xf32, #tpu.memory_space<vmem>>) offsets(%dma_start3A_167 : memref<8xi32, #tpu.memory_space<vmem>>) semaphore(%dma_start3A_172 : memref<!tpu.dma_semaphore, #tpu.memory_space<semaphore_mem>>)
    %dma_wait3A_173 = arith.constant 1 : i32
    %dma_wait3A_174 = arith.constant 1 : i32
    %dma_wait3A_175 = arith.constant 0 : i32
    %dma_wait3A_176 = arith.constant 0 : i32
    %dma_wait3A_177 = tpu.memref_slice %arg6[%dma_wait3A_173, %dma_wait3A_175, %dma_wait3A_176] : memref<6x8x2048xf32, #tpu.memory_space<vmem>> -> memref<1x8x2048xf32, #tpu.memory_space<vmem>>
    %dma_wait3A_178 = tpu.memref_squeeze %dma_wait3A_177 : memref<1x8x2048xf32, #tpu.memory_space<vmem>> -> memref<8x2048xf32, #tpu.memory_space<vmem>>
    %dma_wait3A_179 = arith.constant 8 : i32
    %dma_wait3A_180 = tpu.memref_slice %arg5[%dma_wait3A_179] : memref<256xi32, #tpu.memory_space<vmem>> -> memref<8xi32, #tpu.memory_space<vmem>>
    %dma_wait3A_181 = arith.constant 0 : i32
    %dma_wait3A_182 = arith.constant 0 : i32
    %dma_wait3A_183 = tpu.memref_slice %arg3[%dma_wait3A_181, %dma_wait3A_182] : memref<32000x2048xf32, #tpu.memory_space<hbm>> -> memref<32000x2048xf32, #tpu.memory_space<hbm>>
    %dma_wait3A_184 = tpu.memref_slice %arg7[%dma_wait3A_174] : memref<6x!tpu.dma_semaphore, #tpu.memory_space<semaphore_mem>> -> memref<1x!tpu.dma_semaphore, #tpu.memory_space<semaphore_mem>>
    %dma_wait3A_185 = tpu.memref_squeeze %dma_wait3A_184 : memref<1x!tpu.dma_semaphore, #tpu.memory_space<semaphore_mem>> -> memref<!tpu.dma_semaphore, #tpu.memory_space<semaphore_mem>>
    tpu.wait_indirect_dma semaphore(%dma_wait3A_185 : memref<!tpu.dma_semaphore, #tpu.memory_space<semaphore_mem>>) src(%dma_wait3A_183 : memref<32000x2048xf32, #tpu.memory_space<hbm>>) dst(%dma_wait3A_178 : memref<8x2048xf32, #tpu.memory_space<vmem>>)
    %add3A_186 = arith.constant 8 : i32
    %add3A_187 = arith.addi %mul3A_32, %add3A_186 : i32
    %dma_start3A_188 = arith.constant 1 : i32
    %dma_start3A_189 = arith.constant 1 : i32
    %dma_start3A_190 = arith.constant 0 : i32
    %dma_start3A_191 = arith.constant 0 : i32
    %dma_start3A_192 = tpu.memref_slice %arg6[%dma_start3A_188, %dma_start3A_190, %dma_start3A_191] : memref<6x8x2048xf32, #tpu.memory_space<vmem>> -> memref<1x8x2048xf32, #tpu.memory_space<vmem>>
    %dma_start3A_193 = tpu.memref_squeeze %dma_start3A_192 : memref<1x8x2048xf32, #tpu.memory_space<vmem>> -> memref<8x2048xf32, #tpu.memory_space<vmem>>
    %dma_start3A_194 = arith.constant 0 : i32
    %dma_start3A_195 = tpu.memref_slice %arg4[%select_n3A, %add3A_187, %dma_start3A_194] : memref<2x4096x2048xf32, #tpu.memory_space<hbm>> -> memref<1x8x2048xf32, #tpu.memory_space<hbm>>
    %dma_start3A_196 = tpu.memref_squeeze %dma_start3A_195 : memref<1x8x2048xf32, #tpu.memory_space<hbm>> -> memref<8x2048xf32, #tpu.memory_space<hbm>>
    %dma_start3A_197 = tpu.memref_slice %arg8[%dma_start3A_189] : memref<6x!tpu.dma_semaphore, #tpu.memory_space<semaphore_mem>> -> memref<1x!tpu.dma_semaphore, #tpu.memory_space<semaphore_mem>>
    %dma_start3A_198 = tpu.memref_squeeze %dma_start3A_197 : memref<1x!tpu.dma_semaphore, #tpu.memory_space<semaphore_mem>> -> memref<!tpu.dma_semaphore, #tpu.memory_space<semaphore_mem>>
    %dma_start3A_199 = arith.constant 0 : i32
    %dma_start3A_200 = tpu.memref_slice %arg4[%select_n3A, %add3A_187, %dma_start3A_199] : memref<2x4096x2048xf32, #tpu.memory_space<hbm>> -> memref<1x8x2048xf32, #tpu.memory_space<hbm>>
    %dma_start3A_201 = tpu.memref_squeeze %dma_start3A_200 : memref<1x8x2048xf32, #tpu.memory_space<hbm>> -> memref<8x2048xf32, #tpu.memory_space<hbm>>
    %dma_start3A_202 = arith.constant 0 : i32
    %dma_start3A_203 = arith.constant 0 : i32
    %dma_start3A_204 = tpu.memref_slice %arg6[%dma_start3A_188, %dma_start3A_202, %dma_start3A_203] : memref<6x8x2048xf32, #tpu.memory_space<vmem>> -> memref<1x8x2048xf32, #tpu.memory_space<vmem>>
    %dma_start3A_205 = tpu.memref_squeeze %dma_start3A_204 : memref<1x8x2048xf32, #tpu.memory_space<vmem>> -> memref<8x2048xf32, #tpu.memory_space<vmem>>
    tpu.enqueue_dma source(%dma_start3A_205 : memref<8x2048xf32, #tpu.memory_space<vmem>>) target(%dma_start3A_201 : memref<8x2048xf32, #tpu.memory_space<hbm>>) target_semaphore(%dma_start3A_198 : memref<!tpu.dma_semaphore, #tpu.memory_space<semaphore_mem>>)
    %dma_wait3A_206 = arith.constant 1 : i32
    %dma_wait3A_207 = arith.constant 1 : i32
    %dma_wait3A_208 = arith.constant 0 : i32
    %dma_wait3A_209 = arith.constant 0 : i32
    %dma_wait3A_210 = tpu.memref_slice %arg6[%dma_wait3A_206, %dma_wait3A_208, %dma_wait3A_209] : memref<6x8x2048xf32, #tpu.memory_space<vmem>> -> memref<1x8x2048xf32, #tpu.memory_space<vmem>>
    %dma_wait3A_211 = tpu.memref_squeeze %dma_wait3A_210 : memref<1x8x2048xf32, #tpu.memory_space<vmem>> -> memref<8x2048xf32, #tpu.memory_space<vmem>>
    %dma_wait3A_212 = arith.constant 0 : i32
    %dma_wait3A_213 = tpu.memref_slice %arg4[%select_n3A, %add3A_187, %dma_wait3A_212] : memref<2x4096x2048xf32, #tpu.memory_space<hbm>> -> memref<1x8x2048xf32, #tpu.memory_space<hbm>>
    %dma_wait3A_214 = tpu.memref_squeeze %dma_wait3A_213 : memref<1x8x2048xf32, #tpu.memory_space<hbm>> -> memref<8x2048xf32, #tpu.memory_space<hbm>>
    %dma_wait3A_215 = tpu.memref_slice %arg8[%dma_wait3A_207] : memref<6x!tpu.dma_semaphore, #tpu.memory_space<semaphore_mem>> -> memref<1x!tpu.dma_semaphore, #tpu.memory_space<semaphore_mem>>
    %dma_wait3A_216 = tpu.memref_squeeze %dma_wait3A_215 : memref<1x!tpu.dma_semaphore, #tpu.memory_space<semaphore_mem>> -> memref<!tpu.dma_semaphore, #tpu.memory_space<semaphore_mem>>
    %dma_wait3A_217 = arith.constant 0 : i32
    %dma_wait3A_218 = tpu.memref_slice %arg4[%select_n3A, %add3A_187, %dma_wait3A_217] : memref<2x4096x2048xf32, #tpu.memory_space<hbm>> -> memref<1x8x2048xf32, #tpu.memory_space<hbm>>
    %dma_wait3A_219 = tpu.memref_squeeze %dma_wait3A_218 : memref<1x8x2048xf32, #tpu.memory_space<hbm>> -> memref<8x2048xf32, #tpu.memory_space<hbm>>
    %dma_wait3A_220 = arith.constant 0 : i32
    %dma_wait3A_221 = arith.constant 0 : i32
    %dma_wait3A_222 = tpu.memref_slice %arg6[%dma_wait3A_206, %dma_wait3A_220, %dma_wait3A_221] : memref<6x8x2048xf32, #tpu.memory_space<vmem>> -> memref<1x8x2048xf32, #tpu.memory_space<vmem>>
    %dma_wait3A_223 = tpu.memref_squeeze %dma_wait3A_222 : memref<1x8x2048xf32, #tpu.memory_space<vmem>> -> memref<8x2048xf32, #tpu.memory_space<vmem>>
    tpu.wait_dma2 semaphore(%dma_wait3A_216 : memref<!tpu.dma_semaphore, #tpu.memory_space<semaphore_mem>>) src(%dma_wait3A_223 : memref<8x2048xf32, #tpu.memory_space<vmem>>) dst(%dma_wait3A_219 : memref<8x2048xf32, #tpu.memory_space<hbm>>)
    %dma_start3A_224 = arith.constant 1 : i32
    %dma_start3A_225 = arith.constant 1 : i32
    %dma_start3A_226 = arith.constant 0 : i32
    %dma_start3A_227 = arith.constant 0 : i32
    %dma_start3A_228 = tpu.memref_slice %arg6[%dma_start3A_224, %dma_start3A_226, %dma_start3A_227] : memref<6x8x2048xf32, #tpu.memory_space<vmem>> -> memref<1x8x2048xf32, #tpu.memory_space<vmem>>
    %dma_start3A_229 = tpu.memref_squeeze %dma_start3A_228 : memref<1x8x2048xf32, #tpu.memory_space<vmem>> -> memref<8x2048xf32, #tpu.memory_space<vmem>>
    %dma_start3A_230 = arith.constant 56 : i32
    %dma_start3A_231 = tpu.memref_slice %arg5[%dma_start3A_230] : memref<256xi32, #tpu.memory_space<vmem>> -> memref<8xi32, #tpu.memory_space<vmem>>
    %dma_start3A_232 = arith.constant 0 : i32
    %dma_start3A_233 = arith.constant 0 : i32
    %dma_start3A_234 = tpu.memref_slice %arg3[%dma_start3A_232, %dma_start3A_233] : memref<32000x2048xf32, #tpu.memory_space<hbm>> -> memref<32000x2048xf32, #tpu.memory_space<hbm>>
    %dma_start3A_235 = tpu.memref_slice %arg7[%dma_start3A_225] : memref<6x!tpu.dma_semaphore, #tpu.memory_space<semaphore_mem>> -> memref<1x!tpu.dma_semaphore, #tpu.memory_space<semaphore_mem>>
    %dma_start3A_236 = tpu.memref_squeeze %dma_start3A_235 : memref<1x!tpu.dma_semaphore, #tpu.memory_space<semaphore_mem>> -> memref<!tpu.dma_semaphore, #tpu.memory_space<semaphore_mem>>
    tpu.enqueue_indirect_dma source(%dma_start3A_234 : memref<32000x2048xf32, #tpu.memory_space<hbm>>) target(%dma_start3A_229 : memref<8x2048xf32, #tpu.memory_space<vmem>>) offsets(%dma_start3A_231 : memref<8xi32, #tpu.memory_space<vmem>>) semaphore(%dma_start3A_236 : memref<!tpu.dma_semaphore, #tpu.memory_space<semaphore_mem>>)
    %dma_wait3A_237 = arith.constant 2 : i32
    %dma_wait3A_238 = arith.constant 2 : i32
    %dma_wait3A_239 = arith.constant 0 : i32
    %dma_wait3A_240 = arith.constant 0 : i32
    %dma_wait3A_241 = tpu.memref_slice %arg6[%dma_wait3A_237, %dma_wait3A_239, %dma_wait3A_240] : memref<6x8x2048xf32, #tpu.memory_space<vmem>> -> memref<1x8x2048xf32, #tpu.memory_space<vmem>>
    %dma_wait3A_242 = tpu.memref_squeeze %dma_wait3A_241 : memref<1x8x2048xf32, #tpu.memory_space<vmem>> -> memref<8x2048xf32, #tpu.memory_space<vmem>>
    %dma_wait3A_243 = arith.constant 16 : i32
    %dma_wait3A_244 = tpu.memref_slice %arg5[%dma_wait3A_243] : memref<256xi32, #tpu.memory_space<vmem>> -> memref<8xi32, #tpu.memory_space<vmem>>
    %dma_wait3A_245 = arith.constant 0 : i32
    %dma_wait3A_246 = arith.constant 0 : i32
    %dma_wait3A_247 = tpu.memref_slice %arg3[%dma_wait3A_245, %dma_wait3A_246] : memref<32000x2048xf32, #tpu.memory_space<hbm>> -> memref<32000x2048xf32, #tpu.memory_space<hbm>>
    %dma_wait3A_248 = tpu.memref_slice %arg7[%dma_wait3A_238] : memref<6x!tpu.dma_semaphore, #tpu.memory_space<semaphore_mem>> -> memref<1x!tpu.dma_semaphore, #tpu.memory_space<semaphore_mem>>
    %dma_wait3A_249 = tpu.memref_squeeze %dma_wait3A_248 : memref<1x!tpu.dma_semaphore, #tpu.memory_space<semaphore_mem>> -> memref<!tpu.dma_semaphore, #tpu.memory_space<semaphore_mem>>
    tpu.wait_indirect_dma semaphore(%dma_wait3A_249 : memref<!tpu.dma_semaphore, #tpu.memory_space<semaphore_mem>>) src(%dma_wait3A_247 : memref<32000x2048xf32, #tpu.memory_space<hbm>>) dst(%dma_wait3A_242 : memref<8x2048xf32, #tpu.memory_space<vmem>>)
    %add3A_250 = arith.constant 16 : i32
    %add3A_251 = arith.addi %mul3A_32, %add3A_250 : i32
    %dma_start3A_252 = arith.constant 2 : i32
    %dma_start3A_253 = arith.constant 2 : i32
    %dma_start3A_254 = arith.constant 0 : i32
    %dma_start3A_255 = arith.constant 0 : i32
    %dma_start3A_256 = tpu.memref_slice %arg6[%dma_start3A_252, %dma_start3A_254, %dma_start3A_255] : memref<6x8x2048xf32, #tpu.memory_space<vmem>> -> memref<1x8x2048xf32, #tpu.memory_space<vmem>>
    %dma_start3A_257 = tpu.memref_squeeze %dma_start3A_256 : memref<1x8x2048xf32, #tpu.memory_space<vmem>> -> memref<8x2048xf32, #tpu.memory_space<vmem>>
    %dma_start3A_258 = arith.constant 0 : i32
    %dma_start3A_259 = tpu.memref_slice %arg4[%select_n3A, %add3A_251, %dma_start3A_258] : memref<2x4096x2048xf32, #tpu.memory_space<hbm>> -> memref<1x8x2048xf32, #tpu.memory_space<hbm>>
    %dma_start3A_260 = tpu.memref_squeeze %dma_start3A_259 : memref<1x8x2048xf32, #tpu.memory_space<hbm>> -> memref<8x2048xf32, #tpu.memory_space<hbm>>
    %dma_start3A_261 = tpu.memref_slice %arg8[%dma_start3A_253] : memref<6x!tpu.dma_semaphore, #tpu.memory_space<semaphore_mem>> -> memref<1x!tpu.dma_semaphore, #tpu.memory_space<semaphore_mem>>
    %dma_start3A_262 = tpu.memref_squeeze %dma_start3A_261 : memref<1x!tpu.dma_semaphore, #tpu.memory_space<semaphore_mem>> -> memref<!tpu.dma_semaphore, #tpu.memory_space<semaphore_mem>>
    %dma_start3A_263 = arith.constant 0 : i32
    %dma_start3A_264 = tpu.memref_slice %arg4[%select_n3A, %add3A_251, %dma_start3A_263] : memref<2x4096x2048xf32, #tpu.memory_space<hbm>> -> memref<1x8x2048xf32, #tpu.memory_space<hbm>>
    %dma_start3A_265 = tpu.memref_squeeze %dma_start3A_264 : memref<1x8x2048xf32, #tpu.memory_space<hbm>> -> memref<8x2048xf32, #tpu.memory_space<hbm>>
    %dma_start3A_266 = arith.constant 0 : i32
    %dma_start3A_267 = arith.constant 0 : i32
    %dma_start3A_268 = tpu.memref_slice %arg6[%dma_start3A_252, %dma_start3A_266, %dma_start3A_267] : memref<6x8x2048xf32, #tpu.memory_space<vmem>> -> memref<1x8x2048xf32, #tpu.memory_space<vmem>>
    %dma_start3A_269 = tpu.memref_squeeze %dma_start3A_268 : memref<1x8x2048xf32, #tpu.memory_space<vmem>> -> memref<8x2048xf32, #tpu.memory_space<vmem>>
    tpu.enqueue_dma source(%dma_start3A_269 : memref<8x2048xf32, #tpu.memory_space<vmem>>) target(%dma_start3A_265 : memref<8x2048xf32, #tpu.memory_space<hbm>>) target_semaphore(%dma_start3A_262 : memref<!tpu.dma_semaphore, #tpu.memory_space<semaphore_mem>>)
    %dma_wait3A_270 = arith.constant 2 : i32
    %dma_wait3A_271 = arith.constant 2 : i32
    %dma_wait3A_272 = arith.constant 0 : i32
    %dma_wait3A_273 = arith.constant 0 : i32
    %dma_wait3A_274 = tpu.memref_slice %arg6[%dma_wait3A_270, %dma_wait3A_272, %dma_wait3A_273] : memref<6x8x2048xf32, #tpu.memory_space<vmem>> -> memref<1x8x2048xf32, #tpu.memory_space<vmem>>
    %dma_wait3A_275 = tpu.memref_squeeze %dma_wait3A_274 : memref<1x8x2048xf32, #tpu.memory_space<vmem>> -> memref<8x2048xf32, #tpu.memory_space<vmem>>
    %dma_wait3A_276 = arith.constant 0 : i32
    %dma_wait3A_277 = tpu.memref_slice %arg4[%select_n3A, %add3A_251, %dma_wait3A_276] : memref<2x4096x2048xf32, #tpu.memory_space<hbm>> -> memref<1x8x2048xf32, #tpu.memory_space<hbm>>
    %dma_wait3A_278 = tpu.memref_squeeze %dma_wait3A_277 : memref<1x8x2048xf32, #tpu.memory_space<hbm>> -> memref<8x2048xf32, #tpu.memory_space<hbm>>
    %dma_wait3A_279 = tpu.memref_slice %arg8[%dma_wait3A_271] : memref<6x!tpu.dma_semaphore, #tpu.memory_space<semaphore_mem>> -> memref<1x!tpu.dma_semaphore, #tpu.memory_space<semaphore_mem>>
    %dma_wait3A_280 = tpu.memref_squeeze %dma_wait3A_279 : memref<1x!tpu.dma_semaphore, #tpu.memory_space<semaphore_mem>> -> memref<!tpu.dma_semaphore, #tpu.memory_space<semaphore_mem>>
    %dma_wait3A_281 = arith.constant 0 : i32
    %dma_wait3A_282 = tpu.memref_slice %arg4[%select_n3A, %add3A_251, %dma_wait3A_281] : memref<2x4096x2048xf32, #tpu.memory_space<hbm>> -> memref<1x8x2048xf32, #tpu.memory_space<hbm>>
    %dma_wait3A_283 = tpu.memref_squeeze %dma_wait3A_282 : memref<1x8x2048xf32, #tpu.memory_space<hbm>> -> memref<8x2048xf32, #tpu.memory_space<hbm>>
    %dma_wait3A_284 = arith.constant 0 : i32
    %dma_wait3A_285 = arith.constant 0 : i32
    %dma_wait3A_286 = tpu.memref_slice %arg6[%dma_wait3A_270, %dma_wait3A_284, %dma_wait3A_285] : memref<6x8x2048xf32, #tpu.memory_space<vmem>> -> memref<1x8x2048xf32, #tpu.memory_space<vmem>>
    %dma_wait3A_287 = tpu.memref_squeeze %dma_wait3A_286 : memref<1x8x2048xf32, #tpu.memory_space<vmem>> -> memref<8x2048xf32, #tpu.memory_space<vmem>>
    tpu.wait_dma2 semaphore(%dma_wait3A_280 : memref<!tpu.dma_semaphore, #tpu.memory_space<semaphore_mem>>) src(%dma_wait3A_287 : memref<8x2048xf32, #tpu.memory_space<vmem>>) dst(%dma_wait3A_283 : memref<8x2048xf32, #tpu.memory_space<hbm>>)
    %dma_start3A_288 = arith.constant 2 : i32
    %dma_start3A_289 = arith.constant 2 : i32
    %dma_start3A_290 = arith.constant 0 : i32
    %dma_start3A_291 = arith.constant 0 : i32
    %dma_start3A_292 = tpu.memref_slice %arg6[%dma_start3A_288, %dma_start3A_290, %dma_start3A_291] : memref<6x8x2048xf32, #tpu.memory_space<vmem>> -> memref<1x8x2048xf32, #tpu.memory_space<vmem>>
    %dma_start3A_293 = tpu.memref_squeeze %dma_start3A_292 : memref<1x8x2048xf32, #tpu.memory_space<vmem>> -> memref<8x2048xf32, #tpu.memory_space<vmem>>
    %dma_start3A_294 = arith.constant 64 : i32
    %dma_start3A_295 = tpu.memref_slice %arg5[%dma_start3A_294] : memref<256xi32, #tpu.memory_space<vmem>> -> memref<8xi32, #tpu.memory_space<vmem>>
    %dma_start3A_296 = arith.constant 0 : i32
    %dma_start3A_297 = arith.constant 0 : i32
    %dma_start3A_298 = tpu.memref_slice %arg3[%dma_start3A_296, %dma_start3A_297] : memref<32000x2048xf32, #tpu.memory_space<hbm>> -> memref<32000x2048xf32, #tpu.memory_space<hbm>>
    %dma_start3A_299 = tpu.memref_slice %arg7[%dma_start3A_289] : memref<6x!tpu.dma_semaphore, #tpu.memory_space<semaphore_mem>> -> memref<1x!tpu.dma_semaphore, #tpu.memory_space<semaphore_mem>>
    %dma_start3A_300 = tpu.memref_squeeze %dma_start3A_299 : memref<1x!tpu.dma_semaphore, #tpu.memory_space<semaphore_mem>> -> memref<!tpu.dma_semaphore, #tpu.memory_space<semaphore_mem>>
    tpu.enqueue_indirect_dma source(%dma_start3A_298 : memref<32000x2048xf32, #tpu.memory_space<hbm>>) target(%dma_start3A_293 : memref<8x2048xf32, #tpu.memory_space<vmem>>) offsets(%dma_start3A_295 : memref<8xi32, #tpu.memory_space<vmem>>) semaphore(%dma_start3A_300 : memref<!tpu.dma_semaphore, #tpu.memory_space<semaphore_mem>>)
    %dma_wait3A_301 = arith.constant 3 : i32
    %dma_wait3A_302 = arith.constant 3 : i32
    %dma_wait3A_303 = arith.constant 0 : i32
    %dma_wait3A_304 = arith.constant 0 : i32
    %dma_wait3A_305 = tpu.memref_slice %arg6[%dma_wait3A_301, %dma_wait3A_303, %dma_wait3A_304] : memref<6x8x2048xf32, #tpu.memory_space<vmem>> -> memref<1x8x2048xf32, #tpu.memory_space<vmem>>
    %dma_wait3A_306 = tpu.memref_squeeze %dma_wait3A_305 : memref<1x8x2048xf32, #tpu.memory_space<vmem>> -> memref<8x2048xf32, #tpu.memory_space<vmem>>
    %dma_wait3A_307 = arith.constant 24 : i32
    %dma_wait3A_308 = tpu.memref_slice %arg5[%dma_wait3A_307] : memref<256xi32, #tpu.memory_space<vmem>> -> memref<8xi32, #tpu.memory_space<vmem>>
    %dma_wait3A_309 = arith.constant 0 : i32
    %dma_wait3A_310 = arith.constant 0 : i32
    %dma_wait3A_311 = tpu.memref_slice %arg3[%dma_wait3A_309, %dma_wait3A_310] : memref<32000x2048xf32, #tpu.memory_space<hbm>> -> memref<32000x2048xf32, #tpu.memory_space<hbm>>
    %dma_wait3A_312 = tpu.memref_slice %arg7[%dma_wait3A_302] : memref<6x!tpu.dma_semaphore, #tpu.memory_space<semaphore_mem>> -> memref<1x!tpu.dma_semaphore, #tpu.memory_space<semaphore_mem>>
    %dma_wait3A_313 = tpu.memref_squeeze %dma_wait3A_312 : memref<1x!tpu.dma_semaphore, #tpu.memory_space<semaphore_mem>> -> memref<!tpu.dma_semaphore, #tpu.memory_space<semaphore_mem>>
    tpu.wait_indirect_dma semaphore(%dma_wait3A_313 : memref<!tpu.dma_semaphore, #tpu.memory_space<semaphore_mem>>) src(%dma_wait3A_311 : memref<32000x2048xf32, #tpu.memory_space<hbm>>) dst(%dma_wait3A_306 : memref<8x2048xf32, #tpu.memory_space<vmem>>)
    %add3A_314 = arith.constant 24 : i32
    %add3A_315 = arith.addi %mul3A_32, %add3A_314 : i32
    %dma_start3A_316 = arith.constant 3 : i32
    %dma_start3A_317 = arith.constant 3 : i32
    %dma_start3A_318 = arith.constant 0 : i32
    %dma_start3A_319 = arith.constant 0 : i32
    %dma_start3A_320 = tpu.memref_slice %arg6[%dma_start3A_316, %dma_start3A_318, %dma_start3A_319] : memref<6x8x2048xf32, #tpu.memory_space<vmem>> -> memref<1x8x2048xf32, #tpu.memory_space<vmem>>
    %dma_start3A_321 = tpu.memref_squeeze %dma_start3A_320 : memref<1x8x2048xf32, #tpu.memory_space<vmem>> -> memref<8x2048xf32, #tpu.memory_space<vmem>>
    %dma_start3A_322 = arith.constant 0 : i32
    %dma_start3A_323 = tpu.memref_slice %arg4[%select_n3A, %add3A_315, %dma_start3A_322] : memref<2x4096x2048xf32, #tpu.memory_space<hbm>> -> memref<1x8x2048xf32, #tpu.memory_space<hbm>>
    %dma_start3A_324 = tpu.memref_squeeze %dma_start3A_323 : memref<1x8x2048xf32, #tpu.memory_space<hbm>> -> memref<8x2048xf32, #tpu.memory_space<hbm>>
    %dma_start3A_325 = tpu.memref_slice %arg8[%dma_start3A_317] : memref<6x!tpu.dma_semaphore, #tpu.memory_space<semaphore_mem>> -> memref<1x!tpu.dma_semaphore, #tpu.memory_space<semaphore_mem>>
    %dma_start3A_326 = tpu.memref_squeeze %dma_start3A_325 : memref<1x!tpu.dma_semaphore, #tpu.memory_space<semaphore_mem>> -> memref<!tpu.dma_semaphore, #tpu.memory_space<semaphore_mem>>
    %dma_start3A_327 = arith.constant 0 : i32
    %dma_start3A_328 = tpu.memref_slice %arg4[%select_n3A, %add3A_315, %dma_start3A_327] : memref<2x4096x2048xf32, #tpu.memory_space<hbm>> -> memref<1x8x2048xf32, #tpu.memory_space<hbm>>
    %dma_start3A_329 = tpu.memref_squeeze %dma_start3A_328 : memref<1x8x2048xf32, #tpu.memory_space<hbm>> -> memref<8x2048xf32, #tpu.memory_space<hbm>>
    %dma_start3A_330 = arith.constant 0 : i32
    %dma_start3A_331 = arith.constant 0 : i32
    %dma_start3A_332 = tpu.memref_slice %arg6[%dma_start3A_316, %dma_start3A_330, %dma_start3A_331] : memref<6x8x2048xf32, #tpu.memory_space<vmem>> -> memref<1x8x2048xf32, #tpu.memory_space<vmem>>
    %dma_start3A_333 = tpu.memref_squeeze %dma_start3A_332 : memref<1x8x2048xf32, #tpu.memory_space<vmem>> -> memref<8x2048xf32, #tpu.memory_space<vmem>>
    tpu.enqueue_dma source(%dma_start3A_333 : memref<8x2048xf32, #tpu.memory_space<vmem>>) target(%dma_start3A_329 : memref<8x2048xf32, #tpu.memory_space<hbm>>) target_semaphore(%dma_start3A_326 : memref<!tpu.dma_semaphore, #tpu.memory_space<semaphore_mem>>)
    %dma_wait3A_334 = arith.constant 3 : i32
    %dma_wait3A_335 = arith.constant 3 : i32
    %dma_wait3A_336 = arith.constant 0 : i32
    %dma_wait3A_337 = arith.constant 0 : i32
    %dma_wait3A_338 = tpu.memref_slice %arg6[%dma_wait3A_334, %dma_wait3A_336, %dma_wait3A_337] : memref<6x8x2048xf32, #tpu.memory_space<vmem>> -> memref<1x8x2048xf32, #tpu.memory_space<vmem>>
    %dma_wait3A_339 = tpu.memref_squeeze %dma_wait3A_338 : memref<1x8x2048xf32, #tpu.memory_space<vmem>> -> memref<8x2048xf32, #tpu.memory_space<vmem>>
    %dma_wait3A_340 = arith.constant 0 : i32
    %dma_wait3A_341 = tpu.memref_slice %arg4[%select_n3A, %add3A_315, %dma_wait3A_340] : memref<2x4096x2048xf32, #tpu.memory_space<hbm>> -> memref<1x8x2048xf32, #tpu.memory_space<hbm>>
    %dma_wait3A_342 = tpu.memref_squeeze %dma_wait3A_341 : memref<1x8x2048xf32, #tpu.memory_space<hbm>> -> memref<8x2048xf32, #tpu.memory_space<hbm>>
    %dma_wait3A_343 = tpu.memref_slice %arg8[%dma_wait3A_335] : memref<6x!tpu.dma_semaphore, #tpu.memory_space<semaphore_mem>> -> memref<1x!tpu.dma_semaphore, #tpu.memory_space<semaphore_mem>>
    %dma_wait3A_344 = tpu.memref_squeeze %dma_wait3A_343 : memref<1x!tpu.dma_semaphore, #tpu.memory_space<semaphore_mem>> -> memref<!tpu.dma_semaphore, #tpu.memory_space<semaphore_mem>>
    %dma_wait3A_345 = arith.constant 0 : i32
    %dma_wait3A_346 = tpu.memref_slice %arg4[%select_n3A, %add3A_315, %dma_wait3A_345] : memref<2x4096x2048xf32, #tpu.memory_space<hbm>> -> memref<1x8x2048xf32, #tpu.memory_space<hbm>>
    %dma_wait3A_347 = tpu.memref_squeeze %dma_wait3A_346 : memref<1x8x2048xf32, #tpu.memory_space<hbm>> -> memref<8x2048xf32, #tpu.memory_space<hbm>>
    %dma_wait3A_348 = arith.constant 0 : i32
    %dma_wait3A_349 = arith.constant 0 : i32
    %dma_wait3A_350 = tpu.memref_slice %arg6[%dma_wait3A_334, %dma_wait3A_348, %dma_wait3A_349] : memref<6x8x2048xf32, #tpu.memory_space<vmem>> -> memref<1x8x2048xf32, #tpu.memory_space<vmem>>
    %dma_wait3A_351 = tpu.memref_squeeze %dma_wait3A_350 : memref<1x8x2048xf32, #tpu.memory_space<vmem>> -> memref<8x2048xf32, #tpu.memory_space<vmem>>
    tpu.wait_dma2 semaphore(%dma_wait3A_344 : memref<!tpu.dma_semaphore, #tpu.memory_space<semaphore_mem>>) src(%dma_wait3A_351 : memref<8x2048xf32, #tpu.memory_space<vmem>>) dst(%dma_wait3A_347 : memref<8x2048xf32, #tpu.memory_space<hbm>>)
    %dma_start3A_352 = arith.constant 3 : i32
    %dma_start3A_353 = arith.constant 3 : i32
    %dma_start3A_354 = arith.constant 0 : i32
    %dma_start3A_355 = arith.constant 0 : i32
    %dma_start3A_356 = tpu.memref_slice %arg6[%dma_start3A_352, %dma_start3A_354, %dma_start3A_355] : memref<6x8x2048xf32, #tpu.memory_space<vmem>> -> memref<1x8x2048xf32, #tpu.memory_space<vmem>>
    %dma_start3A_357 = tpu.memref_squeeze %dma_start3A_356 : memref<1x8x2048xf32, #tpu.memory_space<vmem>> -> memref<8x2048xf32, #tpu.memory_space<vmem>>
    %dma_start3A_358 = arith.constant 72 : i32
    %dma_start3A_359 = tpu.memref_slice %arg5[%dma_start3A_358] : memref<256xi32, #tpu.memory_space<vmem>> -> memref<8xi32, #tpu.memory_space<vmem>>
    %dma_start3A_360 = arith.constant 0 : i32
    %dma_start3A_361 = arith.constant 0 : i32
    %dma_start3A_362 = tpu.memref_slice %arg3[%dma_start3A_360, %dma_start3A_361] : memref<32000x2048xf32, #tpu.memory_space<hbm>> -> memref<32000x2048xf32, #tpu.memory_space<hbm>>
    %dma_start3A_363 = tpu.memref_slice %arg7[%dma_start3A_353] : memref<6x!tpu.dma_semaphore, #tpu.memory_space<semaphore_mem>> -> memref<1x!tpu.dma_semaphore, #tpu.memory_space<semaphore_mem>>
    %dma_start3A_364 = tpu.memref_squeeze %dma_start3A_363 : memref<1x!tpu.dma_semaphore, #tpu.memory_space<semaphore_mem>> -> memref<!tpu.dma_semaphore, #tpu.memory_space<semaphore_mem>>
    tpu.enqueue_indirect_dma source(%dma_start3A_362 : memref<32000x2048xf32, #tpu.memory_space<hbm>>) target(%dma_start3A_357 : memref<8x2048xf32, #tpu.memory_space<vmem>>) offsets(%dma_start3A_359 : memref<8xi32, #tpu.memory_space<vmem>>) semaphore(%dma_start3A_364 : memref<!tpu.dma_semaphore, #tpu.memory_space<semaphore_mem>>)
    %dma_wait3A_365 = arith.constant 4 : i32
    %dma_wait3A_366 = arith.constant 4 : i32
    %dma_wait3A_367 = arith.constant 0 : i32
    %dma_wait3A_368 = arith.constant 0 : i32
    %dma_wait3A_369 = tpu.memref_slice %arg6[%dma_wait3A_365, %dma_wait3A_367, %dma_wait3A_368] : memref<6x8x2048xf32, #tpu.memory_space<vmem>> -> memref<1x8x2048xf32, #tpu.memory_space<vmem>>
    %dma_wait3A_370 = tpu.memref_squeeze %dma_wait3A_369 : memref<1x8x2048xf32, #tpu.memory_space<vmem>> -> memref<8x2048xf32, #tpu.memory_space<vmem>>
    %dma_wait3A_371 = arith.constant 32 : i32
    %dma_wait3A_372 = tpu.memref_slice %arg5[%dma_wait3A_371] : memref<256xi32, #tpu.memory_space<vmem>> -> memref<8xi32, #tpu.memory_space<vmem>>
    %dma_wait3A_373 = arith.constant 0 : i32
    %dma_wait3A_374 = arith.constant 0 : i32
    %dma_wait3A_375 = tpu.memref_slice %arg3[%dma_wait3A_373, %dma_wait3A_374] : memref<32000x2048xf32, #tpu.memory_space<hbm>> -> memref<32000x2048xf32, #tpu.memory_space<hbm>>
    %dma_wait3A_376 = tpu.memref_slice %arg7[%dma_wait3A_366] : memref<6x!tpu.dma_semaphore, #tpu.memory_space<semaphore_mem>> -> memref<1x!tpu.dma_semaphore, #tpu.memory_space<semaphore_mem>>
    %dma_wait3A_377 = tpu.memref_squeeze %dma_wait3A_376 : memref<1x!tpu.dma_semaphore, #tpu.memory_space<semaphore_mem>> -> memref<!tpu.dma_semaphore, #tpu.memory_space<semaphore_mem>>
    tpu.wait_indirect_dma semaphore(%dma_wait3A_377 : memref<!tpu.dma_semaphore, #tpu.memory_space<semaphore_mem>>) src(%dma_wait3A_375 : memref<32000x2048xf32, #tpu.memory_space<hbm>>) dst(%dma_wait3A_370 : memref<8x2048xf32, #tpu.memory_space<vmem>>)
    %add3A_378 = arith.constant 32 : i32
    %add3A_379 = arith.addi %mul3A_32, %add3A_378 : i32
    %dma_start3A_380 = arith.constant 4 : i32
    %dma_start3A_381 = arith.constant 4 : i32
    %dma_start3A_382 = arith.constant 0 : i32
    %dma_start3A_383 = arith.constant 0 : i32
    %dma_start3A_384 = tpu.memref_slice %arg6[%dma_start3A_380, %dma_start3A_382, %dma_start3A_383] : memref<6x8x2048xf32, #tpu.memory_space<vmem>> -> memref<1x8x2048xf32, #tpu.memory_space<vmem>>
    %dma_start3A_385 = tpu.memref_squeeze %dma_start3A_384 : memref<1x8x2048xf32, #tpu.memory_space<vmem>> -> memref<8x2048xf32, #tpu.memory_space<vmem>>
    %dma_start3A_386 = arith.constant 0 : i32
    %dma_start3A_387 = tpu.memref_slice %arg4[%select_n3A, %add3A_379, %dma_start3A_386] : memref<2x4096x2048xf32, #tpu.memory_space<hbm>> -> memref<1x8x2048xf32, #tpu.memory_space<hbm>>
    %dma_start3A_388 = tpu.memref_squeeze %dma_start3A_387 : memref<1x8x2048xf32, #tpu.memory_space<hbm>> -> memref<8x2048xf32, #tpu.memory_space<hbm>>
    %dma_start3A_389 = tpu.memref_slice %arg8[%dma_start3A_381] : memref<6x!tpu.dma_semaphore, #tpu.memory_space<semaphore_mem>> -> memref<1x!tpu.dma_semaphore, #tpu.memory_space<semaphore_mem>>
    %dma_start3A_390 = tpu.memref_squeeze %dma_start3A_389 : memref<1x!tpu.dma_semaphore, #tpu.memory_space<semaphore_mem>> -> memref<!tpu.dma_semaphore, #tpu.memory_space<semaphore_mem>>
    %dma_start3A_391 = arith.constant 0 : i32
    %dma_start3A_392 = tpu.memref_slice %arg4[%select_n3A, %add3A_379, %dma_start3A_391] : memref<2x4096x2048xf32, #tpu.memory_space<hbm>> -> memref<1x8x2048xf32, #tpu.memory_space<hbm>>
    %dma_start3A_393 = tpu.memref_squeeze %dma_start3A_392 : memref<1x8x2048xf32, #tpu.memory_space<hbm>> -> memref<8x2048xf32, #tpu.memory_space<hbm>>
    %dma_start3A_394 = arith.constant 0 : i32
    %dma_start3A_395 = arith.constant 0 : i32
    %dma_start3A_396 = tpu.memref_slice %arg6[%dma_start3A_380, %dma_start3A_394, %dma_start3A_395] : memref<6x8x2048xf32, #tpu.memory_space<vmem>> -> memref<1x8x2048xf32, #tpu.memory_space<vmem>>
    %dma_start3A_397 = tpu.memref_squeeze %dma_start3A_396 : memref<1x8x2048xf32, #tpu.memory_space<vmem>> -> memref<8x2048xf32, #tpu.memory_space<vmem>>
    tpu.enqueue_dma source(%dma_start3A_397 : memref<8x2048xf32, #tpu.memory_space<vmem>>) target(%dma_start3A_393 : memref<8x2048xf32, #tpu.memory_space<hbm>>) target_semaphore(%dma_start3A_390 : memref<!tpu.dma_semaphore, #tpu.memory_space<semaphore_mem>>)
    %dma_wait3A_398 = arith.constant 4 : i32
    %dma_wait3A_399 = arith.constant 4 : i32
    %dma_wait3A_400 = arith.constant 0 : i32
    %dma_wait3A_401 = arith.constant 0 : i32
    %dma_wait3A_402 = tpu.memref_slice %arg6[%dma_wait3A_398, %dma_wait3A_400, %dma_wait3A_401] : memref<6x8x2048xf32, #tpu.memory_space<vmem>> -> memref<1x8x2048xf32, #tpu.memory_space<vmem>>
    %dma_wait3A_403 = tpu.memref_squeeze %dma_wait3A_402 : memref<1x8x2048xf32, #tpu.memory_space<vmem>> -> memref<8x2048xf32, #tpu.memory_space<vmem>>
    %dma_wait3A_404 = arith.constant 0 : i32
    %dma_wait3A_405 = tpu.memref_slice %arg4[%select_n3A, %add3A_379, %dma_wait3A_404] : memref<2x4096x2048xf32, #tpu.memory_space<hbm>> -> memref<1x8x2048xf32, #tpu.memory_space<hbm>>
    %dma_wait3A_406 = tpu.memref_squeeze %dma_wait3A_405 : memref<1x8x2048xf32, #tpu.memory_space<hbm>> -> memref<8x2048xf32, #tpu.memory_space<hbm>>
    %dma_wait3A_407 = tpu.memref_slice %arg8[%dma_wait3A_399] : memref<6x!tpu.dma_semaphore, #tpu.memory_space<semaphore_mem>> -> memref<1x!tpu.dma_semaphore, #tpu.memory_space<semaphore_mem>>
    %dma_wait3A_408 = tpu.memref_squeeze %dma_wait3A_407 : memref<1x!tpu.dma_semaphore, #tpu.memory_space<semaphore_mem>> -> memref<!tpu.dma_semaphore, #tpu.memory_space<semaphore_mem>>
    %dma_wait3A_409 = arith.constant 0 : i32
    %dma_wait3A_410 = tpu.memref_slice %arg4[%select_n3A, %add3A_379, %dma_wait3A_409] : memref<2x4096x2048xf32, #tpu.memory_space<hbm>> -> memref<1x8x2048xf32, #tpu.memory_space<hbm>>
    %dma_wait3A_411 = tpu.memref_squeeze %dma_wait3A_410 : memref<1x8x2048xf32, #tpu.memory_space<hbm>> -> memref<8x2048xf32, #tpu.memory_space<hbm>>
    %dma_wait3A_412 = arith.constant 0 : i32
    %dma_wait3A_413 = arith.constant 0 : i32
    %dma_wait3A_414 = tpu.memref_slice %arg6[%dma_wait3A_398, %dma_wait3A_412, %dma_wait3A_413] : memref<6x8x2048xf32, #tpu.memory_space<vmem>> -> memref<1x8x2048xf32, #tpu.memory_space<vmem>>
    %dma_wait3A_415 = tpu.memref_squeeze %dma_wait3A_414 : memref<1x8x2048xf32, #tpu.memory_space<vmem>> -> memref<8x2048xf32, #tpu.memory_space<vmem>>
    tpu.wait_dma2 semaphore(%dma_wait3A_408 : memref<!tpu.dma_semaphore, #tpu.memory_space<semaphore_mem>>) src(%dma_wait3A_415 : memref<8x2048xf32, #tpu.memory_space<vmem>>) dst(%dma_wait3A_411 : memref<8x2048xf32, #tpu.memory_space<hbm>>)
    %dma_start3A_416 = arith.constant 4 : i32
    %dma_start3A_417 = arith.constant 4 : i32
    %dma_start3A_418 = arith.constant 0 : i32
    %dma_start3A_419 = arith.constant 0 : i32
    %dma_start3A_420 = tpu.memref_slice %arg6[%dma_start3A_416, %dma_start3A_418, %dma_start3A_419] : memref<6x8x2048xf32, #tpu.memory_space<vmem>> -> memref<1x8x2048xf32, #tpu.memory_space<vmem>>
    %dma_start3A_421 = tpu.memref_squeeze %dma_start3A_420 : memref<1x8x2048xf32, #tpu.memory_space<vmem>> -> memref<8x2048xf32, #tpu.memory_space<vmem>>
    %dma_start3A_422 = arith.constant 80 : i32
    %dma_start3A_423 = tpu.memref_slice %arg5[%dma_start3A_422] : memref<256xi32, #tpu.memory_space<vmem>> -> memref<8xi32, #tpu.memory_space<vmem>>
    %dma_start3A_424 = arith.constant 0 : i32
    %dma_start3A_425 = arith.constant 0 : i32
    %dma_start3A_426 = tpu.memref_slice %arg3[%dma_start3A_424, %dma_start3A_425] : memref<32000x2048xf32, #tpu.memory_space<hbm>> -> memref<32000x2048xf32, #tpu.memory_space<hbm>>
    %dma_start3A_427 = tpu.memref_slice %arg7[%dma_start3A_417] : memref<6x!tpu.dma_semaphore, #tpu.memory_space<semaphore_mem>> -> memref<1x!tpu.dma_semaphore, #tpu.memory_space<semaphore_mem>>
    %dma_start3A_428 = tpu.memref_squeeze %dma_start3A_427 : memref<1x!tpu.dma_semaphore, #tpu.memory_space<semaphore_mem>> -> memref<!tpu.dma_semaphore, #tpu.memory_space<semaphore_mem>>
    tpu.enqueue_indirect_dma source(%dma_start3A_426 : memref<32000x2048xf32, #tpu.memory_space<hbm>>) target(%dma_start3A_421 : memref<8x2048xf32, #tpu.memory_space<vmem>>) offsets(%dma_start3A_423 : memref<8xi32, #tpu.memory_space<vmem>>) semaphore(%dma_start3A_428 : memref<!tpu.dma_semaphore, #tpu.memory_space<semaphore_mem>>)
    %dma_wait3A_429 = arith.constant 5 : i32
    %dma_wait3A_430 = arith.constant 5 : i32
    %dma_wait3A_431 = arith.constant 0 : i32
    %dma_wait3A_432 = arith.constant 0 : i32
    %dma_wait3A_433 = tpu.memref_slice %arg6[%dma_wait3A_429, %dma_wait3A_431, %dma_wait3A_432] : memref<6x8x2048xf32, #tpu.memory_space<vmem>> -> memref<1x8x2048xf32, #tpu.memory_space<vmem>>
    %dma_wait3A_434 = tpu.memref_squeeze %dma_wait3A_433 : memref<1x8x2048xf32, #tpu.memory_space<vmem>> -> memref<8x2048xf32, #tpu.memory_space<vmem>>
    %dma_wait3A_435 = arith.constant 40 : i32
    %dma_wait3A_436 = tpu.memref_slice %arg5[%dma_wait3A_435] : memref<256xi32, #tpu.memory_space<vmem>> -> memref<8xi32, #tpu.memory_space<vmem>>
    %dma_wait3A_437 = arith.constant 0 : i32
    %dma_wait3A_438 = arith.constant 0 : i32
    %dma_wait3A_439 = tpu.memref_slice %arg3[%dma_wait3A_437, %dma_wait3A_438] : memref<32000x2048xf32, #tpu.memory_space<hbm>> -> memref<32000x2048xf32, #tpu.memory_space<hbm>>
    %dma_wait3A_440 = tpu.memref_slice %arg7[%dma_wait3A_430] : memref<6x!tpu.dma_semaphore, #tpu.memory_space<semaphore_mem>> -> memref<1x!tpu.dma_semaphore, #tpu.memory_space<semaphore_mem>>
    %dma_wait3A_441 = tpu.memref_squeeze %dma_wait3A_440 : memref<1x!tpu.dma_semaphore, #tpu.memory_space<semaphore_mem>> -> memref<!tpu.dma_semaphore, #tpu.memory_space<semaphore_mem>>
    tpu.wait_indirect_dma semaphore(%dma_wait3A_441 : memref<!tpu.dma_semaphore, #tpu.memory_space<semaphore_mem>>) src(%dma_wait3A_439 : memref<32000x2048xf32, #tpu.memory_space<hbm>>) dst(%dma_wait3A_434 : memref<8x2048xf32, #tpu.memory_space<vmem>>)
    %add3A_442 = arith.constant 40 : i32
    %add3A_443 = arith.addi %mul3A_32, %add3A_442 : i32
    %dma_start3A_444 = arith.constant 5 : i32
    %dma_start3A_445 = arith.constant 5 : i32
    %dma_start3A_446 = arith.constant 0 : i32
    %dma_start3A_447 = arith.constant 0 : i32
    %dma_start3A_448 = tpu.memref_slice %arg6[%dma_start3A_444, %dma_start3A_446, %dma_start3A_447] : memref<6x8x2048xf32, #tpu.memory_space<vmem>> -> memref<1x8x2048xf32, #tpu.memory_space<vmem>>
    %dma_start3A_449 = tpu.memref_squeeze %dma_start3A_448 : memref<1x8x2048xf32, #tpu.memory_space<vmem>> -> memref<8x2048xf32, #tpu.memory_space<vmem>>
    %dma_start3A_450 = arith.constant 0 : i32
    %dma_start3A_451 = tpu.memref_slice %arg4[%select_n3A, %add3A_443, %dma_start3A_450] : memref<2x4096x2048xf32, #tpu.memory_space<hbm>> -> memref<1x8x2048xf32, #tpu.memory_space<hbm>>
    %dma_start3A_452 = tpu.memref_squeeze %dma_start3A_451 : memref<1x8x2048xf32, #tpu.memory_space<hbm>> -> memref<8x2048xf32, #tpu.memory_space<hbm>>
    %dma_start3A_453 = tpu.memref_slice %arg8[%dma_start3A_445] : memref<6x!tpu.dma_semaphore, #tpu.memory_space<semaphore_mem>> -> memref<1x!tpu.dma_semaphore, #tpu.memory_space<semaphore_mem>>
    %dma_start3A_454 = tpu.memref_squeeze %dma_start3A_453 : memref<1x!tpu.dma_semaphore, #tpu.memory_space<semaphore_mem>> -> memref<!tpu.dma_semaphore, #tpu.memory_space<semaphore_mem>>
    %dma_start3A_455 = arith.constant 0 : i32
    %dma_start3A_456 = tpu.memref_slice %arg4[%select_n3A, %add3A_443, %dma_start3A_455] : memref<2x4096x2048xf32, #tpu.memory_space<hbm>> -> memref<1x8x2048xf32, #tpu.memory_space<hbm>>
    %dma_start3A_457 = tpu.memref_squeeze %dma_start3A_456 : memref<1x8x2048xf32, #tpu.memory_space<hbm>> -> memref<8x2048xf32, #tpu.memory_space<hbm>>
    %dma_start3A_458 = arith.constant 0 : i32
    %dma_start3A_459 = arith.constant 0 : i32
    %dma_start3A_460 = tpu.memref_slice %arg6[%dma_start3A_444, %dma_start3A_458, %dma_start3A_459] : memref<6x8x2048xf32, #tpu.memory_space<vmem>> -> memref<1x8x2048xf32, #tpu.memory_space<vmem>>
    %dma_start3A_461 = tpu.memref_squeeze %dma_start3A_460 : memref<1x8x2048xf32, #tpu.memory_space<vmem>> -> memref<8x2048xf32, #tpu.memory_space<vmem>>
    tpu.enqueue_dma source(%dma_start3A_461 : memref<8x2048xf32, #tpu.memory_space<vmem>>) target(%dma_start3A_457 : memref<8x2048xf32, #tpu.memory_space<hbm>>) target_semaphore(%dma_start3A_454 : memref<!tpu.dma_semaphore, #tpu.memory_space<semaphore_mem>>)
    %dma_wait3A_462 = arith.constant 5 : i32
    %dma_wait3A_463 = arith.constant 5 : i32
    %dma_wait3A_464 = arith.constant 0 : i32
    %dma_wait3A_465 = arith.constant 0 : i32
    %dma_wait3A_466 = tpu.memref_slice %arg6[%dma_wait3A_462, %dma_wait3A_464, %dma_wait3A_465] : memref<6x8x2048xf32, #tpu.memory_space<vmem>> -> memref<1x8x2048xf32, #tpu.memory_space<vmem>>
    %dma_wait3A_467 = tpu.memref_squeeze %dma_wait3A_466 : memref<1x8x2048xf32, #tpu.memory_space<vmem>> -> memref<8x2048xf32, #tpu.memory_space<vmem>>
    %dma_wait3A_468 = arith.constant 0 : i32
    %dma_wait3A_469 = tpu.memref_slice %arg4[%select_n3A, %add3A_443, %dma_wait3A_468] : memref<2x4096x2048xf32, #tpu.memory_space<hbm>> -> memref<1x8x2048xf32, #tpu.memory_space<hbm>>
    %dma_wait3A_470 = tpu.memref_squeeze %dma_wait3A_469 : memref<1x8x2048xf32, #tpu.memory_space<hbm>> -> memref<8x2048xf32, #tpu.memory_space<hbm>>
    %dma_wait3A_471 = tpu.memref_slice %arg8[%dma_wait3A_463] : memref<6x!tpu.dma_semaphore, #tpu.memory_space<semaphore_mem>> -> memref<1x!tpu.dma_semaphore, #tpu.memory_space<semaphore_mem>>
    %dma_wait3A_472 = tpu.memref_squeeze %dma_wait3A_471 : memref<1x!tpu.dma_semaphore, #tpu.memory_space<semaphore_mem>> -> memref<!tpu.dma_semaphore, #tpu.memory_space<semaphore_mem>>
    %dma_wait3A_473 = arith.constant 0 : i32
    %dma_wait3A_474 = tpu.memref_slice %arg4[%select_n3A, %add3A_443, %dma_wait3A_473] : memref<2x4096x2048xf32, #tpu.memory_space<hbm>> -> memref<1x8x2048xf32, #tpu.memory_space<hbm>>
    %dma_wait3A_475 = tpu.memref_squeeze %dma_wait3A_474 : memref<1x8x2048xf32, #tpu.memory_space<hbm>> -> memref<8x2048xf32, #tpu.memory_space<hbm>>
    %dma_wait3A_476 = arith.constant 0 : i32
    %dma_wait3A_477 = arith.constant 0 : i32
    %dma_wait3A_478 = tpu.memref_slice %arg6[%dma_wait3A_462, %dma_wait3A_476, %dma_wait3A_477] : memref<6x8x2048xf32, #tpu.memory_space<vmem>> -> memref<1x8x2048xf32, #tpu.memory_space<vmem>>
    %dma_wait3A_479 = tpu.memref_squeeze %dma_wait3A_478 : memref<1x8x2048xf32, #tpu.memory_space<vmem>> -> memref<8x2048xf32, #tpu.memory_space<vmem>>
    tpu.wait_dma2 semaphore(%dma_wait3A_472 : memref<!tpu.dma_semaphore, #tpu.memory_space<semaphore_mem>>) src(%dma_wait3A_479 : memref<8x2048xf32, #tpu.memory_space<vmem>>) dst(%dma_wait3A_475 : memref<8x2048xf32, #tpu.memory_space<hbm>>)
    %dma_start3A_480 = arith.constant 5 : i32
    %dma_start3A_481 = arith.constant 5 : i32
    %dma_start3A_482 = arith.constant 0 : i32
    %dma_start3A_483 = arith.constant 0 : i32
    %dma_start3A_484 = tpu.memref_slice %arg6[%dma_start3A_480, %dma_start3A_482, %dma_start3A_483] : memref<6x8x2048xf32, #tpu.memory_space<vmem>> -> memref<1x8x2048xf32, #tpu.memory_space<vmem>>
    %dma_start3A_485 = tpu.memref_squeeze %dma_start3A_484 : memref<1x8x2048xf32, #tpu.memory_space<vmem>> -> memref<8x2048xf32, #tpu.memory_space<vmem>>
    %dma_start3A_486 = arith.constant 88 : i32
    %dma_start3A_487 = tpu.memref_slice %arg5[%dma_start3A_486] : memref<256xi32, #tpu.memory_space<vmem>> -> memref<8xi32, #tpu.memory_space<vmem>>
    %dma_start3A_488 = arith.constant 0 : i32
    %dma_start3A_489 = arith.constant 0 : i32
    %dma_start3A_490 = tpu.memref_slice %arg3[%dma_start3A_488, %dma_start3A_489] : memref<32000x2048xf32, #tpu.memory_space<hbm>> -> memref<32000x2048xf32, #tpu.memory_space<hbm>>
    %dma_start3A_491 = tpu.memref_slice %arg7[%dma_start3A_481] : memref<6x!tpu.dma_semaphore, #tpu.memory_space<semaphore_mem>> -> memref<1x!tpu.dma_semaphore, #tpu.memory_space<semaphore_mem>>
    %dma_start3A_492 = tpu.memref_squeeze %dma_start3A_491 : memref<1x!tpu.dma_semaphore, #tpu.memory_space<semaphore_mem>> -> memref<!tpu.dma_semaphore, #tpu.memory_space<semaphore_mem>>
    tpu.enqueue_indirect_dma source(%dma_start3A_490 : memref<32000x2048xf32, #tpu.memory_space<hbm>>) target(%dma_start3A_485 : memref<8x2048xf32, #tpu.memory_space<vmem>>) offsets(%dma_start3A_487 : memref<8xi32, #tpu.memory_space<vmem>>) semaphore(%dma_start3A_492 : memref<!tpu.dma_semaphore, #tpu.memory_space<semaphore_mem>>)
    %dma_wait3A_493 = arith.constant 0 : i32
    %dma_wait3A_494 = arith.constant 0 : i32
    %dma_wait3A_495 = arith.constant 0 : i32
    %dma_wait3A_496 = arith.constant 0 : i32
    %dma_wait3A_497 = tpu.memref_slice %arg6[%dma_wait3A_493, %dma_wait3A_495, %dma_wait3A_496] : memref<6x8x2048xf32, #tpu.memory_space<vmem>> -> memref<1x8x2048xf32, #tpu.memory_space<vmem>>
    %dma_wait3A_498 = tpu.memref_squeeze %dma_wait3A_497 : memref<1x8x2048xf32, #tpu.memory_space<vmem>> -> memref<8x2048xf32, #tpu.memory_space<vmem>>
    %dma_wait3A_499 = arith.constant 48 : i32
    %dma_wait3A_500 = tpu.memref_slice %arg5[%dma_wait3A_499] : memref<256xi32, #tpu.memory_space<vmem>> -> memref<8xi32, #tpu.memory_space<vmem>>
    %dma_wait3A_501 = arith.constant 0 : i32
    %dma_wait3A_502 = arith.constant 0 : i32
    %dma_wait3A_503 = tpu.memref_slice %arg3[%dma_wait3A_501, %dma_wait3A_502] : memref<32000x2048xf32, #tpu.memory_space<hbm>> -> memref<32000x2048xf32, #tpu.memory_space<hbm>>
    %dma_wait3A_504 = tpu.memref_slice %arg7[%dma_wait3A_494] : memref<6x!tpu.dma_semaphore, #tpu.memory_space<semaphore_mem>> -> memref<1x!tpu.dma_semaphore, #tpu.memory_space<semaphore_mem>>
    %dma_wait3A_505 = tpu.memref_squeeze %dma_wait3A_504 : memref<1x!tpu.dma_semaphore, #tpu.memory_space<semaphore_mem>> -> memref<!tpu.dma_semaphore, #tpu.memory_space<semaphore_mem>>
    tpu.wait_indirect_dma semaphore(%dma_wait3A_505 : memref<!tpu.dma_semaphore, #tpu.memory_space<semaphore_mem>>) src(%dma_wait3A_503 : memref<32000x2048xf32, #tpu.memory_space<hbm>>) dst(%dma_wait3A_498 : memref<8x2048xf32, #tpu.memory_space<vmem>>)
    %add3A_506 = arith.constant 48 : i32
    %add3A_507 = arith.addi %mul3A_32, %add3A_506 : i32
    %dma_start3A_508 = arith.constant 0 : i32
    %dma_start3A_509 = arith.constant 0 : i32
    %dma_start3A_510 = arith.constant 0 : i32
    %dma_start3A_511 = arith.constant 0 : i32
    %dma_start3A_512 = tpu.memref_slice %arg6[%dma_start3A_508, %dma_start3A_510, %dma_start3A_511] : memref<6x8x2048xf32, #tpu.memory_space<vmem>> -> memref<1x8x2048xf32, #tpu.memory_space<vmem>>
    %dma_start3A_513 = tpu.memref_squeeze %dma_start3A_512 : memref<1x8x2048xf32, #tpu.memory_space<vmem>> -> memref<8x2048xf32, #tpu.memory_space<vmem>>
    %dma_start3A_514 = arith.constant 0 : i32
    %dma_start3A_515 = tpu.memref_slice %arg4[%select_n3A, %add3A_507, %dma_start3A_514] : memref<2x4096x2048xf32, #tpu.memory_space<hbm>> -> memref<1x8x2048xf32, #tpu.memory_space<hbm>>
    %dma_start3A_516 = tpu.memref_squeeze %dma_start3A_515 : memref<1x8x2048xf32, #tpu.memory_space<hbm>> -> memref<8x2048xf32, #tpu.memory_space<hbm>>
    %dma_start3A_517 = tpu.memref_slice %arg8[%dma_start3A_509] : memref<6x!tpu.dma_semaphore, #tpu.memory_space<semaphore_mem>> -> memref<1x!tpu.dma_semaphore, #tpu.memory_space<semaphore_mem>>
    %dma_start3A_518 = tpu.memref_squeeze %dma_start3A_517 : memref<1x!tpu.dma_semaphore, #tpu.memory_space<semaphore_mem>> -> memref<!tpu.dma_semaphore, #tpu.memory_space<semaphore_mem>>
    %dma_start3A_519 = arith.constant 0 : i32
    %dma_start3A_520 = tpu.memref_slice %arg4[%select_n3A, %add3A_507, %dma_start3A_519] : memref<2x4096x2048xf32, #tpu.memory_space<hbm>> -> memref<1x8x2048xf32, #tpu.memory_space<hbm>>
    %dma_start3A_521 = tpu.memref_squeeze %dma_start3A_520 : memref<1x8x2048xf32, #tpu.memory_space<hbm>> -> memref<8x2048xf32, #tpu.memory_space<hbm>>
    %dma_start3A_522 = arith.constant 0 : i32
    %dma_start3A_523 = arith.constant 0 : i32
    %dma_start3A_524 = tpu.memref_slice %arg6[%dma_start3A_508, %dma_start3A_522, %dma_start3A_523] : memref<6x8x2048xf32, #tpu.memory_space<vmem>> -> memref<1x8x2048xf32, #tpu.memory_space<vmem>>
    %dma_start3A_525 = tpu.memref_squeeze %dma_start3A_524 : memref<1x8x2048xf32, #tpu.memory_space<vmem>> -> memref<8x2048xf32, #tpu.memory_space<vmem>>
    tpu.enqueue_dma source(%dma_start3A_525 : memref<8x2048xf32, #tpu.memory_space<vmem>>) target(%dma_start3A_521 : memref<8x2048xf32, #tpu.memory_space<hbm>>) target_semaphore(%dma_start3A_518 : memref<!tpu.dma_semaphore, #tpu.memory_space<semaphore_mem>>)
    %dma_wait3A_526 = arith.constant 0 : i32
    %dma_wait3A_527 = arith.constant 0 : i32
    %dma_wait3A_528 = arith.constant 0 : i32
    %dma_wait3A_529 = arith.constant 0 : i32
    %dma_wait3A_530 = tpu.memref_slice %arg6[%dma_wait3A_526, %dma_wait3A_528, %dma_wait3A_529] : memref<6x8x2048xf32, #tpu.memory_space<vmem>> -> memref<1x8x2048xf32, #tpu.memory_space<vmem>>
    %dma_wait3A_531 = tpu.memref_squeeze %dma_wait3A_530 : memref<1x8x2048xf32, #tpu.memory_space<vmem>> -> memref<8x2048xf32, #tpu.memory_space<vmem>>
    %dma_wait3A_532 = arith.constant 0 : i32
    %dma_wait3A_533 = tpu.memref_slice %arg4[%select_n3A, %add3A_507, %dma_wait3A_532] : memref<2x4096x2048xf32, #tpu.memory_space<hbm>> -> memref<1x8x2048xf32, #tpu.memory_space<hbm>>
    %dma_wait3A_534 = tpu.memref_squeeze %dma_wait3A_533 : memref<1x8x2048xf32, #tpu.memory_space<hbm>> -> memref<8x2048xf32, #tpu.memory_space<hbm>>
    %dma_wait3A_535 = tpu.memref_slice %arg8[%dma_wait3A_527] : memref<6x!tpu.dma_semaphore, #tpu.memory_space<semaphore_mem>> -> memref<1x!tpu.dma_semaphore, #tpu.memory_space<semaphore_mem>>
    %dma_wait3A_536 = tpu.memref_squeeze %dma_wait3A_535 : memref<1x!tpu.dma_semaphore, #tpu.memory_space<semaphore_mem>> -> memref<!tpu.dma_semaphore, #tpu.memory_space<semaphore_mem>>
    %dma_wait3A_537 = arith.constant 0 : i32
    %dma_wait3A_538 = tpu.memref_slice %arg4[%select_n3A, %add3A_507, %dma_wait3A_537] : memref<2x4096x2048xf32, #tpu.memory_space<hbm>> -> memref<1x8x2048xf32, #tpu.memory_space<hbm>>
    %dma_wait3A_539 = tpu.memref_squeeze %dma_wait3A_538 : memref<1x8x2048xf32, #tpu.memory_space<hbm>> -> memref<8x2048xf32, #tpu.memory_space<hbm>>
    %dma_wait3A_540 = arith.constant 0 : i32
    %dma_wait3A_541 = arith.constant 0 : i32
    %dma_wait3A_542 = tpu.memref_slice %arg6[%dma_wait3A_526, %dma_wait3A_540, %dma_wait3A_541] : memref<6x8x2048xf32, #tpu.memory_space<vmem>> -> memref<1x8x2048xf32, #tpu.memory_space<vmem>>
    %dma_wait3A_543 = tpu.memref_squeeze %dma_wait3A_542 : memref<1x8x2048xf32, #tpu.memory_space<vmem>> -> memref<8x2048xf32, #tpu.memory_space<vmem>>
    tpu.wait_dma2 semaphore(%dma_wait3A_536 : memref<!tpu.dma_semaphore, #tpu.memory_space<semaphore_mem>>) src(%dma_wait3A_543 : memref<8x2048xf32, #tpu.memory_space<vmem>>) dst(%dma_wait3A_539 : memref<8x2048xf32, #tpu.memory_space<hbm>>)
    %dma_start3A_544 = arith.constant 0 : i32
    %dma_start3A_545 = arith.constant 0 : i32
    %dma_start3A_546 = arith.constant 0 : i32
    %dma_start3A_547 = arith.constant 0 : i32
    %dma_start3A_548 = tpu.memref_slice %arg6[%dma_start3A_544, %dma_start3A_546, %dma_start3A_547] : memref<6x8x2048xf32, #tpu.memory_space<vmem>> -> memref<1x8x2048xf32, #tpu.memory_space<vmem>>
    %dma_start3A_549 = tpu.memref_squeeze %dma_start3A_548 : memref<1x8x2048xf32, #tpu.memory_space<vmem>> -> memref<8x2048xf32, #tpu.memory_space<vmem>>
    %dma_start3A_550 = arith.constant 96 : i32
    %dma_start3A_551 = tpu.memref_slice %arg5[%dma_start3A_550] : memref<256xi32, #tpu.memory_space<vmem>> -> memref<8xi32, #tpu.memory_space<vmem>>
    %dma_start3A_552 = arith.constant 0 : i32
    %dma_start3A_553 = arith.constant 0 : i32
    %dma_start3A_554 = tpu.memref_slice %arg3[%dma_start3A_552, %dma_start3A_553] : memref<32000x2048xf32, #tpu.memory_space<hbm>> -> memref<32000x2048xf32, #tpu.memory_space<hbm>>
    %dma_start3A_555 = tpu.memref_slice %arg7[%dma_start3A_545] : memref<6x!tpu.dma_semaphore, #tpu.memory_space<semaphore_mem>> -> memref<1x!tpu.dma_semaphore, #tpu.memory_space<semaphore_mem>>
    %dma_start3A_556 = tpu.memref_squeeze %dma_start3A_555 : memref<1x!tpu.dma_semaphore, #tpu.memory_space<semaphore_mem>> -> memref<!tpu.dma_semaphore, #tpu.memory_space<semaphore_mem>>
    tpu.enqueue_indirect_dma source(%dma_start3A_554 : memref<32000x2048xf32, #tpu.memory_space<hbm>>) target(%dma_start3A_549 : memref<8x2048xf32, #tpu.memory_space<vmem>>) offsets(%dma_start3A_551 : memref<8xi32, #tpu.memory_space<vmem>>) semaphore(%dma_start3A_556 : memref<!tpu.dma_semaphore, #tpu.memory_space<semaphore_mem>>)
    %dma_wait3A_557 = arith.constant 1 : i32
    %dma_wait3A_558 = arith.constant 1 : i32
    %dma_wait3A_559 = arith.constant 0 : i32
    %dma_wait3A_560 = arith.constant 0 : i32
    %dma_wait3A_561 = tpu.memref_slice %arg6[%dma_wait3A_557, %dma_wait3A_559, %dma_wait3A_560] : memref<6x8x2048xf32, #tpu.memory_space<vmem>> -> memref<1x8x2048xf32, #tpu.memory_space<vmem>>
    %dma_wait3A_562 = tpu.memref_squeeze %dma_wait3A_561 : memref<1x8x2048xf32, #tpu.memory_space<vmem>> -> memref<8x2048xf32, #tpu.memory_space<vmem>>
    %dma_wait3A_563 = arith.constant 56 : i32
    %dma_wait3A_564 = tpu.memref_slice %arg5[%dma_wait3A_563] : memref<256xi32, #tpu.memory_space<vmem>> -> memref<8xi32, #tpu.memory_space<vmem>>
    %dma_wait3A_565 = arith.constant 0 : i32
    %dma_wait3A_566 = arith.constant 0 : i32
    %dma_wait3A_567 = tpu.memref_slice %arg3[%dma_wait3A_565, %dma_wait3A_566] : memref<32000x2048xf32, #tpu.memory_space<hbm>> -> memref<32000x2048xf32, #tpu.memory_space<hbm>>
    %dma_wait3A_568 = tpu.memref_slice %arg7[%dma_wait3A_558] : memref<6x!tpu.dma_semaphore, #tpu.memory_space<semaphore_mem>> -> memref<1x!tpu.dma_semaphore, #tpu.memory_space<semaphore_mem>>
    %dma_wait3A_569 = tpu.memref_squeeze %dma_wait3A_568 : memref<1x!tpu.dma_semaphore, #tpu.memory_space<semaphore_mem>> -> memref<!tpu.dma_semaphore, #tpu.memory_space<semaphore_mem>>
    tpu.wait_indirect_dma semaphore(%dma_wait3A_569 : memref<!tpu.dma_semaphore, #tpu.memory_space<semaphore_mem>>) src(%dma_wait3A_567 : memref<32000x2048xf32, #tpu.memory_space<hbm>>) dst(%dma_wait3A_562 : memref<8x2048xf32, #tpu.memory_space<vmem>>)
    %add3A_570 = arith.constant 56 : i32
    %add3A_571 = arith.addi %mul3A_32, %add3A_570 : i32
    %dma_start3A_572 = arith.constant 1 : i32
    %dma_start3A_573 = arith.constant 1 : i32
    %dma_start3A_574 = arith.constant 0 : i32
    %dma_start3A_575 = arith.constant 0 : i32
    %dma_start3A_576 = tpu.memref_slice %arg6[%dma_start3A_572, %dma_start3A_574, %dma_start3A_575] : memref<6x8x2048xf32, #tpu.memory_space<vmem>> -> memref<1x8x2048xf32, #tpu.memory_space<vmem>>
    %dma_start3A_577 = tpu.memref_squeeze %dma_start3A_576 : memref<1x8x2048xf32, #tpu.memory_space<vmem>> -> memref<8x2048xf32, #tpu.memory_space<vmem>>
    %dma_start3A_578 = arith.constant 0 : i32
    %dma_start3A_579 = tpu.memref_slice %arg4[%select_n3A, %add3A_571, %dma_start3A_578] : memref<2x4096x2048xf32, #tpu.memory_space<hbm>> -> memref<1x8x2048xf32, #tpu.memory_space<hbm>>
    %dma_start3A_580 = tpu.memref_squeeze %dma_start3A_579 : memref<1x8x2048xf32, #tpu.memory_space<hbm>> -> memref<8x2048xf32, #tpu.memory_space<hbm>>
    %dma_start3A_581 = tpu.memref_slice %arg8[%dma_start3A_573] : memref<6x!tpu.dma_semaphore, #tpu.memory_space<semaphore_mem>> -> memref<1x!tpu.dma_semaphore, #tpu.memory_space<semaphore_mem>>
    %dma_start3A_582 = tpu.memref_squeeze %dma_start3A_581 : memref<1x!tpu.dma_semaphore, #tpu.memory_space<semaphore_mem>> -> memref<!tpu.dma_semaphore, #tpu.memory_space<semaphore_mem>>
    %dma_start3A_583 = arith.constant 0 : i32
    %dma_start3A_584 = tpu.memref_slice %arg4[%select_n3A, %add3A_571, %dma_start3A_583] : memref<2x4096x2048xf32, #tpu.memory_space<hbm>> -> memref<1x8x2048xf32, #tpu.memory_space<hbm>>
    %dma_start3A_585 = tpu.memref_squeeze %dma_start3A_584 : memref<1x8x2048xf32, #tpu.memory_space<hbm>> -> memref<8x2048xf32, #tpu.memory_space<hbm>>
    %dma_start3A_586 = arith.constant 0 : i32
    %dma_start3A_587 = arith.constant 0 : i32
    %dma_start3A_588 = tpu.memref_slice %arg6[%dma_start3A_572, %dma_start3A_586, %dma_start3A_587] : memref<6x8x2048xf32, #tpu.memory_space<vmem>> -> memref<1x8x2048xf32, #tpu.memory_space<vmem>>
    %dma_start3A_589 = tpu.memref_squeeze %dma_start3A_588 : memref<1x8x2048xf32, #tpu.memory_space<vmem>> -> memref<8x2048xf32, #tpu.memory_space<vmem>>
    tpu.enqueue_dma source(%dma_start3A_589 : memref<8x2048xf32, #tpu.memory_space<vmem>>) target(%dma_start3A_585 : memref<8x2048xf32, #tpu.memory_space<hbm>>) target_semaphore(%dma_start3A_582 : memref<!tpu.dma_semaphore, #tpu.memory_space<semaphore_mem>>)
    %dma_wait3A_590 = arith.constant 1 : i32
    %dma_wait3A_591 = arith.constant 1 : i32
    %dma_wait3A_592 = arith.constant 0 : i32
    %dma_wait3A_593 = arith.constant 0 : i32
    %dma_wait3A_594 = tpu.memref_slice %arg6[%dma_wait3A_590, %dma_wait3A_592, %dma_wait3A_593] : memref<6x8x2048xf32, #tpu.memory_space<vmem>> -> memref<1x8x2048xf32, #tpu.memory_space<vmem>>
    %dma_wait3A_595 = tpu.memref_squeeze %dma_wait3A_594 : memref<1x8x2048xf32, #tpu.memory_space<vmem>> -> memref<8x2048xf32, #tpu.memory_space<vmem>>
    %dma_wait3A_596 = arith.constant 0 : i32
    %dma_wait3A_597 = tpu.memref_slice %arg4[%select_n3A, %add3A_571, %dma_wait3A_596] : memref<2x4096x2048xf32, #tpu.memory_space<hbm>> -> memref<1x8x2048xf32, #tpu.memory_space<hbm>>
    %dma_wait3A_598 = tpu.memref_squeeze %dma_wait3A_597 : memref<1x8x2048xf32, #tpu.memory_space<hbm>> -> memref<8x2048xf32, #tpu.memory_space<hbm>>
    %dma_wait3A_599 = tpu.memref_slice %arg8[%dma_wait3A_591] : memref<6x!tpu.dma_semaphore, #tpu.memory_space<semaphore_mem>> -> memref<1x!tpu.dma_semaphore, #tpu.memory_space<semaphore_mem>>
    %dma_wait3A_600 = tpu.memref_squeeze %dma_wait3A_599 : memref<1x!tpu.dma_semaphore, #tpu.memory_space<semaphore_mem>> -> memref<!tpu.dma_semaphore, #tpu.memory_space<semaphore_mem>>
    %dma_wait3A_601 = arith.constant 0 : i32
    %dma_wait3A_602 = tpu.memref_slice %arg4[%select_n3A, %add3A_571, %dma_wait3A_601] : memref<2x4096x2048xf32, #tpu.memory_space<hbm>> -> memref<1x8x2048xf32, #tpu.memory_space<hbm>>
    %dma_wait3A_603 = tpu.memref_squeeze %dma_wait3A_602 : memref<1x8x2048xf32, #tpu.memory_space<hbm>> -> memref<8x2048xf32, #tpu.memory_space<hbm>>
    %dma_wait3A_604 = arith.constant 0 : i32
    %dma_wait3A_605 = arith.constant 0 : i32
    %dma_wait3A_606 = tpu.memref_slice %arg6[%dma_wait3A_590, %dma_wait3A_604, %dma_wait3A_605] : memref<6x8x2048xf32, #tpu.memory_space<vmem>> -> memref<1x8x2048xf32, #tpu.memory_space<vmem>>
    %dma_wait3A_607 = tpu.memref_squeeze %dma_wait3A_606 : memref<1x8x2048xf32, #tpu.memory_space<vmem>> -> memref<8x2048xf32, #tpu.memory_space<vmem>>
    tpu.wait_dma2 semaphore(%dma_wait3A_600 : memref<!tpu.dma_semaphore, #tpu.memory_space<semaphore_mem>>) src(%dma_wait3A_607 : memref<8x2048xf32, #tpu.memory_space<vmem>>) dst(%dma_wait3A_603 : memref<8x2048xf32, #tpu.memory_space<hbm>>)
    %dma_start3A_608 = arith.constant 1 : i32
    %dma_start3A_609 = arith.constant 1 : i32
    %dma_start3A_610 = arith.constant 0 : i32
    %dma_start3A_611 = arith.constant 0 : i32
    %dma_start3A_612 = tpu.memref_slice %arg6[%dma_start3A_608, %dma_start3A_610, %dma_start3A_611] : memref<6x8x2048xf32, #tpu.memory_space<vmem>> -> memref<1x8x2048xf32, #tpu.memory_space<vmem>>
    %dma_start3A_613 = tpu.memref_squeeze %dma_start3A_612 : memref<1x8x2048xf32, #tpu.memory_space<vmem>> -> memref<8x2048xf32, #tpu.memory_space<vmem>>
    %dma_start3A_614 = arith.constant 104 : i32
    %dma_start3A_615 = tpu.memref_slice %arg5[%dma_start3A_614] : memref<256xi32, #tpu.memory_space<vmem>> -> memref<8xi32, #tpu.memory_space<vmem>>
    %dma_start3A_616 = arith.constant 0 : i32
    %dma_start3A_617 = arith.constant 0 : i32
    %dma_start3A_618 = tpu.memref_slice %arg3[%dma_start3A_616, %dma_start3A_617] : memref<32000x2048xf32, #tpu.memory_space<hbm>> -> memref<32000x2048xf32, #tpu.memory_space<hbm>>
    %dma_start3A_619 = tpu.memref_slice %arg7[%dma_start3A_609] : memref<6x!tpu.dma_semaphore, #tpu.memory_space<semaphore_mem>> -> memref<1x!tpu.dma_semaphore, #tpu.memory_space<semaphore_mem>>
    %dma_start3A_620 = tpu.memref_squeeze %dma_start3A_619 : memref<1x!tpu.dma_semaphore, #tpu.memory_space<semaphore_mem>> -> memref<!tpu.dma_semaphore, #tpu.memory_space<semaphore_mem>>
    tpu.enqueue_indirect_dma source(%dma_start3A_618 : memref<32000x2048xf32, #tpu.memory_space<hbm>>) target(%dma_start3A_613 : memref<8x2048xf32, #tpu.memory_space<vmem>>) offsets(%dma_start3A_615 : memref<8xi32, #tpu.memory_space<vmem>>) semaphore(%dma_start3A_620 : memref<!tpu.dma_semaphore, #tpu.memory_space<semaphore_mem>>)
    %dma_wait3A_621 = arith.constant 2 : i32
    %dma_wait3A_622 = arith.constant 2 : i32
    %dma_wait3A_623 = arith.constant 0 : i32
    %dma_wait3A_624 = arith.constant 0 : i32
    %dma_wait3A_625 = tpu.memref_slice %arg6[%dma_wait3A_621, %dma_wait3A_623, %dma_wait3A_624] : memref<6x8x2048xf32, #tpu.memory_space<vmem>> -> memref<1x8x2048xf32, #tpu.memory_space<vmem>>
    %dma_wait3A_626 = tpu.memref_squeeze %dma_wait3A_625 : memref<1x8x2048xf32, #tpu.memory_space<vmem>> -> memref<8x2048xf32, #tpu.memory_space<vmem>>
    %dma_wait3A_627 = arith.constant 64 : i32
    %dma_wait3A_628 = tpu.memref_slice %arg5[%dma_wait3A_627] : memref<256xi32, #tpu.memory_space<vmem>> -> memref<8xi32, #tpu.memory_space<vmem>>
    %dma_wait3A_629 = arith.constant 0 : i32
    %dma_wait3A_630 = arith.constant 0 : i32
    %dma_wait3A_631 = tpu.memref_slice %arg3[%dma_wait3A_629, %dma_wait3A_630] : memref<32000x2048xf32, #tpu.memory_space<hbm>> -> memref<32000x2048xf32, #tpu.memory_space<hbm>>
    %dma_wait3A_632 = tpu.memref_slice %arg7[%dma_wait3A_622] : memref<6x!tpu.dma_semaphore, #tpu.memory_space<semaphore_mem>> -> memref<1x!tpu.dma_semaphore, #tpu.memory_space<semaphore_mem>>
    %dma_wait3A_633 = tpu.memref_squeeze %dma_wait3A_632 : memref<1x!tpu.dma_semaphore, #tpu.memory_space<semaphore_mem>> -> memref<!tpu.dma_semaphore, #tpu.memory_space<semaphore_mem>>
    tpu.wait_indirect_dma semaphore(%dma_wait3A_633 : memref<!tpu.dma_semaphore, #tpu.memory_space<semaphore_mem>>) src(%dma_wait3A_631 : memref<32000x2048xf32, #tpu.memory_space<hbm>>) dst(%dma_wait3A_626 : memref<8x2048xf32, #tpu.memory_space<vmem>>)
    %add3A_634 = arith.constant 64 : i32
    %add3A_635 = arith.addi %mul3A_32, %add3A_634 : i32
    %dma_start3A_636 = arith.constant 2 : i32
    %dma_start3A_637 = arith.constant 2 : i32
    %dma_start3A_638 = arith.constant 0 : i32
    %dma_start3A_639 = arith.constant 0 : i32
    %dma_start3A_640 = tpu.memref_slice %arg6[%dma_start3A_636, %dma_start3A_638, %dma_start3A_639] : memref<6x8x2048xf32, #tpu.memory_space<vmem>> -> memref<1x8x2048xf32, #tpu.memory_space<vmem>>
    %dma_start3A_641 = tpu.memref_squeeze %dma_start3A_640 : memref<1x8x2048xf32, #tpu.memory_space<vmem>> -> memref<8x2048xf32, #tpu.memory_space<vmem>>
    %dma_start3A_642 = arith.constant 0 : i32
    %dma_start3A_643 = tpu.memref_slice %arg4[%select_n3A, %add3A_635, %dma_start3A_642] : memref<2x4096x2048xf32, #tpu.memory_space<hbm>> -> memref<1x8x2048xf32, #tpu.memory_space<hbm>>
    %dma_start3A_644 = tpu.memref_squeeze %dma_start3A_643 : memref<1x8x2048xf32, #tpu.memory_space<hbm>> -> memref<8x2048xf32, #tpu.memory_space<hbm>>
    %dma_start3A_645 = tpu.memref_slice %arg8[%dma_start3A_637] : memref<6x!tpu.dma_semaphore, #tpu.memory_space<semaphore_mem>> -> memref<1x!tpu.dma_semaphore, #tpu.memory_space<semaphore_mem>>
    %dma_start3A_646 = tpu.memref_squeeze %dma_start3A_645 : memref<1x!tpu.dma_semaphore, #tpu.memory_space<semaphore_mem>> -> memref<!tpu.dma_semaphore, #tpu.memory_space<semaphore_mem>>
    %dma_start3A_647 = arith.constant 0 : i32
    %dma_start3A_648 = tpu.memref_slice %arg4[%select_n3A, %add3A_635, %dma_start3A_647] : memref<2x4096x2048xf32, #tpu.memory_space<hbm>> -> memref<1x8x2048xf32, #tpu.memory_space<hbm>>
    %dma_start3A_649 = tpu.memref_squeeze %dma_start3A_648 : memref<1x8x2048xf32, #tpu.memory_space<hbm>> -> memref<8x2048xf32, #tpu.memory_space<hbm>>
    %dma_start3A_650 = arith.constant 0 : i32
    %dma_start3A_651 = arith.constant 0 : i32
    %dma_start3A_652 = tpu.memref_slice %arg6[%dma_start3A_636, %dma_start3A_650, %dma_start3A_651] : memref<6x8x2048xf32, #tpu.memory_space<vmem>> -> memref<1x8x2048xf32, #tpu.memory_space<vmem>>
    %dma_start3A_653 = tpu.memref_squeeze %dma_start3A_652 : memref<1x8x2048xf32, #tpu.memory_space<vmem>> -> memref<8x2048xf32, #tpu.memory_space<vmem>>
    tpu.enqueue_dma source(%dma_start3A_653 : memref<8x2048xf32, #tpu.memory_space<vmem>>) target(%dma_start3A_649 : memref<8x2048xf32, #tpu.memory_space<hbm>>) target_semaphore(%dma_start3A_646 : memref<!tpu.dma_semaphore, #tpu.memory_space<semaphore_mem>>)
    %dma_wait3A_654 = arith.constant 2 : i32
    %dma_wait3A_655 = arith.constant 2 : i32
    %dma_wait3A_656 = arith.constant 0 : i32
    %dma_wait3A_657 = arith.constant 0 : i32
    %dma_wait3A_658 = tpu.memref_slice %arg6[%dma_wait3A_654, %dma_wait3A_656, %dma_wait3A_657] : memref<6x8x2048xf32, #tpu.memory_space<vmem>> -> memref<1x8x2048xf32, #tpu.memory_space<vmem>>
    %dma_wait3A_659 = tpu.memref_squeeze %dma_wait3A_658 : memref<1x8x2048xf32, #tpu.memory_space<vmem>> -> memref<8x2048xf32, #tpu.memory_space<vmem>>
    %dma_wait3A_660 = arith.constant 0 : i32
    %dma_wait3A_661 = tpu.memref_slice %arg4[%select_n3A, %add3A_635, %dma_wait3A_660] : memref<2x4096x2048xf32, #tpu.memory_space<hbm>> -> memref<1x8x2048xf32, #tpu.memory_space<hbm>>
    %dma_wait3A_662 = tpu.memref_squeeze %dma_wait3A_661 : memref<1x8x2048xf32, #tpu.memory_space<hbm>> -> memref<8x2048xf32, #tpu.memory_space<hbm>>
    %dma_wait3A_663 = tpu.memref_slice %arg8[%dma_wait3A_655] : memref<6x!tpu.dma_semaphore, #tpu.memory_space<semaphore_mem>> -> memref<1x!tpu.dma_semaphore, #tpu.memory_space<semaphore_mem>>
    %dma_wait3A_664 = tpu.memref_squeeze %dma_wait3A_663 : memref<1x!tpu.dma_semaphore, #tpu.memory_space<semaphore_mem>> -> memref<!tpu.dma_semaphore, #tpu.memory_space<semaphore_mem>>
    %dma_wait3A_665 = arith.constant 0 : i32
    %dma_wait3A_666 = tpu.memref_slice %arg4[%select_n3A, %add3A_635, %dma_wait3A_665] : memref<2x4096x2048xf32, #tpu.memory_space<hbm>> -> memref<1x8x2048xf32, #tpu.memory_space<hbm>>
    %dma_wait3A_667 = tpu.memref_squeeze %dma_wait3A_666 : memref<1x8x2048xf32, #tpu.memory_space<hbm>> -> memref<8x2048xf32, #tpu.memory_space<hbm>>
    %dma_wait3A_668 = arith.constant 0 : i32
    %dma_wait3A_669 = arith.constant 0 : i32
    %dma_wait3A_670 = tpu.memref_slice %arg6[%dma_wait3A_654, %dma_wait3A_668, %dma_wait3A_669] : memref<6x8x2048xf32, #tpu.memory_space<vmem>> -> memref<1x8x2048xf32, #tpu.memory_space<vmem>>
    %dma_wait3A_671 = tpu.memref_squeeze %dma_wait3A_670 : memref<1x8x2048xf32, #tpu.memory_space<vmem>> -> memref<8x2048xf32, #tpu.memory_space<vmem>>
    tpu.wait_dma2 semaphore(%dma_wait3A_664 : memref<!tpu.dma_semaphore, #tpu.memory_space<semaphore_mem>>) src(%dma_wait3A_671 : memref<8x2048xf32, #tpu.memory_space<vmem>>) dst(%dma_wait3A_667 : memref<8x2048xf32, #tpu.memory_space<hbm>>)
    %dma_start3A_672 = arith.constant 2 : i32
    %dma_start3A_673 = arith.constant 2 : i32
    %dma_start3A_674 = arith.constant 0 : i32
    %dma_start3A_675 = arith.constant 0 : i32
    %dma_start3A_676 = tpu.memref_slice %arg6[%dma_start3A_672, %dma_start3A_674, %dma_start3A_675] : memref<6x8x2048xf32, #tpu.memory_space<vmem>> -> memref<1x8x2048xf32, #tpu.memory_space<vmem>>
    %dma_start3A_677 = tpu.memref_squeeze %dma_start3A_676 : memref<1x8x2048xf32, #tpu.memory_space<vmem>> -> memref<8x2048xf32, #tpu.memory_space<vmem>>
    %dma_start3A_678 = arith.constant 112 : i32
    %dma_start3A_679 = tpu.memref_slice %arg5[%dma_start3A_678] : memref<256xi32, #tpu.memory_space<vmem>> -> memref<8xi32, #tpu.memory_space<vmem>>
    %dma_start3A_680 = arith.constant 0 : i32
    %dma_start3A_681 = arith.constant 0 : i32
    %dma_start3A_682 = tpu.memref_slice %arg3[%dma_start3A_680, %dma_start3A_681] : memref<32000x2048xf32, #tpu.memory_space<hbm>> -> memref<32000x2048xf32, #tpu.memory_space<hbm>>
    %dma_start3A_683 = tpu.memref_slice %arg7[%dma_start3A_673] : memref<6x!tpu.dma_semaphore, #tpu.memory_space<semaphore_mem>> -> memref<1x!tpu.dma_semaphore, #tpu.memory_space<semaphore_mem>>
    %dma_start3A_684 = tpu.memref_squeeze %dma_start3A_683 : memref<1x!tpu.dma_semaphore, #tpu.memory_space<semaphore_mem>> -> memref<!tpu.dma_semaphore, #tpu.memory_space<semaphore_mem>>
    tpu.enqueue_indirect_dma source(%dma_start3A_682 : memref<32000x2048xf32, #tpu.memory_space<hbm>>) target(%dma_start3A_677 : memref<8x2048xf32, #tpu.memory_space<vmem>>) offsets(%dma_start3A_679 : memref<8xi32, #tpu.memory_space<vmem>>) semaphore(%dma_start3A_684 : memref<!tpu.dma_semaphore, #tpu.memory_space<semaphore_mem>>)
    %dma_wait3A_685 = arith.constant 3 : i32
    %dma_wait3A_686 = arith.constant 3 : i32
    %dma_wait3A_687 = arith.constant 0 : i32
    %dma_wait3A_688 = arith.constant 0 : i32
    %dma_wait3A_689 = tpu.memref_slice %arg6[%dma_wait3A_685, %dma_wait3A_687, %dma_wait3A_688] : memref<6x8x2048xf32, #tpu.memory_space<vmem>> -> memref<1x8x2048xf32, #tpu.memory_space<vmem>>
    %dma_wait3A_690 = tpu.memref_squeeze %dma_wait3A_689 : memref<1x8x2048xf32, #tpu.memory_space<vmem>> -> memref<8x2048xf32, #tpu.memory_space<vmem>>
    %dma_wait3A_691 = arith.constant 72 : i32
    %dma_wait3A_692 = tpu.memref_slice %arg5[%dma_wait3A_691] : memref<256xi32, #tpu.memory_space<vmem>> -> memref<8xi32, #tpu.memory_space<vmem>>
    %dma_wait3A_693 = arith.constant 0 : i32
    %dma_wait3A_694 = arith.constant 0 : i32
    %dma_wait3A_695 = tpu.memref_slice %arg3[%dma_wait3A_693, %dma_wait3A_694] : memref<32000x2048xf32, #tpu.memory_space<hbm>> -> memref<32000x2048xf32, #tpu.memory_space<hbm>>
    %dma_wait3A_696 = tpu.memref_slice %arg7[%dma_wait3A_686] : memref<6x!tpu.dma_semaphore, #tpu.memory_space<semaphore_mem>> -> memref<1x!tpu.dma_semaphore, #tpu.memory_space<semaphore_mem>>
    %dma_wait3A_697 = tpu.memref_squeeze %dma_wait3A_696 : memref<1x!tpu.dma_semaphore, #tpu.memory_space<semaphore_mem>> -> memref<!tpu.dma_semaphore, #tpu.memory_space<semaphore_mem>>
    tpu.wait_indirect_dma semaphore(%dma_wait3A_697 : memref<!tpu.dma_semaphore, #tpu.memory_space<semaphore_mem>>) src(%dma_wait3A_695 : memref<32000x2048xf32, #tpu.memory_space<hbm>>) dst(%dma_wait3A_690 : memref<8x2048xf32, #tpu.memory_space<vmem>>)
    %add3A_698 = arith.constant 72 : i32
    %add3A_699 = arith.addi %mul3A_32, %add3A_698 : i32
    %dma_start3A_700 = arith.constant 3 : i32
    %dma_start3A_701 = arith.constant 3 : i32
    %dma_start3A_702 = arith.constant 0 : i32
    %dma_start3A_703 = arith.constant 0 : i32
    %dma_start3A_704 = tpu.memref_slice %arg6[%dma_start3A_700, %dma_start3A_702, %dma_start3A_703] : memref<6x8x2048xf32, #tpu.memory_space<vmem>> -> memref<1x8x2048xf32, #tpu.memory_space<vmem>>
    %dma_start3A_705 = tpu.memref_squeeze %dma_start3A_704 : memref<1x8x2048xf32, #tpu.memory_space<vmem>> -> memref<8x2048xf32, #tpu.memory_space<vmem>>
    %dma_start3A_706 = arith.constant 0 : i32
    %dma_start3A_707 = tpu.memref_slice %arg4[%select_n3A, %add3A_699, %dma_start3A_706] : memref<2x4096x2048xf32, #tpu.memory_space<hbm>> -> memref<1x8x2048xf32, #tpu.memory_space<hbm>>
    %dma_start3A_708 = tpu.memref_squeeze %dma_start3A_707 : memref<1x8x2048xf32, #tpu.memory_space<hbm>> -> memref<8x2048xf32, #tpu.memory_space<hbm>>
    %dma_start3A_709 = tpu.memref_slice %arg8[%dma_start3A_701] : memref<6x!tpu.dma_semaphore, #tpu.memory_space<semaphore_mem>> -> memref<1x!tpu.dma_semaphore, #tpu.memory_space<semaphore_mem>>
    %dma_start3A_710 = tpu.memref_squeeze %dma_start3A_709 : memref<1x!tpu.dma_semaphore, #tpu.memory_space<semaphore_mem>> -> memref<!tpu.dma_semaphore, #tpu.memory_space<semaphore_mem>>
    %dma_start3A_711 = arith.constant 0 : i32
    %dma_start3A_712 = tpu.memref_slice %arg4[%select_n3A, %add3A_699, %dma_start3A_711] : memref<2x4096x2048xf32, #tpu.memory_space<hbm>> -> memref<1x8x2048xf32, #tpu.memory_space<hbm>>
    %dma_start3A_713 = tpu.memref_squeeze %dma_start3A_712 : memref<1x8x2048xf32, #tpu.memory_space<hbm>> -> memref<8x2048xf32, #tpu.memory_space<hbm>>
    %dma_start3A_714 = arith.constant 0 : i32
    %dma_start3A_715 = arith.constant 0 : i32
    %dma_start3A_716 = tpu.memref_slice %arg6[%dma_start3A_700, %dma_start3A_714, %dma_start3A_715] : memref<6x8x2048xf32, #tpu.memory_space<vmem>> -> memref<1x8x2048xf32, #tpu.memory_space<vmem>>
    %dma_start3A_717 = tpu.memref_squeeze %dma_start3A_716 : memref<1x8x2048xf32, #tpu.memory_space<vmem>> -> memref<8x2048xf32, #tpu.memory_space<vmem>>
    tpu.enqueue_dma source(%dma_start3A_717 : memref<8x2048xf32, #tpu.memory_space<vmem>>) target(%dma_start3A_713 : memref<8x2048xf32, #tpu.memory_space<hbm>>) target_semaphore(%dma_start3A_710 : memref<!tpu.dma_semaphore, #tpu.memory_space<semaphore_mem>>)
    %dma_wait3A_718 = arith.constant 3 : i32
    %dma_wait3A_719 = arith.constant 3 : i32
    %dma_wait3A_720 = arith.constant 0 : i32
    %dma_wait3A_721 = arith.constant 0 : i32
    %dma_wait3A_722 = tpu.memref_slice %arg6[%dma_wait3A_718, %dma_wait3A_720, %dma_wait3A_721] : memref<6x8x2048xf32, #tpu.memory_space<vmem>> -> memref<1x8x2048xf32, #tpu.memory_space<vmem>>
    %dma_wait3A_723 = tpu.memref_squeeze %dma_wait3A_722 : memref<1x8x2048xf32, #tpu.memory_space<vmem>> -> memref<8x2048xf32, #tpu.memory_space<vmem>>
    %dma_wait3A_724 = arith.constant 0 : i32
    %dma_wait3A_725 = tpu.memref_slice %arg4[%select_n3A, %add3A_699, %dma_wait3A_724] : memref<2x4096x2048xf32, #tpu.memory_space<hbm>> -> memref<1x8x2048xf32, #tpu.memory_space<hbm>>
    %dma_wait3A_726 = tpu.memref_squeeze %dma_wait3A_725 : memref<1x8x2048xf32, #tpu.memory_space<hbm>> -> memref<8x2048xf32, #tpu.memory_space<hbm>>
    %dma_wait3A_727 = tpu.memref_slice %arg8[%dma_wait3A_719] : memref<6x!tpu.dma_semaphore, #tpu.memory_space<semaphore_mem>> -> memref<1x!tpu.dma_semaphore, #tpu.memory_space<semaphore_mem>>
    %dma_wait3A_728 = tpu.memref_squeeze %dma_wait3A_727 : memref<1x!tpu.dma_semaphore, #tpu.memory_space<semaphore_mem>> -> memref<!tpu.dma_semaphore, #tpu.memory_space<semaphore_mem>>
    %dma_wait3A_729 = arith.constant 0 : i32
    %dma_wait3A_730 = tpu.memref_slice %arg4[%select_n3A, %add3A_699, %dma_wait3A_729] : memref<2x4096x2048xf32, #tpu.memory_space<hbm>> -> memref<1x8x2048xf32, #tpu.memory_space<hbm>>
    %dma_wait3A_731 = tpu.memref_squeeze %dma_wait3A_730 : memref<1x8x2048xf32, #tpu.memory_space<hbm>> -> memref<8x2048xf32, #tpu.memory_space<hbm>>
    %dma_wait3A_732 = arith.constant 0 : i32
    %dma_wait3A_733 = arith.constant 0 : i32
    %dma_wait3A_734 = tpu.memref_slice %arg6[%dma_wait3A_718, %dma_wait3A_732, %dma_wait3A_733] : memref<6x8x2048xf32, #tpu.memory_space<vmem>> -> memref<1x8x2048xf32, #tpu.memory_space<vmem>>
    %dma_wait3A_735 = tpu.memref_squeeze %dma_wait3A_734 : memref<1x8x2048xf32, #tpu.memory_space<vmem>> -> memref<8x2048xf32, #tpu.memory_space<vmem>>
    tpu.wait_dma2 semaphore(%dma_wait3A_728 : memref<!tpu.dma_semaphore, #tpu.memory_space<semaphore_mem>>) src(%dma_wait3A_735 : memref<8x2048xf32, #tpu.memory_space<vmem>>) dst(%dma_wait3A_731 : memref<8x2048xf32, #tpu.memory_space<hbm>>)
    %dma_start3A_736 = arith.constant 3 : i32
    %dma_start3A_737 = arith.constant 3 : i32
    %dma_start3A_738 = arith.constant 0 : i32
    %dma_start3A_739 = arith.constant 0 : i32
    %dma_start3A_740 = tpu.memref_slice %arg6[%dma_start3A_736, %dma_start3A_738, %dma_start3A_739] : memref<6x8x2048xf32, #tpu.memory_space<vmem>> -> memref<1x8x2048xf32, #tpu.memory_space<vmem>>
    %dma_start3A_741 = tpu.memref_squeeze %dma_start3A_740 : memref<1x8x2048xf32, #tpu.memory_space<vmem>> -> memref<8x2048xf32, #tpu.memory_space<vmem>>
    %dma_start3A_742 = arith.constant 120 : i32
    %dma_start3A_743 = tpu.memref_slice %arg5[%dma_start3A_742] : memref<256xi32, #tpu.memory_space<vmem>> -> memref<8xi32, #tpu.memory_space<vmem>>
    %dma_start3A_744 = arith.constant 0 : i32
    %dma_start3A_745 = arith.constant 0 : i32
    %dma_start3A_746 = tpu.memref_slice %arg3[%dma_start3A_744, %dma_start3A_745] : memref<32000x2048xf32, #tpu.memory_space<hbm>> -> memref<32000x2048xf32, #tpu.memory_space<hbm>>
    %dma_start3A_747 = tpu.memref_slice %arg7[%dma_start3A_737] : memref<6x!tpu.dma_semaphore, #tpu.memory_space<semaphore_mem>> -> memref<1x!tpu.dma_semaphore, #tpu.memory_space<semaphore_mem>>
    %dma_start3A_748 = tpu.memref_squeeze %dma_start3A_747 : memref<1x!tpu.dma_semaphore, #tpu.memory_space<semaphore_mem>> -> memref<!tpu.dma_semaphore, #tpu.memory_space<semaphore_mem>>
    tpu.enqueue_indirect_dma source(%dma_start3A_746 : memref<32000x2048xf32, #tpu.memory_space<hbm>>) target(%dma_start3A_741 : memref<8x2048xf32, #tpu.memory_space<vmem>>) offsets(%dma_start3A_743 : memref<8xi32, #tpu.memory_space<vmem>>) semaphore(%dma_start3A_748 : memref<!tpu.dma_semaphore, #tpu.memory_space<semaphore_mem>>)
    %dma_wait3A_749 = arith.constant 4 : i32
    %dma_wait3A_750 = arith.constant 4 : i32
    %dma_wait3A_751 = arith.constant 0 : i32
    %dma_wait3A_752 = arith.constant 0 : i32
    %dma_wait3A_753 = tpu.memref_slice %arg6[%dma_wait3A_749, %dma_wait3A_751, %dma_wait3A_752] : memref<6x8x2048xf32, #tpu.memory_space<vmem>> -> memref<1x8x2048xf32, #tpu.memory_space<vmem>>
    %dma_wait3A_754 = tpu.memref_squeeze %dma_wait3A_753 : memref<1x8x2048xf32, #tpu.memory_space<vmem>> -> memref<8x2048xf32, #tpu.memory_space<vmem>>
    %dma_wait3A_755 = arith.constant 80 : i32
    %dma_wait3A_756 = tpu.memref_slice %arg5[%dma_wait3A_755] : memref<256xi32, #tpu.memory_space<vmem>> -> memref<8xi32, #tpu.memory_space<vmem>>
    %dma_wait3A_757 = arith.constant 0 : i32
    %dma_wait3A_758 = arith.constant 0 : i32
    %dma_wait3A_759 = tpu.memref_slice %arg3[%dma_wait3A_757, %dma_wait3A_758] : memref<32000x2048xf32, #tpu.memory_space<hbm>> -> memref<32000x2048xf32, #tpu.memory_space<hbm>>
    %dma_wait3A_760 = tpu.memref_slice %arg7[%dma_wait3A_750] : memref<6x!tpu.dma_semaphore, #tpu.memory_space<semaphore_mem>> -> memref<1x!tpu.dma_semaphore, #tpu.memory_space<semaphore_mem>>
    %dma_wait3A_761 = tpu.memref_squeeze %dma_wait3A_760 : memref<1x!tpu.dma_semaphore, #tpu.memory_space<semaphore_mem>> -> memref<!tpu.dma_semaphore, #tpu.memory_space<semaphore_mem>>
    tpu.wait_indirect_dma semaphore(%dma_wait3A_761 : memref<!tpu.dma_semaphore, #tpu.memory_space<semaphore_mem>>) src(%dma_wait3A_759 : memref<32000x2048xf32, #tpu.memory_space<hbm>>) dst(%dma_wait3A_754 : memref<8x2048xf32, #tpu.memory_space<vmem>>)
    %add3A_762 = arith.constant 80 : i32
    %add3A_763 = arith.addi %mul3A_32, %add3A_762 : i32
    %dma_start3A_764 = arith.constant 4 : i32
    %dma_start3A_765 = arith.constant 4 : i32
    %dma_start3A_766 = arith.constant 0 : i32
    %dma_start3A_767 = arith.constant 0 : i32
    %dma_start3A_768 = tpu.memref_slice %arg6[%dma_start3A_764, %dma_start3A_766, %dma_start3A_767] : memref<6x8x2048xf32, #tpu.memory_space<vmem>> -> memref<1x8x2048xf32, #tpu.memory_space<vmem>>
    %dma_start3A_769 = tpu.memref_squeeze %dma_start3A_768 : memref<1x8x2048xf32, #tpu.memory_space<vmem>> -> memref<8x2048xf32, #tpu.memory_space<vmem>>
    %dma_start3A_770 = arith.constant 0 : i32
    %dma_start3A_771 = tpu.memref_slice %arg4[%select_n3A, %add3A_763, %dma_start3A_770] : memref<2x4096x2048xf32, #tpu.memory_space<hbm>> -> memref<1x8x2048xf32, #tpu.memory_space<hbm>>
    %dma_start3A_772 = tpu.memref_squeeze %dma_start3A_771 : memref<1x8x2048xf32, #tpu.memory_space<hbm>> -> memref<8x2048xf32, #tpu.memory_space<hbm>>
    %dma_start3A_773 = tpu.memref_slice %arg8[%dma_start3A_765] : memref<6x!tpu.dma_semaphore, #tpu.memory_space<semaphore_mem>> -> memref<1x!tpu.dma_semaphore, #tpu.memory_space<semaphore_mem>>
    %dma_start3A_774 = tpu.memref_squeeze %dma_start3A_773 : memref<1x!tpu.dma_semaphore, #tpu.memory_space<semaphore_mem>> -> memref<!tpu.dma_semaphore, #tpu.memory_space<semaphore_mem>>
    %dma_start3A_775 = arith.constant 0 : i32
    %dma_start3A_776 = tpu.memref_slice %arg4[%select_n3A, %add3A_763, %dma_start3A_775] : memref<2x4096x2048xf32, #tpu.memory_space<hbm>> -> memref<1x8x2048xf32, #tpu.memory_space<hbm>>
    %dma_start3A_777 = tpu.memref_squeeze %dma_start3A_776 : memref<1x8x2048xf32, #tpu.memory_space<hbm>> -> memref<8x2048xf32, #tpu.memory_space<hbm>>
    %dma_start3A_778 = arith.constant 0 : i32
    %dma_start3A_779 = arith.constant 0 : i32
    %dma_start3A_780 = tpu.memref_slice %arg6[%dma_start3A_764, %dma_start3A_778, %dma_start3A_779] : memref<6x8x2048xf32, #tpu.memory_space<vmem>> -> memref<1x8x2048xf32, #tpu.memory_space<vmem>>
    %dma_start3A_781 = tpu.memref_squeeze %dma_start3A_780 : memref<1x8x2048xf32, #tpu.memory_space<vmem>> -> memref<8x2048xf32, #tpu.memory_space<vmem>>
    tpu.enqueue_dma source(%dma_start3A_781 : memref<8x2048xf32, #tpu.memory_space<vmem>>) target(%dma_start3A_777 : memref<8x2048xf32, #tpu.memory_space<hbm>>) target_semaphore(%dma_start3A_774 : memref<!tpu.dma_semaphore, #tpu.memory_space<semaphore_mem>>)
    %dma_wait3A_782 = arith.constant 4 : i32
    %dma_wait3A_783 = arith.constant 4 : i32
    %dma_wait3A_784 = arith.constant 0 : i32
    %dma_wait3A_785 = arith.constant 0 : i32
    %dma_wait3A_786 = tpu.memref_slice %arg6[%dma_wait3A_782, %dma_wait3A_784, %dma_wait3A_785] : memref<6x8x2048xf32, #tpu.memory_space<vmem>> -> memref<1x8x2048xf32, #tpu.memory_space<vmem>>
    %dma_wait3A_787 = tpu.memref_squeeze %dma_wait3A_786 : memref<1x8x2048xf32, #tpu.memory_space<vmem>> -> memref<8x2048xf32, #tpu.memory_space<vmem>>
    %dma_wait3A_788 = arith.constant 0 : i32
    %dma_wait3A_789 = tpu.memref_slice %arg4[%select_n3A, %add3A_763, %dma_wait3A_788] : memref<2x4096x2048xf32, #tpu.memory_space<hbm>> -> memref<1x8x2048xf32, #tpu.memory_space<hbm>>
    %dma_wait3A_790 = tpu.memref_squeeze %dma_wait3A_789 : memref<1x8x2048xf32, #tpu.memory_space<hbm>> -> memref<8x2048xf32, #tpu.memory_space<hbm>>
    %dma_wait3A_791 = tpu.memref_slice %arg8[%dma_wait3A_783] : memref<6x!tpu.dma_semaphore, #tpu.memory_space<semaphore_mem>> -> memref<1x!tpu.dma_semaphore, #tpu.memory_space<semaphore_mem>>
    %dma_wait3A_792 = tpu.memref_squeeze %dma_wait3A_791 : memref<1x!tpu.dma_semaphore, #tpu.memory_space<semaphore_mem>> -> memref<!tpu.dma_semaphore, #tpu.memory_space<semaphore_mem>>
    %dma_wait3A_793 = arith.constant 0 : i32
    %dma_wait3A_794 = tpu.memref_slice %arg4[%select_n3A, %add3A_763, %dma_wait3A_793] : memref<2x4096x2048xf32, #tpu.memory_space<hbm>> -> memref<1x8x2048xf32, #tpu.memory_space<hbm>>
    %dma_wait3A_795 = tpu.memref_squeeze %dma_wait3A_794 : memref<1x8x2048xf32, #tpu.memory_space<hbm>> -> memref<8x2048xf32, #tpu.memory_space<hbm>>
    %dma_wait3A_796 = arith.constant 0 : i32
    %dma_wait3A_797 = arith.constant 0 : i32
    %dma_wait3A_798 = tpu.memref_slice %arg6[%dma_wait3A_782, %dma_wait3A_796, %dma_wait3A_797] : memref<6x8x2048xf32, #tpu.memory_space<vmem>> -> memref<1x8x2048xf32, #tpu.memory_space<vmem>>
    %dma_wait3A_799 = tpu.memref_squeeze %dma_wait3A_798 : memref<1x8x2048xf32, #tpu.memory_space<vmem>> -> memref<8x2048xf32, #tpu.memory_space<vmem>>
    tpu.wait_dma2 semaphore(%dma_wait3A_792 : memref<!tpu.dma_semaphore, #tpu.memory_space<semaphore_mem>>) src(%dma_wait3A_799 : memref<8x2048xf32, #tpu.memory_space<vmem>>) dst(%dma_wait3A_795 : memref<8x2048xf32, #tpu.memory_space<hbm>>)
    %dma_start3A_800 = arith.constant 4 : i32
    %dma_start3A_801 = arith.constant 4 : i32
    %dma_start3A_802 = arith.constant 0 : i32
    %dma_start3A_803 = arith.constant 0 : i32
    %dma_start3A_804 = tpu.memref_slice %arg6[%dma_start3A_800, %dma_start3A_802, %dma_start3A_803] : memref<6x8x2048xf32, #tpu.memory_space<vmem>> -> memref<1x8x2048xf32, #tpu.memory_space<vmem>>
    %dma_start3A_805 = tpu.memref_squeeze %dma_start3A_804 : memref<1x8x2048xf32, #tpu.memory_space<vmem>> -> memref<8x2048xf32, #tpu.memory_space<vmem>>
    %dma_start3A_806 = arith.constant 128 : i32
    %dma_start3A_807 = tpu.memref_slice %arg5[%dma_start3A_806] : memref<256xi32, #tpu.memory_space<vmem>> -> memref<8xi32, #tpu.memory_space<vmem>>
    %dma_start3A_808 = arith.constant 0 : i32
    %dma_start3A_809 = arith.constant 0 : i32
    %dma_start3A_810 = tpu.memref_slice %arg3[%dma_start3A_808, %dma_start3A_809] : memref<32000x2048xf32, #tpu.memory_space<hbm>> -> memref<32000x2048xf32, #tpu.memory_space<hbm>>
    %dma_start3A_811 = tpu.memref_slice %arg7[%dma_start3A_801] : memref<6x!tpu.dma_semaphore, #tpu.memory_space<semaphore_mem>> -> memref<1x!tpu.dma_semaphore, #tpu.memory_space<semaphore_mem>>
    %dma_start3A_812 = tpu.memref_squeeze %dma_start3A_811 : memref<1x!tpu.dma_semaphore, #tpu.memory_space<semaphore_mem>> -> memref<!tpu.dma_semaphore, #tpu.memory_space<semaphore_mem>>
    tpu.enqueue_indirect_dma source(%dma_start3A_810 : memref<32000x2048xf32, #tpu.memory_space<hbm>>) target(%dma_start3A_805 : memref<8x2048xf32, #tpu.memory_space<vmem>>) offsets(%dma_start3A_807 : memref<8xi32, #tpu.memory_space<vmem>>) semaphore(%dma_start3A_812 : memref<!tpu.dma_semaphore, #tpu.memory_space<semaphore_mem>>)
    %dma_wait3A_813 = arith.constant 5 : i32
    %dma_wait3A_814 = arith.constant 5 : i32
    %dma_wait3A_815 = arith.constant 0 : i32
    %dma_wait3A_816 = arith.constant 0 : i32
    %dma_wait3A_817 = tpu.memref_slice %arg6[%dma_wait3A_813, %dma_wait3A_815, %dma_wait3A_816] : memref<6x8x2048xf32, #tpu.memory_space<vmem>> -> memref<1x8x2048xf32, #tpu.memory_space<vmem>>
    %dma_wait3A_818 = tpu.memref_squeeze %dma_wait3A_817 : memref<1x8x2048xf32, #tpu.memory_space<vmem>> -> memref<8x2048xf32, #tpu.memory_space<vmem>>
    %dma_wait3A_819 = arith.constant 88 : i32
    %dma_wait3A_820 = tpu.memref_slice %arg5[%dma_wait3A_819] : memref<256xi32, #tpu.memory_space<vmem>> -> memref<8xi32, #tpu.memory_space<vmem>>
    %dma_wait3A_821 = arith.constant 0 : i32
    %dma_wait3A_822 = arith.constant 0 : i32
    %dma_wait3A_823 = tpu.memref_slice %arg3[%dma_wait3A_821, %dma_wait3A_822] : memref<32000x2048xf32, #tpu.memory_space<hbm>> -> memref<32000x2048xf32, #tpu.memory_space<hbm>>
    %dma_wait3A_824 = tpu.memref_slice %arg7[%dma_wait3A_814] : memref<6x!tpu.dma_semaphore, #tpu.memory_space<semaphore_mem>> -> memref<1x!tpu.dma_semaphore, #tpu.memory_space<semaphore_mem>>
    %dma_wait3A_825 = tpu.memref_squeeze %dma_wait3A_824 : memref<1x!tpu.dma_semaphore, #tpu.memory_space<semaphore_mem>> -> memref<!tpu.dma_semaphore, #tpu.memory_space<semaphore_mem>>
    tpu.wait_indirect_dma semaphore(%dma_wait3A_825 : memref<!tpu.dma_semaphore, #tpu.memory_space<semaphore_mem>>) src(%dma_wait3A_823 : memref<32000x2048xf32, #tpu.memory_space<hbm>>) dst(%dma_wait3A_818 : memref<8x2048xf32, #tpu.memory_space<vmem>>)
    %add3A_826 = arith.constant 88 : i32
    %add3A_827 = arith.addi %mul3A_32, %add3A_826 : i32
    %dma_start3A_828 = arith.constant 5 : i32
    %dma_start3A_829 = arith.constant 5 : i32
    %dma_start3A_830 = arith.constant 0 : i32
    %dma_start3A_831 = arith.constant 0 : i32
    %dma_start3A_832 = tpu.memref_slice %arg6[%dma_start3A_828, %dma_start3A_830, %dma_start3A_831] : memref<6x8x2048xf32, #tpu.memory_space<vmem>> -> memref<1x8x2048xf32, #tpu.memory_space<vmem>>
    %dma_start3A_833 = tpu.memref_squeeze %dma_start3A_832 : memref<1x8x2048xf32, #tpu.memory_space<vmem>> -> memref<8x2048xf32, #tpu.memory_space<vmem>>
    %dma_start3A_834 = arith.constant 0 : i32
    %dma_start3A_835 = tpu.memref_slice %arg4[%select_n3A, %add3A_827, %dma_start3A_834] : memref<2x4096x2048xf32, #tpu.memory_space<hbm>> -> memref<1x8x2048xf32, #tpu.memory_space<hbm>>
    %dma_start3A_836 = tpu.memref_squeeze %dma_start3A_835 : memref<1x8x2048xf32, #tpu.memory_space<hbm>> -> memref<8x2048xf32, #tpu.memory_space<hbm>>
    %dma_start3A_837 = tpu.memref_slice %arg8[%dma_start3A_829] : memref<6x!tpu.dma_semaphore, #tpu.memory_space<semaphore_mem>> -> memref<1x!tpu.dma_semaphore, #tpu.memory_space<semaphore_mem>>
    %dma_start3A_838 = tpu.memref_squeeze %dma_start3A_837 : memref<1x!tpu.dma_semaphore, #tpu.memory_space<semaphore_mem>> -> memref<!tpu.dma_semaphore, #tpu.memory_space<semaphore_mem>>
    %dma_start3A_839 = arith.constant 0 : i32
    %dma_start3A_840 = tpu.memref_slice %arg4[%select_n3A, %add3A_827, %dma_start3A_839] : memref<2x4096x2048xf32, #tpu.memory_space<hbm>> -> memref<1x8x2048xf32, #tpu.memory_space<hbm>>
    %dma_start3A_841 = tpu.memref_squeeze %dma_start3A_840 : memref<1x8x2048xf32, #tpu.memory_space<hbm>> -> memref<8x2048xf32, #tpu.memory_space<hbm>>
    %dma_start3A_842 = arith.constant 0 : i32
    %dma_start3A_843 = arith.constant 0 : i32
    %dma_start3A_844 = tpu.memref_slice %arg6[%dma_start3A_828, %dma_start3A_842, %dma_start3A_843] : memref<6x8x2048xf32, #tpu.memory_space<vmem>> -> memref<1x8x2048xf32, #tpu.memory_space<vmem>>
    %dma_start3A_845 = tpu.memref_squeeze %dma_start3A_844 : memref<1x8x2048xf32, #tpu.memory_space<vmem>> -> memref<8x2048xf32, #tpu.memory_space<vmem>>
    tpu.enqueue_dma source(%dma_start3A_845 : memref<8x2048xf32, #tpu.memory_space<vmem>>) target(%dma_start3A_841 : memref<8x2048xf32, #tpu.memory_space<hbm>>) target_semaphore(%dma_start3A_838 : memref<!tpu.dma_semaphore, #tpu.memory_space<semaphore_mem>>)
    %dma_wait3A_846 = arith.constant 5 : i32
    %dma_wait3A_847 = arith.constant 5 : i32
    %dma_wait3A_848 = arith.constant 0 : i32
    %dma_wait3A_849 = arith.constant 0 : i32
    %dma_wait3A_850 = tpu.memref_slice %arg6[%dma_wait3A_846, %dma_wait3A_848, %dma_wait3A_849] : memref<6x8x2048xf32, #tpu.memory_space<vmem>> -> memref<1x8x2048xf32, #tpu.memory_space<vmem>>
    %dma_wait3A_851 = tpu.memref_squeeze %dma_wait3A_850 : memref<1x8x2048xf32, #tpu.memory_space<vmem>> -> memref<8x2048xf32, #tpu.memory_space<vmem>>
    %dma_wait3A_852 = arith.constant 0 : i32
    %dma_wait3A_853 = tpu.memref_slice %arg4[%select_n3A, %add3A_827, %dma_wait3A_852] : memref<2x4096x2048xf32, #tpu.memory_space<hbm>> -> memref<1x8x2048xf32, #tpu.memory_space<hbm>>
    %dma_wait3A_854 = tpu.memref_squeeze %dma_wait3A_853 : memref<1x8x2048xf32, #tpu.memory_space<hbm>> -> memref<8x2048xf32, #tpu.memory_space<hbm>>
    %dma_wait3A_855 = tpu.memref_slice %arg8[%dma_wait3A_847] : memref<6x!tpu.dma_semaphore, #tpu.memory_space<semaphore_mem>> -> memref<1x!tpu.dma_semaphore, #tpu.memory_space<semaphore_mem>>
    %dma_wait3A_856 = tpu.memref_squeeze %dma_wait3A_855 : memref<1x!tpu.dma_semaphore, #tpu.memory_space<semaphore_mem>> -> memref<!tpu.dma_semaphore, #tpu.memory_space<semaphore_mem>>
    %dma_wait3A_857 = arith.constant 0 : i32
    %dma_wait3A_858 = tpu.memref_slice %arg4[%select_n3A, %add3A_827, %dma_wait3A_857] : memref<2x4096x2048xf32, #tpu.memory_space<hbm>> -> memref<1x8x2048xf32, #tpu.memory_space<hbm>>
    %dma_wait3A_859 = tpu.memref_squeeze %dma_wait3A_858 : memref<1x8x2048xf32, #tpu.memory_space<hbm>> -> memref<8x2048xf32, #tpu.memory_space<hbm>>
    %dma_wait3A_860 = arith.constant 0 : i32
    %dma_wait3A_861 = arith.constant 0 : i32
    %dma_wait3A_862 = tpu.memref_slice %arg6[%dma_wait3A_846, %dma_wait3A_860, %dma_wait3A_861] : memref<6x8x2048xf32, #tpu.memory_space<vmem>> -> memref<1x8x2048xf32, #tpu.memory_space<vmem>>
    %dma_wait3A_863 = tpu.memref_squeeze %dma_wait3A_862 : memref<1x8x2048xf32, #tpu.memory_space<vmem>> -> memref<8x2048xf32, #tpu.memory_space<vmem>>
    tpu.wait_dma2 semaphore(%dma_wait3A_856 : memref<!tpu.dma_semaphore, #tpu.memory_space<semaphore_mem>>) src(%dma_wait3A_863 : memref<8x2048xf32, #tpu.memory_space<vmem>>) dst(%dma_wait3A_859 : memref<8x2048xf32, #tpu.memory_space<hbm>>)
    %dma_start3A_864 = arith.constant 5 : i32
    %dma_start3A_865 = arith.constant 5 : i32
    %dma_start3A_866 = arith.constant 0 : i32
    %dma_start3A_867 = arith.constant 0 : i32
    %dma_start3A_868 = tpu.memref_slice %arg6[%dma_start3A_864, %dma_start3A_866, %dma_start3A_867] : memref<6x8x2048xf32, #tpu.memory_space<vmem>> -> memref<1x8x2048xf32, #tpu.memory_space<vmem>>
    %dma_start3A_869 = tpu.memref_squeeze %dma_start3A_868 : memref<1x8x2048xf32, #tpu.memory_space<vmem>> -> memref<8x2048xf32, #tpu.memory_space<vmem>>
    %dma_start3A_870 = arith.constant 136 : i32
    %dma_start3A_871 = tpu.memref_slice %arg5[%dma_start3A_870] : memref<256xi32, #tpu.memory_space<vmem>> -> memref<8xi32, #tpu.memory_space<vmem>>
    %dma_start3A_872 = arith.constant 0 : i32
    %dma_start3A_873 = arith.constant 0 : i32
    %dma_start3A_874 = tpu.memref_slice %arg3[%dma_start3A_872, %dma_start3A_873] : memref<32000x2048xf32, #tpu.memory_space<hbm>> -> memref<32000x2048xf32, #tpu.memory_space<hbm>>
    %dma_start3A_875 = tpu.memref_slice %arg7[%dma_start3A_865] : memref<6x!tpu.dma_semaphore, #tpu.memory_space<semaphore_mem>> -> memref<1x!tpu.dma_semaphore, #tpu.memory_space<semaphore_mem>>
    %dma_start3A_876 = tpu.memref_squeeze %dma_start3A_875 : memref<1x!tpu.dma_semaphore, #tpu.memory_space<semaphore_mem>> -> memref<!tpu.dma_semaphore, #tpu.memory_space<semaphore_mem>>
    tpu.enqueue_indirect_dma source(%dma_start3A_874 : memref<32000x2048xf32, #tpu.memory_space<hbm>>) target(%dma_start3A_869 : memref<8x2048xf32, #tpu.memory_space<vmem>>) offsets(%dma_start3A_871 : memref<8xi32, #tpu.memory_space<vmem>>) semaphore(%dma_start3A_876 : memref<!tpu.dma_semaphore, #tpu.memory_space<semaphore_mem>>)
    %dma_wait3A_877 = arith.constant 0 : i32
    %dma_wait3A_878 = arith.constant 0 : i32
    %dma_wait3A_879 = arith.constant 0 : i32
    %dma_wait3A_880 = arith.constant 0 : i32
    %dma_wait3A_881 = tpu.memref_slice %arg6[%dma_wait3A_877, %dma_wait3A_879, %dma_wait3A_880] : memref<6x8x2048xf32, #tpu.memory_space<vmem>> -> memref<1x8x2048xf32, #tpu.memory_space<vmem>>
    %dma_wait3A_882 = tpu.memref_squeeze %dma_wait3A_881 : memref<1x8x2048xf32, #tpu.memory_space<vmem>> -> memref<8x2048xf32, #tpu.memory_space<vmem>>
    %dma_wait3A_883 = arith.constant 96 : i32
    %dma_wait3A_884 = tpu.memref_slice %arg5[%dma_wait3A_883] : memref<256xi32, #tpu.memory_space<vmem>> -> memref<8xi32, #tpu.memory_space<vmem>>
    %dma_wait3A_885 = arith.constant 0 : i32
    %dma_wait3A_886 = arith.constant 0 : i32
    %dma_wait3A_887 = tpu.memref_slice %arg3[%dma_wait3A_885, %dma_wait3A_886] : memref<32000x2048xf32, #tpu.memory_space<hbm>> -> memref<32000x2048xf32, #tpu.memory_space<hbm>>
    %dma_wait3A_888 = tpu.memref_slice %arg7[%dma_wait3A_878] : memref<6x!tpu.dma_semaphore, #tpu.memory_space<semaphore_mem>> -> memref<1x!tpu.dma_semaphore, #tpu.memory_space<semaphore_mem>>
    %dma_wait3A_889 = tpu.memref_squeeze %dma_wait3A_888 : memref<1x!tpu.dma_semaphore, #tpu.memory_space<semaphore_mem>> -> memref<!tpu.dma_semaphore, #tpu.memory_space<semaphore_mem>>
    tpu.wait_indirect_dma semaphore(%dma_wait3A_889 : memref<!tpu.dma_semaphore, #tpu.memory_space<semaphore_mem>>) src(%dma_wait3A_887 : memref<32000x2048xf32, #tpu.memory_space<hbm>>) dst(%dma_wait3A_882 : memref<8x2048xf32, #tpu.memory_space<vmem>>)
    %add3A_890 = arith.constant 96 : i32
    %add3A_891 = arith.addi %mul3A_32, %add3A_890 : i32
    %dma_start3A_892 = arith.constant 0 : i32
    %dma_start3A_893 = arith.constant 0 : i32
    %dma_start3A_894 = arith.constant 0 : i32
    %dma_start3A_895 = arith.constant 0 : i32
    %dma_start3A_896 = tpu.memref_slice %arg6[%dma_start3A_892, %dma_start3A_894, %dma_start3A_895] : memref<6x8x2048xf32, #tpu.memory_space<vmem>> -> memref<1x8x2048xf32, #tpu.memory_space<vmem>>
    %dma_start3A_897 = tpu.memref_squeeze %dma_start3A_896 : memref<1x8x2048xf32, #tpu.memory_space<vmem>> -> memref<8x2048xf32, #tpu.memory_space<vmem>>
    %dma_start3A_898 = arith.constant 0 : i32
    %dma_start3A_899 = tpu.memref_slice %arg4[%select_n3A, %add3A_891, %dma_start3A_898] : memref<2x4096x2048xf32, #tpu.memory_space<hbm>> -> memref<1x8x2048xf32, #tpu.memory_space<hbm>>
    %dma_start3A_900 = tpu.memref_squeeze %dma_start3A_899 : memref<1x8x2048xf32, #tpu.memory_space<hbm>> -> memref<8x2048xf32, #tpu.memory_space<hbm>>
    %dma_start3A_901 = tpu.memref_slice %arg8[%dma_start3A_893] : memref<6x!tpu.dma_semaphore, #tpu.memory_space<semaphore_mem>> -> memref<1x!tpu.dma_semaphore, #tpu.memory_space<semaphore_mem>>
    %dma_start3A_902 = tpu.memref_squeeze %dma_start3A_901 : memref<1x!tpu.dma_semaphore, #tpu.memory_space<semaphore_mem>> -> memref<!tpu.dma_semaphore, #tpu.memory_space<semaphore_mem>>
    %dma_start3A_903 = arith.constant 0 : i32
    %dma_start3A_904 = tpu.memref_slice %arg4[%select_n3A, %add3A_891, %dma_start3A_903] : memref<2x4096x2048xf32, #tpu.memory_space<hbm>> -> memref<1x8x2048xf32, #tpu.memory_space<hbm>>
    %dma_start3A_905 = tpu.memref_squeeze %dma_start3A_904 : memref<1x8x2048xf32, #tpu.memory_space<hbm>> -> memref<8x2048xf32, #tpu.memory_space<hbm>>
    %dma_start3A_906 = arith.constant 0 : i32
    %dma_start3A_907 = arith.constant 0 : i32
    %dma_start3A_908 = tpu.memref_slice %arg6[%dma_start3A_892, %dma_start3A_906, %dma_start3A_907] : memref<6x8x2048xf32, #tpu.memory_space<vmem>> -> memref<1x8x2048xf32, #tpu.memory_space<vmem>>
    %dma_start3A_909 = tpu.memref_squeeze %dma_start3A_908 : memref<1x8x2048xf32, #tpu.memory_space<vmem>> -> memref<8x2048xf32, #tpu.memory_space<vmem>>
    tpu.enqueue_dma source(%dma_start3A_909 : memref<8x2048xf32, #tpu.memory_space<vmem>>) target(%dma_start3A_905 : memref<8x2048xf32, #tpu.memory_space<hbm>>) target_semaphore(%dma_start3A_902 : memref<!tpu.dma_semaphore, #tpu.memory_space<semaphore_mem>>)
    %dma_wait3A_910 = arith.constant 0 : i32
    %dma_wait3A_911 = arith.constant 0 : i32
    %dma_wait3A_912 = arith.constant 0 : i32
    %dma_wait3A_913 = arith.constant 0 : i32
    %dma_wait3A_914 = tpu.memref_slice %arg6[%dma_wait3A_910, %dma_wait3A_912, %dma_wait3A_913] : memref<6x8x2048xf32, #tpu.memory_space<vmem>> -> memref<1x8x2048xf32, #tpu.memory_space<vmem>>
    %dma_wait3A_915 = tpu.memref_squeeze %dma_wait3A_914 : memref<1x8x2048xf32, #tpu.memory_space<vmem>> -> memref<8x2048xf32, #tpu.memory_space<vmem>>
    %dma_wait3A_916 = arith.constant 0 : i32
    %dma_wait3A_917 = tpu.memref_slice %arg4[%select_n3A, %add3A_891, %dma_wait3A_916] : memref<2x4096x2048xf32, #tpu.memory_space<hbm>> -> memref<1x8x2048xf32, #tpu.memory_space<hbm>>
    %dma_wait3A_918 = tpu.memref_squeeze %dma_wait3A_917 : memref<1x8x2048xf32, #tpu.memory_space<hbm>> -> memref<8x2048xf32, #tpu.memory_space<hbm>>
    %dma_wait3A_919 = tpu.memref_slice %arg8[%dma_wait3A_911] : memref<6x!tpu.dma_semaphore, #tpu.memory_space<semaphore_mem>> -> memref<1x!tpu.dma_semaphore, #tpu.memory_space<semaphore_mem>>
    %dma_wait3A_920 = tpu.memref_squeeze %dma_wait3A_919 : memref<1x!tpu.dma_semaphore, #tpu.memory_space<semaphore_mem>> -> memref<!tpu.dma_semaphore, #tpu.memory_space<semaphore_mem>>
    %dma_wait3A_921 = arith.constant 0 : i32
    %dma_wait3A_922 = tpu.memref_slice %arg4[%select_n3A, %add3A_891, %dma_wait3A_921] : memref<2x4096x2048xf32, #tpu.memory_space<hbm>> -> memref<1x8x2048xf32, #tpu.memory_space<hbm>>
    %dma_wait3A_923 = tpu.memref_squeeze %dma_wait3A_922 : memref<1x8x2048xf32, #tpu.memory_space<hbm>> -> memref<8x2048xf32, #tpu.memory_space<hbm>>
    %dma_wait3A_924 = arith.constant 0 : i32
    %dma_wait3A_925 = arith.constant 0 : i32
    %dma_wait3A_926 = tpu.memref_slice %arg6[%dma_wait3A_910, %dma_wait3A_924, %dma_wait3A_925] : memref<6x8x2048xf32, #tpu.memory_space<vmem>> -> memref<1x8x2048xf32, #tpu.memory_space<vmem>>
    %dma_wait3A_927 = tpu.memref_squeeze %dma_wait3A_926 : memref<1x8x2048xf32, #tpu.memory_space<vmem>> -> memref<8x2048xf32, #tpu.memory_space<vmem>>
    tpu.wait_dma2 semaphore(%dma_wait3A_920 : memref<!tpu.dma_semaphore, #tpu.memory_space<semaphore_mem>>) src(%dma_wait3A_927 : memref<8x2048xf32, #tpu.memory_space<vmem>>) dst(%dma_wait3A_923 : memref<8x2048xf32, #tpu.memory_space<hbm>>)
    %dma_start3A_928 = arith.constant 0 : i32
    %dma_start3A_929 = arith.constant 0 : i32
    %dma_start3A_930 = arith.constant 0 : i32
    %dma_start3A_931 = arith.constant 0 : i32
    %dma_start3A_932 = tpu.memref_slice %arg6[%dma_start3A_928, %dma_start3A_930, %dma_start3A_931] : memref<6x8x2048xf32, #tpu.memory_space<vmem>> -> memref<1x8x2048xf32, #tpu.memory_space<vmem>>
    %dma_start3A_933 = tpu.memref_squeeze %dma_start3A_932 : memref<1x8x2048xf32, #tpu.memory_space<vmem>> -> memref<8x2048xf32, #tpu.memory_space<vmem>>
    %dma_start3A_934 = arith.constant 144 : i32
    %dma_start3A_935 = tpu.memref_slice %arg5[%dma_start3A_934] : memref<256xi32, #tpu.memory_space<vmem>> -> memref<8xi32, #tpu.memory_space<vmem>>
    %dma_start3A_936 = arith.constant 0 : i32
    %dma_start3A_937 = arith.constant 0 : i32
    %dma_start3A_938 = tpu.memref_slice %arg3[%dma_start3A_936, %dma_start3A_937] : memref<32000x2048xf32, #tpu.memory_space<hbm>> -> memref<32000x2048xf32, #tpu.memory_space<hbm>>
    %dma_start3A_939 = tpu.memref_slice %arg7[%dma_start3A_929] : memref<6x!tpu.dma_semaphore, #tpu.memory_space<semaphore_mem>> -> memref<1x!tpu.dma_semaphore, #tpu.memory_space<semaphore_mem>>
    %dma_start3A_940 = tpu.memref_squeeze %dma_start3A_939 : memref<1x!tpu.dma_semaphore, #tpu.memory_space<semaphore_mem>> -> memref<!tpu.dma_semaphore, #tpu.memory_space<semaphore_mem>>
    tpu.enqueue_indirect_dma source(%dma_start3A_938 : memref<32000x2048xf32, #tpu.memory_space<hbm>>) target(%dma_start3A_933 : memref<8x2048xf32, #tpu.memory_space<vmem>>) offsets(%dma_start3A_935 : memref<8xi32, #tpu.memory_space<vmem>>) semaphore(%dma_start3A_940 : memref<!tpu.dma_semaphore, #tpu.memory_space<semaphore_mem>>)
    %dma_wait3A_941 = arith.constant 1 : i32
    %dma_wait3A_942 = arith.constant 1 : i32
    %dma_wait3A_943 = arith.constant 0 : i32
    %dma_wait3A_944 = arith.constant 0 : i32
    %dma_wait3A_945 = tpu.memref_slice %arg6[%dma_wait3A_941, %dma_wait3A_943, %dma_wait3A_944] : memref<6x8x2048xf32, #tpu.memory_space<vmem>> -> memref<1x8x2048xf32, #tpu.memory_space<vmem>>
    %dma_wait3A_946 = tpu.memref_squeeze %dma_wait3A_945 : memref<1x8x2048xf32, #tpu.memory_space<vmem>> -> memref<8x2048xf32, #tpu.memory_space<vmem>>
    %dma_wait3A_947 = arith.constant 104 : i32
    %dma_wait3A_948 = tpu.memref_slice %arg5[%dma_wait3A_947] : memref<256xi32, #tpu.memory_space<vmem>> -> memref<8xi32, #tpu.memory_space<vmem>>
    %dma_wait3A_949 = arith.constant 0 : i32
    %dma_wait3A_950 = arith.constant 0 : i32
    %dma_wait3A_951 = tpu.memref_slice %arg3[%dma_wait3A_949, %dma_wait3A_950] : memref<32000x2048xf32, #tpu.memory_space<hbm>> -> memref<32000x2048xf32, #tpu.memory_space<hbm>>
    %dma_wait3A_952 = tpu.memref_slice %arg7[%dma_wait3A_942] : memref<6x!tpu.dma_semaphore, #tpu.memory_space<semaphore_mem>> -> memref<1x!tpu.dma_semaphore, #tpu.memory_space<semaphore_mem>>
    %dma_wait3A_953 = tpu.memref_squeeze %dma_wait3A_952 : memref<1x!tpu.dma_semaphore, #tpu.memory_space<semaphore_mem>> -> memref<!tpu.dma_semaphore, #tpu.memory_space<semaphore_mem>>
    tpu.wait_indirect_dma semaphore(%dma_wait3A_953 : memref<!tpu.dma_semaphore, #tpu.memory_space<semaphore_mem>>) src(%dma_wait3A_951 : memref<32000x2048xf32, #tpu.memory_space<hbm>>) dst(%dma_wait3A_946 : memref<8x2048xf32, #tpu.memory_space<vmem>>)
    %add3A_954 = arith.constant 104 : i32
    %add3A_955 = arith.addi %mul3A_32, %add3A_954 : i32
    %dma_start3A_956 = arith.constant 1 : i32
    %dma_start3A_957 = arith.constant 1 : i32
    %dma_start3A_958 = arith.constant 0 : i32
    %dma_start3A_959 = arith.constant 0 : i32
    %dma_start3A_960 = tpu.memref_slice %arg6[%dma_start3A_956, %dma_start3A_958, %dma_start3A_959] : memref<6x8x2048xf32, #tpu.memory_space<vmem>> -> memref<1x8x2048xf32, #tpu.memory_space<vmem>>
    %dma_start3A_961 = tpu.memref_squeeze %dma_start3A_960 : memref<1x8x2048xf32, #tpu.memory_space<vmem>> -> memref<8x2048xf32, #tpu.memory_space<vmem>>
    %dma_start3A_962 = arith.constant 0 : i32
    %dma_start3A_963 = tpu.memref_slice %arg4[%select_n3A, %add3A_955, %dma_start3A_962] : memref<2x4096x2048xf32, #tpu.memory_space<hbm>> -> memref<1x8x2048xf32, #tpu.memory_space<hbm>>
    %dma_start3A_964 = tpu.memref_squeeze %dma_start3A_963 : memref<1x8x2048xf32, #tpu.memory_space<hbm>> -> memref<8x2048xf32, #tpu.memory_space<hbm>>
    %dma_start3A_965 = tpu.memref_slice %arg8[%dma_start3A_957] : memref<6x!tpu.dma_semaphore, #tpu.memory_space<semaphore_mem>> -> memref<1x!tpu.dma_semaphore, #tpu.memory_space<semaphore_mem>>
    %dma_start3A_966 = tpu.memref_squeeze %dma_start3A_965 : memref<1x!tpu.dma_semaphore, #tpu.memory_space<semaphore_mem>> -> memref<!tpu.dma_semaphore, #tpu.memory_space<semaphore_mem>>
    %dma_start3A_967 = arith.constant 0 : i32
    %dma_start3A_968 = tpu.memref_slice %arg4[%select_n3A, %add3A_955, %dma_start3A_967] : memref<2x4096x2048xf32, #tpu.memory_space<hbm>> -> memref<1x8x2048xf32, #tpu.memory_space<hbm>>
    %dma_start3A_969 = tpu.memref_squeeze %dma_start3A_968 : memref<1x8x2048xf32, #tpu.memory_space<hbm>> -> memref<8x2048xf32, #tpu.memory_space<hbm>>
    %dma_start3A_970 = arith.constant 0 : i32
    %dma_start3A_971 = arith.constant 0 : i32
    %dma_start3A_972 = tpu.memref_slice %arg6[%dma_start3A_956, %dma_start3A_970, %dma_start3A_971] : memref<6x8x2048xf32, #tpu.memory_space<vmem>> -> memref<1x8x2048xf32, #tpu.memory_space<vmem>>
    %dma_start3A_973 = tpu.memref_squeeze %dma_start3A_972 : memref<1x8x2048xf32, #tpu.memory_space<vmem>> -> memref<8x2048xf32, #tpu.memory_space<vmem>>
    tpu.enqueue_dma source(%dma_start3A_973 : memref<8x2048xf32, #tpu.memory_space<vmem>>) target(%dma_start3A_969 : memref<8x2048xf32, #tpu.memory_space<hbm>>) target_semaphore(%dma_start3A_966 : memref<!tpu.dma_semaphore, #tpu.memory_space<semaphore_mem>>)
    %dma_wait3A_974 = arith.constant 1 : i32
    %dma_wait3A_975 = arith.constant 1 : i32
    %dma_wait3A_976 = arith.constant 0 : i32
    %dma_wait3A_977 = arith.constant 0 : i32
    %dma_wait3A_978 = tpu.memref_slice %arg6[%dma_wait3A_974, %dma_wait3A_976, %dma_wait3A_977] : memref<6x8x2048xf32, #tpu.memory_space<vmem>> -> memref<1x8x2048xf32, #tpu.memory_space<vmem>>
    %dma_wait3A_979 = tpu.memref_squeeze %dma_wait3A_978 : memref<1x8x2048xf32, #tpu.memory_space<vmem>> -> memref<8x2048xf32, #tpu.memory_space<vmem>>
    %dma_wait3A_980 = arith.constant 0 : i32
    %dma_wait3A_981 = tpu.memref_slice %arg4[%select_n3A, %add3A_955, %dma_wait3A_980] : memref<2x4096x2048xf32, #tpu.memory_space<hbm>> -> memref<1x8x2048xf32, #tpu.memory_space<hbm>>
    %dma_wait3A_982 = tpu.memref_squeeze %dma_wait3A_981 : memref<1x8x2048xf32, #tpu.memory_space<hbm>> -> memref<8x2048xf32, #tpu.memory_space<hbm>>
    %dma_wait3A_983 = tpu.memref_slice %arg8[%dma_wait3A_975] : memref<6x!tpu.dma_semaphore, #tpu.memory_space<semaphore_mem>> -> memref<1x!tpu.dma_semaphore, #tpu.memory_space<semaphore_mem>>
    %dma_wait3A_984 = tpu.memref_squeeze %dma_wait3A_983 : memref<1x!tpu.dma_semaphore, #tpu.memory_space<semaphore_mem>> -> memref<!tpu.dma_semaphore, #tpu.memory_space<semaphore_mem>>
    %dma_wait3A_985 = arith.constant 0 : i32
    %dma_wait3A_986 = tpu.memref_slice %arg4[%select_n3A, %add3A_955, %dma_wait3A_985] : memref<2x4096x2048xf32, #tpu.memory_space<hbm>> -> memref<1x8x2048xf32, #tpu.memory_space<hbm>>
    %dma_wait3A_987 = tpu.memref_squeeze %dma_wait3A_986 : memref<1x8x2048xf32, #tpu.memory_space<hbm>> -> memref<8x2048xf32, #tpu.memory_space<hbm>>
    %dma_wait3A_988 = arith.constant 0 : i32
    %dma_wait3A_989 = arith.constant 0 : i32
    %dma_wait3A_990 = tpu.memref_slice %arg6[%dma_wait3A_974, %dma_wait3A_988, %dma_wait3A_989] : memref<6x8x2048xf32, #tpu.memory_space<vmem>> -> memref<1x8x2048xf32, #tpu.memory_space<vmem>>
    %dma_wait3A_991 = tpu.memref_squeeze %dma_wait3A_990 : memref<1x8x2048xf32, #tpu.memory_space<vmem>> -> memref<8x2048xf32, #tpu.memory_space<vmem>>
    tpu.wait_dma2 semaphore(%dma_wait3A_984 : memref<!tpu.dma_semaphore, #tpu.memory_space<semaphore_mem>>) src(%dma_wait3A_991 : memref<8x2048xf32, #tpu.memory_space<vmem>>) dst(%dma_wait3A_987 : memref<8x2048xf32, #tpu.memory_space<hbm>>)
    %dma_start3A_992 = arith.constant 1 : i32
    %dma_start3A_993 = arith.constant 1 : i32
    %dma_start3A_994 = arith.constant 0 : i32
    %dma_start3A_995 = arith.constant 0 : i32
    %dma_start3A_996 = tpu.memref_slice %arg6[%dma_start3A_992, %dma_start3A_994, %dma_start3A_995] : memref<6x8x2048xf32, #tpu.memory_space<vmem>> -> memref<1x8x2048xf32, #tpu.memory_space<vmem>>
    %dma_start3A_997 = tpu.memref_squeeze %dma_start3A_996 : memref<1x8x2048xf32, #tpu.memory_space<vmem>> -> memref<8x2048xf32, #tpu.memory_space<vmem>>
    %dma_start3A_998 = arith.constant 152 : i32
    %dma_start3A_999 = tpu.memref_slice %arg5[%dma_start3A_998] : memref<256xi32, #tpu.memory_space<vmem>> -> memref<8xi32, #tpu.memory_space<vmem>>
    %dma_start3A_1000 = arith.constant 0 : i32
    %dma_start3A_1001 = arith.constant 0 : i32
    %dma_start3A_1002 = tpu.memref_slice %arg3[%dma_start3A_1000, %dma_start3A_1001] : memref<32000x2048xf32, #tpu.memory_space<hbm>> -> memref<32000x2048xf32, #tpu.memory_space<hbm>>
    %dma_start3A_1003 = tpu.memref_slice %arg7[%dma_start3A_993] : memref<6x!tpu.dma_semaphore, #tpu.memory_space<semaphore_mem>> -> memref<1x!tpu.dma_semaphore, #tpu.memory_space<semaphore_mem>>
    %dma_start3A_1004 = tpu.memref_squeeze %dma_start3A_1003 : memref<1x!tpu.dma_semaphore, #tpu.memory_space<semaphore_mem>> -> memref<!tpu.dma_semaphore, #tpu.memory_space<semaphore_mem>>
    tpu.enqueue_indirect_dma source(%dma_start3A_1002 : memref<32000x2048xf32, #tpu.memory_space<hbm>>) target(%dma_start3A_997 : memref<8x2048xf32, #tpu.memory_space<vmem>>) offsets(%dma_start3A_999 : memref<8xi32, #tpu.memory_space<vmem>>) semaphore(%dma_start3A_1004 : memref<!tpu.dma_semaphore, #tpu.memory_space<semaphore_mem>>)
    %dma_wait3A_1005 = arith.constant 2 : i32
    %dma_wait3A_1006 = arith.constant 2 : i32
    %dma_wait3A_1007 = arith.constant 0 : i32
    %dma_wait3A_1008 = arith.constant 0 : i32
    %dma_wait3A_1009 = tpu.memref_slice %arg6[%dma_wait3A_1005, %dma_wait3A_1007, %dma_wait3A_1008] : memref<6x8x2048xf32, #tpu.memory_space<vmem>> -> memref<1x8x2048xf32, #tpu.memory_space<vmem>>
    %dma_wait3A_1010 = tpu.memref_squeeze %dma_wait3A_1009 : memref<1x8x2048xf32, #tpu.memory_space<vmem>> -> memref<8x2048xf32, #tpu.memory_space<vmem>>
    %dma_wait3A_1011 = arith.constant 112 : i32
    %dma_wait3A_1012 = tpu.memref_slice %arg5[%dma_wait3A_1011] : memref<256xi32, #tpu.memory_space<vmem>> -> memref<8xi32, #tpu.memory_space<vmem>>
    %dma_wait3A_1013 = arith.constant 0 : i32
    %dma_wait3A_1014 = arith.constant 0 : i32
    %dma_wait3A_1015 = tpu.memref_slice %arg3[%dma_wait3A_1013, %dma_wait3A_1014] : memref<32000x2048xf32, #tpu.memory_space<hbm>> -> memref<32000x2048xf32, #tpu.memory_space<hbm>>
    %dma_wait3A_1016 = tpu.memref_slice %arg7[%dma_wait3A_1006] : memref<6x!tpu.dma_semaphore, #tpu.memory_space<semaphore_mem>> -> memref<1x!tpu.dma_semaphore, #tpu.memory_space<semaphore_mem>>
    %dma_wait3A_1017 = tpu.memref_squeeze %dma_wait3A_1016 : memref<1x!tpu.dma_semaphore, #tpu.memory_space<semaphore_mem>> -> memref<!tpu.dma_semaphore, #tpu.memory_space<semaphore_mem>>
    tpu.wait_indirect_dma semaphore(%dma_wait3A_1017 : memref<!tpu.dma_semaphore, #tpu.memory_space<semaphore_mem>>) src(%dma_wait3A_1015 : memref<32000x2048xf32, #tpu.memory_space<hbm>>) dst(%dma_wait3A_1010 : memref<8x2048xf32, #tpu.memory_space<vmem>>)
    %add3A_1018 = arith.constant 112 : i32
    %add3A_1019 = arith.addi %mul3A_32, %add3A_1018 : i32
    %dma_start3A_1020 = arith.constant 2 : i32
    %dma_start3A_1021 = arith.constant 2 : i32
    %dma_start3A_1022 = arith.constant 0 : i32
    %dma_start3A_1023 = arith.constant 0 : i32
    %dma_start3A_1024 = tpu.memref_slice %arg6[%dma_start3A_1020, %dma_start3A_1022, %dma_start3A_1023] : memref<6x8x2048xf32, #tpu.memory_space<vmem>> -> memref<1x8x2048xf32, #tpu.memory_space<vmem>>
    %dma_start3A_1025 = tpu.memref_squeeze %dma_start3A_1024 : memref<1x8x2048xf32, #tpu.memory_space<vmem>> -> memref<8x2048xf32, #tpu.memory_space<vmem>>
    %dma_start3A_1026 = arith.constant 0 : i32
    %dma_start3A_1027 = tpu.memref_slice %arg4[%select_n3A, %add3A_1019, %dma_start3A_1026] : memref<2x4096x2048xf32, #tpu.memory_space<hbm>> -> memref<1x8x2048xf32, #tpu.memory_space<hbm>>
    %dma_start3A_1028 = tpu.memref_squeeze %dma_start3A_1027 : memref<1x8x2048xf32, #tpu.memory_space<hbm>> -> memref<8x2048xf32, #tpu.memory_space<hbm>>
    %dma_start3A_1029 = tpu.memref_slice %arg8[%dma_start3A_1021] : memref<6x!tpu.dma_semaphore, #tpu.memory_space<semaphore_mem>> -> memref<1x!tpu.dma_semaphore, #tpu.memory_space<semaphore_mem>>
    %dma_start3A_1030 = tpu.memref_squeeze %dma_start3A_1029 : memref<1x!tpu.dma_semaphore, #tpu.memory_space<semaphore_mem>> -> memref<!tpu.dma_semaphore, #tpu.memory_space<semaphore_mem>>
    %dma_start3A_1031 = arith.constant 0 : i32
    %dma_start3A_1032 = tpu.memref_slice %arg4[%select_n3A, %add3A_1019, %dma_start3A_1031] : memref<2x4096x2048xf32, #tpu.memory_space<hbm>> -> memref<1x8x2048xf32, #tpu.memory_space<hbm>>
    %dma_start3A_1033 = tpu.memref_squeeze %dma_start3A_1032 : memref<1x8x2048xf32, #tpu.memory_space<hbm>> -> memref<8x2048xf32, #tpu.memory_space<hbm>>
    %dma_start3A_1034 = arith.constant 0 : i32
    %dma_start3A_1035 = arith.constant 0 : i32
    %dma_start3A_1036 = tpu.memref_slice %arg6[%dma_start3A_1020, %dma_start3A_1034, %dma_start3A_1035] : memref<6x8x2048xf32, #tpu.memory_space<vmem>> -> memref<1x8x2048xf32, #tpu.memory_space<vmem>>
    %dma_start3A_1037 = tpu.memref_squeeze %dma_start3A_1036 : memref<1x8x2048xf32, #tpu.memory_space<vmem>> -> memref<8x2048xf32, #tpu.memory_space<vmem>>
    tpu.enqueue_dma source(%dma_start3A_1037 : memref<8x2048xf32, #tpu.memory_space<vmem>>) target(%dma_start3A_1033 : memref<8x2048xf32, #tpu.memory_space<hbm>>) target_semaphore(%dma_start3A_1030 : memref<!tpu.dma_semaphore, #tpu.memory_space<semaphore_mem>>)
    %dma_wait3A_1038 = arith.constant 2 : i32
    %dma_wait3A_1039 = arith.constant 2 : i32
    %dma_wait3A_1040 = arith.constant 0 : i32
    %dma_wait3A_1041 = arith.constant 0 : i32
    %dma_wait3A_1042 = tpu.memref_slice %arg6[%dma_wait3A_1038, %dma_wait3A_1040, %dma_wait3A_1041] : memref<6x8x2048xf32, #tpu.memory_space<vmem>> -> memref<1x8x2048xf32, #tpu.memory_space<vmem>>
    %dma_wait3A_1043 = tpu.memref_squeeze %dma_wait3A_1042 : memref<1x8x2048xf32, #tpu.memory_space<vmem>> -> memref<8x2048xf32, #tpu.memory_space<vmem>>
    %dma_wait3A_1044 = arith.constant 0 : i32
    %dma_wait3A_1045 = tpu.memref_slice %arg4[%select_n3A, %add3A_1019, %dma_wait3A_1044] : memref<2x4096x2048xf32, #tpu.memory_space<hbm>> -> memref<1x8x2048xf32, #tpu.memory_space<hbm>>
    %dma_wait3A_1046 = tpu.memref_squeeze %dma_wait3A_1045 : memref<1x8x2048xf32, #tpu.memory_space<hbm>> -> memref<8x2048xf32, #tpu.memory_space<hbm>>
    %dma_wait3A_1047 = tpu.memref_slice %arg8[%dma_wait3A_1039] : memref<6x!tpu.dma_semaphore, #tpu.memory_space<semaphore_mem>> -> memref<1x!tpu.dma_semaphore, #tpu.memory_space<semaphore_mem>>
    %dma_wait3A_1048 = tpu.memref_squeeze %dma_wait3A_1047 : memref<1x!tpu.dma_semaphore, #tpu.memory_space<semaphore_mem>> -> memref<!tpu.dma_semaphore, #tpu.memory_space<semaphore_mem>>
    %dma_wait3A_1049 = arith.constant 0 : i32
    %dma_wait3A_1050 = tpu.memref_slice %arg4[%select_n3A, %add3A_1019, %dma_wait3A_1049] : memref<2x4096x2048xf32, #tpu.memory_space<hbm>> -> memref<1x8x2048xf32, #tpu.memory_space<hbm>>
    %dma_wait3A_1051 = tpu.memref_squeeze %dma_wait3A_1050 : memref<1x8x2048xf32, #tpu.memory_space<hbm>> -> memref<8x2048xf32, #tpu.memory_space<hbm>>
    %dma_wait3A_1052 = arith.constant 0 : i32
    %dma_wait3A_1053 = arith.constant 0 : i32
    %dma_wait3A_1054 = tpu.memref_slice %arg6[%dma_wait3A_1038, %dma_wait3A_1052, %dma_wait3A_1053] : memref<6x8x2048xf32, #tpu.memory_space<vmem>> -> memref<1x8x2048xf32, #tpu.memory_space<vmem>>
    %dma_wait3A_1055 = tpu.memref_squeeze %dma_wait3A_1054 : memref<1x8x2048xf32, #tpu.memory_space<vmem>> -> memref<8x2048xf32, #tpu.memory_space<vmem>>
    tpu.wait_dma2 semaphore(%dma_wait3A_1048 : memref<!tpu.dma_semaphore, #tpu.memory_space<semaphore_mem>>) src(%dma_wait3A_1055 : memref<8x2048xf32, #tpu.memory_space<vmem>>) dst(%dma_wait3A_1051 : memref<8x2048xf32, #tpu.memory_space<hbm>>)
    %dma_start3A_1056 = arith.constant 2 : i32
    %dma_start3A_1057 = arith.constant 2 : i32
    %dma_start3A_1058 = arith.constant 0 : i32
    %dma_start3A_1059 = arith.constant 0 : i32
    %dma_start3A_1060 = tpu.memref_slice %arg6[%dma_start3A_1056, %dma_start3A_1058, %dma_start3A_1059] : memref<6x8x2048xf32, #tpu.memory_space<vmem>> -> memref<1x8x2048xf32, #tpu.memory_space<vmem>>
    %dma_start3A_1061 = tpu.memref_squeeze %dma_start3A_1060 : memref<1x8x2048xf32, #tpu.memory_space<vmem>> -> memref<8x2048xf32, #tpu.memory_space<vmem>>
    %dma_start3A_1062 = arith.constant 160 : i32
    %dma_start3A_1063 = tpu.memref_slice %arg5[%dma_start3A_1062] : memref<256xi32, #tpu.memory_space<vmem>> -> memref<8xi32, #tpu.memory_space<vmem>>
    %dma_start3A_1064 = arith.constant 0 : i32
    %dma_start3A_1065 = arith.constant 0 : i32
    %dma_start3A_1066 = tpu.memref_slice %arg3[%dma_start3A_1064, %dma_start3A_1065] : memref<32000x2048xf32, #tpu.memory_space<hbm>> -> memref<32000x2048xf32, #tpu.memory_space<hbm>>
    %dma_start3A_1067 = tpu.memref_slice %arg7[%dma_start3A_1057] : memref<6x!tpu.dma_semaphore, #tpu.memory_space<semaphore_mem>> -> memref<1x!tpu.dma_semaphore, #tpu.memory_space<semaphore_mem>>
    %dma_start3A_1068 = tpu.memref_squeeze %dma_start3A_1067 : memref<1x!tpu.dma_semaphore, #tpu.memory_space<semaphore_mem>> -> memref<!tpu.dma_semaphore, #tpu.memory_space<semaphore_mem>>
    tpu.enqueue_indirect_dma source(%dma_start3A_1066 : memref<32000x2048xf32, #tpu.memory_space<hbm>>) target(%dma_start3A_1061 : memref<8x2048xf32, #tpu.memory_space<vmem>>) offsets(%dma_start3A_1063 : memref<8xi32, #tpu.memory_space<vmem>>) semaphore(%dma_start3A_1068 : memref<!tpu.dma_semaphore, #tpu.memory_space<semaphore_mem>>)
    %dma_wait3A_1069 = arith.constant 3 : i32
    %dma_wait3A_1070 = arith.constant 3 : i32
    %dma_wait3A_1071 = arith.constant 0 : i32
    %dma_wait3A_1072 = arith.constant 0 : i32
    %dma_wait3A_1073 = tpu.memref_slice %arg6[%dma_wait3A_1069, %dma_wait3A_1071, %dma_wait3A_1072] : memref<6x8x2048xf32, #tpu.memory_space<vmem>> -> memref<1x8x2048xf32, #tpu.memory_space<vmem>>
    %dma_wait3A_1074 = tpu.memref_squeeze %dma_wait3A_1073 : memref<1x8x2048xf32, #tpu.memory_space<vmem>> -> memref<8x2048xf32, #tpu.memory_space<vmem>>
    %dma_wait3A_1075 = arith.constant 120 : i32
    %dma_wait3A_1076 = tpu.memref_slice %arg5[%dma_wait3A_1075] : memref<256xi32, #tpu.memory_space<vmem>> -> memref<8xi32, #tpu.memory_space<vmem>>
    %dma_wait3A_1077 = arith.constant 0 : i32
    %dma_wait3A_1078 = arith.constant 0 : i32
    %dma_wait3A_1079 = tpu.memref_slice %arg3[%dma_wait3A_1077, %dma_wait3A_1078] : memref<32000x2048xf32, #tpu.memory_space<hbm>> -> memref<32000x2048xf32, #tpu.memory_space<hbm>>
    %dma_wait3A_1080 = tpu.memref_slice %arg7[%dma_wait3A_1070] : memref<6x!tpu.dma_semaphore, #tpu.memory_space<semaphore_mem>> -> memref<1x!tpu.dma_semaphore, #tpu.memory_space<semaphore_mem>>
    %dma_wait3A_1081 = tpu.memref_squeeze %dma_wait3A_1080 : memref<1x!tpu.dma_semaphore, #tpu.memory_space<semaphore_mem>> -> memref<!tpu.dma_semaphore, #tpu.memory_space<semaphore_mem>>
    tpu.wait_indirect_dma semaphore(%dma_wait3A_1081 : memref<!tpu.dma_semaphore, #tpu.memory_space<semaphore_mem>>) src(%dma_wait3A_1079 : memref<32000x2048xf32, #tpu.memory_space<hbm>>) dst(%dma_wait3A_1074 : memref<8x2048xf32, #tpu.memory_space<vmem>>)
    %add3A_1082 = arith.constant 120 : i32
    %add3A_1083 = arith.addi %mul3A_32, %add3A_1082 : i32
    %dma_start3A_1084 = arith.constant 3 : i32
    %dma_start3A_1085 = arith.constant 3 : i32
    %dma_start3A_1086 = arith.constant 0 : i32
    %dma_start3A_1087 = arith.constant 0 : i32
    %dma_start3A_1088 = tpu.memref_slice %arg6[%dma_start3A_1084, %dma_start3A_1086, %dma_start3A_1087] : memref<6x8x2048xf32, #tpu.memory_space<vmem>> -> memref<1x8x2048xf32, #tpu.memory_space<vmem>>
    %dma_start3A_1089 = tpu.memref_squeeze %dma_start3A_1088 : memref<1x8x2048xf32, #tpu.memory_space<vmem>> -> memref<8x2048xf32, #tpu.memory_space<vmem>>
    %dma_start3A_1090 = arith.constant 0 : i32
    %dma_start3A_1091 = tpu.memref_slice %arg4[%select_n3A, %add3A_1083, %dma_start3A_1090] : memref<2x4096x2048xf32, #tpu.memory_space<hbm>> -> memref<1x8x2048xf32, #tpu.memory_space<hbm>>
    %dma_start3A_1092 = tpu.memref_squeeze %dma_start3A_1091 : memref<1x8x2048xf32, #tpu.memory_space<hbm>> -> memref<8x2048xf32, #tpu.memory_space<hbm>>
    %dma_start3A_1093 = tpu.memref_slice %arg8[%dma_start3A_1085] : memref<6x!tpu.dma_semaphore, #tpu.memory_space<semaphore_mem>> -> memref<1x!tpu.dma_semaphore, #tpu.memory_space<semaphore_mem>>
    %dma_start3A_1094 = tpu.memref_squeeze %dma_start3A_1093 : memref<1x!tpu.dma_semaphore, #tpu.memory_space<semaphore_mem>> -> memref<!tpu.dma_semaphore, #tpu.memory_space<semaphore_mem>>
    %dma_start3A_1095 = arith.constant 0 : i32
    %dma_start3A_1096 = tpu.memref_slice %arg4[%select_n3A, %add3A_1083, %dma_start3A_1095] : memref<2x4096x2048xf32, #tpu.memory_space<hbm>> -> memref<1x8x2048xf32, #tpu.memory_space<hbm>>
    %dma_start3A_1097 = tpu.memref_squeeze %dma_start3A_1096 : memref<1x8x2048xf32, #tpu.memory_space<hbm>> -> memref<8x2048xf32, #tpu.memory_space<hbm>>
    %dma_start3A_1098 = arith.constant 0 : i32
    %dma_start3A_1099 = arith.constant 0 : i32
    %dma_start3A_1100 = tpu.memref_slice %arg6[%dma_start3A_1084, %dma_start3A_1098, %dma_start3A_1099] : memref<6x8x2048xf32, #tpu.memory_space<vmem>> -> memref<1x8x2048xf32, #tpu.memory_space<vmem>>
    %dma_start3A_1101 = tpu.memref_squeeze %dma_start3A_1100 : memref<1x8x2048xf32, #tpu.memory_space<vmem>> -> memref<8x2048xf32, #tpu.memory_space<vmem>>
    tpu.enqueue_dma source(%dma_start3A_1101 : memref<8x2048xf32, #tpu.memory_space<vmem>>) target(%dma_start3A_1097 : memref<8x2048xf32, #tpu.memory_space<hbm>>) target_semaphore(%dma_start3A_1094 : memref<!tpu.dma_semaphore, #tpu.memory_space<semaphore_mem>>)
    %dma_wait3A_1102 = arith.constant 3 : i32
    %dma_wait3A_1103 = arith.constant 3 : i32
    %dma_wait3A_1104 = arith.constant 0 : i32
    %dma_wait3A_1105 = arith.constant 0 : i32
    %dma_wait3A_1106 = tpu.memref_slice %arg6[%dma_wait3A_1102, %dma_wait3A_1104, %dma_wait3A_1105] : memref<6x8x2048xf32, #tpu.memory_space<vmem>> -> memref<1x8x2048xf32, #tpu.memory_space<vmem>>
    %dma_wait3A_1107 = tpu.memref_squeeze %dma_wait3A_1106 : memref<1x8x2048xf32, #tpu.memory_space<vmem>> -> memref<8x2048xf32, #tpu.memory_space<vmem>>
    %dma_wait3A_1108 = arith.constant 0 : i32
    %dma_wait3A_1109 = tpu.memref_slice %arg4[%select_n3A, %add3A_1083, %dma_wait3A_1108] : memref<2x4096x2048xf32, #tpu.memory_space<hbm>> -> memref<1x8x2048xf32, #tpu.memory_space<hbm>>
    %dma_wait3A_1110 = tpu.memref_squeeze %dma_wait3A_1109 : memref<1x8x2048xf32, #tpu.memory_space<hbm>> -> memref<8x2048xf32, #tpu.memory_space<hbm>>
    %dma_wait3A_1111 = tpu.memref_slice %arg8[%dma_wait3A_1103] : memref<6x!tpu.dma_semaphore, #tpu.memory_space<semaphore_mem>> -> memref<1x!tpu.dma_semaphore, #tpu.memory_space<semaphore_mem>>
    %dma_wait3A_1112 = tpu.memref_squeeze %dma_wait3A_1111 : memref<1x!tpu.dma_semaphore, #tpu.memory_space<semaphore_mem>> -> memref<!tpu.dma_semaphore, #tpu.memory_space<semaphore_mem>>
    %dma_wait3A_1113 = arith.constant 0 : i32
    %dma_wait3A_1114 = tpu.memref_slice %arg4[%select_n3A, %add3A_1083, %dma_wait3A_1113] : memref<2x4096x2048xf32, #tpu.memory_space<hbm>> -> memref<1x8x2048xf32, #tpu.memory_space<hbm>>
    %dma_wait3A_1115 = tpu.memref_squeeze %dma_wait3A_1114 : memref<1x8x2048xf32, #tpu.memory_space<hbm>> -> memref<8x2048xf32, #tpu.memory_space<hbm>>
    %dma_wait3A_1116 = arith.constant 0 : i32
    %dma_wait3A_1117 = arith.constant 0 : i32
    %dma_wait3A_1118 = tpu.memref_slice %arg6[%dma_wait3A_1102, %dma_wait3A_1116, %dma_wait3A_1117] : memref<6x8x2048xf32, #tpu.memory_space<vmem>> -> memref<1x8x2048xf32, #tpu.memory_space<vmem>>
    %dma_wait3A_1119 = tpu.memref_squeeze %dma_wait3A_1118 : memref<1x8x2048xf32, #tpu.memory_space<vmem>> -> memref<8x2048xf32, #tpu.memory_space<vmem>>
    tpu.wait_dma2 semaphore(%dma_wait3A_1112 : memref<!tpu.dma_semaphore, #tpu.memory_space<semaphore_mem>>) src(%dma_wait3A_1119 : memref<8x2048xf32, #tpu.memory_space<vmem>>) dst(%dma_wait3A_1115 : memref<8x2048xf32, #tpu.memory_space<hbm>>)
    %dma_start3A_1120 = arith.constant 3 : i32
    %dma_start3A_1121 = arith.constant 3 : i32
    %dma_start3A_1122 = arith.constant 0 : i32
    %dma_start3A_1123 = arith.constant 0 : i32
    %dma_start3A_1124 = tpu.memref_slice %arg6[%dma_start3A_1120, %dma_start3A_1122, %dma_start3A_1123] : memref<6x8x2048xf32, #tpu.memory_space<vmem>> -> memref<1x8x2048xf32, #tpu.memory_space<vmem>>
    %dma_start3A_1125 = tpu.memref_squeeze %dma_start3A_1124 : memref<1x8x2048xf32, #tpu.memory_space<vmem>> -> memref<8x2048xf32, #tpu.memory_space<vmem>>
    %dma_start3A_1126 = arith.constant 168 : i32
    %dma_start3A_1127 = tpu.memref_slice %arg5[%dma_start3A_1126] : memref<256xi32, #tpu.memory_space<vmem>> -> memref<8xi32, #tpu.memory_space<vmem>>
    %dma_start3A_1128 = arith.constant 0 : i32
    %dma_start3A_1129 = arith.constant 0 : i32
    %dma_start3A_1130 = tpu.memref_slice %arg3[%dma_start3A_1128, %dma_start3A_1129] : memref<32000x2048xf32, #tpu.memory_space<hbm>> -> memref<32000x2048xf32, #tpu.memory_space<hbm>>
    %dma_start3A_1131 = tpu.memref_slice %arg7[%dma_start3A_1121] : memref<6x!tpu.dma_semaphore, #tpu.memory_space<semaphore_mem>> -> memref<1x!tpu.dma_semaphore, #tpu.memory_space<semaphore_mem>>
    %dma_start3A_1132 = tpu.memref_squeeze %dma_start3A_1131 : memref<1x!tpu.dma_semaphore, #tpu.memory_space<semaphore_mem>> -> memref<!tpu.dma_semaphore, #tpu.memory_space<semaphore_mem>>
    tpu.enqueue_indirect_dma source(%dma_start3A_1130 : memref<32000x2048xf32, #tpu.memory_space<hbm>>) target(%dma_start3A_1125 : memref<8x2048xf32, #tpu.memory_space<vmem>>) offsets(%dma_start3A_1127 : memref<8xi32, #tpu.memory_space<vmem>>) semaphore(%dma_start3A_1132 : memref<!tpu.dma_semaphore, #tpu.memory_space<semaphore_mem>>)
    %dma_wait3A_1133 = arith.constant 4 : i32
    %dma_wait3A_1134 = arith.constant 4 : i32
    %dma_wait3A_1135 = arith.constant 0 : i32
    %dma_wait3A_1136 = arith.constant 0 : i32
    %dma_wait3A_1137 = tpu.memref_slice %arg6[%dma_wait3A_1133, %dma_wait3A_1135, %dma_wait3A_1136] : memref<6x8x2048xf32, #tpu.memory_space<vmem>> -> memref<1x8x2048xf32, #tpu.memory_space<vmem>>
    %dma_wait3A_1138 = tpu.memref_squeeze %dma_wait3A_1137 : memref<1x8x2048xf32, #tpu.memory_space<vmem>> -> memref<8x2048xf32, #tpu.memory_space<vmem>>
    %dma_wait3A_1139 = arith.constant 128 : i32
    %dma_wait3A_1140 = tpu.memref_slice %arg5[%dma_wait3A_1139] : memref<256xi32, #tpu.memory_space<vmem>> -> memref<8xi32, #tpu.memory_space<vmem>>
    %dma_wait3A_1141 = arith.constant 0 : i32
    %dma_wait3A_1142 = arith.constant 0 : i32
    %dma_wait3A_1143 = tpu.memref_slice %arg3[%dma_wait3A_1141, %dma_wait3A_1142] : memref<32000x2048xf32, #tpu.memory_space<hbm>> -> memref<32000x2048xf32, #tpu.memory_space<hbm>>
    %dma_wait3A_1144 = tpu.memref_slice %arg7[%dma_wait3A_1134] : memref<6x!tpu.dma_semaphore, #tpu.memory_space<semaphore_mem>> -> memref<1x!tpu.dma_semaphore, #tpu.memory_space<semaphore_mem>>
    %dma_wait3A_1145 = tpu.memref_squeeze %dma_wait3A_1144 : memref<1x!tpu.dma_semaphore, #tpu.memory_space<semaphore_mem>> -> memref<!tpu.dma_semaphore, #tpu.memory_space<semaphore_mem>>
    tpu.wait_indirect_dma semaphore(%dma_wait3A_1145 : memref<!tpu.dma_semaphore, #tpu.memory_space<semaphore_mem>>) src(%dma_wait3A_1143 : memref<32000x2048xf32, #tpu.memory_space<hbm>>) dst(%dma_wait3A_1138 : memref<8x2048xf32, #tpu.memory_space<vmem>>)
    %add3A_1146 = arith.constant 128 : i32
    %add3A_1147 = arith.addi %mul3A_32, %add3A_1146 : i32
    %dma_start3A_1148 = arith.constant 4 : i32
    %dma_start3A_1149 = arith.constant 4 : i32
    %dma_start3A_1150 = arith.constant 0 : i32
    %dma_start3A_1151 = arith.constant 0 : i32
    %dma_start3A_1152 = tpu.memref_slice %arg6[%dma_start3A_1148, %dma_start3A_1150, %dma_start3A_1151] : memref<6x8x2048xf32, #tpu.memory_space<vmem>> -> memref<1x8x2048xf32, #tpu.memory_space<vmem>>
    %dma_start3A_1153 = tpu.memref_squeeze %dma_start3A_1152 : memref<1x8x2048xf32, #tpu.memory_space<vmem>> -> memref<8x2048xf32, #tpu.memory_space<vmem>>
    %dma_start3A_1154 = arith.constant 0 : i32
    %dma_start3A_1155 = tpu.memref_slice %arg4[%select_n3A, %add3A_1147, %dma_start3A_1154] : memref<2x4096x2048xf32, #tpu.memory_space<hbm>> -> memref<1x8x2048xf32, #tpu.memory_space<hbm>>
    %dma_start3A_1156 = tpu.memref_squeeze %dma_start3A_1155 : memref<1x8x2048xf32, #tpu.memory_space<hbm>> -> memref<8x2048xf32, #tpu.memory_space<hbm>>
    %dma_start3A_1157 = tpu.memref_slice %arg8[%dma_start3A_1149] : memref<6x!tpu.dma_semaphore, #tpu.memory_space<semaphore_mem>> -> memref<1x!tpu.dma_semaphore, #tpu.memory_space<semaphore_mem>>
    %dma_start3A_1158 = tpu.memref_squeeze %dma_start3A_1157 : memref<1x!tpu.dma_semaphore, #tpu.memory_space<semaphore_mem>> -> memref<!tpu.dma_semaphore, #tpu.memory_space<semaphore_mem>>
    %dma_start3A_1159 = arith.constant 0 : i32
    %dma_start3A_1160 = tpu.memref_slice %arg4[%select_n3A, %add3A_1147, %dma_start3A_1159] : memref<2x4096x2048xf32, #tpu.memory_space<hbm>> -> memref<1x8x2048xf32, #tpu.memory_space<hbm>>
    %dma_start3A_1161 = tpu.memref_squeeze %dma_start3A_1160 : memref<1x8x2048xf32, #tpu.memory_space<hbm>> -> memref<8x2048xf32, #tpu.memory_space<hbm>>
    %dma_start3A_1162 = arith.constant 0 : i32
    %dma_start3A_1163 = arith.constant 0 : i32
    %dma_start3A_1164 = tpu.memref_slice %arg6[%dma_start3A_1148, %dma_start3A_1162, %dma_start3A_1163] : memref<6x8x2048xf32, #tpu.memory_space<vmem>> -> memref<1x8x2048xf32, #tpu.memory_space<vmem>>
    %dma_start3A_1165 = tpu.memref_squeeze %dma_start3A_1164 : memref<1x8x2048xf32, #tpu.memory_space<vmem>> -> memref<8x2048xf32, #tpu.memory_space<vmem>>
    tpu.enqueue_dma source(%dma_start3A_1165 : memref<8x2048xf32, #tpu.memory_space<vmem>>) target(%dma_start3A_1161 : memref<8x2048xf32, #tpu.memory_space<hbm>>) target_semaphore(%dma_start3A_1158 : memref<!tpu.dma_semaphore, #tpu.memory_space<semaphore_mem>>)
    %dma_wait3A_1166 = arith.constant 4 : i32
    %dma_wait3A_1167 = arith.constant 4 : i32
    %dma_wait3A_1168 = arith.constant 0 : i32
    %dma_wait3A_1169 = arith.constant 0 : i32
    %dma_wait3A_1170 = tpu.memref_slice %arg6[%dma_wait3A_1166, %dma_wait3A_1168, %dma_wait3A_1169] : memref<6x8x2048xf32, #tpu.memory_space<vmem>> -> memref<1x8x2048xf32, #tpu.memory_space<vmem>>
    %dma_wait3A_1171 = tpu.memref_squeeze %dma_wait3A_1170 : memref<1x8x2048xf32, #tpu.memory_space<vmem>> -> memref<8x2048xf32, #tpu.memory_space<vmem>>
    %dma_wait3A_1172 = arith.constant 0 : i32
    %dma_wait3A_1173 = tpu.memref_slice %arg4[%select_n3A, %add3A_1147, %dma_wait3A_1172] : memref<2x4096x2048xf32, #tpu.memory_space<hbm>> -> memref<1x8x2048xf32, #tpu.memory_space<hbm>>
    %dma_wait3A_1174 = tpu.memref_squeeze %dma_wait3A_1173 : memref<1x8x2048xf32, #tpu.memory_space<hbm>> -> memref<8x2048xf32, #tpu.memory_space<hbm>>
    %dma_wait3A_1175 = tpu.memref_slice %arg8[%dma_wait3A_1167] : memref<6x!tpu.dma_semaphore, #tpu.memory_space<semaphore_mem>> -> memref<1x!tpu.dma_semaphore, #tpu.memory_space<semaphore_mem>>
    %dma_wait3A_1176 = tpu.memref_squeeze %dma_wait3A_1175 : memref<1x!tpu.dma_semaphore, #tpu.memory_space<semaphore_mem>> -> memref<!tpu.dma_semaphore, #tpu.memory_space<semaphore_mem>>
    %dma_wait3A_1177 = arith.constant 0 : i32
    %dma_wait3A_1178 = tpu.memref_slice %arg4[%select_n3A, %add3A_1147, %dma_wait3A_1177] : memref<2x4096x2048xf32, #tpu.memory_space<hbm>> -> memref<1x8x2048xf32, #tpu.memory_space<hbm>>
    %dma_wait3A_1179 = tpu.memref_squeeze %dma_wait3A_1178 : memref<1x8x2048xf32, #tpu.memory_space<hbm>> -> memref<8x2048xf32, #tpu.memory_space<hbm>>
    %dma_wait3A_1180 = arith.constant 0 : i32
    %dma_wait3A_1181 = arith.constant 0 : i32
    %dma_wait3A_1182 = tpu.memref_slice %arg6[%dma_wait3A_1166, %dma_wait3A_1180, %dma_wait3A_1181] : memref<6x8x2048xf32, #tpu.memory_space<vmem>> -> memref<1x8x2048xf32, #tpu.memory_space<vmem>>
    %dma_wait3A_1183 = tpu.memref_squeeze %dma_wait3A_1182 : memref<1x8x2048xf32, #tpu.memory_space<vmem>> -> memref<8x2048xf32, #tpu.memory_space<vmem>>
    tpu.wait_dma2 semaphore(%dma_wait3A_1176 : memref<!tpu.dma_semaphore, #tpu.memory_space<semaphore_mem>>) src(%dma_wait3A_1183 : memref<8x2048xf32, #tpu.memory_space<vmem>>) dst(%dma_wait3A_1179 : memref<8x2048xf32, #tpu.memory_space<hbm>>)
    %dma_start3A_1184 = arith.constant 4 : i32
    %dma_start3A_1185 = arith.constant 4 : i32
    %dma_start3A_1186 = arith.constant 0 : i32
    %dma_start3A_1187 = arith.constant 0 : i32
    %dma_start3A_1188 = tpu.memref_slice %arg6[%dma_start3A_1184, %dma_start3A_1186, %dma_start3A_1187] : memref<6x8x2048xf32, #tpu.memory_space<vmem>> -> memref<1x8x2048xf32, #tpu.memory_space<vmem>>
    %dma_start3A_1189 = tpu.memref_squeeze %dma_start3A_1188 : memref<1x8x2048xf32, #tpu.memory_space<vmem>> -> memref<8x2048xf32, #tpu.memory_space<vmem>>
    %dma_start3A_1190 = arith.constant 176 : i32
    %dma_start3A_1191 = tpu.memref_slice %arg5[%dma_start3A_1190] : memref<256xi32, #tpu.memory_space<vmem>> -> memref<8xi32, #tpu.memory_space<vmem>>
    %dma_start3A_1192 = arith.constant 0 : i32
    %dma_start3A_1193 = arith.constant 0 : i32
    %dma_start3A_1194 = tpu.memref_slice %arg3[%dma_start3A_1192, %dma_start3A_1193] : memref<32000x2048xf32, #tpu.memory_space<hbm>> -> memref<32000x2048xf32, #tpu.memory_space<hbm>>
    %dma_start3A_1195 = tpu.memref_slice %arg7[%dma_start3A_1185] : memref<6x!tpu.dma_semaphore, #tpu.memory_space<semaphore_mem>> -> memref<1x!tpu.dma_semaphore, #tpu.memory_space<semaphore_mem>>
    %dma_start3A_1196 = tpu.memref_squeeze %dma_start3A_1195 : memref<1x!tpu.dma_semaphore, #tpu.memory_space<semaphore_mem>> -> memref<!tpu.dma_semaphore, #tpu.memory_space<semaphore_mem>>
    tpu.enqueue_indirect_dma source(%dma_start3A_1194 : memref<32000x2048xf32, #tpu.memory_space<hbm>>) target(%dma_start3A_1189 : memref<8x2048xf32, #tpu.memory_space<vmem>>) offsets(%dma_start3A_1191 : memref<8xi32, #tpu.memory_space<vmem>>) semaphore(%dma_start3A_1196 : memref<!tpu.dma_semaphore, #tpu.memory_space<semaphore_mem>>)
    %dma_wait3A_1197 = arith.constant 5 : i32
    %dma_wait3A_1198 = arith.constant 5 : i32
    %dma_wait3A_1199 = arith.constant 0 : i32
    %dma_wait3A_1200 = arith.constant 0 : i32
    %dma_wait3A_1201 = tpu.memref_slice %arg6[%dma_wait3A_1197, %dma_wait3A_1199, %dma_wait3A_1200] : memref<6x8x2048xf32, #tpu.memory_space<vmem>> -> memref<1x8x2048xf32, #tpu.memory_space<vmem>>
    %dma_wait3A_1202 = tpu.memref_squeeze %dma_wait3A_1201 : memref<1x8x2048xf32, #tpu.memory_space<vmem>> -> memref<8x2048xf32, #tpu.memory_space<vmem>>
    %dma_wait3A_1203 = arith.constant 136 : i32
    %dma_wait3A_1204 = tpu.memref_slice %arg5[%dma_wait3A_1203] : memref<256xi32, #tpu.memory_space<vmem>> -> memref<8xi32, #tpu.memory_space<vmem>>
    %dma_wait3A_1205 = arith.constant 0 : i32
    %dma_wait3A_1206 = arith.constant 0 : i32
    %dma_wait3A_1207 = tpu.memref_slice %arg3[%dma_wait3A_1205, %dma_wait3A_1206] : memref<32000x2048xf32, #tpu.memory_space<hbm>> -> memref<32000x2048xf32, #tpu.memory_space<hbm>>
    %dma_wait3A_1208 = tpu.memref_slice %arg7[%dma_wait3A_1198] : memref<6x!tpu.dma_semaphore, #tpu.memory_space<semaphore_mem>> -> memref<1x!tpu.dma_semaphore, #tpu.memory_space<semaphore_mem>>
    %dma_wait3A_1209 = tpu.memref_squeeze %dma_wait3A_1208 : memref<1x!tpu.dma_semaphore, #tpu.memory_space<semaphore_mem>> -> memref<!tpu.dma_semaphore, #tpu.memory_space<semaphore_mem>>
    tpu.wait_indirect_dma semaphore(%dma_wait3A_1209 : memref<!tpu.dma_semaphore, #tpu.memory_space<semaphore_mem>>) src(%dma_wait3A_1207 : memref<32000x2048xf32, #tpu.memory_space<hbm>>) dst(%dma_wait3A_1202 : memref<8x2048xf32, #tpu.memory_space<vmem>>)
    %add3A_1210 = arith.constant 136 : i32
    %add3A_1211 = arith.addi %mul3A_32, %add3A_1210 : i32
    %dma_start3A_1212 = arith.constant 5 : i32
    %dma_start3A_1213 = arith.constant 5 : i32
    %dma_start3A_1214 = arith.constant 0 : i32
    %dma_start3A_1215 = arith.constant 0 : i32
    %dma_start3A_1216 = tpu.memref_slice %arg6[%dma_start3A_1212, %dma_start3A_1214, %dma_start3A_1215] : memref<6x8x2048xf32, #tpu.memory_space<vmem>> -> memref<1x8x2048xf32, #tpu.memory_space<vmem>>
    %dma_start3A_1217 = tpu.memref_squeeze %dma_start3A_1216 : memref<1x8x2048xf32, #tpu.memory_space<vmem>> -> memref<8x2048xf32, #tpu.memory_space<vmem>>
    %dma_start3A_1218 = arith.constant 0 : i32
    %dma_start3A_1219 = tpu.memref_slice %arg4[%select_n3A, %add3A_1211, %dma_start3A_1218] : memref<2x4096x2048xf32, #tpu.memory_space<hbm>> -> memref<1x8x2048xf32, #tpu.memory_space<hbm>>
    %dma_start3A_1220 = tpu.memref_squeeze %dma_start3A_1219 : memref<1x8x2048xf32, #tpu.memory_space<hbm>> -> memref<8x2048xf32, #tpu.memory_space<hbm>>
    %dma_start3A_1221 = tpu.memref_slice %arg8[%dma_start3A_1213] : memref<6x!tpu.dma_semaphore, #tpu.memory_space<semaphore_mem>> -> memref<1x!tpu.dma_semaphore, #tpu.memory_space<semaphore_mem>>
    %dma_start3A_1222 = tpu.memref_squeeze %dma_start3A_1221 : memref<1x!tpu.dma_semaphore, #tpu.memory_space<semaphore_mem>> -> memref<!tpu.dma_semaphore, #tpu.memory_space<semaphore_mem>>
    %dma_start3A_1223 = arith.constant 0 : i32
    %dma_start3A_1224 = tpu.memref_slice %arg4[%select_n3A, %add3A_1211, %dma_start3A_1223] : memref<2x4096x2048xf32, #tpu.memory_space<hbm>> -> memref<1x8x2048xf32, #tpu.memory_space<hbm>>
    %dma_start3A_1225 = tpu.memref_squeeze %dma_start3A_1224 : memref<1x8x2048xf32, #tpu.memory_space<hbm>> -> memref<8x2048xf32, #tpu.memory_space<hbm>>
    %dma_start3A_1226 = arith.constant 0 : i32
    %dma_start3A_1227 = arith.constant 0 : i32
    %dma_start3A_1228 = tpu.memref_slice %arg6[%dma_start3A_1212, %dma_start3A_1226, %dma_start3A_1227] : memref<6x8x2048xf32, #tpu.memory_space<vmem>> -> memref<1x8x2048xf32, #tpu.memory_space<vmem>>
    %dma_start3A_1229 = tpu.memref_squeeze %dma_start3A_1228 : memref<1x8x2048xf32, #tpu.memory_space<vmem>> -> memref<8x2048xf32, #tpu.memory_space<vmem>>
    tpu.enqueue_dma source(%dma_start3A_1229 : memref<8x2048xf32, #tpu.memory_space<vmem>>) target(%dma_start3A_1225 : memref<8x2048xf32, #tpu.memory_space<hbm>>) target_semaphore(%dma_start3A_1222 : memref<!tpu.dma_semaphore, #tpu.memory_space<semaphore_mem>>)
    %dma_wait3A_1230 = arith.constant 5 : i32
    %dma_wait3A_1231 = arith.constant 5 : i32
    %dma_wait3A_1232 = arith.constant 0 : i32
    %dma_wait3A_1233 = arith.constant 0 : i32
    %dma_wait3A_1234 = tpu.memref_slice %arg6[%dma_wait3A_1230, %dma_wait3A_1232, %dma_wait3A_1233] : memref<6x8x2048xf32, #tpu.memory_space<vmem>> -> memref<1x8x2048xf32, #tpu.memory_space<vmem>>
    %dma_wait3A_1235 = tpu.memref_squeeze %dma_wait3A_1234 : memref<1x8x2048xf32, #tpu.memory_space<vmem>> -> memref<8x2048xf32, #tpu.memory_space<vmem>>
    %dma_wait3A_1236 = arith.constant 0 : i32
    %dma_wait3A_1237 = tpu.memref_slice %arg4[%select_n3A, %add3A_1211, %dma_wait3A_1236] : memref<2x4096x2048xf32, #tpu.memory_space<hbm>> -> memref<1x8x2048xf32, #tpu.memory_space<hbm>>
    %dma_wait3A_1238 = tpu.memref_squeeze %dma_wait3A_1237 : memref<1x8x2048xf32, #tpu.memory_space<hbm>> -> memref<8x2048xf32, #tpu.memory_space<hbm>>
    %dma_wait3A_1239 = tpu.memref_slice %arg8[%dma_wait3A_1231] : memref<6x!tpu.dma_semaphore, #tpu.memory_space<semaphore_mem>> -> memref<1x!tpu.dma_semaphore, #tpu.memory_space<semaphore_mem>>
    %dma_wait3A_1240 = tpu.memref_squeeze %dma_wait3A_1239 : memref<1x!tpu.dma_semaphore, #tpu.memory_space<semaphore_mem>> -> memref<!tpu.dma_semaphore, #tpu.memory_space<semaphore_mem>>
    %dma_wait3A_1241 = arith.constant 0 : i32
    %dma_wait3A_1242 = tpu.memref_slice %arg4[%select_n3A, %add3A_1211, %dma_wait3A_1241] : memref<2x4096x2048xf32, #tpu.memory_space<hbm>> -> memref<1x8x2048xf32, #tpu.memory_space<hbm>>
    %dma_wait3A_1243 = tpu.memref_squeeze %dma_wait3A_1242 : memref<1x8x2048xf32, #tpu.memory_space<hbm>> -> memref<8x2048xf32, #tpu.memory_space<hbm>>
    %dma_wait3A_1244 = arith.constant 0 : i32
    %dma_wait3A_1245 = arith.constant 0 : i32
    %dma_wait3A_1246 = tpu.memref_slice %arg6[%dma_wait3A_1230, %dma_wait3A_1244, %dma_wait3A_1245] : memref<6x8x2048xf32, #tpu.memory_space<vmem>> -> memref<1x8x2048xf32, #tpu.memory_space<vmem>>
    %dma_wait3A_1247 = tpu.memref_squeeze %dma_wait3A_1246 : memref<1x8x2048xf32, #tpu.memory_space<vmem>> -> memref<8x2048xf32, #tpu.memory_space<vmem>>
    tpu.wait_dma2 semaphore(%dma_wait3A_1240 : memref<!tpu.dma_semaphore, #tpu.memory_space<semaphore_mem>>) src(%dma_wait3A_1247 : memref<8x2048xf32, #tpu.memory_space<vmem>>) dst(%dma_wait3A_1243 : memref<8x2048xf32, #tpu.memory_space<hbm>>)
    %dma_start3A_1248 = arith.constant 5 : i32
    %dma_start3A_1249 = arith.constant 5 : i32
    %dma_start3A_1250 = arith.constant 0 : i32
    %dma_start3A_1251 = arith.constant 0 : i32
    %dma_start3A_1252 = tpu.memref_slice %arg6[%dma_start3A_1248, %dma_start3A_1250, %dma_start3A_1251] : memref<6x8x2048xf32, #tpu.memory_space<vmem>> -> memref<1x8x2048xf32, #tpu.memory_space<vmem>>
    %dma_start3A_1253 = tpu.memref_squeeze %dma_start3A_1252 : memref<1x8x2048xf32, #tpu.memory_space<vmem>> -> memref<8x2048xf32, #tpu.memory_space<vmem>>
    %dma_start3A_1254 = arith.constant 184 : i32
    %dma_start3A_1255 = tpu.memref_slice %arg5[%dma_start3A_1254] : memref<256xi32, #tpu.memory_space<vmem>> -> memref<8xi32, #tpu.memory_space<vmem>>
    %dma_start3A_1256 = arith.constant 0 : i32
    %dma_start3A_1257 = arith.constant 0 : i32
    %dma_start3A_1258 = tpu.memref_slice %arg3[%dma_start3A_1256, %dma_start3A_1257] : memref<32000x2048xf32, #tpu.memory_space<hbm>> -> memref<32000x2048xf32, #tpu.memory_space<hbm>>
    %dma_start3A_1259 = tpu.memref_slice %arg7[%dma_start3A_1249] : memref<6x!tpu.dma_semaphore, #tpu.memory_space<semaphore_mem>> -> memref<1x!tpu.dma_semaphore, #tpu.memory_space<semaphore_mem>>
    %dma_start3A_1260 = tpu.memref_squeeze %dma_start3A_1259 : memref<1x!tpu.dma_semaphore, #tpu.memory_space<semaphore_mem>> -> memref<!tpu.dma_semaphore, #tpu.memory_space<semaphore_mem>>
    tpu.enqueue_indirect_dma source(%dma_start3A_1258 : memref<32000x2048xf32, #tpu.memory_space<hbm>>) target(%dma_start3A_1253 : memref<8x2048xf32, #tpu.memory_space<vmem>>) offsets(%dma_start3A_1255 : memref<8xi32, #tpu.memory_space<vmem>>) semaphore(%dma_start3A_1260 : memref<!tpu.dma_semaphore, #tpu.memory_space<semaphore_mem>>)
    %dma_wait3A_1261 = arith.constant 0 : i32
    %dma_wait3A_1262 = arith.constant 0 : i32
    %dma_wait3A_1263 = arith.constant 0 : i32
    %dma_wait3A_1264 = arith.constant 0 : i32
    %dma_wait3A_1265 = tpu.memref_slice %arg6[%dma_wait3A_1261, %dma_wait3A_1263, %dma_wait3A_1264] : memref<6x8x2048xf32, #tpu.memory_space<vmem>> -> memref<1x8x2048xf32, #tpu.memory_space<vmem>>
    %dma_wait3A_1266 = tpu.memref_squeeze %dma_wait3A_1265 : memref<1x8x2048xf32, #tpu.memory_space<vmem>> -> memref<8x2048xf32, #tpu.memory_space<vmem>>
    %dma_wait3A_1267 = arith.constant 144 : i32
    %dma_wait3A_1268 = tpu.memref_slice %arg5[%dma_wait3A_1267] : memref<256xi32, #tpu.memory_space<vmem>> -> memref<8xi32, #tpu.memory_space<vmem>>
    %dma_wait3A_1269 = arith.constant 0 : i32
    %dma_wait3A_1270 = arith.constant 0 : i32
    %dma_wait3A_1271 = tpu.memref_slice %arg3[%dma_wait3A_1269, %dma_wait3A_1270] : memref<32000x2048xf32, #tpu.memory_space<hbm>> -> memref<32000x2048xf32, #tpu.memory_space<hbm>>
    %dma_wait3A_1272 = tpu.memref_slice %arg7[%dma_wait3A_1262] : memref<6x!tpu.dma_semaphore, #tpu.memory_space<semaphore_mem>> -> memref<1x!tpu.dma_semaphore, #tpu.memory_space<semaphore_mem>>
    %dma_wait3A_1273 = tpu.memref_squeeze %dma_wait3A_1272 : memref<1x!tpu.dma_semaphore, #tpu.memory_space<semaphore_mem>> -> memref<!tpu.dma_semaphore, #tpu.memory_space<semaphore_mem>>
    tpu.wait_indirect_dma semaphore(%dma_wait3A_1273 : memref<!tpu.dma_semaphore, #tpu.memory_space<semaphore_mem>>) src(%dma_wait3A_1271 : memref<32000x2048xf32, #tpu.memory_space<hbm>>) dst(%dma_wait3A_1266 : memref<8x2048xf32, #tpu.memory_space<vmem>>)
    %add3A_1274 = arith.constant 144 : i32
    %add3A_1275 = arith.addi %mul3A_32, %add3A_1274 : i32
    %dma_start3A_1276 = arith.constant 0 : i32
    %dma_start3A_1277 = arith.constant 0 : i32
    %dma_start3A_1278 = arith.constant 0 : i32
    %dma_start3A_1279 = arith.constant 0 : i32
    %dma_start3A_1280 = tpu.memref_slice %arg6[%dma_start3A_1276, %dma_start3A_1278, %dma_start3A_1279] : memref<6x8x2048xf32, #tpu.memory_space<vmem>> -> memref<1x8x2048xf32, #tpu.memory_space<vmem>>
    %dma_start3A_1281 = tpu.memref_squeeze %dma_start3A_1280 : memref<1x8x2048xf32, #tpu.memory_space<vmem>> -> memref<8x2048xf32, #tpu.memory_space<vmem>>
    %dma_start3A_1282 = arith.constant 0 : i32
    %dma_start3A_1283 = tpu.memref_slice %arg4[%select_n3A, %add3A_1275, %dma_start3A_1282] : memref<2x4096x2048xf32, #tpu.memory_space<hbm>> -> memref<1x8x2048xf32, #tpu.memory_space<hbm>>
    %dma_start3A_1284 = tpu.memref_squeeze %dma_start3A_1283 : memref<1x8x2048xf32, #tpu.memory_space<hbm>> -> memref<8x2048xf32, #tpu.memory_space<hbm>>
    %dma_start3A_1285 = tpu.memref_slice %arg8[%dma_start3A_1277] : memref<6x!tpu.dma_semaphore, #tpu.memory_space<semaphore_mem>> -> memref<1x!tpu.dma_semaphore, #tpu.memory_space<semaphore_mem>>
    %dma_start3A_1286 = tpu.memref_squeeze %dma_start3A_1285 : memref<1x!tpu.dma_semaphore, #tpu.memory_space<semaphore_mem>> -> memref<!tpu.dma_semaphore, #tpu.memory_space<semaphore_mem>>
    %dma_start3A_1287 = arith.constant 0 : i32
    %dma_start3A_1288 = tpu.memref_slice %arg4[%select_n3A, %add3A_1275, %dma_start3A_1287] : memref<2x4096x2048xf32, #tpu.memory_space<hbm>> -> memref<1x8x2048xf32, #tpu.memory_space<hbm>>
    %dma_start3A_1289 = tpu.memref_squeeze %dma_start3A_1288 : memref<1x8x2048xf32, #tpu.memory_space<hbm>> -> memref<8x2048xf32, #tpu.memory_space<hbm>>
    %dma_start3A_1290 = arith.constant 0 : i32
    %dma_start3A_1291 = arith.constant 0 : i32
    %dma_start3A_1292 = tpu.memref_slice %arg6[%dma_start3A_1276, %dma_start3A_1290, %dma_start3A_1291] : memref<6x8x2048xf32, #tpu.memory_space<vmem>> -> memref<1x8x2048xf32, #tpu.memory_space<vmem>>
    %dma_start3A_1293 = tpu.memref_squeeze %dma_start3A_1292 : memref<1x8x2048xf32, #tpu.memory_space<vmem>> -> memref<8x2048xf32, #tpu.memory_space<vmem>>
    tpu.enqueue_dma source(%dma_start3A_1293 : memref<8x2048xf32, #tpu.memory_space<vmem>>) target(%dma_start3A_1289 : memref<8x2048xf32, #tpu.memory_space<hbm>>) target_semaphore(%dma_start3A_1286 : memref<!tpu.dma_semaphore, #tpu.memory_space<semaphore_mem>>)
    %dma_wait3A_1294 = arith.constant 0 : i32
    %dma_wait3A_1295 = arith.constant 0 : i32
    %dma_wait3A_1296 = arith.constant 0 : i32
    %dma_wait3A_1297 = arith.constant 0 : i32
    %dma_wait3A_1298 = tpu.memref_slice %arg6[%dma_wait3A_1294, %dma_wait3A_1296, %dma_wait3A_1297] : memref<6x8x2048xf32, #tpu.memory_space<vmem>> -> memref<1x8x2048xf32, #tpu.memory_space<vmem>>
    %dma_wait3A_1299 = tpu.memref_squeeze %dma_wait3A_1298 : memref<1x8x2048xf32, #tpu.memory_space<vmem>> -> memref<8x2048xf32, #tpu.memory_space<vmem>>
    %dma_wait3A_1300 = arith.constant 0 : i32
    %dma_wait3A_1301 = tpu.memref_slice %arg4[%select_n3A, %add3A_1275, %dma_wait3A_1300] : memref<2x4096x2048xf32, #tpu.memory_space<hbm>> -> memref<1x8x2048xf32, #tpu.memory_space<hbm>>
    %dma_wait3A_1302 = tpu.memref_squeeze %dma_wait3A_1301 : memref<1x8x2048xf32, #tpu.memory_space<hbm>> -> memref<8x2048xf32, #tpu.memory_space<hbm>>
    %dma_wait3A_1303 = tpu.memref_slice %arg8[%dma_wait3A_1295] : memref<6x!tpu.dma_semaphore, #tpu.memory_space<semaphore_mem>> -> memref<1x!tpu.dma_semaphore, #tpu.memory_space<semaphore_mem>>
    %dma_wait3A_1304 = tpu.memref_squeeze %dma_wait3A_1303 : memref<1x!tpu.dma_semaphore, #tpu.memory_space<semaphore_mem>> -> memref<!tpu.dma_semaphore, #tpu.memory_space<semaphore_mem>>
    %dma_wait3A_1305 = arith.constant 0 : i32
    %dma_wait3A_1306 = tpu.memref_slice %arg4[%select_n3A, %add3A_1275, %dma_wait3A_1305] : memref<2x4096x2048xf32, #tpu.memory_space<hbm>> -> memref<1x8x2048xf32, #tpu.memory_space<hbm>>
    %dma_wait3A_1307 = tpu.memref_squeeze %dma_wait3A_1306 : memref<1x8x2048xf32, #tpu.memory_space<hbm>> -> memref<8x2048xf32, #tpu.memory_space<hbm>>
    %dma_wait3A_1308 = arith.constant 0 : i32
    %dma_wait3A_1309 = arith.constant 0 : i32
    %dma_wait3A_1310 = tpu.memref_slice %arg6[%dma_wait3A_1294, %dma_wait3A_1308, %dma_wait3A_1309] : memref<6x8x2048xf32, #tpu.memory_space<vmem>> -> memref<1x8x2048xf32, #tpu.memory_space<vmem>>
    %dma_wait3A_1311 = tpu.memref_squeeze %dma_wait3A_1310 : memref<1x8x2048xf32, #tpu.memory_space<vmem>> -> memref<8x2048xf32, #tpu.memory_space<vmem>>
    tpu.wait_dma2 semaphore(%dma_wait3A_1304 : memref<!tpu.dma_semaphore, #tpu.memory_space<semaphore_mem>>) src(%dma_wait3A_1311 : memref<8x2048xf32, #tpu.memory_space<vmem>>) dst(%dma_wait3A_1307 : memref<8x2048xf32, #tpu.memory_space<hbm>>)
    %dma_start3A_1312 = arith.constant 0 : i32
    %dma_start3A_1313 = arith.constant 0 : i32
    %dma_start3A_1314 = arith.constant 0 : i32
    %dma_start3A_1315 = arith.constant 0 : i32
    %dma_start3A_1316 = tpu.memref_slice %arg6[%dma_start3A_1312, %dma_start3A_1314, %dma_start3A_1315] : memref<6x8x2048xf32, #tpu.memory_space<vmem>> -> memref<1x8x2048xf32, #tpu.memory_space<vmem>>
    %dma_start3A_1317 = tpu.memref_squeeze %dma_start3A_1316 : memref<1x8x2048xf32, #tpu.memory_space<vmem>> -> memref<8x2048xf32, #tpu.memory_space<vmem>>
    %dma_start3A_1318 = arith.constant 192 : i32
    %dma_start3A_1319 = tpu.memref_slice %arg5[%dma_start3A_1318] : memref<256xi32, #tpu.memory_space<vmem>> -> memref<8xi32, #tpu.memory_space<vmem>>
    %dma_start3A_1320 = arith.constant 0 : i32
    %dma_start3A_1321 = arith.constant 0 : i32
    %dma_start3A_1322 = tpu.memref_slice %arg3[%dma_start3A_1320, %dma_start3A_1321] : memref<32000x2048xf32, #tpu.memory_space<hbm>> -> memref<32000x2048xf32, #tpu.memory_space<hbm>>
    %dma_start3A_1323 = tpu.memref_slice %arg7[%dma_start3A_1313] : memref<6x!tpu.dma_semaphore, #tpu.memory_space<semaphore_mem>> -> memref<1x!tpu.dma_semaphore, #tpu.memory_space<semaphore_mem>>
    %dma_start3A_1324 = tpu.memref_squeeze %dma_start3A_1323 : memref<1x!tpu.dma_semaphore, #tpu.memory_space<semaphore_mem>> -> memref<!tpu.dma_semaphore, #tpu.memory_space<semaphore_mem>>
    tpu.enqueue_indirect_dma source(%dma_start3A_1322 : memref<32000x2048xf32, #tpu.memory_space<hbm>>) target(%dma_start3A_1317 : memref<8x2048xf32, #tpu.memory_space<vmem>>) offsets(%dma_start3A_1319 : memref<8xi32, #tpu.memory_space<vmem>>) semaphore(%dma_start3A_1324 : memref<!tpu.dma_semaphore, #tpu.memory_space<semaphore_mem>>)
    %dma_wait3A_1325 = arith.constant 1 : i32
    %dma_wait3A_1326 = arith.constant 1 : i32
    %dma_wait3A_1327 = arith.constant 0 : i32
    %dma_wait3A_1328 = arith.constant 0 : i32
    %dma_wait3A_1329 = tpu.memref_slice %arg6[%dma_wait3A_1325, %dma_wait3A_1327, %dma_wait3A_1328] : memref<6x8x2048xf32, #tpu.memory_space<vmem>> -> memref<1x8x2048xf32, #tpu.memory_space<vmem>>
    %dma_wait3A_1330 = tpu.memref_squeeze %dma_wait3A_1329 : memref<1x8x2048xf32, #tpu.memory_space<vmem>> -> memref<8x2048xf32, #tpu.memory_space<vmem>>
    %dma_wait3A_1331 = arith.constant 152 : i32
    %dma_wait3A_1332 = tpu.memref_slice %arg5[%dma_wait3A_1331] : memref<256xi32, #tpu.memory_space<vmem>> -> memref<8xi32, #tpu.memory_space<vmem>>
    %dma_wait3A_1333 = arith.constant 0 : i32
    %dma_wait3A_1334 = arith.constant 0 : i32
    %dma_wait3A_1335 = tpu.memref_slice %arg3[%dma_wait3A_1333, %dma_wait3A_1334] : memref<32000x2048xf32, #tpu.memory_space<hbm>> -> memref<32000x2048xf32, #tpu.memory_space<hbm>>
    %dma_wait3A_1336 = tpu.memref_slice %arg7[%dma_wait3A_1326] : memref<6x!tpu.dma_semaphore, #tpu.memory_space<semaphore_mem>> -> memref<1x!tpu.dma_semaphore, #tpu.memory_space<semaphore_mem>>
    %dma_wait3A_1337 = tpu.memref_squeeze %dma_wait3A_1336 : memref<1x!tpu.dma_semaphore, #tpu.memory_space<semaphore_mem>> -> memref<!tpu.dma_semaphore, #tpu.memory_space<semaphore_mem>>
    tpu.wait_indirect_dma semaphore(%dma_wait3A_1337 : memref<!tpu.dma_semaphore, #tpu.memory_space<semaphore_mem>>) src(%dma_wait3A_1335 : memref<32000x2048xf32, #tpu.memory_space<hbm>>) dst(%dma_wait3A_1330 : memref<8x2048xf32, #tpu.memory_space<vmem>>)
    %add3A_1338 = arith.constant 152 : i32
    %add3A_1339 = arith.addi %mul3A_32, %add3A_1338 : i32
    %dma_start3A_1340 = arith.constant 1 : i32
    %dma_start3A_1341 = arith.constant 1 : i32
    %dma_start3A_1342 = arith.constant 0 : i32
    %dma_start3A_1343 = arith.constant 0 : i32
    %dma_start3A_1344 = tpu.memref_slice %arg6[%dma_start3A_1340, %dma_start3A_1342, %dma_start3A_1343] : memref<6x8x2048xf32, #tpu.memory_space<vmem>> -> memref<1x8x2048xf32, #tpu.memory_space<vmem>>
    %dma_start3A_1345 = tpu.memref_squeeze %dma_start3A_1344 : memref<1x8x2048xf32, #tpu.memory_space<vmem>> -> memref<8x2048xf32, #tpu.memory_space<vmem>>
    %dma_start3A_1346 = arith.constant 0 : i32
    %dma_start3A_1347 = tpu.memref_slice %arg4[%select_n3A, %add3A_1339, %dma_start3A_1346] : memref<2x4096x2048xf32, #tpu.memory_space<hbm>> -> memref<1x8x2048xf32, #tpu.memory_space<hbm>>
    %dma_start3A_1348 = tpu.memref_squeeze %dma_start3A_1347 : memref<1x8x2048xf32, #tpu.memory_space<hbm>> -> memref<8x2048xf32, #tpu.memory_space<hbm>>
    %dma_start3A_1349 = tpu.memref_slice %arg8[%dma_start3A_1341] : memref<6x!tpu.dma_semaphore, #tpu.memory_space<semaphore_mem>> -> memref<1x!tpu.dma_semaphore, #tpu.memory_space<semaphore_mem>>
    %dma_start3A_1350 = tpu.memref_squeeze %dma_start3A_1349 : memref<1x!tpu.dma_semaphore, #tpu.memory_space<semaphore_mem>> -> memref<!tpu.dma_semaphore, #tpu.memory_space<semaphore_mem>>
    %dma_start3A_1351 = arith.constant 0 : i32
    %dma_start3A_1352 = tpu.memref_slice %arg4[%select_n3A, %add3A_1339, %dma_start3A_1351] : memref<2x4096x2048xf32, #tpu.memory_space<hbm>> -> memref<1x8x2048xf32, #tpu.memory_space<hbm>>
    %dma_start3A_1353 = tpu.memref_squeeze %dma_start3A_1352 : memref<1x8x2048xf32, #tpu.memory_space<hbm>> -> memref<8x2048xf32, #tpu.memory_space<hbm>>
    %dma_start3A_1354 = arith.constant 0 : i32
    %dma_start3A_1355 = arith.constant 0 : i32
    %dma_start3A_1356 = tpu.memref_slice %arg6[%dma_start3A_1340, %dma_start3A_1354, %dma_start3A_1355] : memref<6x8x2048xf32, #tpu.memory_space<vmem>> -> memref<1x8x2048xf32, #tpu.memory_space<vmem>>
    %dma_start3A_1357 = tpu.memref_squeeze %dma_start3A_1356 : memref<1x8x2048xf32, #tpu.memory_space<vmem>> -> memref<8x2048xf32, #tpu.memory_space<vmem>>
    tpu.enqueue_dma source(%dma_start3A_1357 : memref<8x2048xf32, #tpu.memory_space<vmem>>) target(%dma_start3A_1353 : memref<8x2048xf32, #tpu.memory_space<hbm>>) target_semaphore(%dma_start3A_1350 : memref<!tpu.dma_semaphore, #tpu.memory_space<semaphore_mem>>)
    %dma_wait3A_1358 = arith.constant 1 : i32
    %dma_wait3A_1359 = arith.constant 1 : i32
    %dma_wait3A_1360 = arith.constant 0 : i32
    %dma_wait3A_1361 = arith.constant 0 : i32
    %dma_wait3A_1362 = tpu.memref_slice %arg6[%dma_wait3A_1358, %dma_wait3A_1360, %dma_wait3A_1361] : memref<6x8x2048xf32, #tpu.memory_space<vmem>> -> memref<1x8x2048xf32, #tpu.memory_space<vmem>>
    %dma_wait3A_1363 = tpu.memref_squeeze %dma_wait3A_1362 : memref<1x8x2048xf32, #tpu.memory_space<vmem>> -> memref<8x2048xf32, #tpu.memory_space<vmem>>
    %dma_wait3A_1364 = arith.constant 0 : i32
    %dma_wait3A_1365 = tpu.memref_slice %arg4[%select_n3A, %add3A_1339, %dma_wait3A_1364] : memref<2x4096x2048xf32, #tpu.memory_space<hbm>> -> memref<1x8x2048xf32, #tpu.memory_space<hbm>>
    %dma_wait3A_1366 = tpu.memref_squeeze %dma_wait3A_1365 : memref<1x8x2048xf32, #tpu.memory_space<hbm>> -> memref<8x2048xf32, #tpu.memory_space<hbm>>
    %dma_wait3A_1367 = tpu.memref_slice %arg8[%dma_wait3A_1359] : memref<6x!tpu.dma_semaphore, #tpu.memory_space<semaphore_mem>> -> memref<1x!tpu.dma_semaphore, #tpu.memory_space<semaphore_mem>>
    %dma_wait3A_1368 = tpu.memref_squeeze %dma_wait3A_1367 : memref<1x!tpu.dma_semaphore, #tpu.memory_space<semaphore_mem>> -> memref<!tpu.dma_semaphore, #tpu.memory_space<semaphore_mem>>
    %dma_wait3A_1369 = arith.constant 0 : i32
    %dma_wait3A_1370 = tpu.memref_slice %arg4[%select_n3A, %add3A_1339, %dma_wait3A_1369] : memref<2x4096x2048xf32, #tpu.memory_space<hbm>> -> memref<1x8x2048xf32, #tpu.memory_space<hbm>>
    %dma_wait3A_1371 = tpu.memref_squeeze %dma_wait3A_1370 : memref<1x8x2048xf32, #tpu.memory_space<hbm>> -> memref<8x2048xf32, #tpu.memory_space<hbm>>
    %dma_wait3A_1372 = arith.constant 0 : i32
    %dma_wait3A_1373 = arith.constant 0 : i32
    %dma_wait3A_1374 = tpu.memref_slice %arg6[%dma_wait3A_1358, %dma_wait3A_1372, %dma_wait3A_1373] : memref<6x8x2048xf32, #tpu.memory_space<vmem>> -> memref<1x8x2048xf32, #tpu.memory_space<vmem>>
    %dma_wait3A_1375 = tpu.memref_squeeze %dma_wait3A_1374 : memref<1x8x2048xf32, #tpu.memory_space<vmem>> -> memref<8x2048xf32, #tpu.memory_space<vmem>>
    tpu.wait_dma2 semaphore(%dma_wait3A_1368 : memref<!tpu.dma_semaphore, #tpu.memory_space<semaphore_mem>>) src(%dma_wait3A_1375 : memref<8x2048xf32, #tpu.memory_space<vmem>>) dst(%dma_wait3A_1371 : memref<8x2048xf32, #tpu.memory_space<hbm>>)
    %dma_start3A_1376 = arith.constant 1 : i32
    %dma_start3A_1377 = arith.constant 1 : i32
    %dma_start3A_1378 = arith.constant 0 : i32
    %dma_start3A_1379 = arith.constant 0 : i32
    %dma_start3A_1380 = tpu.memref_slice %arg6[%dma_start3A_1376, %dma_start3A_1378, %dma_start3A_1379] : memref<6x8x2048xf32, #tpu.memory_space<vmem>> -> memref<1x8x2048xf32, #tpu.memory_space<vmem>>
    %dma_start3A_1381 = tpu.memref_squeeze %dma_start3A_1380 : memref<1x8x2048xf32, #tpu.memory_space<vmem>> -> memref<8x2048xf32, #tpu.memory_space<vmem>>
    %dma_start3A_1382 = arith.constant 200 : i32
    %dma_start3A_1383 = tpu.memref_slice %arg5[%dma_start3A_1382] : memref<256xi32, #tpu.memory_space<vmem>> -> memref<8xi32, #tpu.memory_space<vmem>>
    %dma_start3A_1384 = arith.constant 0 : i32
    %dma_start3A_1385 = arith.constant 0 : i32
    %dma_start3A_1386 = tpu.memref_slice %arg3[%dma_start3A_1384, %dma_start3A_1385] : memref<32000x2048xf32, #tpu.memory_space<hbm>> -> memref<32000x2048xf32, #tpu.memory_space<hbm>>
    %dma_start3A_1387 = tpu.memref_slice %arg7[%dma_start3A_1377] : memref<6x!tpu.dma_semaphore, #tpu.memory_space<semaphore_mem>> -> memref<1x!tpu.dma_semaphore, #tpu.memory_space<semaphore_mem>>
    %dma_start3A_1388 = tpu.memref_squeeze %dma_start3A_1387 : memref<1x!tpu.dma_semaphore, #tpu.memory_space<semaphore_mem>> -> memref<!tpu.dma_semaphore, #tpu.memory_space<semaphore_mem>>
    tpu.enqueue_indirect_dma source(%dma_start3A_1386 : memref<32000x2048xf32, #tpu.memory_space<hbm>>) target(%dma_start3A_1381 : memref<8x2048xf32, #tpu.memory_space<vmem>>) offsets(%dma_start3A_1383 : memref<8xi32, #tpu.memory_space<vmem>>) semaphore(%dma_start3A_1388 : memref<!tpu.dma_semaphore, #tpu.memory_space<semaphore_mem>>)
    %dma_wait3A_1389 = arith.constant 2 : i32
    %dma_wait3A_1390 = arith.constant 2 : i32
    %dma_wait3A_1391 = arith.constant 0 : i32
    %dma_wait3A_1392 = arith.constant 0 : i32
    %dma_wait3A_1393 = tpu.memref_slice %arg6[%dma_wait3A_1389, %dma_wait3A_1391, %dma_wait3A_1392] : memref<6x8x2048xf32, #tpu.memory_space<vmem>> -> memref<1x8x2048xf32, #tpu.memory_space<vmem>>
    %dma_wait3A_1394 = tpu.memref_squeeze %dma_wait3A_1393 : memref<1x8x2048xf32, #tpu.memory_space<vmem>> -> memref<8x2048xf32, #tpu.memory_space<vmem>>
    %dma_wait3A_1395 = arith.constant 160 : i32
    %dma_wait3A_1396 = tpu.memref_slice %arg5[%dma_wait3A_1395] : memref<256xi32, #tpu.memory_space<vmem>> -> memref<8xi32, #tpu.memory_space<vmem>>
    %dma_wait3A_1397 = arith.constant 0 : i32
    %dma_wait3A_1398 = arith.constant 0 : i32
    %dma_wait3A_1399 = tpu.memref_slice %arg3[%dma_wait3A_1397, %dma_wait3A_1398] : memref<32000x2048xf32, #tpu.memory_space<hbm>> -> memref<32000x2048xf32, #tpu.memory_space<hbm>>
    %dma_wait3A_1400 = tpu.memref_slice %arg7[%dma_wait3A_1390] : memref<6x!tpu.dma_semaphore, #tpu.memory_space<semaphore_mem>> -> memref<1x!tpu.dma_semaphore, #tpu.memory_space<semaphore_mem>>
    %dma_wait3A_1401 = tpu.memref_squeeze %dma_wait3A_1400 : memref<1x!tpu.dma_semaphore, #tpu.memory_space<semaphore_mem>> -> memref<!tpu.dma_semaphore, #tpu.memory_space<semaphore_mem>>
    tpu.wait_indirect_dma semaphore(%dma_wait3A_1401 : memref<!tpu.dma_semaphore, #tpu.memory_space<semaphore_mem>>) src(%dma_wait3A_1399 : memref<32000x2048xf32, #tpu.memory_space<hbm>>) dst(%dma_wait3A_1394 : memref<8x2048xf32, #tpu.memory_space<vmem>>)
    %add3A_1402 = arith.constant 160 : i32
    %add3A_1403 = arith.addi %mul3A_32, %add3A_1402 : i32
    %dma_start3A_1404 = arith.constant 2 : i32
    %dma_start3A_1405 = arith.constant 2 : i32
    %dma_start3A_1406 = arith.constant 0 : i32
    %dma_start3A_1407 = arith.constant 0 : i32
    %dma_start3A_1408 = tpu.memref_slice %arg6[%dma_start3A_1404, %dma_start3A_1406, %dma_start3A_1407] : memref<6x8x2048xf32, #tpu.memory_space<vmem>> -> memref<1x8x2048xf32, #tpu.memory_space<vmem>>
    %dma_start3A_1409 = tpu.memref_squeeze %dma_start3A_1408 : memref<1x8x2048xf32, #tpu.memory_space<vmem>> -> memref<8x2048xf32, #tpu.memory_space<vmem>>
    %dma_start3A_1410 = arith.constant 0 : i32
    %dma_start3A_1411 = tpu.memref_slice %arg4[%select_n3A, %add3A_1403, %dma_start3A_1410] : memref<2x4096x2048xf32, #tpu.memory_space<hbm>> -> memref<1x8x2048xf32, #tpu.memory_space<hbm>>
    %dma_start3A_1412 = tpu.memref_squeeze %dma_start3A_1411 : memref<1x8x2048xf32, #tpu.memory_space<hbm>> -> memref<8x2048xf32, #tpu.memory_space<hbm>>
    %dma_start3A_1413 = tpu.memref_slice %arg8[%dma_start3A_1405] : memref<6x!tpu.dma_semaphore, #tpu.memory_space<semaphore_mem>> -> memref<1x!tpu.dma_semaphore, #tpu.memory_space<semaphore_mem>>
    %dma_start3A_1414 = tpu.memref_squeeze %dma_start3A_1413 : memref<1x!tpu.dma_semaphore, #tpu.memory_space<semaphore_mem>> -> memref<!tpu.dma_semaphore, #tpu.memory_space<semaphore_mem>>
    %dma_start3A_1415 = arith.constant 0 : i32
    %dma_start3A_1416 = tpu.memref_slice %arg4[%select_n3A, %add3A_1403, %dma_start3A_1415] : memref<2x4096x2048xf32, #tpu.memory_space<hbm>> -> memref<1x8x2048xf32, #tpu.memory_space<hbm>>
    %dma_start3A_1417 = tpu.memref_squeeze %dma_start3A_1416 : memref<1x8x2048xf32, #tpu.memory_space<hbm>> -> memref<8x2048xf32, #tpu.memory_space<hbm>>
    %dma_start3A_1418 = arith.constant 0 : i32
    %dma_start3A_1419 = arith.constant 0 : i32
    %dma_start3A_1420 = tpu.memref_slice %arg6[%dma_start3A_1404, %dma_start3A_1418, %dma_start3A_1419] : memref<6x8x2048xf32, #tpu.memory_space<vmem>> -> memref<1x8x2048xf32, #tpu.memory_space<vmem>>
    %dma_start3A_1421 = tpu.memref_squeeze %dma_start3A_1420 : memref<1x8x2048xf32, #tpu.memory_space<vmem>> -> memref<8x2048xf32, #tpu.memory_space<vmem>>
    tpu.enqueue_dma source(%dma_start3A_1421 : memref<8x2048xf32, #tpu.memory_space<vmem>>) target(%dma_start3A_1417 : memref<8x2048xf32, #tpu.memory_space<hbm>>) target_semaphore(%dma_start3A_1414 : memref<!tpu.dma_semaphore, #tpu.memory_space<semaphore_mem>>)
    %dma_wait3A_1422 = arith.constant 2 : i32
    %dma_wait3A_1423 = arith.constant 2 : i32
    %dma_wait3A_1424 = arith.constant 0 : i32
    %dma_wait3A_1425 = arith.constant 0 : i32
    %dma_wait3A_1426 = tpu.memref_slice %arg6[%dma_wait3A_1422, %dma_wait3A_1424, %dma_wait3A_1425] : memref<6x8x2048xf32, #tpu.memory_space<vmem>> -> memref<1x8x2048xf32, #tpu.memory_space<vmem>>
    %dma_wait3A_1427 = tpu.memref_squeeze %dma_wait3A_1426 : memref<1x8x2048xf32, #tpu.memory_space<vmem>> -> memref<8x2048xf32, #tpu.memory_space<vmem>>
    %dma_wait3A_1428 = arith.constant 0 : i32
    %dma_wait3A_1429 = tpu.memref_slice %arg4[%select_n3A, %add3A_1403, %dma_wait3A_1428] : memref<2x4096x2048xf32, #tpu.memory_space<hbm>> -> memref<1x8x2048xf32, #tpu.memory_space<hbm>>
    %dma_wait3A_1430 = tpu.memref_squeeze %dma_wait3A_1429 : memref<1x8x2048xf32, #tpu.memory_space<hbm>> -> memref<8x2048xf32, #tpu.memory_space<hbm>>
    %dma_wait3A_1431 = tpu.memref_slice %arg8[%dma_wait3A_1423] : memref<6x!tpu.dma_semaphore, #tpu.memory_space<semaphore_mem>> -> memref<1x!tpu.dma_semaphore, #tpu.memory_space<semaphore_mem>>
    %dma_wait3A_1432 = tpu.memref_squeeze %dma_wait3A_1431 : memref<1x!tpu.dma_semaphore, #tpu.memory_space<semaphore_mem>> -> memref<!tpu.dma_semaphore, #tpu.memory_space<semaphore_mem>>
    %dma_wait3A_1433 = arith.constant 0 : i32
    %dma_wait3A_1434 = tpu.memref_slice %arg4[%select_n3A, %add3A_1403, %dma_wait3A_1433] : memref<2x4096x2048xf32, #tpu.memory_space<hbm>> -> memref<1x8x2048xf32, #tpu.memory_space<hbm>>
    %dma_wait3A_1435 = tpu.memref_squeeze %dma_wait3A_1434 : memref<1x8x2048xf32, #tpu.memory_space<hbm>> -> memref<8x2048xf32, #tpu.memory_space<hbm>>
    %dma_wait3A_1436 = arith.constant 0 : i32
    %dma_wait3A_1437 = arith.constant 0 : i32
    %dma_wait3A_1438 = tpu.memref_slice %arg6[%dma_wait3A_1422, %dma_wait3A_1436, %dma_wait3A_1437] : memref<6x8x2048xf32, #tpu.memory_space<vmem>> -> memref<1x8x2048xf32, #tpu.memory_space<vmem>>
    %dma_wait3A_1439 = tpu.memref_squeeze %dma_wait3A_1438 : memref<1x8x2048xf32, #tpu.memory_space<vmem>> -> memref<8x2048xf32, #tpu.memory_space<vmem>>
    tpu.wait_dma2 semaphore(%dma_wait3A_1432 : memref<!tpu.dma_semaphore, #tpu.memory_space<semaphore_mem>>) src(%dma_wait3A_1439 : memref<8x2048xf32, #tpu.memory_space<vmem>>) dst(%dma_wait3A_1435 : memref<8x2048xf32, #tpu.memory_space<hbm>>)
    %dma_start3A_1440 = arith.constant 2 : i32
    %dma_start3A_1441 = arith.constant 2 : i32
    %dma_start3A_1442 = arith.constant 0 : i32
    %dma_start3A_1443 = arith.constant 0 : i32
    %dma_start3A_1444 = tpu.memref_slice %arg6[%dma_start3A_1440, %dma_start3A_1442, %dma_start3A_1443] : memref<6x8x2048xf32, #tpu.memory_space<vmem>> -> memref<1x8x2048xf32, #tpu.memory_space<vmem>>
    %dma_start3A_1445 = tpu.memref_squeeze %dma_start3A_1444 : memref<1x8x2048xf32, #tpu.memory_space<vmem>> -> memref<8x2048xf32, #tpu.memory_space<vmem>>
    %dma_start3A_1446 = arith.constant 208 : i32
    %dma_start3A_1447 = tpu.memref_slice %arg5[%dma_start3A_1446] : memref<256xi32, #tpu.memory_space<vmem>> -> memref<8xi32, #tpu.memory_space<vmem>>
    %dma_start3A_1448 = arith.constant 0 : i32
    %dma_start3A_1449 = arith.constant 0 : i32
    %dma_start3A_1450 = tpu.memref_slice %arg3[%dma_start3A_1448, %dma_start3A_1449] : memref<32000x2048xf32, #tpu.memory_space<hbm>> -> memref<32000x2048xf32, #tpu.memory_space<hbm>>
    %dma_start3A_1451 = tpu.memref_slice %arg7[%dma_start3A_1441] : memref<6x!tpu.dma_semaphore, #tpu.memory_space<semaphore_mem>> -> memref<1x!tpu.dma_semaphore, #tpu.memory_space<semaphore_mem>>
    %dma_start3A_1452 = tpu.memref_squeeze %dma_start3A_1451 : memref<1x!tpu.dma_semaphore, #tpu.memory_space<semaphore_mem>> -> memref<!tpu.dma_semaphore, #tpu.memory_space<semaphore_mem>>
    tpu.enqueue_indirect_dma source(%dma_start3A_1450 : memref<32000x2048xf32, #tpu.memory_space<hbm>>) target(%dma_start3A_1445 : memref<8x2048xf32, #tpu.memory_space<vmem>>) offsets(%dma_start3A_1447 : memref<8xi32, #tpu.memory_space<vmem>>) semaphore(%dma_start3A_1452 : memref<!tpu.dma_semaphore, #tpu.memory_space<semaphore_mem>>)
    %dma_wait3A_1453 = arith.constant 3 : i32
    %dma_wait3A_1454 = arith.constant 3 : i32
    %dma_wait3A_1455 = arith.constant 0 : i32
    %dma_wait3A_1456 = arith.constant 0 : i32
    %dma_wait3A_1457 = tpu.memref_slice %arg6[%dma_wait3A_1453, %dma_wait3A_1455, %dma_wait3A_1456] : memref<6x8x2048xf32, #tpu.memory_space<vmem>> -> memref<1x8x2048xf32, #tpu.memory_space<vmem>>
    %dma_wait3A_1458 = tpu.memref_squeeze %dma_wait3A_1457 : memref<1x8x2048xf32, #tpu.memory_space<vmem>> -> memref<8x2048xf32, #tpu.memory_space<vmem>>
    %dma_wait3A_1459 = arith.constant 168 : i32
    %dma_wait3A_1460 = tpu.memref_slice %arg5[%dma_wait3A_1459] : memref<256xi32, #tpu.memory_space<vmem>> -> memref<8xi32, #tpu.memory_space<vmem>>
    %dma_wait3A_1461 = arith.constant 0 : i32
    %dma_wait3A_1462 = arith.constant 0 : i32
    %dma_wait3A_1463 = tpu.memref_slice %arg3[%dma_wait3A_1461, %dma_wait3A_1462] : memref<32000x2048xf32, #tpu.memory_space<hbm>> -> memref<32000x2048xf32, #tpu.memory_space<hbm>>
    %dma_wait3A_1464 = tpu.memref_slice %arg7[%dma_wait3A_1454] : memref<6x!tpu.dma_semaphore, #tpu.memory_space<semaphore_mem>> -> memref<1x!tpu.dma_semaphore, #tpu.memory_space<semaphore_mem>>
    %dma_wait3A_1465 = tpu.memref_squeeze %dma_wait3A_1464 : memref<1x!tpu.dma_semaphore, #tpu.memory_space<semaphore_mem>> -> memref<!tpu.dma_semaphore, #tpu.memory_space<semaphore_mem>>
    tpu.wait_indirect_dma semaphore(%dma_wait3A_1465 : memref<!tpu.dma_semaphore, #tpu.memory_space<semaphore_mem>>) src(%dma_wait3A_1463 : memref<32000x2048xf32, #tpu.memory_space<hbm>>) dst(%dma_wait3A_1458 : memref<8x2048xf32, #tpu.memory_space<vmem>>)
    %add3A_1466 = arith.constant 168 : i32
    %add3A_1467 = arith.addi %mul3A_32, %add3A_1466 : i32
    %dma_start3A_1468 = arith.constant 3 : i32
    %dma_start3A_1469 = arith.constant 3 : i32
    %dma_start3A_1470 = arith.constant 0 : i32
    %dma_start3A_1471 = arith.constant 0 : i32
    %dma_start3A_1472 = tpu.memref_slice %arg6[%dma_start3A_1468, %dma_start3A_1470, %dma_start3A_1471] : memref<6x8x2048xf32, #tpu.memory_space<vmem>> -> memref<1x8x2048xf32, #tpu.memory_space<vmem>>
    %dma_start3A_1473 = tpu.memref_squeeze %dma_start3A_1472 : memref<1x8x2048xf32, #tpu.memory_space<vmem>> -> memref<8x2048xf32, #tpu.memory_space<vmem>>
    %dma_start3A_1474 = arith.constant 0 : i32
    %dma_start3A_1475 = tpu.memref_slice %arg4[%select_n3A, %add3A_1467, %dma_start3A_1474] : memref<2x4096x2048xf32, #tpu.memory_space<hbm>> -> memref<1x8x2048xf32, #tpu.memory_space<hbm>>
    %dma_start3A_1476 = tpu.memref_squeeze %dma_start3A_1475 : memref<1x8x2048xf32, #tpu.memory_space<hbm>> -> memref<8x2048xf32, #tpu.memory_space<hbm>>
    %dma_start3A_1477 = tpu.memref_slice %arg8[%dma_start3A_1469] : memref<6x!tpu.dma_semaphore, #tpu.memory_space<semaphore_mem>> -> memref<1x!tpu.dma_semaphore, #tpu.memory_space<semaphore_mem>>
    %dma_start3A_1478 = tpu.memref_squeeze %dma_start3A_1477 : memref<1x!tpu.dma_semaphore, #tpu.memory_space<semaphore_mem>> -> memref<!tpu.dma_semaphore, #tpu.memory_space<semaphore_mem>>
    %dma_start3A_1479 = arith.constant 0 : i32
    %dma_start3A_1480 = tpu.memref_slice %arg4[%select_n3A, %add3A_1467, %dma_start3A_1479] : memref<2x4096x2048xf32, #tpu.memory_space<hbm>> -> memref<1x8x2048xf32, #tpu.memory_space<hbm>>
    %dma_start3A_1481 = tpu.memref_squeeze %dma_start3A_1480 : memref<1x8x2048xf32, #tpu.memory_space<hbm>> -> memref<8x2048xf32, #tpu.memory_space<hbm>>
    %dma_start3A_1482 = arith.constant 0 : i32
    %dma_start3A_1483 = arith.constant 0 : i32
    %dma_start3A_1484 = tpu.memref_slice %arg6[%dma_start3A_1468, %dma_start3A_1482, %dma_start3A_1483] : memref<6x8x2048xf32, #tpu.memory_space<vmem>> -> memref<1x8x2048xf32, #tpu.memory_space<vmem>>
    %dma_start3A_1485 = tpu.memref_squeeze %dma_start3A_1484 : memref<1x8x2048xf32, #tpu.memory_space<vmem>> -> memref<8x2048xf32, #tpu.memory_space<vmem>>
    tpu.enqueue_dma source(%dma_start3A_1485 : memref<8x2048xf32, #tpu.memory_space<vmem>>) target(%dma_start3A_1481 : memref<8x2048xf32, #tpu.memory_space<hbm>>) target_semaphore(%dma_start3A_1478 : memref<!tpu.dma_semaphore, #tpu.memory_space<semaphore_mem>>)
    %dma_wait3A_1486 = arith.constant 3 : i32
    %dma_wait3A_1487 = arith.constant 3 : i32
    %dma_wait3A_1488 = arith.constant 0 : i32
    %dma_wait3A_1489 = arith.constant 0 : i32
    %dma_wait3A_1490 = tpu.memref_slice %arg6[%dma_wait3A_1486, %dma_wait3A_1488, %dma_wait3A_1489] : memref<6x8x2048xf32, #tpu.memory_space<vmem>> -> memref<1x8x2048xf32, #tpu.memory_space<vmem>>
    %dma_wait3A_1491 = tpu.memref_squeeze %dma_wait3A_1490 : memref<1x8x2048xf32, #tpu.memory_space<vmem>> -> memref<8x2048xf32, #tpu.memory_space<vmem>>
    %dma_wait3A_1492 = arith.constant 0 : i32
    %dma_wait3A_1493 = tpu.memref_slice %arg4[%select_n3A, %add3A_1467, %dma_wait3A_1492] : memref<2x4096x2048xf32, #tpu.memory_space<hbm>> -> memref<1x8x2048xf32, #tpu.memory_space<hbm>>
    %dma_wait3A_1494 = tpu.memref_squeeze %dma_wait3A_1493 : memref<1x8x2048xf32, #tpu.memory_space<hbm>> -> memref<8x2048xf32, #tpu.memory_space<hbm>>
    %dma_wait3A_1495 = tpu.memref_slice %arg8[%dma_wait3A_1487] : memref<6x!tpu.dma_semaphore, #tpu.memory_space<semaphore_mem>> -> memref<1x!tpu.dma_semaphore, #tpu.memory_space<semaphore_mem>>
    %dma_wait3A_1496 = tpu.memref_squeeze %dma_wait3A_1495 : memref<1x!tpu.dma_semaphore, #tpu.memory_space<semaphore_mem>> -> memref<!tpu.dma_semaphore, #tpu.memory_space<semaphore_mem>>
    %dma_wait3A_1497 = arith.constant 0 : i32
    %dma_wait3A_1498 = tpu.memref_slice %arg4[%select_n3A, %add3A_1467, %dma_wait3A_1497] : memref<2x4096x2048xf32, #tpu.memory_space<hbm>> -> memref<1x8x2048xf32, #tpu.memory_space<hbm>>
    %dma_wait3A_1499 = tpu.memref_squeeze %dma_wait3A_1498 : memref<1x8x2048xf32, #tpu.memory_space<hbm>> -> memref<8x2048xf32, #tpu.memory_space<hbm>>
    %dma_wait3A_1500 = arith.constant 0 : i32
    %dma_wait3A_1501 = arith.constant 0 : i32
    %dma_wait3A_1502 = tpu.memref_slice %arg6[%dma_wait3A_1486, %dma_wait3A_1500, %dma_wait3A_1501] : memref<6x8x2048xf32, #tpu.memory_space<vmem>> -> memref<1x8x2048xf32, #tpu.memory_space<vmem>>
    %dma_wait3A_1503 = tpu.memref_squeeze %dma_wait3A_1502 : memref<1x8x2048xf32, #tpu.memory_space<vmem>> -> memref<8x2048xf32, #tpu.memory_space<vmem>>
    tpu.wait_dma2 semaphore(%dma_wait3A_1496 : memref<!tpu.dma_semaphore, #tpu.memory_space<semaphore_mem>>) src(%dma_wait3A_1503 : memref<8x2048xf32, #tpu.memory_space<vmem>>) dst(%dma_wait3A_1499 : memref<8x2048xf32, #tpu.memory_space<hbm>>)
    %dma_start3A_1504 = arith.constant 3 : i32
    %dma_start3A_1505 = arith.constant 3 : i32
    %dma_start3A_1506 = arith.constant 0 : i32
    %dma_start3A_1507 = arith.constant 0 : i32
    %dma_start3A_1508 = tpu.memref_slice %arg6[%dma_start3A_1504, %dma_start3A_1506, %dma_start3A_1507] : memref<6x8x2048xf32, #tpu.memory_space<vmem>> -> memref<1x8x2048xf32, #tpu.memory_space<vmem>>
    %dma_start3A_1509 = tpu.memref_squeeze %dma_start3A_1508 : memref<1x8x2048xf32, #tpu.memory_space<vmem>> -> memref<8x2048xf32, #tpu.memory_space<vmem>>
    %dma_start3A_1510 = arith.constant 216 : i32
    %dma_start3A_1511 = tpu.memref_slice %arg5[%dma_start3A_1510] : memref<256xi32, #tpu.memory_space<vmem>> -> memref<8xi32, #tpu.memory_space<vmem>>
    %dma_start3A_1512 = arith.constant 0 : i32
    %dma_start3A_1513 = arith.constant 0 : i32
    %dma_start3A_1514 = tpu.memref_slice %arg3[%dma_start3A_1512, %dma_start3A_1513] : memref<32000x2048xf32, #tpu.memory_space<hbm>> -> memref<32000x2048xf32, #tpu.memory_space<hbm>>
    %dma_start3A_1515 = tpu.memref_slice %arg7[%dma_start3A_1505] : memref<6x!tpu.dma_semaphore, #tpu.memory_space<semaphore_mem>> -> memref<1x!tpu.dma_semaphore, #tpu.memory_space<semaphore_mem>>
    %dma_start3A_1516 = tpu.memref_squeeze %dma_start3A_1515 : memref<1x!tpu.dma_semaphore, #tpu.memory_space<semaphore_mem>> -> memref<!tpu.dma_semaphore, #tpu.memory_space<semaphore_mem>>
    tpu.enqueue_indirect_dma source(%dma_start3A_1514 : memref<32000x2048xf32, #tpu.memory_space<hbm>>) target(%dma_start3A_1509 : memref<8x2048xf32, #tpu.memory_space<vmem>>) offsets(%dma_start3A_1511 : memref<8xi32, #tpu.memory_space<vmem>>) semaphore(%dma_start3A_1516 : memref<!tpu.dma_semaphore, #tpu.memory_space<semaphore_mem>>)
    %dma_wait3A_1517 = arith.constant 4 : i32
    %dma_wait3A_1518 = arith.constant 4 : i32
    %dma_wait3A_1519 = arith.constant 0 : i32
    %dma_wait3A_1520 = arith.constant 0 : i32
    %dma_wait3A_1521 = tpu.memref_slice %arg6[%dma_wait3A_1517, %dma_wait3A_1519, %dma_wait3A_1520] : memref<6x8x2048xf32, #tpu.memory_space<vmem>> -> memref<1x8x2048xf32, #tpu.memory_space<vmem>>
    %dma_wait3A_1522 = tpu.memref_squeeze %dma_wait3A_1521 : memref<1x8x2048xf32, #tpu.memory_space<vmem>> -> memref<8x2048xf32, #tpu.memory_space<vmem>>
    %dma_wait3A_1523 = arith.constant 176 : i32
    %dma_wait3A_1524 = tpu.memref_slice %arg5[%dma_wait3A_1523] : memref<256xi32, #tpu.memory_space<vmem>> -> memref<8xi32, #tpu.memory_space<vmem>>
    %dma_wait3A_1525 = arith.constant 0 : i32
    %dma_wait3A_1526 = arith.constant 0 : i32
    %dma_wait3A_1527 = tpu.memref_slice %arg3[%dma_wait3A_1525, %dma_wait3A_1526] : memref<32000x2048xf32, #tpu.memory_space<hbm>> -> memref<32000x2048xf32, #tpu.memory_space<hbm>>
    %dma_wait3A_1528 = tpu.memref_slice %arg7[%dma_wait3A_1518] : memref<6x!tpu.dma_semaphore, #tpu.memory_space<semaphore_mem>> -> memref<1x!tpu.dma_semaphore, #tpu.memory_space<semaphore_mem>>
    %dma_wait3A_1529 = tpu.memref_squeeze %dma_wait3A_1528 : memref<1x!tpu.dma_semaphore, #tpu.memory_space<semaphore_mem>> -> memref<!tpu.dma_semaphore, #tpu.memory_space<semaphore_mem>>
    tpu.wait_indirect_dma semaphore(%dma_wait3A_1529 : memref<!tpu.dma_semaphore, #tpu.memory_space<semaphore_mem>>) src(%dma_wait3A_1527 : memref<32000x2048xf32, #tpu.memory_space<hbm>>) dst(%dma_wait3A_1522 : memref<8x2048xf32, #tpu.memory_space<vmem>>)
    %add3A_1530 = arith.constant 176 : i32
    %add3A_1531 = arith.addi %mul3A_32, %add3A_1530 : i32
    %dma_start3A_1532 = arith.constant 4 : i32
    %dma_start3A_1533 = arith.constant 4 : i32
    %dma_start3A_1534 = arith.constant 0 : i32
    %dma_start3A_1535 = arith.constant 0 : i32
    %dma_start3A_1536 = tpu.memref_slice %arg6[%dma_start3A_1532, %dma_start3A_1534, %dma_start3A_1535] : memref<6x8x2048xf32, #tpu.memory_space<vmem>> -> memref<1x8x2048xf32, #tpu.memory_space<vmem>>
    %dma_start3A_1537 = tpu.memref_squeeze %dma_start3A_1536 : memref<1x8x2048xf32, #tpu.memory_space<vmem>> -> memref<8x2048xf32, #tpu.memory_space<vmem>>
    %dma_start3A_1538 = arith.constant 0 : i32
    %dma_start3A_1539 = tpu.memref_slice %arg4[%select_n3A, %add3A_1531, %dma_start3A_1538] : memref<2x4096x2048xf32, #tpu.memory_space<hbm>> -> memref<1x8x2048xf32, #tpu.memory_space<hbm>>
    %dma_start3A_1540 = tpu.memref_squeeze %dma_start3A_1539 : memref<1x8x2048xf32, #tpu.memory_space<hbm>> -> memref<8x2048xf32, #tpu.memory_space<hbm>>
    %dma_start3A_1541 = tpu.memref_slice %arg8[%dma_start3A_1533] : memref<6x!tpu.dma_semaphore, #tpu.memory_space<semaphore_mem>> -> memref<1x!tpu.dma_semaphore, #tpu.memory_space<semaphore_mem>>
    %dma_start3A_1542 = tpu.memref_squeeze %dma_start3A_1541 : memref<1x!tpu.dma_semaphore, #tpu.memory_space<semaphore_mem>> -> memref<!tpu.dma_semaphore, #tpu.memory_space<semaphore_mem>>
    %dma_start3A_1543 = arith.constant 0 : i32
    %dma_start3A_1544 = tpu.memref_slice %arg4[%select_n3A, %add3A_1531, %dma_start3A_1543] : memref<2x4096x2048xf32, #tpu.memory_space<hbm>> -> memref<1x8x2048xf32, #tpu.memory_space<hbm>>
    %dma_start3A_1545 = tpu.memref_squeeze %dma_start3A_1544 : memref<1x8x2048xf32, #tpu.memory_space<hbm>> -> memref<8x2048xf32, #tpu.memory_space<hbm>>
    %dma_start3A_1546 = arith.constant 0 : i32
    %dma_start3A_1547 = arith.constant 0 : i32
    %dma_start3A_1548 = tpu.memref_slice %arg6[%dma_start3A_1532, %dma_start3A_1546, %dma_start3A_1547] : memref<6x8x2048xf32, #tpu.memory_space<vmem>> -> memref<1x8x2048xf32, #tpu.memory_space<vmem>>
    %dma_start3A_1549 = tpu.memref_squeeze %dma_start3A_1548 : memref<1x8x2048xf32, #tpu.memory_space<vmem>> -> memref<8x2048xf32, #tpu.memory_space<vmem>>
    tpu.enqueue_dma source(%dma_start3A_1549 : memref<8x2048xf32, #tpu.memory_space<vmem>>) target(%dma_start3A_1545 : memref<8x2048xf32, #tpu.memory_space<hbm>>) target_semaphore(%dma_start3A_1542 : memref<!tpu.dma_semaphore, #tpu.memory_space<semaphore_mem>>)
    %dma_wait3A_1550 = arith.constant 4 : i32
    %dma_wait3A_1551 = arith.constant 4 : i32
    %dma_wait3A_1552 = arith.constant 0 : i32
    %dma_wait3A_1553 = arith.constant 0 : i32
    %dma_wait3A_1554 = tpu.memref_slice %arg6[%dma_wait3A_1550, %dma_wait3A_1552, %dma_wait3A_1553] : memref<6x8x2048xf32, #tpu.memory_space<vmem>> -> memref<1x8x2048xf32, #tpu.memory_space<vmem>>
    %dma_wait3A_1555 = tpu.memref_squeeze %dma_wait3A_1554 : memref<1x8x2048xf32, #tpu.memory_space<vmem>> -> memref<8x2048xf32, #tpu.memory_space<vmem>>
    %dma_wait3A_1556 = arith.constant 0 : i32
    %dma_wait3A_1557 = tpu.memref_slice %arg4[%select_n3A, %add3A_1531, %dma_wait3A_1556] : memref<2x4096x2048xf32, #tpu.memory_space<hbm>> -> memref<1x8x2048xf32, #tpu.memory_space<hbm>>
    %dma_wait3A_1558 = tpu.memref_squeeze %dma_wait3A_1557 : memref<1x8x2048xf32, #tpu.memory_space<hbm>> -> memref<8x2048xf32, #tpu.memory_space<hbm>>
    %dma_wait3A_1559 = tpu.memref_slice %arg8[%dma_wait3A_1551] : memref<6x!tpu.dma_semaphore, #tpu.memory_space<semaphore_mem>> -> memref<1x!tpu.dma_semaphore, #tpu.memory_space<semaphore_mem>>
    %dma_wait3A_1560 = tpu.memref_squeeze %dma_wait3A_1559 : memref<1x!tpu.dma_semaphore, #tpu.memory_space<semaphore_mem>> -> memref<!tpu.dma_semaphore, #tpu.memory_space<semaphore_mem>>
    %dma_wait3A_1561 = arith.constant 0 : i32
    %dma_wait3A_1562 = tpu.memref_slice %arg4[%select_n3A, %add3A_1531, %dma_wait3A_1561] : memref<2x4096x2048xf32, #tpu.memory_space<hbm>> -> memref<1x8x2048xf32, #tpu.memory_space<hbm>>
    %dma_wait3A_1563 = tpu.memref_squeeze %dma_wait3A_1562 : memref<1x8x2048xf32, #tpu.memory_space<hbm>> -> memref<8x2048xf32, #tpu.memory_space<hbm>>
    %dma_wait3A_1564 = arith.constant 0 : i32
    %dma_wait3A_1565 = arith.constant 0 : i32
    %dma_wait3A_1566 = tpu.memref_slice %arg6[%dma_wait3A_1550, %dma_wait3A_1564, %dma_wait3A_1565] : memref<6x8x2048xf32, #tpu.memory_space<vmem>> -> memref<1x8x2048xf32, #tpu.memory_space<vmem>>
    %dma_wait3A_1567 = tpu.memref_squeeze %dma_wait3A_1566 : memref<1x8x2048xf32, #tpu.memory_space<vmem>> -> memref<8x2048xf32, #tpu.memory_space<vmem>>
    tpu.wait_dma2 semaphore(%dma_wait3A_1560 : memref<!tpu.dma_semaphore, #tpu.memory_space<semaphore_mem>>) src(%dma_wait3A_1567 : memref<8x2048xf32, #tpu.memory_space<vmem>>) dst(%dma_wait3A_1563 : memref<8x2048xf32, #tpu.memory_space<hbm>>)
    %dma_start3A_1568 = arith.constant 4 : i32
    %dma_start3A_1569 = arith.constant 4 : i32
    %dma_start3A_1570 = arith.constant 0 : i32
    %dma_start3A_1571 = arith.constant 0 : i32
    %dma_start3A_1572 = tpu.memref_slice %arg6[%dma_start3A_1568, %dma_start3A_1570, %dma_start3A_1571] : memref<6x8x2048xf32, #tpu.memory_space<vmem>> -> memref<1x8x2048xf32, #tpu.memory_space<vmem>>
    %dma_start3A_1573 = tpu.memref_squeeze %dma_start3A_1572 : memref<1x8x2048xf32, #tpu.memory_space<vmem>> -> memref<8x2048xf32, #tpu.memory_space<vmem>>
    %dma_start3A_1574 = arith.constant 224 : i32
    %dma_start3A_1575 = tpu.memref_slice %arg5[%dma_start3A_1574] : memref<256xi32, #tpu.memory_space<vmem>> -> memref<8xi32, #tpu.memory_space<vmem>>
    %dma_start3A_1576 = arith.constant 0 : i32
    %dma_start3A_1577 = arith.constant 0 : i32
    %dma_start3A_1578 = tpu.memref_slice %arg3[%dma_start3A_1576, %dma_start3A_1577] : memref<32000x2048xf32, #tpu.memory_space<hbm>> -> memref<32000x2048xf32, #tpu.memory_space<hbm>>
    %dma_start3A_1579 = tpu.memref_slice %arg7[%dma_start3A_1569] : memref<6x!tpu.dma_semaphore, #tpu.memory_space<semaphore_mem>> -> memref<1x!tpu.dma_semaphore, #tpu.memory_space<semaphore_mem>>
    %dma_start3A_1580 = tpu.memref_squeeze %dma_start3A_1579 : memref<1x!tpu.dma_semaphore, #tpu.memory_space<semaphore_mem>> -> memref<!tpu.dma_semaphore, #tpu.memory_space<semaphore_mem>>
    tpu.enqueue_indirect_dma source(%dma_start3A_1578 : memref<32000x2048xf32, #tpu.memory_space<hbm>>) target(%dma_start3A_1573 : memref<8x2048xf32, #tpu.memory_space<vmem>>) offsets(%dma_start3A_1575 : memref<8xi32, #tpu.memory_space<vmem>>) semaphore(%dma_start3A_1580 : memref<!tpu.dma_semaphore, #tpu.memory_space<semaphore_mem>>)
    %dma_wait3A_1581 = arith.constant 5 : i32
    %dma_wait3A_1582 = arith.constant 5 : i32
    %dma_wait3A_1583 = arith.constant 0 : i32
    %dma_wait3A_1584 = arith.constant 0 : i32
    %dma_wait3A_1585 = tpu.memref_slice %arg6[%dma_wait3A_1581, %dma_wait3A_1583, %dma_wait3A_1584] : memref<6x8x2048xf32, #tpu.memory_space<vmem>> -> memref<1x8x2048xf32, #tpu.memory_space<vmem>>
    %dma_wait3A_1586 = tpu.memref_squeeze %dma_wait3A_1585 : memref<1x8x2048xf32, #tpu.memory_space<vmem>> -> memref<8x2048xf32, #tpu.memory_space<vmem>>
    %dma_wait3A_1587 = arith.constant 184 : i32
    %dma_wait3A_1588 = tpu.memref_slice %arg5[%dma_wait3A_1587] : memref<256xi32, #tpu.memory_space<vmem>> -> memref<8xi32, #tpu.memory_space<vmem>>
    %dma_wait3A_1589 = arith.constant 0 : i32
    %dma_wait3A_1590 = arith.constant 0 : i32
    %dma_wait3A_1591 = tpu.memref_slice %arg3[%dma_wait3A_1589, %dma_wait3A_1590] : memref<32000x2048xf32, #tpu.memory_space<hbm>> -> memref<32000x2048xf32, #tpu.memory_space<hbm>>
    %dma_wait3A_1592 = tpu.memref_slice %arg7[%dma_wait3A_1582] : memref<6x!tpu.dma_semaphore, #tpu.memory_space<semaphore_mem>> -> memref<1x!tpu.dma_semaphore, #tpu.memory_space<semaphore_mem>>
    %dma_wait3A_1593 = tpu.memref_squeeze %dma_wait3A_1592 : memref<1x!tpu.dma_semaphore, #tpu.memory_space<semaphore_mem>> -> memref<!tpu.dma_semaphore, #tpu.memory_space<semaphore_mem>>
    tpu.wait_indirect_dma semaphore(%dma_wait3A_1593 : memref<!tpu.dma_semaphore, #tpu.memory_space<semaphore_mem>>) src(%dma_wait3A_1591 : memref<32000x2048xf32, #tpu.memory_space<hbm>>) dst(%dma_wait3A_1586 : memref<8x2048xf32, #tpu.memory_space<vmem>>)
    %add3A_1594 = arith.constant 184 : i32
    %add3A_1595 = arith.addi %mul3A_32, %add3A_1594 : i32
    %dma_start3A_1596 = arith.constant 5 : i32
    %dma_start3A_1597 = arith.constant 5 : i32
    %dma_start3A_1598 = arith.constant 0 : i32
    %dma_start3A_1599 = arith.constant 0 : i32
    %dma_start3A_1600 = tpu.memref_slice %arg6[%dma_start3A_1596, %dma_start3A_1598, %dma_start3A_1599] : memref<6x8x2048xf32, #tpu.memory_space<vmem>> -> memref<1x8x2048xf32, #tpu.memory_space<vmem>>
    %dma_start3A_1601 = tpu.memref_squeeze %dma_start3A_1600 : memref<1x8x2048xf32, #tpu.memory_space<vmem>> -> memref<8x2048xf32, #tpu.memory_space<vmem>>
    %dma_start3A_1602 = arith.constant 0 : i32
    %dma_start3A_1603 = tpu.memref_slice %arg4[%select_n3A, %add3A_1595, %dma_start3A_1602] : memref<2x4096x2048xf32, #tpu.memory_space<hbm>> -> memref<1x8x2048xf32, #tpu.memory_space<hbm>>
    %dma_start3A_1604 = tpu.memref_squeeze %dma_start3A_1603 : memref<1x8x2048xf32, #tpu.memory_space<hbm>> -> memref<8x2048xf32, #tpu.memory_space<hbm>>
    %dma_start3A_1605 = tpu.memref_slice %arg8[%dma_start3A_1597] : memref<6x!tpu.dma_semaphore, #tpu.memory_space<semaphore_mem>> -> memref<1x!tpu.dma_semaphore, #tpu.memory_space<semaphore_mem>>
    %dma_start3A_1606 = tpu.memref_squeeze %dma_start3A_1605 : memref<1x!tpu.dma_semaphore, #tpu.memory_space<semaphore_mem>> -> memref<!tpu.dma_semaphore, #tpu.memory_space<semaphore_mem>>
    %dma_start3A_1607 = arith.constant 0 : i32
    %dma_start3A_1608 = tpu.memref_slice %arg4[%select_n3A, %add3A_1595, %dma_start3A_1607] : memref<2x4096x2048xf32, #tpu.memory_space<hbm>> -> memref<1x8x2048xf32, #tpu.memory_space<hbm>>
    %dma_start3A_1609 = tpu.memref_squeeze %dma_start3A_1608 : memref<1x8x2048xf32, #tpu.memory_space<hbm>> -> memref<8x2048xf32, #tpu.memory_space<hbm>>
    %dma_start3A_1610 = arith.constant 0 : i32
    %dma_start3A_1611 = arith.constant 0 : i32
    %dma_start3A_1612 = tpu.memref_slice %arg6[%dma_start3A_1596, %dma_start3A_1610, %dma_start3A_1611] : memref<6x8x2048xf32, #tpu.memory_space<vmem>> -> memref<1x8x2048xf32, #tpu.memory_space<vmem>>
    %dma_start3A_1613 = tpu.memref_squeeze %dma_start3A_1612 : memref<1x8x2048xf32, #tpu.memory_space<vmem>> -> memref<8x2048xf32, #tpu.memory_space<vmem>>
    tpu.enqueue_dma source(%dma_start3A_1613 : memref<8x2048xf32, #tpu.memory_space<vmem>>) target(%dma_start3A_1609 : memref<8x2048xf32, #tpu.memory_space<hbm>>) target_semaphore(%dma_start3A_1606 : memref<!tpu.dma_semaphore, #tpu.memory_space<semaphore_mem>>)
    %dma_wait3A_1614 = arith.constant 5 : i32
    %dma_wait3A_1615 = arith.constant 5 : i32
    %dma_wait3A_1616 = arith.constant 0 : i32
    %dma_wait3A_1617 = arith.constant 0 : i32
    %dma_wait3A_1618 = tpu.memref_slice %arg6[%dma_wait3A_1614, %dma_wait3A_1616, %dma_wait3A_1617] : memref<6x8x2048xf32, #tpu.memory_space<vmem>> -> memref<1x8x2048xf32, #tpu.memory_space<vmem>>
    %dma_wait3A_1619 = tpu.memref_squeeze %dma_wait3A_1618 : memref<1x8x2048xf32, #tpu.memory_space<vmem>> -> memref<8x2048xf32, #tpu.memory_space<vmem>>
    %dma_wait3A_1620 = arith.constant 0 : i32
    %dma_wait3A_1621 = tpu.memref_slice %arg4[%select_n3A, %add3A_1595, %dma_wait3A_1620] : memref<2x4096x2048xf32, #tpu.memory_space<hbm>> -> memref<1x8x2048xf32, #tpu.memory_space<hbm>>
    %dma_wait3A_1622 = tpu.memref_squeeze %dma_wait3A_1621 : memref<1x8x2048xf32, #tpu.memory_space<hbm>> -> memref<8x2048xf32, #tpu.memory_space<hbm>>
    %dma_wait3A_1623 = tpu.memref_slice %arg8[%dma_wait3A_1615] : memref<6x!tpu.dma_semaphore, #tpu.memory_space<semaphore_mem>> -> memref<1x!tpu.dma_semaphore, #tpu.memory_space<semaphore_mem>>
    %dma_wait3A_1624 = tpu.memref_squeeze %dma_wait3A_1623 : memref<1x!tpu.dma_semaphore, #tpu.memory_space<semaphore_mem>> -> memref<!tpu.dma_semaphore, #tpu.memory_space<semaphore_mem>>
    %dma_wait3A_1625 = arith.constant 0 : i32
    %dma_wait3A_1626 = tpu.memref_slice %arg4[%select_n3A, %add3A_1595, %dma_wait3A_1625] : memref<2x4096x2048xf32, #tpu.memory_space<hbm>> -> memref<1x8x2048xf32, #tpu.memory_space<hbm>>
    %dma_wait3A_1627 = tpu.memref_squeeze %dma_wait3A_1626 : memref<1x8x2048xf32, #tpu.memory_space<hbm>> -> memref<8x2048xf32, #tpu.memory_space<hbm>>
    %dma_wait3A_1628 = arith.constant 0 : i32
    %dma_wait3A_1629 = arith.constant 0 : i32
    %dma_wait3A_1630 = tpu.memref_slice %arg6[%dma_wait3A_1614, %dma_wait3A_1628, %dma_wait3A_1629] : memref<6x8x2048xf32, #tpu.memory_space<vmem>> -> memref<1x8x2048xf32, #tpu.memory_space<vmem>>
    %dma_wait3A_1631 = tpu.memref_squeeze %dma_wait3A_1630 : memref<1x8x2048xf32, #tpu.memory_space<vmem>> -> memref<8x2048xf32, #tpu.memory_space<vmem>>
    tpu.wait_dma2 semaphore(%dma_wait3A_1624 : memref<!tpu.dma_semaphore, #tpu.memory_space<semaphore_mem>>) src(%dma_wait3A_1631 : memref<8x2048xf32, #tpu.memory_space<vmem>>) dst(%dma_wait3A_1627 : memref<8x2048xf32, #tpu.memory_space<hbm>>)
    %dma_start3A_1632 = arith.constant 5 : i32
    %dma_start3A_1633 = arith.constant 5 : i32
    %dma_start3A_1634 = arith.constant 0 : i32
    %dma_start3A_1635 = arith.constant 0 : i32
    %dma_start3A_1636 = tpu.memref_slice %arg6[%dma_start3A_1632, %dma_start3A_1634, %dma_start3A_1635] : memref<6x8x2048xf32, #tpu.memory_space<vmem>> -> memref<1x8x2048xf32, #tpu.memory_space<vmem>>
    %dma_start3A_1637 = tpu.memref_squeeze %dma_start3A_1636 : memref<1x8x2048xf32, #tpu.memory_space<vmem>> -> memref<8x2048xf32, #tpu.memory_space<vmem>>
    %dma_start3A_1638 = arith.constant 232 : i32
    %dma_start3A_1639 = tpu.memref_slice %arg5[%dma_start3A_1638] : memref<256xi32, #tpu.memory_space<vmem>> -> memref<8xi32, #tpu.memory_space<vmem>>
    %dma_start3A_1640 = arith.constant 0 : i32
    %dma_start3A_1641 = arith.constant 0 : i32
    %dma_start3A_1642 = tpu.memref_slice %arg3[%dma_start3A_1640, %dma_start3A_1641] : memref<32000x2048xf32, #tpu.memory_space<hbm>> -> memref<32000x2048xf32, #tpu.memory_space<hbm>>
    %dma_start3A_1643 = tpu.memref_slice %arg7[%dma_start3A_1633] : memref<6x!tpu.dma_semaphore, #tpu.memory_space<semaphore_mem>> -> memref<1x!tpu.dma_semaphore, #tpu.memory_space<semaphore_mem>>
    %dma_start3A_1644 = tpu.memref_squeeze %dma_start3A_1643 : memref<1x!tpu.dma_semaphore, #tpu.memory_space<semaphore_mem>> -> memref<!tpu.dma_semaphore, #tpu.memory_space<semaphore_mem>>
    tpu.enqueue_indirect_dma source(%dma_start3A_1642 : memref<32000x2048xf32, #tpu.memory_space<hbm>>) target(%dma_start3A_1637 : memref<8x2048xf32, #tpu.memory_space<vmem>>) offsets(%dma_start3A_1639 : memref<8xi32, #tpu.memory_space<vmem>>) semaphore(%dma_start3A_1644 : memref<!tpu.dma_semaphore, #tpu.memory_space<semaphore_mem>>)
    %dma_wait3A_1645 = arith.constant 0 : i32
    %dma_wait3A_1646 = arith.constant 0 : i32
    %dma_wait3A_1647 = arith.constant 0 : i32
    %dma_wait3A_1648 = arith.constant 0 : i32
    %dma_wait3A_1649 = tpu.memref_slice %arg6[%dma_wait3A_1645, %dma_wait3A_1647, %dma_wait3A_1648] : memref<6x8x2048xf32, #tpu.memory_space<vmem>> -> memref<1x8x2048xf32, #tpu.memory_space<vmem>>
    %dma_wait3A_1650 = tpu.memref_squeeze %dma_wait3A_1649 : memref<1x8x2048xf32, #tpu.memory_space<vmem>> -> memref<8x2048xf32, #tpu.memory_space<vmem>>
    %dma_wait3A_1651 = arith.constant 192 : i32
    %dma_wait3A_1652 = tpu.memref_slice %arg5[%dma_wait3A_1651] : memref<256xi32, #tpu.memory_space<vmem>> -> memref<8xi32, #tpu.memory_space<vmem>>
    %dma_wait3A_1653 = arith.constant 0 : i32
    %dma_wait3A_1654 = arith.constant 0 : i32
    %dma_wait3A_1655 = tpu.memref_slice %arg3[%dma_wait3A_1653, %dma_wait3A_1654] : memref<32000x2048xf32, #tpu.memory_space<hbm>> -> memref<32000x2048xf32, #tpu.memory_space<hbm>>
    %dma_wait3A_1656 = tpu.memref_slice %arg7[%dma_wait3A_1646] : memref<6x!tpu.dma_semaphore, #tpu.memory_space<semaphore_mem>> -> memref<1x!tpu.dma_semaphore, #tpu.memory_space<semaphore_mem>>
    %dma_wait3A_1657 = tpu.memref_squeeze %dma_wait3A_1656 : memref<1x!tpu.dma_semaphore, #tpu.memory_space<semaphore_mem>> -> memref<!tpu.dma_semaphore, #tpu.memory_space<semaphore_mem>>
    tpu.wait_indirect_dma semaphore(%dma_wait3A_1657 : memref<!tpu.dma_semaphore, #tpu.memory_space<semaphore_mem>>) src(%dma_wait3A_1655 : memref<32000x2048xf32, #tpu.memory_space<hbm>>) dst(%dma_wait3A_1650 : memref<8x2048xf32, #tpu.memory_space<vmem>>)
    %add3A_1658 = arith.constant 192 : i32
    %add3A_1659 = arith.addi %mul3A_32, %add3A_1658 : i32
    %dma_start3A_1660 = arith.constant 0 : i32
    %dma_start3A_1661 = arith.constant 0 : i32
    %dma_start3A_1662 = arith.constant 0 : i32
    %dma_start3A_1663 = arith.constant 0 : i32
    %dma_start3A_1664 = tpu.memref_slice %arg6[%dma_start3A_1660, %dma_start3A_1662, %dma_start3A_1663] : memref<6x8x2048xf32, #tpu.memory_space<vmem>> -> memref<1x8x2048xf32, #tpu.memory_space<vmem>>
    %dma_start3A_1665 = tpu.memref_squeeze %dma_start3A_1664 : memref<1x8x2048xf32, #tpu.memory_space<vmem>> -> memref<8x2048xf32, #tpu.memory_space<vmem>>
    %dma_start3A_1666 = arith.constant 0 : i32
    %dma_start3A_1667 = tpu.memref_slice %arg4[%select_n3A, %add3A_1659, %dma_start3A_1666] : memref<2x4096x2048xf32, #tpu.memory_space<hbm>> -> memref<1x8x2048xf32, #tpu.memory_space<hbm>>
    %dma_start3A_1668 = tpu.memref_squeeze %dma_start3A_1667 : memref<1x8x2048xf32, #tpu.memory_space<hbm>> -> memref<8x2048xf32, #tpu.memory_space<hbm>>
    %dma_start3A_1669 = tpu.memref_slice %arg8[%dma_start3A_1661] : memref<6x!tpu.dma_semaphore, #tpu.memory_space<semaphore_mem>> -> memref<1x!tpu.dma_semaphore, #tpu.memory_space<semaphore_mem>>
    %dma_start3A_1670 = tpu.memref_squeeze %dma_start3A_1669 : memref<1x!tpu.dma_semaphore, #tpu.memory_space<semaphore_mem>> -> memref<!tpu.dma_semaphore, #tpu.memory_space<semaphore_mem>>
    %dma_start3A_1671 = arith.constant 0 : i32
    %dma_start3A_1672 = tpu.memref_slice %arg4[%select_n3A, %add3A_1659, %dma_start3A_1671] : memref<2x4096x2048xf32, #tpu.memory_space<hbm>> -> memref<1x8x2048xf32, #tpu.memory_space<hbm>>
    %dma_start3A_1673 = tpu.memref_squeeze %dma_start3A_1672 : memref<1x8x2048xf32, #tpu.memory_space<hbm>> -> memref<8x2048xf32, #tpu.memory_space<hbm>>
    %dma_start3A_1674 = arith.constant 0 : i32
    %dma_start3A_1675 = arith.constant 0 : i32
    %dma_start3A_1676 = tpu.memref_slice %arg6[%dma_start3A_1660, %dma_start3A_1674, %dma_start3A_1675] : memref<6x8x2048xf32, #tpu.memory_space<vmem>> -> memref<1x8x2048xf32, #tpu.memory_space<vmem>>
    %dma_start3A_1677 = tpu.memref_squeeze %dma_start3A_1676 : memref<1x8x2048xf32, #tpu.memory_space<vmem>> -> memref<8x2048xf32, #tpu.memory_space<vmem>>
    tpu.enqueue_dma source(%dma_start3A_1677 : memref<8x2048xf32, #tpu.memory_space<vmem>>) target(%dma_start3A_1673 : memref<8x2048xf32, #tpu.memory_space<hbm>>) target_semaphore(%dma_start3A_1670 : memref<!tpu.dma_semaphore, #tpu.memory_space<semaphore_mem>>)
    %dma_wait3A_1678 = arith.constant 0 : i32
    %dma_wait3A_1679 = arith.constant 0 : i32
    %dma_wait3A_1680 = arith.constant 0 : i32
    %dma_wait3A_1681 = arith.constant 0 : i32
    %dma_wait3A_1682 = tpu.memref_slice %arg6[%dma_wait3A_1678, %dma_wait3A_1680, %dma_wait3A_1681] : memref<6x8x2048xf32, #tpu.memory_space<vmem>> -> memref<1x8x2048xf32, #tpu.memory_space<vmem>>
    %dma_wait3A_1683 = tpu.memref_squeeze %dma_wait3A_1682 : memref<1x8x2048xf32, #tpu.memory_space<vmem>> -> memref<8x2048xf32, #tpu.memory_space<vmem>>
    %dma_wait3A_1684 = arith.constant 0 : i32
    %dma_wait3A_1685 = tpu.memref_slice %arg4[%select_n3A, %add3A_1659, %dma_wait3A_1684] : memref<2x4096x2048xf32, #tpu.memory_space<hbm>> -> memref<1x8x2048xf32, #tpu.memory_space<hbm>>
    %dma_wait3A_1686 = tpu.memref_squeeze %dma_wait3A_1685 : memref<1x8x2048xf32, #tpu.memory_space<hbm>> -> memref<8x2048xf32, #tpu.memory_space<hbm>>
    %dma_wait3A_1687 = tpu.memref_slice %arg8[%dma_wait3A_1679] : memref<6x!tpu.dma_semaphore, #tpu.memory_space<semaphore_mem>> -> memref<1x!tpu.dma_semaphore, #tpu.memory_space<semaphore_mem>>
    %dma_wait3A_1688 = tpu.memref_squeeze %dma_wait3A_1687 : memref<1x!tpu.dma_semaphore, #tpu.memory_space<semaphore_mem>> -> memref<!tpu.dma_semaphore, #tpu.memory_space<semaphore_mem>>
    %dma_wait3A_1689 = arith.constant 0 : i32
    %dma_wait3A_1690 = tpu.memref_slice %arg4[%select_n3A, %add3A_1659, %dma_wait3A_1689] : memref<2x4096x2048xf32, #tpu.memory_space<hbm>> -> memref<1x8x2048xf32, #tpu.memory_space<hbm>>
    %dma_wait3A_1691 = tpu.memref_squeeze %dma_wait3A_1690 : memref<1x8x2048xf32, #tpu.memory_space<hbm>> -> memref<8x2048xf32, #tpu.memory_space<hbm>>
    %dma_wait3A_1692 = arith.constant 0 : i32
    %dma_wait3A_1693 = arith.constant 0 : i32
    %dma_wait3A_1694 = tpu.memref_slice %arg6[%dma_wait3A_1678, %dma_wait3A_1692, %dma_wait3A_1693] : memref<6x8x2048xf32, #tpu.memory_space<vmem>> -> memref<1x8x2048xf32, #tpu.memory_space<vmem>>
    %dma_wait3A_1695 = tpu.memref_squeeze %dma_wait3A_1694 : memref<1x8x2048xf32, #tpu.memory_space<vmem>> -> memref<8x2048xf32, #tpu.memory_space<vmem>>
    tpu.wait_dma2 semaphore(%dma_wait3A_1688 : memref<!tpu.dma_semaphore, #tpu.memory_space<semaphore_mem>>) src(%dma_wait3A_1695 : memref<8x2048xf32, #tpu.memory_space<vmem>>) dst(%dma_wait3A_1691 : memref<8x2048xf32, #tpu.memory_space<hbm>>)
    %dma_start3A_1696 = arith.constant 0 : i32
    %dma_start3A_1697 = arith.constant 0 : i32
    %dma_start3A_1698 = arith.constant 0 : i32
    %dma_start3A_1699 = arith.constant 0 : i32
    %dma_start3A_1700 = tpu.memref_slice %arg6[%dma_start3A_1696, %dma_start3A_1698, %dma_start3A_1699] : memref<6x8x2048xf32, #tpu.memory_space<vmem>> -> memref<1x8x2048xf32, #tpu.memory_space<vmem>>
    %dma_start3A_1701 = tpu.memref_squeeze %dma_start3A_1700 : memref<1x8x2048xf32, #tpu.memory_space<vmem>> -> memref<8x2048xf32, #tpu.memory_space<vmem>>
    %dma_start3A_1702 = arith.constant 240 : i32
    %dma_start3A_1703 = tpu.memref_slice %arg5[%dma_start3A_1702] : memref<256xi32, #tpu.memory_space<vmem>> -> memref<8xi32, #tpu.memory_space<vmem>>
    %dma_start3A_1704 = arith.constant 0 : i32
    %dma_start3A_1705 = arith.constant 0 : i32
    %dma_start3A_1706 = tpu.memref_slice %arg3[%dma_start3A_1704, %dma_start3A_1705] : memref<32000x2048xf32, #tpu.memory_space<hbm>> -> memref<32000x2048xf32, #tpu.memory_space<hbm>>
    %dma_start3A_1707 = tpu.memref_slice %arg7[%dma_start3A_1697] : memref<6x!tpu.dma_semaphore, #tpu.memory_space<semaphore_mem>> -> memref<1x!tpu.dma_semaphore, #tpu.memory_space<semaphore_mem>>
    %dma_start3A_1708 = tpu.memref_squeeze %dma_start3A_1707 : memref<1x!tpu.dma_semaphore, #tpu.memory_space<semaphore_mem>> -> memref<!tpu.dma_semaphore, #tpu.memory_space<semaphore_mem>>
    tpu.enqueue_indirect_dma source(%dma_start3A_1706 : memref<32000x2048xf32, #tpu.memory_space<hbm>>) target(%dma_start3A_1701 : memref<8x2048xf32, #tpu.memory_space<vmem>>) offsets(%dma_start3A_1703 : memref<8xi32, #tpu.memory_space<vmem>>) semaphore(%dma_start3A_1708 : memref<!tpu.dma_semaphore, #tpu.memory_space<semaphore_mem>>)
    %dma_wait3A_1709 = arith.constant 1 : i32
    %dma_wait3A_1710 = arith.constant 1 : i32
    %dma_wait3A_1711 = arith.constant 0 : i32
    %dma_wait3A_1712 = arith.constant 0 : i32
    %dma_wait3A_1713 = tpu.memref_slice %arg6[%dma_wait3A_1709, %dma_wait3A_1711, %dma_wait3A_1712] : memref<6x8x2048xf32, #tpu.memory_space<vmem>> -> memref<1x8x2048xf32, #tpu.memory_space<vmem>>
    %dma_wait3A_1714 = tpu.memref_squeeze %dma_wait3A_1713 : memref<1x8x2048xf32, #tpu.memory_space<vmem>> -> memref<8x2048xf32, #tpu.memory_space<vmem>>
    %dma_wait3A_1715 = arith.constant 200 : i32
    %dma_wait3A_1716 = tpu.memref_slice %arg5[%dma_wait3A_1715] : memref<256xi32, #tpu.memory_space<vmem>> -> memref<8xi32, #tpu.memory_space<vmem>>
    %dma_wait3A_1717 = arith.constant 0 : i32
    %dma_wait3A_1718 = arith.constant 0 : i32
    %dma_wait3A_1719 = tpu.memref_slice %arg3[%dma_wait3A_1717, %dma_wait3A_1718] : memref<32000x2048xf32, #tpu.memory_space<hbm>> -> memref<32000x2048xf32, #tpu.memory_space<hbm>>
    %dma_wait3A_1720 = tpu.memref_slice %arg7[%dma_wait3A_1710] : memref<6x!tpu.dma_semaphore, #tpu.memory_space<semaphore_mem>> -> memref<1x!tpu.dma_semaphore, #tpu.memory_space<semaphore_mem>>
    %dma_wait3A_1721 = tpu.memref_squeeze %dma_wait3A_1720 : memref<1x!tpu.dma_semaphore, #tpu.memory_space<semaphore_mem>> -> memref<!tpu.dma_semaphore, #tpu.memory_space<semaphore_mem>>
    tpu.wait_indirect_dma semaphore(%dma_wait3A_1721 : memref<!tpu.dma_semaphore, #tpu.memory_space<semaphore_mem>>) src(%dma_wait3A_1719 : memref<32000x2048xf32, #tpu.memory_space<hbm>>) dst(%dma_wait3A_1714 : memref<8x2048xf32, #tpu.memory_space<vmem>>)
    %add3A_1722 = arith.constant 200 : i32
    %add3A_1723 = arith.addi %mul3A_32, %add3A_1722 : i32
    %dma_start3A_1724 = arith.constant 1 : i32
    %dma_start3A_1725 = arith.constant 1 : i32
    %dma_start3A_1726 = arith.constant 0 : i32
    %dma_start3A_1727 = arith.constant 0 : i32
    %dma_start3A_1728 = tpu.memref_slice %arg6[%dma_start3A_1724, %dma_start3A_1726, %dma_start3A_1727] : memref<6x8x2048xf32, #tpu.memory_space<vmem>> -> memref<1x8x2048xf32, #tpu.memory_space<vmem>>
    %dma_start3A_1729 = tpu.memref_squeeze %dma_start3A_1728 : memref<1x8x2048xf32, #tpu.memory_space<vmem>> -> memref<8x2048xf32, #tpu.memory_space<vmem>>
    %dma_start3A_1730 = arith.constant 0 : i32
    %dma_start3A_1731 = tpu.memref_slice %arg4[%select_n3A, %add3A_1723, %dma_start3A_1730] : memref<2x4096x2048xf32, #tpu.memory_space<hbm>> -> memref<1x8x2048xf32, #tpu.memory_space<hbm>>
    %dma_start3A_1732 = tpu.memref_squeeze %dma_start3A_1731 : memref<1x8x2048xf32, #tpu.memory_space<hbm>> -> memref<8x2048xf32, #tpu.memory_space<hbm>>
    %dma_start3A_1733 = tpu.memref_slice %arg8[%dma_start3A_1725] : memref<6x!tpu.dma_semaphore, #tpu.memory_space<semaphore_mem>> -> memref<1x!tpu.dma_semaphore, #tpu.memory_space<semaphore_mem>>
    %dma_start3A_1734 = tpu.memref_squeeze %dma_start3A_1733 : memref<1x!tpu.dma_semaphore, #tpu.memory_space<semaphore_mem>> -> memref<!tpu.dma_semaphore, #tpu.memory_space<semaphore_mem>>
    %dma_start3A_1735 = arith.constant 0 : i32
    %dma_start3A_1736 = tpu.memref_slice %arg4[%select_n3A, %add3A_1723, %dma_start3A_1735] : memref<2x4096x2048xf32, #tpu.memory_space<hbm>> -> memref<1x8x2048xf32, #tpu.memory_space<hbm>>
    %dma_start3A_1737 = tpu.memref_squeeze %dma_start3A_1736 : memref<1x8x2048xf32, #tpu.memory_space<hbm>> -> memref<8x2048xf32, #tpu.memory_space<hbm>>
    %dma_start3A_1738 = arith.constant 0 : i32
    %dma_start3A_1739 = arith.constant 0 : i32
    %dma_start3A_1740 = tpu.memref_slice %arg6[%dma_start3A_1724, %dma_start3A_1738, %dma_start3A_1739] : memref<6x8x2048xf32, #tpu.memory_space<vmem>> -> memref<1x8x2048xf32, #tpu.memory_space<vmem>>
    %dma_start3A_1741 = tpu.memref_squeeze %dma_start3A_1740 : memref<1x8x2048xf32, #tpu.memory_space<vmem>> -> memref<8x2048xf32, #tpu.memory_space<vmem>>
    tpu.enqueue_dma source(%dma_start3A_1741 : memref<8x2048xf32, #tpu.memory_space<vmem>>) target(%dma_start3A_1737 : memref<8x2048xf32, #tpu.memory_space<hbm>>) target_semaphore(%dma_start3A_1734 : memref<!tpu.dma_semaphore, #tpu.memory_space<semaphore_mem>>)
    %dma_wait3A_1742 = arith.constant 1 : i32
    %dma_wait3A_1743 = arith.constant 1 : i32
    %dma_wait3A_1744 = arith.constant 0 : i32
    %dma_wait3A_1745 = arith.constant 0 : i32
    %dma_wait3A_1746 = tpu.memref_slice %arg6[%dma_wait3A_1742, %dma_wait3A_1744, %dma_wait3A_1745] : memref<6x8x2048xf32, #tpu.memory_space<vmem>> -> memref<1x8x2048xf32, #tpu.memory_space<vmem>>
    %dma_wait3A_1747 = tpu.memref_squeeze %dma_wait3A_1746 : memref<1x8x2048xf32, #tpu.memory_space<vmem>> -> memref<8x2048xf32, #tpu.memory_space<vmem>>
    %dma_wait3A_1748 = arith.constant 0 : i32
    %dma_wait3A_1749 = tpu.memref_slice %arg4[%select_n3A, %add3A_1723, %dma_wait3A_1748] : memref<2x4096x2048xf32, #tpu.memory_space<hbm>> -> memref<1x8x2048xf32, #tpu.memory_space<hbm>>
    %dma_wait3A_1750 = tpu.memref_squeeze %dma_wait3A_1749 : memref<1x8x2048xf32, #tpu.memory_space<hbm>> -> memref<8x2048xf32, #tpu.memory_space<hbm>>
    %dma_wait3A_1751 = tpu.memref_slice %arg8[%dma_wait3A_1743] : memref<6x!tpu.dma_semaphore, #tpu.memory_space<semaphore_mem>> -> memref<1x!tpu.dma_semaphore, #tpu.memory_space<semaphore_mem>>
    %dma_wait3A_1752 = tpu.memref_squeeze %dma_wait3A_1751 : memref<1x!tpu.dma_semaphore, #tpu.memory_space<semaphore_mem>> -> memref<!tpu.dma_semaphore, #tpu.memory_space<semaphore_mem>>
    %dma_wait3A_1753 = arith.constant 0 : i32
    %dma_wait3A_1754 = tpu.memref_slice %arg4[%select_n3A, %add3A_1723, %dma_wait3A_1753] : memref<2x4096x2048xf32, #tpu.memory_space<hbm>> -> memref<1x8x2048xf32, #tpu.memory_space<hbm>>
    %dma_wait3A_1755 = tpu.memref_squeeze %dma_wait3A_1754 : memref<1x8x2048xf32, #tpu.memory_space<hbm>> -> memref<8x2048xf32, #tpu.memory_space<hbm>>
    %dma_wait3A_1756 = arith.constant 0 : i32
    %dma_wait3A_1757 = arith.constant 0 : i32
    %dma_wait3A_1758 = tpu.memref_slice %arg6[%dma_wait3A_1742, %dma_wait3A_1756, %dma_wait3A_1757] : memref<6x8x2048xf32, #tpu.memory_space<vmem>> -> memref<1x8x2048xf32, #tpu.memory_space<vmem>>
    %dma_wait3A_1759 = tpu.memref_squeeze %dma_wait3A_1758 : memref<1x8x2048xf32, #tpu.memory_space<vmem>> -> memref<8x2048xf32, #tpu.memory_space<vmem>>
    tpu.wait_dma2 semaphore(%dma_wait3A_1752 : memref<!tpu.dma_semaphore, #tpu.memory_space<semaphore_mem>>) src(%dma_wait3A_1759 : memref<8x2048xf32, #tpu.memory_space<vmem>>) dst(%dma_wait3A_1755 : memref<8x2048xf32, #tpu.memory_space<hbm>>)
    %dma_start3A_1760 = arith.constant 1 : i32
    %dma_start3A_1761 = arith.constant 1 : i32
    %dma_start3A_1762 = arith.constant 0 : i32
    %dma_start3A_1763 = arith.constant 0 : i32
    %dma_start3A_1764 = tpu.memref_slice %arg6[%dma_start3A_1760, %dma_start3A_1762, %dma_start3A_1763] : memref<6x8x2048xf32, #tpu.memory_space<vmem>> -> memref<1x8x2048xf32, #tpu.memory_space<vmem>>
    %dma_start3A_1765 = tpu.memref_squeeze %dma_start3A_1764 : memref<1x8x2048xf32, #tpu.memory_space<vmem>> -> memref<8x2048xf32, #tpu.memory_space<vmem>>
    %dma_start3A_1766 = arith.constant 248 : i32
    %dma_start3A_1767 = tpu.memref_slice %arg5[%dma_start3A_1766] : memref<256xi32, #tpu.memory_space<vmem>> -> memref<8xi32, #tpu.memory_space<vmem>>
    %dma_start3A_1768 = arith.constant 0 : i32
    %dma_start3A_1769 = arith.constant 0 : i32
    %dma_start3A_1770 = tpu.memref_slice %arg3[%dma_start3A_1768, %dma_start3A_1769] : memref<32000x2048xf32, #tpu.memory_space<hbm>> -> memref<32000x2048xf32, #tpu.memory_space<hbm>>
    %dma_start3A_1771 = tpu.memref_slice %arg7[%dma_start3A_1761] : memref<6x!tpu.dma_semaphore, #tpu.memory_space<semaphore_mem>> -> memref<1x!tpu.dma_semaphore, #tpu.memory_space<semaphore_mem>>
    %dma_start3A_1772 = tpu.memref_squeeze %dma_start3A_1771 : memref<1x!tpu.dma_semaphore, #tpu.memory_space<semaphore_mem>> -> memref<!tpu.dma_semaphore, #tpu.memory_space<semaphore_mem>>
    tpu.enqueue_indirect_dma source(%dma_start3A_1770 : memref<32000x2048xf32, #tpu.memory_space<hbm>>) target(%dma_start3A_1765 : memref<8x2048xf32, #tpu.memory_space<vmem>>) offsets(%dma_start3A_1767 : memref<8xi32, #tpu.memory_space<vmem>>) semaphore(%dma_start3A_1772 : memref<!tpu.dma_semaphore, #tpu.memory_space<semaphore_mem>>)
    %dma_wait3A_1773 = arith.constant 2 : i32
    %dma_wait3A_1774 = arith.constant 2 : i32
    %dma_wait3A_1775 = arith.constant 0 : i32
    %dma_wait3A_1776 = arith.constant 0 : i32
    %dma_wait3A_1777 = tpu.memref_slice %arg6[%dma_wait3A_1773, %dma_wait3A_1775, %dma_wait3A_1776] : memref<6x8x2048xf32, #tpu.memory_space<vmem>> -> memref<1x8x2048xf32, #tpu.memory_space<vmem>>
    %dma_wait3A_1778 = tpu.memref_squeeze %dma_wait3A_1777 : memref<1x8x2048xf32, #tpu.memory_space<vmem>> -> memref<8x2048xf32, #tpu.memory_space<vmem>>
    %dma_wait3A_1779 = arith.constant 208 : i32
    %dma_wait3A_1780 = tpu.memref_slice %arg5[%dma_wait3A_1779] : memref<256xi32, #tpu.memory_space<vmem>> -> memref<8xi32, #tpu.memory_space<vmem>>
    %dma_wait3A_1781 = arith.constant 0 : i32
    %dma_wait3A_1782 = arith.constant 0 : i32
    %dma_wait3A_1783 = tpu.memref_slice %arg3[%dma_wait3A_1781, %dma_wait3A_1782] : memref<32000x2048xf32, #tpu.memory_space<hbm>> -> memref<32000x2048xf32, #tpu.memory_space<hbm>>
    %dma_wait3A_1784 = tpu.memref_slice %arg7[%dma_wait3A_1774] : memref<6x!tpu.dma_semaphore, #tpu.memory_space<semaphore_mem>> -> memref<1x!tpu.dma_semaphore, #tpu.memory_space<semaphore_mem>>
    %dma_wait3A_1785 = tpu.memref_squeeze %dma_wait3A_1784 : memref<1x!tpu.dma_semaphore, #tpu.memory_space<semaphore_mem>> -> memref<!tpu.dma_semaphore, #tpu.memory_space<semaphore_mem>>
    tpu.wait_indirect_dma semaphore(%dma_wait3A_1785 : memref<!tpu.dma_semaphore, #tpu.memory_space<semaphore_mem>>) src(%dma_wait3A_1783 : memref<32000x2048xf32, #tpu.memory_space<hbm>>) dst(%dma_wait3A_1778 : memref<8x2048xf32, #tpu.memory_space<vmem>>)
    %add3A_1786 = arith.constant 208 : i32
    %add3A_1787 = arith.addi %mul3A_32, %add3A_1786 : i32
    %dma_start3A_1788 = arith.constant 2 : i32
    %dma_start3A_1789 = arith.constant 2 : i32
    %dma_start3A_1790 = arith.constant 0 : i32
    %dma_start3A_1791 = arith.constant 0 : i32
    %dma_start3A_1792 = tpu.memref_slice %arg6[%dma_start3A_1788, %dma_start3A_1790, %dma_start3A_1791] : memref<6x8x2048xf32, #tpu.memory_space<vmem>> -> memref<1x8x2048xf32, #tpu.memory_space<vmem>>
    %dma_start3A_1793 = tpu.memref_squeeze %dma_start3A_1792 : memref<1x8x2048xf32, #tpu.memory_space<vmem>> -> memref<8x2048xf32, #tpu.memory_space<vmem>>
    %dma_start3A_1794 = arith.constant 0 : i32
    %dma_start3A_1795 = tpu.memref_slice %arg4[%select_n3A, %add3A_1787, %dma_start3A_1794] : memref<2x4096x2048xf32, #tpu.memory_space<hbm>> -> memref<1x8x2048xf32, #tpu.memory_space<hbm>>
    %dma_start3A_1796 = tpu.memref_squeeze %dma_start3A_1795 : memref<1x8x2048xf32, #tpu.memory_space<hbm>> -> memref<8x2048xf32, #tpu.memory_space<hbm>>
    %dma_start3A_1797 = tpu.memref_slice %arg8[%dma_start3A_1789] : memref<6x!tpu.dma_semaphore, #tpu.memory_space<semaphore_mem>> -> memref<1x!tpu.dma_semaphore, #tpu.memory_space<semaphore_mem>>
    %dma_start3A_1798 = tpu.memref_squeeze %dma_start3A_1797 : memref<1x!tpu.dma_semaphore, #tpu.memory_space<semaphore_mem>> -> memref<!tpu.dma_semaphore, #tpu.memory_space<semaphore_mem>>
    %dma_start3A_1799 = arith.constant 0 : i32
    %dma_start3A_1800 = tpu.memref_slice %arg4[%select_n3A, %add3A_1787, %dma_start3A_1799] : memref<2x4096x2048xf32, #tpu.memory_space<hbm>> -> memref<1x8x2048xf32, #tpu.memory_space<hbm>>
    %dma_start3A_1801 = tpu.memref_squeeze %dma_start3A_1800 : memref<1x8x2048xf32, #tpu.memory_space<hbm>> -> memref<8x2048xf32, #tpu.memory_space<hbm>>
    %dma_start3A_1802 = arith.constant 0 : i32
    %dma_start3A_1803 = arith.constant 0 : i32
    %dma_start3A_1804 = tpu.memref_slice %arg6[%dma_start3A_1788, %dma_start3A_1802, %dma_start3A_1803] : memref<6x8x2048xf32, #tpu.memory_space<vmem>> -> memref<1x8x2048xf32, #tpu.memory_space<vmem>>
    %dma_start3A_1805 = tpu.memref_squeeze %dma_start3A_1804 : memref<1x8x2048xf32, #tpu.memory_space<vmem>> -> memref<8x2048xf32, #tpu.memory_space<vmem>>
    tpu.enqueue_dma source(%dma_start3A_1805 : memref<8x2048xf32, #tpu.memory_space<vmem>>) target(%dma_start3A_1801 : memref<8x2048xf32, #tpu.memory_space<hbm>>) target_semaphore(%dma_start3A_1798 : memref<!tpu.dma_semaphore, #tpu.memory_space<semaphore_mem>>)
    %dma_wait3A_1806 = arith.constant 3 : i32
    %dma_wait3A_1807 = arith.constant 3 : i32
    %dma_wait3A_1808 = arith.constant 0 : i32
    %dma_wait3A_1809 = arith.constant 0 : i32
    %dma_wait3A_1810 = tpu.memref_slice %arg6[%dma_wait3A_1806, %dma_wait3A_1808, %dma_wait3A_1809] : memref<6x8x2048xf32, #tpu.memory_space<vmem>> -> memref<1x8x2048xf32, #tpu.memory_space<vmem>>
    %dma_wait3A_1811 = tpu.memref_squeeze %dma_wait3A_1810 : memref<1x8x2048xf32, #tpu.memory_space<vmem>> -> memref<8x2048xf32, #tpu.memory_space<vmem>>
    %dma_wait3A_1812 = arith.constant 216 : i32
    %dma_wait3A_1813 = tpu.memref_slice %arg5[%dma_wait3A_1812] : memref<256xi32, #tpu.memory_space<vmem>> -> memref<8xi32, #tpu.memory_space<vmem>>
    %dma_wait3A_1814 = arith.constant 0 : i32
    %dma_wait3A_1815 = arith.constant 0 : i32
    %dma_wait3A_1816 = tpu.memref_slice %arg3[%dma_wait3A_1814, %dma_wait3A_1815] : memref<32000x2048xf32, #tpu.memory_space<hbm>> -> memref<32000x2048xf32, #tpu.memory_space<hbm>>
    %dma_wait3A_1817 = tpu.memref_slice %arg7[%dma_wait3A_1807] : memref<6x!tpu.dma_semaphore, #tpu.memory_space<semaphore_mem>> -> memref<1x!tpu.dma_semaphore, #tpu.memory_space<semaphore_mem>>
    %dma_wait3A_1818 = tpu.memref_squeeze %dma_wait3A_1817 : memref<1x!tpu.dma_semaphore, #tpu.memory_space<semaphore_mem>> -> memref<!tpu.dma_semaphore, #tpu.memory_space<semaphore_mem>>
    tpu.wait_indirect_dma semaphore(%dma_wait3A_1818 : memref<!tpu.dma_semaphore, #tpu.memory_space<semaphore_mem>>) src(%dma_wait3A_1816 : memref<32000x2048xf32, #tpu.memory_space<hbm>>) dst(%dma_wait3A_1811 : memref<8x2048xf32, #tpu.memory_space<vmem>>)
    %add3A_1819 = arith.constant 216 : i32
    %add3A_1820 = arith.addi %mul3A_32, %add3A_1819 : i32
    %dma_start3A_1821 = arith.constant 3 : i32
    %dma_start3A_1822 = arith.constant 3 : i32
    %dma_start3A_1823 = arith.constant 0 : i32
    %dma_start3A_1824 = arith.constant 0 : i32
    %dma_start3A_1825 = tpu.memref_slice %arg6[%dma_start3A_1821, %dma_start3A_1823, %dma_start3A_1824] : memref<6x8x2048xf32, #tpu.memory_space<vmem>> -> memref<1x8x2048xf32, #tpu.memory_space<vmem>>
    %dma_start3A_1826 = tpu.memref_squeeze %dma_start3A_1825 : memref<1x8x2048xf32, #tpu.memory_space<vmem>> -> memref<8x2048xf32, #tpu.memory_space<vmem>>
    %dma_start3A_1827 = arith.constant 0 : i32
    %dma_start3A_1828 = tpu.memref_slice %arg4[%select_n3A, %add3A_1820, %dma_start3A_1827] : memref<2x4096x2048xf32, #tpu.memory_space<hbm>> -> memref<1x8x2048xf32, #tpu.memory_space<hbm>>
    %dma_start3A_1829 = tpu.memref_squeeze %dma_start3A_1828 : memref<1x8x2048xf32, #tpu.memory_space<hbm>> -> memref<8x2048xf32, #tpu.memory_space<hbm>>
    %dma_start3A_1830 = tpu.memref_slice %arg8[%dma_start3A_1822] : memref<6x!tpu.dma_semaphore, #tpu.memory_space<semaphore_mem>> -> memref<1x!tpu.dma_semaphore, #tpu.memory_space<semaphore_mem>>
    %dma_start3A_1831 = tpu.memref_squeeze %dma_start3A_1830 : memref<1x!tpu.dma_semaphore, #tpu.memory_space<semaphore_mem>> -> memref<!tpu.dma_semaphore, #tpu.memory_space<semaphore_mem>>
    %dma_start3A_1832 = arith.constant 0 : i32
    %dma_start3A_1833 = tpu.memref_slice %arg4[%select_n3A, %add3A_1820, %dma_start3A_1832] : memref<2x4096x2048xf32, #tpu.memory_space<hbm>> -> memref<1x8x2048xf32, #tpu.memory_space<hbm>>
    %dma_start3A_1834 = tpu.memref_squeeze %dma_start3A_1833 : memref<1x8x2048xf32, #tpu.memory_space<hbm>> -> memref<8x2048xf32, #tpu.memory_space<hbm>>
    %dma_start3A_1835 = arith.constant 0 : i32
    %dma_start3A_1836 = arith.constant 0 : i32
    %dma_start3A_1837 = tpu.memref_slice %arg6[%dma_start3A_1821, %dma_start3A_1835, %dma_start3A_1836] : memref<6x8x2048xf32, #tpu.memory_space<vmem>> -> memref<1x8x2048xf32, #tpu.memory_space<vmem>>
    %dma_start3A_1838 = tpu.memref_squeeze %dma_start3A_1837 : memref<1x8x2048xf32, #tpu.memory_space<vmem>> -> memref<8x2048xf32, #tpu.memory_space<vmem>>
    tpu.enqueue_dma source(%dma_start3A_1838 : memref<8x2048xf32, #tpu.memory_space<vmem>>) target(%dma_start3A_1834 : memref<8x2048xf32, #tpu.memory_space<hbm>>) target_semaphore(%dma_start3A_1831 : memref<!tpu.dma_semaphore, #tpu.memory_space<semaphore_mem>>)
    %dma_wait3A_1839 = arith.constant 4 : i32
    %dma_wait3A_1840 = arith.constant 4 : i32
    %dma_wait3A_1841 = arith.constant 0 : i32
    %dma_wait3A_1842 = arith.constant 0 : i32
    %dma_wait3A_1843 = tpu.memref_slice %arg6[%dma_wait3A_1839, %dma_wait3A_1841, %dma_wait3A_1842] : memref<6x8x2048xf32, #tpu.memory_space<vmem>> -> memref<1x8x2048xf32, #tpu.memory_space<vmem>>
    %dma_wait3A_1844 = tpu.memref_squeeze %dma_wait3A_1843 : memref<1x8x2048xf32, #tpu.memory_space<vmem>> -> memref<8x2048xf32, #tpu.memory_space<vmem>>
    %dma_wait3A_1845 = arith.constant 224 : i32
    %dma_wait3A_1846 = tpu.memref_slice %arg5[%dma_wait3A_1845] : memref<256xi32, #tpu.memory_space<vmem>> -> memref<8xi32, #tpu.memory_space<vmem>>
    %dma_wait3A_1847 = arith.constant 0 : i32
    %dma_wait3A_1848 = arith.constant 0 : i32
    %dma_wait3A_1849 = tpu.memref_slice %arg3[%dma_wait3A_1847, %dma_wait3A_1848] : memref<32000x2048xf32, #tpu.memory_space<hbm>> -> memref<32000x2048xf32, #tpu.memory_space<hbm>>
    %dma_wait3A_1850 = tpu.memref_slice %arg7[%dma_wait3A_1840] : memref<6x!tpu.dma_semaphore, #tpu.memory_space<semaphore_mem>> -> memref<1x!tpu.dma_semaphore, #tpu.memory_space<semaphore_mem>>
    %dma_wait3A_1851 = tpu.memref_squeeze %dma_wait3A_1850 : memref<1x!tpu.dma_semaphore, #tpu.memory_space<semaphore_mem>> -> memref<!tpu.dma_semaphore, #tpu.memory_space<semaphore_mem>>
    tpu.wait_indirect_dma semaphore(%dma_wait3A_1851 : memref<!tpu.dma_semaphore, #tpu.memory_space<semaphore_mem>>) src(%dma_wait3A_1849 : memref<32000x2048xf32, #tpu.memory_space<hbm>>) dst(%dma_wait3A_1844 : memref<8x2048xf32, #tpu.memory_space<vmem>>)
    %add3A_1852 = arith.constant 224 : i32
    %add3A_1853 = arith.addi %mul3A_32, %add3A_1852 : i32
    %dma_start3A_1854 = arith.constant 4 : i32
    %dma_start3A_1855 = arith.constant 4 : i32
    %dma_start3A_1856 = arith.constant 0 : i32
    %dma_start3A_1857 = arith.constant 0 : i32
    %dma_start3A_1858 = tpu.memref_slice %arg6[%dma_start3A_1854, %dma_start3A_1856, %dma_start3A_1857] : memref<6x8x2048xf32, #tpu.memory_space<vmem>> -> memref<1x8x2048xf32, #tpu.memory_space<vmem>>
    %dma_start3A_1859 = tpu.memref_squeeze %dma_start3A_1858 : memref<1x8x2048xf32, #tpu.memory_space<vmem>> -> memref<8x2048xf32, #tpu.memory_space<vmem>>
    %dma_start3A_1860 = arith.constant 0 : i32
    %dma_start3A_1861 = tpu.memref_slice %arg4[%select_n3A, %add3A_1853, %dma_start3A_1860] : memref<2x4096x2048xf32, #tpu.memory_space<hbm>> -> memref<1x8x2048xf32, #tpu.memory_space<hbm>>
    %dma_start3A_1862 = tpu.memref_squeeze %dma_start3A_1861 : memref<1x8x2048xf32, #tpu.memory_space<hbm>> -> memref<8x2048xf32, #tpu.memory_space<hbm>>
    %dma_start3A_1863 = tpu.memref_slice %arg8[%dma_start3A_1855] : memref<6x!tpu.dma_semaphore, #tpu.memory_space<semaphore_mem>> -> memref<1x!tpu.dma_semaphore, #tpu.memory_space<semaphore_mem>>
    %dma_start3A_1864 = tpu.memref_squeeze %dma_start3A_1863 : memref<1x!tpu.dma_semaphore, #tpu.memory_space<semaphore_mem>> -> memref<!tpu.dma_semaphore, #tpu.memory_space<semaphore_mem>>
    %dma_start3A_1865 = arith.constant 0 : i32
    %dma_start3A_1866 = tpu.memref_slice %arg4[%select_n3A, %add3A_1853, %dma_start3A_1865] : memref<2x4096x2048xf32, #tpu.memory_space<hbm>> -> memref<1x8x2048xf32, #tpu.memory_space<hbm>>
    %dma_start3A_1867 = tpu.memref_squeeze %dma_start3A_1866 : memref<1x8x2048xf32, #tpu.memory_space<hbm>> -> memref<8x2048xf32, #tpu.memory_space<hbm>>
    %dma_start3A_1868 = arith.constant 0 : i32
    %dma_start3A_1869 = arith.constant 0 : i32
    %dma_start3A_1870 = tpu.memref_slice %arg6[%dma_start3A_1854, %dma_start3A_1868, %dma_start3A_1869] : memref<6x8x2048xf32, #tpu.memory_space<vmem>> -> memref<1x8x2048xf32, #tpu.memory_space<vmem>>
    %dma_start3A_1871 = tpu.memref_squeeze %dma_start3A_1870 : memref<1x8x2048xf32, #tpu.memory_space<vmem>> -> memref<8x2048xf32, #tpu.memory_space<vmem>>
    tpu.enqueue_dma source(%dma_start3A_1871 : memref<8x2048xf32, #tpu.memory_space<vmem>>) target(%dma_start3A_1867 : memref<8x2048xf32, #tpu.memory_space<hbm>>) target_semaphore(%dma_start3A_1864 : memref<!tpu.dma_semaphore, #tpu.memory_space<semaphore_mem>>)
    %dma_wait3A_1872 = arith.constant 5 : i32
    %dma_wait3A_1873 = arith.constant 5 : i32
    %dma_wait3A_1874 = arith.constant 0 : i32
    %dma_wait3A_1875 = arith.constant 0 : i32
    %dma_wait3A_1876 = tpu.memref_slice %arg6[%dma_wait3A_1872, %dma_wait3A_1874, %dma_wait3A_1875] : memref<6x8x2048xf32, #tpu.memory_space<vmem>> -> memref<1x8x2048xf32, #tpu.memory_space<vmem>>
    %dma_wait3A_1877 = tpu.memref_squeeze %dma_wait3A_1876 : memref<1x8x2048xf32, #tpu.memory_space<vmem>> -> memref<8x2048xf32, #tpu.memory_space<vmem>>
    %dma_wait3A_1878 = arith.constant 232 : i32
    %dma_wait3A_1879 = tpu.memref_slice %arg5[%dma_wait3A_1878] : memref<256xi32, #tpu.memory_space<vmem>> -> memref<8xi32, #tpu.memory_space<vmem>>
    %dma_wait3A_1880 = arith.constant 0 : i32
    %dma_wait3A_1881 = arith.constant 0 : i32
    %dma_wait3A_1882 = tpu.memref_slice %arg3[%dma_wait3A_1880, %dma_wait3A_1881] : memref<32000x2048xf32, #tpu.memory_space<hbm>> -> memref<32000x2048xf32, #tpu.memory_space<hbm>>
    %dma_wait3A_1883 = tpu.memref_slice %arg7[%dma_wait3A_1873] : memref<6x!tpu.dma_semaphore, #tpu.memory_space<semaphore_mem>> -> memref<1x!tpu.dma_semaphore, #tpu.memory_space<semaphore_mem>>
    %dma_wait3A_1884 = tpu.memref_squeeze %dma_wait3A_1883 : memref<1x!tpu.dma_semaphore, #tpu.memory_space<semaphore_mem>> -> memref<!tpu.dma_semaphore, #tpu.memory_space<semaphore_mem>>
    tpu.wait_indirect_dma semaphore(%dma_wait3A_1884 : memref<!tpu.dma_semaphore, #tpu.memory_space<semaphore_mem>>) src(%dma_wait3A_1882 : memref<32000x2048xf32, #tpu.memory_space<hbm>>) dst(%dma_wait3A_1877 : memref<8x2048xf32, #tpu.memory_space<vmem>>)
    %add3A_1885 = arith.constant 232 : i32
    %add3A_1886 = arith.addi %mul3A_32, %add3A_1885 : i32
    %dma_start3A_1887 = arith.constant 5 : i32
    %dma_start3A_1888 = arith.constant 5 : i32
    %dma_start3A_1889 = arith.constant 0 : i32
    %dma_start3A_1890 = arith.constant 0 : i32
    %dma_start3A_1891 = tpu.memref_slice %arg6[%dma_start3A_1887, %dma_start3A_1889, %dma_start3A_1890] : memref<6x8x2048xf32, #tpu.memory_space<vmem>> -> memref<1x8x2048xf32, #tpu.memory_space<vmem>>
    %dma_start3A_1892 = tpu.memref_squeeze %dma_start3A_1891 : memref<1x8x2048xf32, #tpu.memory_space<vmem>> -> memref<8x2048xf32, #tpu.memory_space<vmem>>
    %dma_start3A_1893 = arith.constant 0 : i32
    %dma_start3A_1894 = tpu.memref_slice %arg4[%select_n3A, %add3A_1886, %dma_start3A_1893] : memref<2x4096x2048xf32, #tpu.memory_space<hbm>> -> memref<1x8x2048xf32, #tpu.memory_space<hbm>>
    %dma_start3A_1895 = tpu.memref_squeeze %dma_start3A_1894 : memref<1x8x2048xf32, #tpu.memory_space<hbm>> -> memref<8x2048xf32, #tpu.memory_space<hbm>>
    %dma_start3A_1896 = tpu.memref_slice %arg8[%dma_start3A_1888] : memref<6x!tpu.dma_semaphore, #tpu.memory_space<semaphore_mem>> -> memref<1x!tpu.dma_semaphore, #tpu.memory_space<semaphore_mem>>
    %dma_start3A_1897 = tpu.memref_squeeze %dma_start3A_1896 : memref<1x!tpu.dma_semaphore, #tpu.memory_space<semaphore_mem>> -> memref<!tpu.dma_semaphore, #tpu.memory_space<semaphore_mem>>
    %dma_start3A_1898 = arith.constant 0 : i32
    %dma_start3A_1899 = tpu.memref_slice %arg4[%select_n3A, %add3A_1886, %dma_start3A_1898] : memref<2x4096x2048xf32, #tpu.memory_space<hbm>> -> memref<1x8x2048xf32, #tpu.memory_space<hbm>>
    %dma_start3A_1900 = tpu.memref_squeeze %dma_start3A_1899 : memref<1x8x2048xf32, #tpu.memory_space<hbm>> -> memref<8x2048xf32, #tpu.memory_space<hbm>>
    %dma_start3A_1901 = arith.constant 0 : i32
    %dma_start3A_1902 = arith.constant 0 : i32
    %dma_start3A_1903 = tpu.memref_slice %arg6[%dma_start3A_1887, %dma_start3A_1901, %dma_start3A_1902] : memref<6x8x2048xf32, #tpu.memory_space<vmem>> -> memref<1x8x2048xf32, #tpu.memory_space<vmem>>
    %dma_start3A_1904 = tpu.memref_squeeze %dma_start3A_1903 : memref<1x8x2048xf32, #tpu.memory_space<vmem>> -> memref<8x2048xf32, #tpu.memory_space<vmem>>
    tpu.enqueue_dma source(%dma_start3A_1904 : memref<8x2048xf32, #tpu.memory_space<vmem>>) target(%dma_start3A_1900 : memref<8x2048xf32, #tpu.memory_space<hbm>>) target_semaphore(%dma_start3A_1897 : memref<!tpu.dma_semaphore, #tpu.memory_space<semaphore_mem>>)
    %dma_wait3A_1905 = arith.constant 0 : i32
    %dma_wait3A_1906 = arith.constant 0 : i32
    %dma_wait3A_1907 = arith.constant 0 : i32
    %dma_wait3A_1908 = arith.constant 0 : i32
    %dma_wait3A_1909 = tpu.memref_slice %arg6[%dma_wait3A_1905, %dma_wait3A_1907, %dma_wait3A_1908] : memref<6x8x2048xf32, #tpu.memory_space<vmem>> -> memref<1x8x2048xf32, #tpu.memory_space<vmem>>
    %dma_wait3A_1910 = tpu.memref_squeeze %dma_wait3A_1909 : memref<1x8x2048xf32, #tpu.memory_space<vmem>> -> memref<8x2048xf32, #tpu.memory_space<vmem>>
    %dma_wait3A_1911 = arith.constant 240 : i32
    %dma_wait3A_1912 = tpu.memref_slice %arg5[%dma_wait3A_1911] : memref<256xi32, #tpu.memory_space<vmem>> -> memref<8xi32, #tpu.memory_space<vmem>>
    %dma_wait3A_1913 = arith.constant 0 : i32
    %dma_wait3A_1914 = arith.constant 0 : i32
    %dma_wait3A_1915 = tpu.memref_slice %arg3[%dma_wait3A_1913, %dma_wait3A_1914] : memref<32000x2048xf32, #tpu.memory_space<hbm>> -> memref<32000x2048xf32, #tpu.memory_space<hbm>>
    %dma_wait3A_1916 = tpu.memref_slice %arg7[%dma_wait3A_1906] : memref<6x!tpu.dma_semaphore, #tpu.memory_space<semaphore_mem>> -> memref<1x!tpu.dma_semaphore, #tpu.memory_space<semaphore_mem>>
    %dma_wait3A_1917 = tpu.memref_squeeze %dma_wait3A_1916 : memref<1x!tpu.dma_semaphore, #tpu.memory_space<semaphore_mem>> -> memref<!tpu.dma_semaphore, #tpu.memory_space<semaphore_mem>>
    tpu.wait_indirect_dma semaphore(%dma_wait3A_1917 : memref<!tpu.dma_semaphore, #tpu.memory_space<semaphore_mem>>) src(%dma_wait3A_1915 : memref<32000x2048xf32, #tpu.memory_space<hbm>>) dst(%dma_wait3A_1910 : memref<8x2048xf32, #tpu.memory_space<vmem>>)
    %add3A_1918 = arith.constant 240 : i32
    %add3A_1919 = arith.addi %mul3A_32, %add3A_1918 : i32
    %dma_start3A_1920 = arith.constant 0 : i32
    %dma_start3A_1921 = arith.constant 0 : i32
    %dma_start3A_1922 = arith.constant 0 : i32
    %dma_start3A_1923 = arith.constant 0 : i32
    %dma_start3A_1924 = tpu.memref_slice %arg6[%dma_start3A_1920, %dma_start3A_1922, %dma_start3A_1923] : memref<6x8x2048xf32, #tpu.memory_space<vmem>> -> memref<1x8x2048xf32, #tpu.memory_space<vmem>>
    %dma_start3A_1925 = tpu.memref_squeeze %dma_start3A_1924 : memref<1x8x2048xf32, #tpu.memory_space<vmem>> -> memref<8x2048xf32, #tpu.memory_space<vmem>>
    %dma_start3A_1926 = arith.constant 0 : i32
    %dma_start3A_1927 = tpu.memref_slice %arg4[%select_n3A, %add3A_1919, %dma_start3A_1926] : memref<2x4096x2048xf32, #tpu.memory_space<hbm>> -> memref<1x8x2048xf32, #tpu.memory_space<hbm>>
    %dma_start3A_1928 = tpu.memref_squeeze %dma_start3A_1927 : memref<1x8x2048xf32, #tpu.memory_space<hbm>> -> memref<8x2048xf32, #tpu.memory_space<hbm>>
    %dma_start3A_1929 = tpu.memref_slice %arg8[%dma_start3A_1921] : memref<6x!tpu.dma_semaphore, #tpu.memory_space<semaphore_mem>> -> memref<1x!tpu.dma_semaphore, #tpu.memory_space<semaphore_mem>>
    %dma_start3A_1930 = tpu.memref_squeeze %dma_start3A_1929 : memref<1x!tpu.dma_semaphore, #tpu.memory_space<semaphore_mem>> -> memref<!tpu.dma_semaphore, #tpu.memory_space<semaphore_mem>>
    %dma_start3A_1931 = arith.constant 0 : i32
    %dma_start3A_1932 = tpu.memref_slice %arg4[%select_n3A, %add3A_1919, %dma_start3A_1931] : memref<2x4096x2048xf32, #tpu.memory_space<hbm>> -> memref<1x8x2048xf32, #tpu.memory_space<hbm>>
    %dma_start3A_1933 = tpu.memref_squeeze %dma_start3A_1932 : memref<1x8x2048xf32, #tpu.memory_space<hbm>> -> memref<8x2048xf32, #tpu.memory_space<hbm>>
    %dma_start3A_1934 = arith.constant 0 : i32
    %dma_start3A_1935 = arith.constant 0 : i32
    %dma_start3A_1936 = tpu.memref_slice %arg6[%dma_start3A_1920, %dma_start3A_1934, %dma_start3A_1935] : memref<6x8x2048xf32, #tpu.memory_space<vmem>> -> memref<1x8x2048xf32, #tpu.memory_space<vmem>>
    %dma_start3A_1937 = tpu.memref_squeeze %dma_start3A_1936 : memref<1x8x2048xf32, #tpu.memory_space<vmem>> -> memref<8x2048xf32, #tpu.memory_space<vmem>>
    tpu.enqueue_dma source(%dma_start3A_1937 : memref<8x2048xf32, #tpu.memory_space<vmem>>) target(%dma_start3A_1933 : memref<8x2048xf32, #tpu.memory_space<hbm>>) target_semaphore(%dma_start3A_1930 : memref<!tpu.dma_semaphore, #tpu.memory_space<semaphore_mem>>)
    %dma_wait3A_1938 = arith.constant 1 : i32
    %dma_wait3A_1939 = arith.constant 1 : i32
    %dma_wait3A_1940 = arith.constant 0 : i32
    %dma_wait3A_1941 = arith.constant 0 : i32
    %dma_wait3A_1942 = tpu.memref_slice %arg6[%dma_wait3A_1938, %dma_wait3A_1940, %dma_wait3A_1941] : memref<6x8x2048xf32, #tpu.memory_space<vmem>> -> memref<1x8x2048xf32, #tpu.memory_space<vmem>>
    %dma_wait3A_1943 = tpu.memref_squeeze %dma_wait3A_1942 : memref<1x8x2048xf32, #tpu.memory_space<vmem>> -> memref<8x2048xf32, #tpu.memory_space<vmem>>
    %dma_wait3A_1944 = arith.constant 248 : i32
    %dma_wait3A_1945 = tpu.memref_slice %arg5[%dma_wait3A_1944] : memref<256xi32, #tpu.memory_space<vmem>> -> memref<8xi32, #tpu.memory_space<vmem>>
    %dma_wait3A_1946 = arith.constant 0 : i32
    %dma_wait3A_1947 = arith.constant 0 : i32
    %dma_wait3A_1948 = tpu.memref_slice %arg3[%dma_wait3A_1946, %dma_wait3A_1947] : memref<32000x2048xf32, #tpu.memory_space<hbm>> -> memref<32000x2048xf32, #tpu.memory_space<hbm>>
    %dma_wait3A_1949 = tpu.memref_slice %arg7[%dma_wait3A_1939] : memref<6x!tpu.dma_semaphore, #tpu.memory_space<semaphore_mem>> -> memref<1x!tpu.dma_semaphore, #tpu.memory_space<semaphore_mem>>
    %dma_wait3A_1950 = tpu.memref_squeeze %dma_wait3A_1949 : memref<1x!tpu.dma_semaphore, #tpu.memory_space<semaphore_mem>> -> memref<!tpu.dma_semaphore, #tpu.memory_space<semaphore_mem>>
    tpu.wait_indirect_dma semaphore(%dma_wait3A_1950 : memref<!tpu.dma_semaphore, #tpu.memory_space<semaphore_mem>>) src(%dma_wait3A_1948 : memref<32000x2048xf32, #tpu.memory_space<hbm>>) dst(%dma_wait3A_1943 : memref<8x2048xf32, #tpu.memory_space<vmem>>)
    %add3A_1951 = arith.constant 248 : i32
    %add3A_1952 = arith.addi %mul3A_32, %add3A_1951 : i32
    %dma_start3A_1953 = arith.constant 1 : i32
    %dma_start3A_1954 = arith.constant 1 : i32
    %dma_start3A_1955 = arith.constant 0 : i32
    %dma_start3A_1956 = arith.constant 0 : i32
    %dma_start3A_1957 = tpu.memref_slice %arg6[%dma_start3A_1953, %dma_start3A_1955, %dma_start3A_1956] : memref<6x8x2048xf32, #tpu.memory_space<vmem>> -> memref<1x8x2048xf32, #tpu.memory_space<vmem>>
    %dma_start3A_1958 = tpu.memref_squeeze %dma_start3A_1957 : memref<1x8x2048xf32, #tpu.memory_space<vmem>> -> memref<8x2048xf32, #tpu.memory_space<vmem>>
    %dma_start3A_1959 = arith.constant 0 : i32
    %dma_start3A_1960 = tpu.memref_slice %arg4[%select_n3A, %add3A_1952, %dma_start3A_1959] : memref<2x4096x2048xf32, #tpu.memory_space<hbm>> -> memref<1x8x2048xf32, #tpu.memory_space<hbm>>
    %dma_start3A_1961 = tpu.memref_squeeze %dma_start3A_1960 : memref<1x8x2048xf32, #tpu.memory_space<hbm>> -> memref<8x2048xf32, #tpu.memory_space<hbm>>
    %dma_start3A_1962 = tpu.memref_slice %arg8[%dma_start3A_1954] : memref<6x!tpu.dma_semaphore, #tpu.memory_space<semaphore_mem>> -> memref<1x!tpu.dma_semaphore, #tpu.memory_space<semaphore_mem>>
    %dma_start3A_1963 = tpu.memref_squeeze %dma_start3A_1962 : memref<1x!tpu.dma_semaphore, #tpu.memory_space<semaphore_mem>> -> memref<!tpu.dma_semaphore, #tpu.memory_space<semaphore_mem>>
    %dma_start3A_1964 = arith.constant 0 : i32
    %dma_start3A_1965 = tpu.memref_slice %arg4[%select_n3A, %add3A_1952, %dma_start3A_1964] : memref<2x4096x2048xf32, #tpu.memory_space<hbm>> -> memref<1x8x2048xf32, #tpu.memory_space<hbm>>
    %dma_start3A_1966 = tpu.memref_squeeze %dma_start3A_1965 : memref<1x8x2048xf32, #tpu.memory_space<hbm>> -> memref<8x2048xf32, #tpu.memory_space<hbm>>
    %dma_start3A_1967 = arith.constant 0 : i32
    %dma_start3A_1968 = arith.constant 0 : i32
    %dma_start3A_1969 = tpu.memref_slice %arg6[%dma_start3A_1953, %dma_start3A_1967, %dma_start3A_1968] : memref<6x8x2048xf32, #tpu.memory_space<vmem>> -> memref<1x8x2048xf32, #tpu.memory_space<vmem>>
    %dma_start3A_1970 = tpu.memref_squeeze %dma_start3A_1969 : memref<1x8x2048xf32, #tpu.memory_space<vmem>> -> memref<8x2048xf32, #tpu.memory_space<vmem>>
    tpu.enqueue_dma source(%dma_start3A_1970 : memref<8x2048xf32, #tpu.memory_space<vmem>>) target(%dma_start3A_1966 : memref<8x2048xf32, #tpu.memory_space<hbm>>) target_semaphore(%dma_start3A_1963 : memref<!tpu.dma_semaphore, #tpu.memory_space<semaphore_mem>>)
    %dma_wait3A_1971 = arith.constant 2 : i32
    %dma_wait3A_1972 = arith.constant 2 : i32
    %dma_wait3A_1973 = arith.constant 0 : i32
    %dma_wait3A_1974 = arith.constant 0 : i32
    %dma_wait3A_1975 = tpu.memref_slice %arg6[%dma_wait3A_1971, %dma_wait3A_1973, %dma_wait3A_1974] : memref<6x8x2048xf32, #tpu.memory_space<vmem>> -> memref<1x8x2048xf32, #tpu.memory_space<vmem>>
    %dma_wait3A_1976 = tpu.memref_squeeze %dma_wait3A_1975 : memref<1x8x2048xf32, #tpu.memory_space<vmem>> -> memref<8x2048xf32, #tpu.memory_space<vmem>>
    %dma_wait3A_1977 = arith.constant 0 : i32
    %dma_wait3A_1978 = tpu.memref_slice %arg4[%select_n3A, %add3A_1787, %dma_wait3A_1977] : memref<2x4096x2048xf32, #tpu.memory_space<hbm>> -> memref<1x8x2048xf32, #tpu.memory_space<hbm>>
    %dma_wait3A_1979 = tpu.memref_squeeze %dma_wait3A_1978 : memref<1x8x2048xf32, #tpu.memory_space<hbm>> -> memref<8x2048xf32, #tpu.memory_space<hbm>>
    %dma_wait3A_1980 = tpu.memref_slice %arg8[%dma_wait3A_1972] : memref<6x!tpu.dma_semaphore, #tpu.memory_space<semaphore_mem>> -> memref<1x!tpu.dma_semaphore, #tpu.memory_space<semaphore_mem>>
    %dma_wait3A_1981 = tpu.memref_squeeze %dma_wait3A_1980 : memref<1x!tpu.dma_semaphore, #tpu.memory_space<semaphore_mem>> -> memref<!tpu.dma_semaphore, #tpu.memory_space<semaphore_mem>>
    %dma_wait3A_1982 = arith.constant 0 : i32
    %dma_wait3A_1983 = tpu.memref_slice %arg4[%select_n3A, %add3A_1787, %dma_wait3A_1982] : memref<2x4096x2048xf32, #tpu.memory_space<hbm>> -> memref<1x8x2048xf32, #tpu.memory_space<hbm>>
    %dma_wait3A_1984 = tpu.memref_squeeze %dma_wait3A_1983 : memref<1x8x2048xf32, #tpu.memory_space<hbm>> -> memref<8x2048xf32, #tpu.memory_space<hbm>>
    %dma_wait3A_1985 = arith.constant 0 : i32
    %dma_wait3A_1986 = arith.constant 0 : i32
    %dma_wait3A_1987 = tpu.memref_slice %arg6[%dma_wait3A_1971, %dma_wait3A_1985, %dma_wait3A_1986] : memref<6x8x2048xf32, #tpu.memory_space<vmem>> -> memref<1x8x2048xf32, #tpu.memory_space<vmem>>
    %dma_wait3A_1988 = tpu.memref_squeeze %dma_wait3A_1987 : memref<1x8x2048xf32, #tpu.memory_space<vmem>> -> memref<8x2048xf32, #tpu.memory_space<vmem>>
    tpu.wait_dma2 semaphore(%dma_wait3A_1981 : memref<!tpu.dma_semaphore, #tpu.memory_space<semaphore_mem>>) src(%dma_wait3A_1988 : memref<8x2048xf32, #tpu.memory_space<vmem>>) dst(%dma_wait3A_1984 : memref<8x2048xf32, #tpu.memory_space<hbm>>)
    %dma_wait3A_1989 = arith.constant 3 : i32
    %dma_wait3A_1990 = arith.constant 3 : i32
    %dma_wait3A_1991 = arith.constant 0 : i32
    %dma_wait3A_1992 = arith.constant 0 : i32
    %dma_wait3A_1993 = tpu.memref_slice %arg6[%dma_wait3A_1989, %dma_wait3A_1991, %dma_wait3A_1992] : memref<6x8x2048xf32, #tpu.memory_space<vmem>> -> memref<1x8x2048xf32, #tpu.memory_space<vmem>>
    %dma_wait3A_1994 = tpu.memref_squeeze %dma_wait3A_1993 : memref<1x8x2048xf32, #tpu.memory_space<vmem>> -> memref<8x2048xf32, #tpu.memory_space<vmem>>
    %dma_wait3A_1995 = arith.constant 0 : i32
    %dma_wait3A_1996 = tpu.memref_slice %arg4[%select_n3A, %add3A_1820, %dma_wait3A_1995] : memref<2x4096x2048xf32, #tpu.memory_space<hbm>> -> memref<1x8x2048xf32, #tpu.memory_space<hbm>>
    %dma_wait3A_1997 = tpu.memref_squeeze %dma_wait3A_1996 : memref<1x8x2048xf32, #tpu.memory_space<hbm>> -> memref<8x2048xf32, #tpu.memory_space<hbm>>
    %dma_wait3A_1998 = tpu.memref_slice %arg8[%dma_wait3A_1990] : memref<6x!tpu.dma_semaphore, #tpu.memory_space<semaphore_mem>> -> memref<1x!tpu.dma_semaphore, #tpu.memory_space<semaphore_mem>>
    %dma_wait3A_1999 = tpu.memref_squeeze %dma_wait3A_1998 : memref<1x!tpu.dma_semaphore, #tpu.memory_space<semaphore_mem>> -> memref<!tpu.dma_semaphore, #tpu.memory_space<semaphore_mem>>
    %dma_wait3A_2000 = arith.constant 0 : i32
    %dma_wait3A_2001 = tpu.memref_slice %arg4[%select_n3A, %add3A_1820, %dma_wait3A_2000] : memref<2x4096x2048xf32, #tpu.memory_space<hbm>> -> memref<1x8x2048xf32, #tpu.memory_space<hbm>>
    %dma_wait3A_2002 = tpu.memref_squeeze %dma_wait3A_2001 : memref<1x8x2048xf32, #tpu.memory_space<hbm>> -> memref<8x2048xf32, #tpu.memory_space<hbm>>
    %dma_wait3A_2003 = arith.constant 0 : i32
    %dma_wait3A_2004 = arith.constant 0 : i32
    %dma_wait3A_2005 = tpu.memref_slice %arg6[%dma_wait3A_1989, %dma_wait3A_2003, %dma_wait3A_2004] : memref<6x8x2048xf32, #tpu.memory_space<vmem>> -> memref<1x8x2048xf32, #tpu.memory_space<vmem>>
    %dma_wait3A_2006 = tpu.memref_squeeze %dma_wait3A_2005 : memref<1x8x2048xf32, #tpu.memory_space<vmem>> -> memref<8x2048xf32, #tpu.memory_space<vmem>>
    tpu.wait_dma2 semaphore(%dma_wait3A_1999 : memref<!tpu.dma_semaphore, #tpu.memory_space<semaphore_mem>>) src(%dma_wait3A_2006 : memref<8x2048xf32, #tpu.memory_space<vmem>>) dst(%dma_wait3A_2002 : memref<8x2048xf32, #tpu.memory_space<hbm>>)
    %dma_wait3A_2007 = arith.constant 4 : i32
    %dma_wait3A_2008 = arith.constant 4 : i32
    %dma_wait3A_2009 = arith.constant 0 : i32
    %dma_wait3A_2010 = arith.constant 0 : i32
    %dma_wait3A_2011 = tpu.memref_slice %arg6[%dma_wait3A_2007, %dma_wait3A_2009, %dma_wait3A_2010] : memref<6x8x2048xf32, #tpu.memory_space<vmem>> -> memref<1x8x2048xf32, #tpu.memory_space<vmem>>
    %dma_wait3A_2012 = tpu.memref_squeeze %dma_wait3A_2011 : memref<1x8x2048xf32, #tpu.memory_space<vmem>> -> memref<8x2048xf32, #tpu.memory_space<vmem>>
    %dma_wait3A_2013 = arith.constant 0 : i32
    %dma_wait3A_2014 = tpu.memref_slice %arg4[%select_n3A, %add3A_1853, %dma_wait3A_2013] : memref<2x4096x2048xf32, #tpu.memory_space<hbm>> -> memref<1x8x2048xf32, #tpu.memory_space<hbm>>
    %dma_wait3A_2015 = tpu.memref_squeeze %dma_wait3A_2014 : memref<1x8x2048xf32, #tpu.memory_space<hbm>> -> memref<8x2048xf32, #tpu.memory_space<hbm>>
    %dma_wait3A_2016 = tpu.memref_slice %arg8[%dma_wait3A_2008] : memref<6x!tpu.dma_semaphore, #tpu.memory_space<semaphore_mem>> -> memref<1x!tpu.dma_semaphore, #tpu.memory_space<semaphore_mem>>
    %dma_wait3A_2017 = tpu.memref_squeeze %dma_wait3A_2016 : memref<1x!tpu.dma_semaphore, #tpu.memory_space<semaphore_mem>> -> memref<!tpu.dma_semaphore, #tpu.memory_space<semaphore_mem>>
    %dma_wait3A_2018 = arith.constant 0 : i32
    %dma_wait3A_2019 = tpu.memref_slice %arg4[%select_n3A, %add3A_1853, %dma_wait3A_2018] : memref<2x4096x2048xf32, #tpu.memory_space<hbm>> -> memref<1x8x2048xf32, #tpu.memory_space<hbm>>
    %dma_wait3A_2020 = tpu.memref_squeeze %dma_wait3A_2019 : memref<1x8x2048xf32, #tpu.memory_space<hbm>> -> memref<8x2048xf32, #tpu.memory_space<hbm>>
    %dma_wait3A_2021 = arith.constant 0 : i32
    %dma_wait3A_2022 = arith.constant 0 : i32
    %dma_wait3A_2023 = tpu.memref_slice %arg6[%dma_wait3A_2007, %dma_wait3A_2021, %dma_wait3A_2022] : memref<6x8x2048xf32, #tpu.memory_space<vmem>> -> memref<1x8x2048xf32, #tpu.memory_space<vmem>>
    %dma_wait3A_2024 = tpu.memref_squeeze %dma_wait3A_2023 : memref<1x8x2048xf32, #tpu.memory_space<vmem>> -> memref<8x2048xf32, #tpu.memory_space<vmem>>
    tpu.wait_dma2 semaphore(%dma_wait3A_2017 : memref<!tpu.dma_semaphore, #tpu.memory_space<semaphore_mem>>) src(%dma_wait3A_2024 : memref<8x2048xf32, #tpu.memory_space<vmem>>) dst(%dma_wait3A_2020 : memref<8x2048xf32, #tpu.memory_space<hbm>>)
    %dma_wait3A_2025 = arith.constant 5 : i32
    %dma_wait3A_2026 = arith.constant 5 : i32
    %dma_wait3A_2027 = arith.constant 0 : i32
    %dma_wait3A_2028 = arith.constant 0 : i32
    %dma_wait3A_2029 = tpu.memref_slice %arg6[%dma_wait3A_2025, %dma_wait3A_2027, %dma_wait3A_2028] : memref<6x8x2048xf32, #tpu.memory_space<vmem>> -> memref<1x8x2048xf32, #tpu.memory_space<vmem>>
    %dma_wait3A_2030 = tpu.memref_squeeze %dma_wait3A_2029 : memref<1x8x2048xf32, #tpu.memory_space<vmem>> -> memref<8x2048xf32, #tpu.memory_space<vmem>>
    %dma_wait3A_2031 = arith.constant 0 : i32
    %dma_wait3A_2032 = tpu.memref_slice %arg4[%select_n3A, %add3A_1886, %dma_wait3A_2031] : memref<2x4096x2048xf32, #tpu.memory_space<hbm>> -> memref<1x8x2048xf32, #tpu.memory_space<hbm>>
    %dma_wait3A_2033 = tpu.memref_squeeze %dma_wait3A_2032 : memref<1x8x2048xf32, #tpu.memory_space<hbm>> -> memref<8x2048xf32, #tpu.memory_space<hbm>>
    %dma_wait3A_2034 = tpu.memref_slice %arg8[%dma_wait3A_2026] : memref<6x!tpu.dma_semaphore, #tpu.memory_space<semaphore_mem>> -> memref<1x!tpu.dma_semaphore, #tpu.memory_space<semaphore_mem>>
    %dma_wait3A_2035 = tpu.memref_squeeze %dma_wait3A_2034 : memref<1x!tpu.dma_semaphore, #tpu.memory_space<semaphore_mem>> -> memref<!tpu.dma_semaphore, #tpu.memory_space<semaphore_mem>>
    %dma_wait3A_2036 = arith.constant 0 : i32
    %dma_wait3A_2037 = tpu.memref_slice %arg4[%select_n3A, %add3A_1886, %dma_wait3A_2036] : memref<2x4096x2048xf32, #tpu.memory_space<hbm>> -> memref<1x8x2048xf32, #tpu.memory_space<hbm>>
    %dma_wait3A_2038 = tpu.memref_squeeze %dma_wait3A_2037 : memref<1x8x2048xf32, #tpu.memory_space<hbm>> -> memref<8x2048xf32, #tpu.memory_space<hbm>>
    %dma_wait3A_2039 = arith.constant 0 : i32
    %dma_wait3A_2040 = arith.constant 0 : i32
    %dma_wait3A_2041 = tpu.memref_slice %arg6[%dma_wait3A_2025, %dma_wait3A_2039, %dma_wait3A_2040] : memref<6x8x2048xf32, #tpu.memory_space<vmem>> -> memref<1x8x2048xf32, #tpu.memory_space<vmem>>
    %dma_wait3A_2042 = tpu.memref_squeeze %dma_wait3A_2041 : memref<1x8x2048xf32, #tpu.memory_space<vmem>> -> memref<8x2048xf32, #tpu.memory_space<vmem>>
    tpu.wait_dma2 semaphore(%dma_wait3A_2035 : memref<!tpu.dma_semaphore, #tpu.memory_space<semaphore_mem>>) src(%dma_wait3A_2042 : memref<8x2048xf32, #tpu.memory_space<vmem>>) dst(%dma_wait3A_2038 : memref<8x2048xf32, #tpu.memory_space<hbm>>)
    %dma_wait3A_2043 = arith.constant 0 : i32
    %dma_wait3A_2044 = arith.constant 0 : i32
    %dma_wait3A_2045 = arith.constant 0 : i32
    %dma_wait3A_2046 = arith.constant 0 : i32
    %dma_wait3A_2047 = tpu.memref_slice %arg6[%dma_wait3A_2043, %dma_wait3A_2045, %dma_wait3A_2046] : memref<6x8x2048xf32, #tpu.memory_space<vmem>> -> memref<1x8x2048xf32, #tpu.memory_space<vmem>>
    %dma_wait3A_2048 = tpu.memref_squeeze %dma_wait3A_2047 : memref<1x8x2048xf32, #tpu.memory_space<vmem>> -> memref<8x2048xf32, #tpu.memory_space<vmem>>
    %dma_wait3A_2049 = arith.constant 0 : i32
    %dma_wait3A_2050 = tpu.memref_slice %arg4[%select_n3A, %add3A_1919, %dma_wait3A_2049] : memref<2x4096x2048xf32, #tpu.memory_space<hbm>> -> memref<1x8x2048xf32, #tpu.memory_space<hbm>>
    %dma_wait3A_2051 = tpu.memref_squeeze %dma_wait3A_2050 : memref<1x8x2048xf32, #tpu.memory_space<hbm>> -> memref<8x2048xf32, #tpu.memory_space<hbm>>
    %dma_wait3A_2052 = tpu.memref_slice %arg8[%dma_wait3A_2044] : memref<6x!tpu.dma_semaphore, #tpu.memory_space<semaphore_mem>> -> memref<1x!tpu.dma_semaphore, #tpu.memory_space<semaphore_mem>>
    %dma_wait3A_2053 = tpu.memref_squeeze %dma_wait3A_2052 : memref<1x!tpu.dma_semaphore, #tpu.memory_space<semaphore_mem>> -> memref<!tpu.dma_semaphore, #tpu.memory_space<semaphore_mem>>
    %dma_wait3A_2054 = arith.constant 0 : i32
    %dma_wait3A_2055 = tpu.memref_slice %arg4[%select_n3A, %add3A_1919, %dma_wait3A_2054] : memref<2x4096x2048xf32, #tpu.memory_space<hbm>> -> memref<1x8x2048xf32, #tpu.memory_space<hbm>>
    %dma_wait3A_2056 = tpu.memref_squeeze %dma_wait3A_2055 : memref<1x8x2048xf32, #tpu.memory_space<hbm>> -> memref<8x2048xf32, #tpu.memory_space<hbm>>
    %dma_wait3A_2057 = arith.constant 0 : i32
    %dma_wait3A_2058 = arith.constant 0 : i32
    %dma_wait3A_2059 = tpu.memref_slice %arg6[%dma_wait3A_2043, %dma_wait3A_2057, %dma_wait3A_2058] : memref<6x8x2048xf32, #tpu.memory_space<vmem>> -> memref<1x8x2048xf32, #tpu.memory_space<vmem>>
    %dma_wait3A_2060 = tpu.memref_squeeze %dma_wait3A_2059 : memref<1x8x2048xf32, #tpu.memory_space<vmem>> -> memref<8x2048xf32, #tpu.memory_space<vmem>>
    tpu.wait_dma2 semaphore(%dma_wait3A_2053 : memref<!tpu.dma_semaphore, #tpu.memory_space<semaphore_mem>>) src(%dma_wait3A_2060 : memref<8x2048xf32, #tpu.memory_space<vmem>>) dst(%dma_wait3A_2056 : memref<8x2048xf32, #tpu.memory_space<hbm>>)
    %dma_wait3A_2061 = arith.constant 1 : i32
    %dma_wait3A_2062 = arith.constant 1 : i32
    %dma_wait3A_2063 = arith.constant 0 : i32
    %dma_wait3A_2064 = arith.constant 0 : i32
    %dma_wait3A_2065 = tpu.memref_slice %arg6[%dma_wait3A_2061, %dma_wait3A_2063, %dma_wait3A_2064] : memref<6x8x2048xf32, #tpu.memory_space<vmem>> -> memref<1x8x2048xf32, #tpu.memory_space<vmem>>
    %dma_wait3A_2066 = tpu.memref_squeeze %dma_wait3A_2065 : memref<1x8x2048xf32, #tpu.memory_space<vmem>> -> memref<8x2048xf32, #tpu.memory_space<vmem>>
    %dma_wait3A_2067 = arith.constant 0 : i32
    %dma_wait3A_2068 = tpu.memref_slice %arg4[%select_n3A, %add3A_1952, %dma_wait3A_2067] : memref<2x4096x2048xf32, #tpu.memory_space<hbm>> -> memref<1x8x2048xf32, #tpu.memory_space<hbm>>
    %dma_wait3A_2069 = tpu.memref_squeeze %dma_wait3A_2068 : memref<1x8x2048xf32, #tpu.memory_space<hbm>> -> memref<8x2048xf32, #tpu.memory_space<hbm>>
    %dma_wait3A_2070 = tpu.memref_slice %arg8[%dma_wait3A_2062] : memref<6x!tpu.dma_semaphore, #tpu.memory_space<semaphore_mem>> -> memref<1x!tpu.dma_semaphore, #tpu.memory_space<semaphore_mem>>
    %dma_wait3A_2071 = tpu.memref_squeeze %dma_wait3A_2070 : memref<1x!tpu.dma_semaphore, #tpu.memory_space<semaphore_mem>> -> memref<!tpu.dma_semaphore, #tpu.memory_space<semaphore_mem>>
    %dma_wait3A_2072 = arith.constant 0 : i32
    %dma_wait3A_2073 = tpu.memref_slice %arg4[%select_n3A, %add3A_1952, %dma_wait3A_2072] : memref<2x4096x2048xf32, #tpu.memory_space<hbm>> -> memref<1x8x2048xf32, #tpu.memory_space<hbm>>
    %dma_wait3A_2074 = tpu.memref_squeeze %dma_wait3A_2073 : memref<1x8x2048xf32, #tpu.memory_space<hbm>> -> memref<8x2048xf32, #tpu.memory_space<hbm>>
    %dma_wait3A_2075 = arith.constant 0 : i32
    %dma_wait3A_2076 = arith.constant 0 : i32
    %dma_wait3A_2077 = tpu.memref_slice %arg6[%dma_wait3A_2061, %dma_wait3A_2075, %dma_wait3A_2076] : memref<6x8x2048xf32, #tpu.memory_space<vmem>> -> memref<1x8x2048xf32, #tpu.memory_space<vmem>>
    %dma_wait3A_2078 = tpu.memref_squeeze %dma_wait3A_2077 : memref<1x8x2048xf32, #tpu.memory_space<vmem>> -> memref<8x2048xf32, #tpu.memory_space<vmem>>
    tpu.wait_dma2 semaphore(%dma_wait3A_2071 : memref<!tpu.dma_semaphore, #tpu.memory_space<semaphore_mem>>) src(%dma_wait3A_2078 : memref<8x2048xf32, #tpu.memory_space<vmem>>) dst(%dma_wait3A_2074 : memref<8x2048xf32, #tpu.memory_space<hbm>>)
    return
  }
}

</mosaic_0001>

<sc_bundles>
// kernel: kernel.3.cloned.1.call-start
scs
__scs_entry_jumppad:
0x0: {  	(pc) =	sbr.rel $0x88, $3  }
0x1: {  	(tag) =	ssettag $0x0;
	lr =	simm.s32 $0x1  }
0x2: {  	[smem:$0x3F9F] =	sst lr;
	_ =	strace $0xD0000000  }
0x3: {  	_ = 	snop  }
0x4: {  	_ = 	snop  }
0x5: {  	_ = 	snop  }
0x6: {  	_ = 	snop  }
0x7: {  	_ = 	snop  }
__scs_overlays_trampoline_lowered:
0x8: {  	[smem:$0x3FAE] =	sst s0  }
0x9: {  	[smem:$0x3FAF] =	sst s1  }
0xa: {  	[smem:$0x3FB0] =	sst s2  }
0xb: {  	[smem:$0x3FB1] =	sst s3  }
0xc: {  	[smem:$0x3FB2] =	sst s4  }
0xd: {  	[smem:$0x3FB3] =	sst s5  }
0xe: {  	[smem:$0x3FB4] =	sst s6  }
0xf: {  	[smem:$0x3FB5] =	sst s7  }
0x10: {  	[smem:$0x3FB6] =	sst s8  }
0x11: {  	[smem:$0x3FB7] =	sst s9;
	s0 =	simm.s32 @!p0 $0x0  }
0x12: {  	s1 =	sld [smem:$0x3F9D];
	s0 =	simm.s32 @p0 $0x1  }
0x13: {  	[smem:$0x3FB8] =	sst s0;
	s0 =	simm.s32 @!p1 $0x0  }
0x14: {  	s2 =	sld [smem:$0x3F9C];
	s0 =	simm.s32 @p1 $0x1  }
0x15: {  	[smem:$0x3FB9] =	sst s0;
	s0 =	simm.s32 @!p2 $0x0  }
0x16: {  	s3 =	sld [smem:$0x3FDB];
	s0 =	simm.s32 @p2 $0x1  }
0x17: {  	s4 =	simm.s32 $0x1BF5;
	[smem:$0x3FBB] =	sst s0  }
0x18: {  	s0 =	sld [smem:$0x3F9E];
	_ =	swait.ge [sflag:s4], $0x0  }
0x19: {  	s7 =	sld [smem:$0x3F9F]  }
0x1a: {  	s8 =	sadd.s32 $0xFFFFE003, lr  }
0x1b: {  	s9 =	sadd.s32 $0xFFFFFEF7, lr;
	s5 =	simm.s32 $0xFFFFFFFF;
	p2 =	slt.u32 s8, $0xFFFFF086  }
0x1c: {  	p1 =	slt.u32 s9, $0xF7A;
	s5 =	simm.s32 @!p2 $0x0  }
0x1d: {  	s5 =	simm.s32 @p1 $0x1;
	p0 =	seq.s32 s7, s2  }
0x1e: {  	s7 =	smul.u32 @!p0 $0xF7A, s2;
	p2 =	seq.s32 @!p0 s5, $0x0  }
0x1f: {  	s9 =	smul.u32 $0xF7A, s1;
	s8 =	simm.s32 @!p0 $0x1BF5;
	p2 =	por !p2, p0  }
0x20: {  	[sflag:s8] =	ssyncset.s32 @!p0 $0xFFFFF086;
	s6 =	sadd.s32 @!p0 s3, s7;
	s7 =	simm.s32 @!p0 $0x108  }
0x21: {  	s3 =	sadd.s32 s3, s9;
	s6 =	sadd.s32 @!p0 $0x88, s6;
	s7 =	simm.s32 @p2 $0x1082  }
0x22: {  	[simem:s7], [sflag:s8] =	dma.local @!p0 [hbm:s6], $0xF7A  }
0x23: {  	s9 =	sor.u32 $0xD0000000, s2;
	s6 =	simm.s32 $0x108;
	_ =	swait.ge @!p0 [sflag:s8], $0x0  }
0x24: {  	s3 =	sadd.s32 $0x88, s3;
	s6 =	simm.s32 @!p1 $0x1082;
	[sflag:s4] =	ssyncset.s32 $0xFFFFF086  }
0x25: {  	[simem:s6], [sflag:s4] =	dma.local [hbm:s3], $0xF7A  }
0x26: {  	[smem:$0x3F9F] =	sst s1;
	(tag) =	ssettag s2;
	_ =	strace s9  }
0x27: {  	s1 =	sld [smem:$0x3FAF]  }
0x28: {  	s2 =	sld [smem:$0x3FB0]  }
0x29: {  	s4 =	sld [smem:$0x3FB2]  }
0x2a: {  	p0 =	seq.s32 s5, $0x0;
	s5 =	sld [smem:$0x3FB3]  }
0x2b: {  	s6 =	sld [smem:$0x3FB4]  }
0x2c: {  	s7 =	sld [smem:$0x3FB5]  }
0x2d: {  	s3 =	simm.s32 $0x108;
	s8 =	sld [smem:$0x3FB6]  }
0x2e: {  	s3 =	simm.s32 @!p0 $0x1082;
	s9 =	sld [smem:$0x3FB7]  }
0x2f: {  	lr =	sadd.s32 s0, s3;
	s0 =	sld [smem:$0x3FAE]  }
0x30: {  	s3 =	sld [smem:$0x3FB1]  }
0x31: {  	[smem:$0x3FBA] =	sst s10  }
0x32: {  	s10 =	sld [smem:$0x3FB8];
	_ =	sdelay $0x3  }
0x33: {  	p0 =	seq.s32 s10, $0x1;
	s10 =	sld [smem:$0x3FBA];
	_ =	sdelay $0x3  }
0x34: {  	[smem:$0x3FBA] =	sst s10  }
0x35: {  	s10 =	sld [smem:$0x3FB9];
	_ =	sdelay $0x3  }
0x36: {  	p1 =	seq.s32 s10, $0x1;
	s10 =	sld [smem:$0x3FBA];
	_ =	sdelay $0x3  }
0x37: {  	[smem:$0x3FBA] =	sst s10  }
0x38: {  	s10 =	sld [smem:$0x3FBB]  }
0x39: {  	_ = 	snop;
	(pc) =	sbr.ind lr, $3  }
0x3a: {  	_ = 	snop  }
0x3b: {  	_ = 	snop  }
0x3c: {  	p2 =	seq.s32 s10, $0x1;
	s10 =	sld [smem:$0x3FBA]  }
0x3d: {  	_ =	shalt  }
0x3e: {  	_ =	shalt  }
0x3f: {  	_ =	shalt  }
0x40: {  	_ =	shalt  }
0x41: {  	_ =	shalt  }
0x42: {  	_ =	shalt  }
0x43: {  	_ =	shalt  }
0x44: {  	_ =	shalt  }
0x45: {  	_ =	shalt  }
0x46: {  	_ =	shalt  }
0x47: {  	_ =	shalt  }
0x48: {  	_ =	shalt  }
0x49: {  	_ =	shalt  }
0x4a: {  	_ =	shalt  }
0x4b: {  	_ =	shalt  }
0x4c: {  	_ =	shalt  }
0x4d: {  	_ =	shalt  }
0x4e: {  	_ =	shalt  }
0x4f: {  	_ =	shalt  }
0x50: {  	_ =	shalt  }
0x51: {  	_ =	shalt  }
0x52: {  	_ =	shalt  }
0x53: {  	_ =	shalt  }
0x54: {  	_ =	shalt  }
0x55: {  	_ =	shalt  }
0x56: {  	_ =	shalt  }
0x57: {  	_ =	shalt  }
0x58: {  	_ =	shalt  }
0x59: {  	_ =	shalt  }
0x5a: {  	_ =	shalt  }
0x5b: {  	_ =	shalt  }
0x5c: {  	_ =	shalt  }
0x5d: {  	_ =	shalt  }
0x5e: {  	_ =	shalt  }
0x5f: {  	_ =	shalt  }
0x60: {  	_ =	shalt  }
0x61: {  	_ =	shalt  }
0x62: {  	_ =	shalt  }
0x63: {  	_ =	shalt  }
0x64: {  	_ =	shalt  }
0x65: {  	_ =	shalt  }
0x66: {  	_ =	shalt  }
0x67: {  	_ =	shalt  }
0x68: {  	_ =	shalt  }
0x69: {  	_ =	shalt  }
0x6a: {  	_ =	shalt  }
0x6b: {  	_ =	shalt  }
0x6c: {  	_ =	shalt  }
0x6d: {  	_ =	shalt  }
0x6e: {  	_ =	shalt  }
0x6f: {  	_ =	shalt  }
0x70: {  	_ =	shalt  }
0x71: {  	_ =	shalt  }
0x72: {  	_ =	shalt  }
0x73: {  	_ =	shalt  }
0x74: {  	_ =	shalt  }
0x75: {  	_ =	shalt  }
0x76: {  	_ =	shalt  }
0x77: {  	_ =	shalt  }
0x78: {  	_ =	shalt  }
0x79: {  	_ =	shalt  }
0x7a: {  	_ =	shalt  }
0x7b: {  	_ =	shalt  }
0x7c: {  	_ =	shalt  }
0x7d: {  	_ =	shalt  }
0x7e: {  	_ =	shalt  }
0x7f: {  	_ =	shalt  }
0x80: {  	_ =	shalt  }
0x81: {  	_ =	shalt  }
0x82: {  	_ =	shalt  }
0x83: {  	_ =	shalt  }
0x84: {  	_ =	shalt  }
0x85: {  	_ =	shalt  }
0x86: {  	_ =	shalt  }
0x87: {  	_ =	shalt  }
.Lfunc_end0:
.L_simem_size_0:
called_computation_lowered:
.L_overlay_start_0:
0x88: {  	s2 =	sld [smem:$0x3FD9]  }
0x89: {  	s3 =	sld [smem:$0x3FFE];
	_ =	sdelay $0x1  }
0x8a: {  	s1 =	srdreg.scid  }
0x8b: {  	s0 =	sand.u32 $0x1, s1  }
0x8c: {  	s18 =	sshll.u32 s0, $0xA;
	s2 =	sadd.s32 s3, s2  }
0x8d: {  	s2 =	sadd.s32 s2, s18  }
0x8e: {  	[smem:$0x3FC6] =	sst s2  }
0x8f: {  	_ = 	snop  }
0x90: {  	s2 =	sld [smem:$0x3FC9]  }
0x91: {  	s19 =	sld [smem:$0x3FC8]  }
0x92: {  	s4 =	sld [smem:$0x3FD0];
	(tm) =	ssettm $0x1  }
0x93: {  	s5 =	sld [smem:$0x3FFB];
	_ =	sdelay $0x3  }
0x94: {  	_ =	strace s5  }
0x95: {  	s5 =	sld [smem:$0x3FFC];
	_ =	sdelay $0x3  }
0x96: {  	_ =	strace s5  }
0x97: {  	s5 =	sld [smem:$0x3FFD];
	_ =	sdelay $0x3  }
0x98: {  	_ =	strace s5  }
0x99: {  	_ =	strace $0x8FFFFFFF  }
0x9a: {  	s20 =	sld [smem:$0x3FDB];
	_ =	sdelay $0x1  }
0x9b: {  	s6 =	simm.s32 $_scs_section_size  }
0x9c: {  	s7 =	simm.s32 $_size__tile_overlayer_lowered;
	s8 =	simm.s32 $_tile_overlayer_lowered  }
0x9d: {  	s23 =	simm.s32 $0x1BFF;
	s22 =	sshll.u32 s8, $0x1;
	s5 =	sadd.s32 s6, s20  }
0x9e: {  	s9 =	simm.s32 $0x0;
	s21 =	sshll.u32 s7, $0x1;
	s7 =	sadd.s32 s22, s5  }
0x9f: {  	[timem:s9], [sflag:s23] =	dma.local [hbm:s7], s21  }
0xa0: {  	_ =	swait.ge [sflag:s23], s21  }
0xa1: {  	s6 =	ssub.s32 $0x0, s21;
	[sflag:s23] =	ssyncset.done $0x0  }
0xa2: {  	[sflag:s23] =	ssyncadd.s32 s6;
	_ =	sdelay $0x1  }
0xa3: {  	s24 =	simm.s32 $0x1B8B  }
0xa4: {  	_ =	swait.ge [sflag:s24], $0x1  }
0xa5: {  	[sflag:s24] =	ssyncset.done $0x0  }
0xa6: {  	s25 =	simm.s32 $0x1B8E;
	[sflag:s24] =	ssyncadd.s32 $0xFFFFFFFF  }
0xa7: {  	s26 =	simm.s32 $execute0_lowered;
	[smem:$0x3FD2] =	sst s25  }
0xa8: {  	s6 =	sshll.u32 s26, $0x1;
	_ =	strace $0x80000046;
	[dreg:$0x1] =	wrdreg $0xFFFFFFFF  }
0xa9: {  	s28 =	simm.s32 $_size_execute0_lowered;
	s5 =	sadd.s32 s5, s6;
	[dreg:$0x0] =	wrdreg $0x0  }
0xaa: {  	s6 =	sshll.u32 s28, $0x1;
	[dreg:$0x2] =	wrdreg s5  }
0xab: {  	[dreg:$0x3] =	wrdreg s6  }
0xac: {  	[dreg:$0x4] =	wrdreg $0xC0  }
0xad: {  	_ =	task [dreg:s9], $0x5FFFF  }
0xae: {  	[dreg:$0x1] =	wrdreg $0xFFFFFFFF  }
0xaf: {  	[dreg:$0x0] =	wrdreg $0x60  }
0xb0: {  	[dreg:$0x2] =	wrdreg s2  }
0xb1: {  	[dreg:$0x3] =	wrdreg s19  }
0xb2: {  	[dreg:$0x4] =	wrdreg s4  }
0xb3: {  	[dreg:$0x5] =	wrdreg $0x9  }
0xb4: {  	_ =	task.clear_ibuf [dreg:s9], $0x6FFFF;
	_ =	strace $0x90000046  }
0xb5: {  	s29 =	simm.s32 $0x9;
	_ =	strace $0x80000048  }
0xb6: {  	_ =	swait.ge [sflag:s29], $0x1  }
0xb7: {  	[sflag:s29] =	ssyncadd.s32 $0xFFFFFFFF  }
0xb8: {  	_ =	strace $0x90000048  }
0xb9: {  	_ =	sfence  }
0xba: {  	s30 =	sld [smem:$0x0];
	_ =	sdelay $0x2  }
0xbb: {  	s31 =	sshll.u32 s1, $0xD;
	s1 =	sshrl.u32 s1, $0x2  }
0xbc: {  	s3 =	sand.u32 $0x4000, s31;
	s1 =	sadd.s32 s1, s30  }
0xbd: {  	s0 =	sor.u32 s3, s0;
	s1 =	sshll.u32 s1, $0x11  }
0xbe: {  	s0 =	sor.u32 s1, s0  }
0xbf: {  	s0 =	sadd.s32 $0x8F2B, s0  }
0xc0: {  	[sflag:s0] =	ssyncadd.remote.s32 $0x1  }
0xc1: {  	_ =	sfence.sel $0xFFFF  }
0xc2: {  	[dreg:$0x0] =	wrdreg $0xFFFFFFFF;
	(pc) =	sbr.abs _section_cstart, $3  }
0xc3: {  	[dreg:$0x1] =	wrdreg $0xFFFFFFFF  }
0xc4: {  	_ =	task.clear_ibuf [dreg:s9], $0x2FFFF;
	_ =	strace $0x9FFFFFFF  }
0xc5: {  	(tm) =	ssettm $0x7FFFFFFF  }
tec
execute0_lowered:
.L_overlay_start_1:
0x0: {  	(tag) =	ssettag $0x1  }
0x1: {  	s0 =	rddreg [dreg:$0x0]  }
0x2: {  	s2 =	rddreg [dreg:$0x1]  }
0x3: {  	s1 =	rddreg [dreg:$0x2];
	s6 =	stileid.u32  }
0x4: {  	s4 =	srdreg.scid;
	s3 =	simm.s32 $0x0;
	s5 =	sshll.u32 s6, $0x1  }
0x5: {  	s4 =	sand.u32 $0x1, s4;
	s6 =	sshrl.u32 s6, $0x3;
	s5 =	sand.u32 $0xE, s5  }
0x6: {  	s8 =	sshll.u32 s6, $0x4;
	s6 =	sshll.u32 s6, $0x14;
	s5 =	sor.u32 s4, s5  }
0x7: {  	s0 =	sadd.s32 s0, s8;
	s7 =	sshll.u32 s5, $0x10;
	s5 =	sshll.u32 s5, $0x6  }
0x8: {  	[smem:$0x7FF] =	sst s3;
	s6 =	sor.u32 s6, s7;
	s0 =	sadd.s32 s5, s0  }
0x9: {  	_ =	strace $0x80000047;
	s11 =	sadd.s32 s1, s6;
	[dreg:$0x4] =	wrdreg s0  }
0xa: {  	s24 =	sadd.s32 $0x800, s11;
	[smem:$0x7FB] =	sst s11  }
0xb: {  	s25 =	sadd.s32 $0x1000, s11;
	[dreg:$0x5] =	wrdreg s24  }
0xc: {  	s26 =	sadd.s32 $0x1800, s11;
	[dreg:$0x6] =	wrdreg s25  }
0xd: {  	s28 =	sadd.s32 $0x2000, s11;
	[dreg:$0x7] =	wrdreg s26  }
0xe: {  	s29 =	sadd.s32 $0x2800, s11;
	[dreg:$0x8] =	wrdreg s28  }
0xf: {  	s30 =	sadd.s32 $0x3000, s11;
	[dreg:$0x9] =	wrdreg s29  }
0x10: {  	s31 =	sadd.s32 $0x3800, s11;
	[dreg:$0xa] =	wrdreg s30  }
0x11: {  	s1 =	sadd.s32 $0x4000, s11;
	[dreg:$0xb] =	wrdreg s31  }
0x12: {  	s5 =	sadd.s32 $0x4800, s11;
	[dreg:$0xc] =	wrdreg s1  }
0x13: {  	s6 =	sadd.s32 $0x5000, s11;
	[dreg:$0xd] =	wrdreg s5  }
0x14: {  	s7 =	sadd.s32 $0x5800, s11;
	[dreg:$0xe] =	wrdreg s6  }
0x15: {  	s8 =	sadd.s32 $0x6000, s11;
	[dreg:$0xf] =	wrdreg s7  }
0x16: {  	s9 =	sadd.s32 $0x6800, s11;
	[dreg:$0x10] =	wrdreg s8  }
0x17: {  	s10 =	sadd.s32 $0x7000, s11;
	[dreg:$0x11] =	wrdreg s9  }
0x18: {  	s12 =	sadd.s32 $0x7800, s11;
	[dreg:$0x12] =	wrdreg s10  }
0x19: {  	s13 =	sadd.s32 $0x8000, s11;
	[dreg:$0x13] =	wrdreg s12  }
0x1a: {  	s14 =	sadd.s32 $0x8800, s11;
	[dreg:$0x14] =	wrdreg s13  }
0x1b: {  	s15 =	sadd.s32 $0x9000, s11;
	[dreg:$0x15] =	wrdreg s14  }
0x1c: {  	s16 =	sadd.s32 $0x9800, s11;
	[dreg:$0x16] =	wrdreg s15  }
0x1d: {  	s17 =	sadd.s32 $0xA000, s11;
	[dreg:$0x17] =	wrdreg s16  }
0x1e: {  	s18 =	sadd.s32 $0xA800, s11;
	[dreg:$0x18] =	wrdreg s17  }
0x1f: {  	s19 =	sadd.s32 $0xB000, s11;
	[dreg:$0x19] =	wrdreg s18  }
0x20: {  	s21 =	sadd.s32 $0xB800, s11;
	[dreg:$0x1a] =	wrdreg s19  }
0x21: {  	s20 =	ssub.s32 $0x2, s4;
	s22 =	sadd.s32 $0xC000, s11;
	[dreg:$0x1b] =	wrdreg s21  }
0x22: {  	s4 =	sshrl.u32 s20, $0x1;
	s23 =	sadd.s32 $0xC800, s11;
	[dreg:$0x1c] =	wrdreg s22  }
0x23: {  	s1 =	ssub.s32 s20, s4;
	s5 =	sadd.s32 $0x100, s2;
	[dreg:$0x1d] =	wrdreg s23  }
0x24: {  	s24 =	sadd.s32 $0xD000, s11;
	s6 =	sadd.s32 $0x200, s2;
	s25 =	sadd.s32 $0xD800, s11  }
0x25: {  	s7 =	sadd.s32 $0x300, s2;
	s26 =	sadd.s32 $0xE000, s11;
	s8 =	sadd.s32 $0x400, s2  }
0x26: {  	s28 =	sadd.s32 $0xE800, s11;
	s9 =	sadd.s32 $0x500, s2;
	s29 =	sadd.s32 $0xF000, s11  }
0x27: {  	s10 =	sadd.s32 $0x600, s2;
	s30 =	sadd.s32 $0xF800, s11;
	[dreg:$0x1e] =	wrdreg s24  }
0x28: {  	s11 =	sadd.s32 $0x700, s2;
	s31 =	simm.s32 $0x80;
	[dreg:$0x1f] =	wrdreg s25  }
0x29: {  	s14 =	simm.s32 $0x1;
	s15 =	simm.s32 $0x7;
	[smem:$0x7F8] =	sst s26  }
0x2a: {  	s16 =	simm.s32 $0x2;
	s17 =	simm.s32 $0x8;
	[smem:$0x7F9] =	sst s28  }
0x2b: {  	s18 =	simm.s32 $0x3;
	s19 =	simm.s32 $0x9;
	[smem:$0x7FA] =	sst s29  }
0x2c: {  	v0 =	vlaneseq.u32;
	s20 =	simm.s32 $0x4;
	s21 =	simm.s32 $0xA;
	[smem:$0x7FC] =	sst s30  }
0x2d: {  	v1 =	vshrl.u32 v0, $0x3;
	s23 =	simm.s32 $0x5;
	s1 =	smax.u32 s1, $0x1;
	[smem:$0x7FD] =	sst s31  }
0x2e: {  	vm0 =	vmmov $0xffff;
	v0 =	vand.u32 $0x7, v0;
	v1 =	vmul.u32 $0x8, v1;
	s24 =	simm.s32 $0xB;
	s25 =	simm.s32 $0x6;
	s26 =	simm.s32 $0xC  }
.LBB2_1:
0x2f: {  	s29 =	sld [smem:$0x7FD]  }
0x30: {  	[smem:$0x7F7] =	sst s1  }
0x31: {  	s28 =	rddreg [dreg:$0x4];
	s1 =	simm.s32 $0x100;
	s12 =	simm.s32 $0xD  }
0x32: {  	[tilespmem:s3], [sflag:$0xD] =	stream.strided.gather [hbm4b:s28+s29], $0x100, s1, s29, $0x38;
	[tilespmem:$0x18100] =	vst v63  }
0x33: {  	_ =	swait.ge [sflag:s12], $0x100  }
0x34: {  	[sflag:s12] =	ssyncset.done $0x0  }
0x35: {  	[sflag:s12] =	ssyncadd.s32 $0xFFFFFF00  }
0x36: {  	v2 =	vld.msk [tilespmem:$0x0], $0xff;
	_ =	sdelay $0x4  }
0x37: {  	v3 =	vshll.u32 v2, $0x4  }
0x38: {  	v2 =	vand.u32 $0x7, v2;
	v3 =	vand.u32 $0xFFFFFF80, v3  }
0x39: {  	v2 =	vor.u32 v2, v3  }
0x3a: {  	v2 =	vperm.xlane v2, v0;
	_ =	sdelay $0x1  }
0x3b: {  	v2 =	vadd.s32 v1, v2;
	_ =	sdelay $0x4  }
0x3c: {  	[tilespmem:s1], [sflag:$0x1] =	stream.indirect_vreg.gather [hbm4b:s2+s3], $0x80, v2, vm0, $0xb8;
	[tilespmem:$0x18100] =	vst v63  }
0x3d: {  	s0 =	simm.s32 $0x900  }
0x3e: {  	[tilespmem:s0], [sflag:$0x1] =	stream.indirect_vreg.gather [hbm4b:s5+s3], $0x80, v2, vm0, $0xb8;
	[tilespmem:$0x18100] =	vst v63  }
0x3f: {  	s13 =	simm.s32 $0x1100  }
0x40: {  	[tilespmem:s13], [sflag:$0x1] =	stream.indirect_vreg.gather [hbm4b:s6+s3], $0x80, v2, vm0, $0xb8;
	[tilespmem:$0x18100] =	vst v63  }
0x41: {  	s22 =	simm.s32 $0x1900  }
0x42: {  	[tilespmem:s22], [sflag:$0x1] =	stream.indirect_vreg.gather [hbm4b:s7+s3], $0x80, v2, vm0, $0xb8;
	[tilespmem:$0x18100] =	vst v63  }
0x43: {  	s28 =	simm.s32 $0x2100  }
0x44: {  	[tilespmem:s28], [sflag:$0x1] =	stream.indirect_vreg.gather [hbm4b:s8+s3], $0x80, v2, vm0, $0xb8;
	[tilespmem:$0x18100] =	vst v63  }
0x45: {  	s29 =	simm.s32 $0x2900  }
0x46: {  	[tilespmem:s29], [sflag:$0x1] =	stream.indirect_vreg.gather [hbm4b:s9+s3], $0x80, v2, vm0, $0xb8;
	[tilespmem:$0x18100] =	vst v63  }
0x47: {  	s30 =	simm.s32 $0x3100  }
0x48: {  	[tilespmem:s30], [sflag:$0x1] =	stream.indirect_vreg.gather [hbm4b:s10+s3], $0x80, v2, vm0, $0xb8;
	[tilespmem:$0x18100] =	vst v63  }
0x49: {  	s31 =	simm.s32 $0x3900  }
0x4a: {  	[tilespmem:s31], [sflag:$0x1] =	stream.indirect_vreg.gather [hbm4b:s11+s3], $0x80, v2, vm0, $0xb8;
	[tilespmem:$0x18100] =	vst v63  }
0x4b: {  	v2 =	vld.msk [tilespmem:$0x8], $0xff;
	_ =	sdelay $0x4  }
0x4c: {  	v3 =	vshll.u32 v2, $0x4  }
0x4d: {  	v2 =	vand.u32 $0x7, v2;
	v3 =	vand.u32 $0xFFFFFF80, v3  }
0x4e: {  	v2 =	vor.u32 v2, v3  }
0x4f: {  	v2 =	vperm.xlane v2, v0;
	_ =	sdelay $0x1  }
0x50: {  	v2 =	vadd.s32 v1, v2;
	_ =	sdelay $0x3  }
0x51: {  	s4 =	simm.s32 $0x4100  }
0x52: {  	[tilespmem:s4], [sflag:$0x2] =	stream.indirect_vreg.gather [hbm4b:s2+s3], $0x80, v2, vm0, $0xb8;
	[tilespmem:$0x18100] =	vst v63  }
0x53: {  	s13 =	simm.s32 $0x4900  }
0x54: {  	[tilespmem:s13], [sflag:$0x2] =	stream.indirect_vreg.gather [hbm4b:s5+s3], $0x80, v2, vm0, $0xb8;
	[tilespmem:$0x18100] =	vst v63  }
0x55: {  	s22 =	simm.s32 $0x5100  }
0x56: {  	[tilespmem:s22], [sflag:$0x2] =	stream.indirect_vreg.gather [hbm4b:s6+s3], $0x80, v2, vm0, $0xb8;
	[tilespmem:$0x18100] =	vst v63  }
0x57: {  	s29 =	simm.s32 $0x5900  }
0x58: {  	[tilespmem:s29], [sflag:$0x2] =	stream.indirect_vreg.gather [hbm4b:s7+s3], $0x80, v2, vm0, $0xb8;
	[tilespmem:$0x18100] =	vst v63  }
0x59: {  	s31 =	simm.s32 $0x6100  }
0x5a: {  	[tilespmem:s31], [sflag:$0x2] =	stream.indirect_vreg.gather [hbm4b:s8+s3], $0x80, v2, vm0, $0xb8;
	[tilespmem:$0x18100] =	vst v63  }
0x5b: {  	s0 =	simm.s32 $0x6900  }
0x5c: {  	[tilespmem:s0], [sflag:$0x2] =	stream.indirect_vreg.gather [hbm4b:s9+s3], $0x80, v2, vm0, $0xb8;
	[tilespmem:$0x18100] =	vst v63  }
0x5d: {  	s4 =	simm.s32 $0x7100  }
0x5e: {  	[tilespmem:s4], [sflag:$0x2] =	stream.indirect_vreg.gather [hbm4b:s10+s3], $0x80, v2, vm0, $0xb8;
	[tilespmem:$0x18100] =	vst v63  }
0x5f: {  	s13 =	simm.s32 $0x7900  }
0x60: {  	[tilespmem:s13], [sflag:$0x2] =	stream.indirect_vreg.gather [hbm4b:s11+s3], $0x80, v2, vm0, $0xb8;
	[tilespmem:$0x18100] =	vst v63  }
0x61: {  	v2 =	vld.msk [tilespmem:$0x10], $0xff;
	_ =	sdelay $0x4  }
0x62: {  	v3 =	vshll.u32 v2, $0x4  }
0x63: {  	v2 =	vand.u32 $0x7, v2;
	v3 =	vand.u32 $0xFFFFFF80, v3  }
0x64: {  	v2 =	vor.u32 v2, v3  }
0x65: {  	v2 =	vperm.xlane v2, v0;
	_ =	sdelay $0x1  }
0x66: {  	v2 =	vadd.s32 v1, v2;
	_ =	sdelay $0x3  }
0x67: {  	s22 =	simm.s32 $0x8100  }
0x68: {  	[tilespmem:s22], [sflag:$0x3] =	stream.indirect_vreg.gather [hbm4b:s2+s3], $0x80, v2, vm0, $0xb8;
	[tilespmem:$0x18100] =	vst v63  }
0x69: {  	s28 =	simm.s32 $0x8900  }
0x6a: {  	[tilespmem:s28], [sflag:$0x3] =	stream.indirect_vreg.gather [hbm4b:s5+s3], $0x80, v2, vm0, $0xb8;
	[tilespmem:$0x18100] =	vst v63  }
0x6b: {  	s29 =	simm.s32 $0x9100  }
0x6c: {  	[tilespmem:s29], [sflag:$0x3] =	stream.indirect_vreg.gather [hbm4b:s6+s3], $0x80, v2, vm0, $0xb8;
	[tilespmem:$0x18100] =	vst v63  }
0x6d: {  	s31 =	simm.s32 $0x9900  }
0x6e: {  	[tilespmem:s31], [sflag:$0x3] =	stream.indirect_vreg.gather [hbm4b:s7+s3], $0x80, v2, vm0, $0xb8;
	[tilespmem:$0x18100] =	vst v63  }
0x6f: {  	s4 =	simm.s32 $0xA100  }
0x70: {  	[tilespmem:s4], [sflag:$0x3] =	stream.indirect_vreg.gather [hbm4b:s8+s3], $0x80, v2, vm0, $0xb8;
	[tilespmem:$0x18100] =	vst v63  }
0x71: {  	s13 =	simm.s32 $0xA900  }
0x72: {  	[tilespmem:s13], [sflag:$0x3] =	stream.indirect_vreg.gather [hbm4b:s9+s3], $0x80, v2, vm0, $0xb8;
	[tilespmem:$0x18100] =	vst v63  }
0x73: {  	s22 =	simm.s32 $0xB100  }
0x74: {  	[tilespmem:s22], [sflag:$0x3] =	stream.indirect_vreg.gather [hbm4b:s10+s3], $0x80, v2, vm0, $0xb8;
	[tilespmem:$0x18100] =	vst v63  }
0x75: {  	s28 =	simm.s32 $0xB900  }
0x76: {  	[tilespmem:s28], [sflag:$0x3] =	stream.indirect_vreg.gather [hbm4b:s11+s3], $0x80, v2, vm0, $0xb8;
	[tilespmem:$0x18100] =	vst v63  }
0x77: {  	v2 =	vld.msk [tilespmem:$0x18], $0xff;
	_ =	sdelay $0x4  }
0x78: {  	v3 =	vshll.u32 v2, $0x4  }
0x79: {  	v2 =	vand.u32 $0x7, v2;
	v3 =	vand.u32 $0xFFFFFF80, v3  }
0x7a: {  	v2 =	vor.u32 v2, v3  }
0x7b: {  	v2 =	vperm.xlane v2, v0;
	_ =	sdelay $0x1  }
0x7c: {  	v2 =	vadd.s32 v1, v2;
	_ =	sdelay $0x3  }
0x7d: {  	s4 =	simm.s32 $0xC100  }
0x7e: {  	[tilespmem:s4], [sflag:$0x4] =	stream.indirect_vreg.gather [hbm4b:s2+s3], $0x80, v2, vm0, $0xb8;
	[tilespmem:$0x18100] =	vst v63  }
0x7f: {  	s29 =	simm.s32 $0xC900  }
0x80: {  	[tilespmem:s29], [sflag:$0x4] =	stream.indirect_vreg.gather [hbm4b:s5+s3], $0x80, v2, vm0, $0xb8;
	[tilespmem:$0x18100] =	vst v63  }
0x81: {  	s31 =	simm.s32 $0xD100  }
0x82: {  	[tilespmem:s31], [sflag:$0x4] =	stream.indirect_vreg.gather [hbm4b:s6+s3], $0x80, v2, vm0, $0xb8;
	[tilespmem:$0x18100] =	vst v63  }
0x83: {  	s22 =	simm.s32 $0xD900  }
0x84: {  	[tilespmem:s22], [sflag:$0x4] =	stream.indirect_vreg.gather [hbm4b:s7+s3], $0x80, v2, vm0, $0xb8;
	[tilespmem:$0x18100] =	vst v63  }
0x85: {  	s28 =	simm.s32 $0xE100  }
0x86: {  	[tilespmem:s28], [sflag:$0x4] =	stream.indirect_vreg.gather [hbm4b:s8+s3], $0x80, v2, vm0, $0xb8;
	[tilespmem:$0x18100] =	vst v63  }
0x87: {  	s29 =	simm.s32 $0xE900  }
0x88: {  	[tilespmem:s29], [sflag:$0x4] =	stream.indirect_vreg.gather [hbm4b:s9+s3], $0x80, v2, vm0, $0xb8;
	[tilespmem:$0x18100] =	vst v63  }
0x89: {  	s22 =	simm.s32 $0xF100  }
0x8a: {  	[tilespmem:s22], [sflag:$0x4] =	stream.indirect_vreg.gather [hbm4b:s10+s3], $0x80, v2, vm0, $0xb8;
	[tilespmem:$0x18100] =	vst v63  }
0x8b: {  	s28 =	simm.s32 $0xF900  }
0x8c: {  	[tilespmem:s28], [sflag:$0x4] =	stream.indirect_vreg.gather [hbm4b:s11+s3], $0x80, v2, vm0, $0xb8;
	[tilespmem:$0x18100] =	vst v63  }
0x8d: {  	v2 =	vld.msk [tilespmem:$0x20], $0xff;
	_ =	sdelay $0x4  }
0x8e: {  	v3 =	vshll.u32 v2, $0x4  }
0x8f: {  	v2 =	vand.u32 $0x7, v2;
	v3 =	vand.u32 $0xFFFFFF80, v3  }
0x90: {  	v2 =	vor.u32 v2, v3  }
0x91: {  	v2 =	vperm.xlane v2, v0;
	_ =	sdelay $0x1  }
0x92: {  	v2 =	vadd.s32 v1, v2;
	_ =	sdelay $0x3  }
0x93: {  	s22 =	simm.s32 $0x10100  }
0x94: {  	[tilespmem:s22], [sflag:$0x5] =	stream.indirect_vreg.gather [hbm4b:s2+s3], $0x80, v2, vm0, $0xb8;
	[tilespmem:$0x18100] =	vst v63  }
0x95: {  	s22 =	simm.s32 $0x10900  }
0x96: {  	[tilespmem:s22], [sflag:$0x5] =	stream.indirect_vreg.gather [hbm4b:s5+s3], $0x80, v2, vm0, $0xb8;
	[tilespmem:$0x18100] =	vst v63  }
0x97: {  	s28 =	simm.s32 $0x11100  }
0x98: {  	[tilespmem:s28], [sflag:$0x5] =	stream.indirect_vreg.gather [hbm4b:s6+s3], $0x80, v2, vm0, $0xb8;
	[tilespmem:$0x18100] =	vst v63  }
0x99: {  	s0 =	simm.s32 $0x11900  }
0x9a: {  	[tilespmem:s0], [sflag:$0x5] =	stream.indirect_vreg.gather [hbm4b:s7+s3], $0x80, v2, vm0, $0xb8;
	[tilespmem:$0x18100] =	vst v63  }
0x9b: {  	s28 =	simm.s32 $0x12100  }
0x9c: {  	[tilespmem:s28], [sflag:$0x5] =	stream.indirect_vreg.gather [hbm4b:s8+s3], $0x80, v2, vm0, $0xb8;
	[tilespmem:$0x18100] =	vst v63  }
0x9d: {  	s0 =	simm.s32 $0x12900  }
0x9e: {  	[tilespmem:s0], [sflag:$0x5] =	stream.indirect_vreg.gather [hbm4b:s9+s3], $0x80, v2, vm0, $0xb8;
	[tilespmem:$0x18100] =	vst v63  }
0x9f: {  	s28 =	simm.s32 $0x13100  }
0xa0: {  	[tilespmem:s28], [sflag:$0x5] =	stream.indirect_vreg.gather [hbm4b:s10+s3], $0x80, v2, vm0, $0xb8;
	[tilespmem:$0x18100] =	vst v63  }
0xa1: {  	s0 =	simm.s32 $0x13900  }
0xa2: {  	[tilespmem:s0], [sflag:$0x5] =	stream.indirect_vreg.gather [hbm4b:s11+s3], $0x80, v2, vm0, $0xb8;
	[tilespmem:$0x18100] =	vst v63  }
0xa3: {  	v2 =	vld.msk [tilespmem:$0x28], $0xff;
	_ =	sdelay $0x4  }
0xa4: {  	v3 =	vshll.u32 v2, $0x4  }
0xa5: {  	v2 =	vand.u32 $0x7, v2;
	v3 =	vand.u32 $0xFFFFFF80, v3  }
0xa6: {  	v2 =	vor.u32 v2, v3  }
0xa7: {  	v2 =	vperm.xlane v2, v0;
	_ =	sdelay $0x1  }
0xa8: {  	v2 =	vadd.s32 v1, v2;
	_ =	sdelay $0x3  }
0xa9: {  	s28 =	simm.s32 $0x14100  }
0xaa: {  	[tilespmem:s28], [sflag:$0x6] =	stream.indirect_vreg.gather [hbm4b:s2+s3], $0x80, v2, vm0, $0xb8;
	[tilespmem:$0x18100] =	vst v63  }
0xab: {  	s22 =	simm.s32 $0x14900  }
0xac: {  	[tilespmem:s22], [sflag:$0x6] =	stream.indirect_vreg.gather [hbm4b:s5+s3], $0x80, v2, vm0, $0xb8;
	[tilespmem:$0x18100] =	vst v63  }
0xad: {  	s0 =	simm.s32 $0x15100  }
0xae: {  	[tilespmem:s0], [sflag:$0x6] =	stream.indirect_vreg.gather [hbm4b:s6+s3], $0x80, v2, vm0, $0xb8;
	[tilespmem:$0x18100] =	vst v63  }
0xaf: {  	s22 =	simm.s32 $0x15900  }
0xb0: {  	[tilespmem:s22], [sflag:$0x6] =	stream.indirect_vreg.gather [hbm4b:s7+s3], $0x80, v2, vm0, $0xb8;
	[tilespmem:$0x18100] =	vst v63  }
0xb1: {  	s0 =	simm.s32 $0x16100  }
0xb2: {  	[tilespmem:s0], [sflag:$0x6] =	stream.indirect_vreg.gather [hbm4b:s8+s3], $0x80, v2, vm0, $0xb8;
	[tilespmem:$0x18100] =	vst v63  }
0xb3: {  	s22 =	simm.s32 $0x16900  }
0xb4: {  	[tilespmem:s22], [sflag:$0x6] =	stream.indirect_vreg.gather [hbm4b:s9+s3], $0x80, v2, vm0, $0xb8;
	[tilespmem:$0x18100] =	vst v63  }
0xb5: {  	s0 =	simm.s32 $0x17100  }
0xb6: {  	[tilespmem:s0], [sflag:$0x6] =	stream.indirect_vreg.gather [hbm4b:s10+s3], $0x80, v2, vm0, $0xb8;
	[tilespmem:$0x18100] =	vst v63  }
0xb7: {  	s22 =	simm.s32 $0x17900  }
0xb8: {  	[tilespmem:s22], [sflag:$0x6] =	stream.indirect_vreg.gather [hbm4b:s11+s3], $0x80, v2, vm0, $0xb8;
	[tilespmem:$0x18100] =	vst v63  }
0xb9: {  	_ =	swait.ge [sflag:s14], $0x4000  }
0xba: {  	s0 =	sld [smem:$0x7FB]  }
0xbb: {  	[sflag:s14] =	ssyncset.done $0x0  }
0xbc: {  	[sflag:s14] =	ssyncadd.s32 $0xFFFFC000  }
0xbd: {  	[hbm4b:s0+s3] =	stream.linear.scatter [tilespmem:s1], [sflag:$0x7], $0x4000, $0x38;
	[tilespmem:$0x18100] =	vst v63  }
0xbe: {  	_ =	swait.ge [sflag:s15], $0x4000  }
0xbf: {  	[sflag:s15] =	ssyncset.done $0x0  }
0xc0: {  	[sflag:s15] =	ssyncadd.s32 $0xFFFFC000  }
0xc1: {  	v2 =	vld.msk [tilespmem:$0x30], $0xff;
	_ =	sdelay $0x4  }
0xc2: {  	v3 =	vshll.u32 v2, $0x4  }
0xc3: {  	v2 =	vand.u32 $0x7, v2;
	v3 =	vand.u32 $0xFFFFFF80, v3  }
0xc4: {  	v2 =	vor.u32 v2, v3  }
0xc5: {  	v2 =	vperm.xlane v2, v0;
	_ =	sdelay $0x1  }
0xc6: {  	v2 =	vadd.s32 v1, v2;
	_ =	sdelay $0x4  }
0xc7: {  	[tilespmem:s1], [sflag:$0x1] =	stream.indirect_vreg.gather [hbm4b:s2+s3], $0x80, v2, vm0, $0xb8;
	[tilespmem:$0x18100] =	vst v63  }
0xc8: {  	s22 =	simm.s32 $0x900  }
0xc9: {  	[tilespmem:s22], [sflag:$0x1] =	stream.indirect_vreg.gather [hbm4b:s5+s3], $0x80, v2, vm0, $0xb8;
	[tilespmem:$0x18100] =	vst v63  }
0xca: {  	s12 =	simm.s32 $0x1100  }
0xcb: {  	[tilespmem:s12], [sflag:$0x1] =	stream.indirect_vreg.gather [hbm4b:s6+s3], $0x80, v2, vm0, $0xb8;
	[tilespmem:$0x18100] =	vst v63  }
0xcc: {  	s28 =	simm.s32 $0x1900  }
0xcd: {  	[tilespmem:s28], [sflag:$0x1] =	stream.indirect_vreg.gather [hbm4b:s7+s3], $0x80, v2, vm0, $0xb8;
	[tilespmem:$0x18100] =	vst v63  }
0xce: {  	s12 =	simm.s32 $0x2100  }
0xcf: {  	[tilespmem:s12], [sflag:$0x1] =	stream.indirect_vreg.gather [hbm4b:s8+s3], $0x80, v2, vm0, $0xb8;
	[tilespmem:$0x18100] =	vst v63  }
0xd0: {  	s22 =	simm.s32 $0x2900  }
0xd1: {  	[tilespmem:s22], [sflag:$0x1] =	stream.indirect_vreg.gather [hbm4b:s9+s3], $0x80, v2, vm0, $0xb8;
	[tilespmem:$0x18100] =	vst v63  }
0xd2: {  	s28 =	simm.s32 $0x3100  }
0xd3: {  	[tilespmem:s28], [sflag:$0x1] =	stream.indirect_vreg.gather [hbm4b:s10+s3], $0x80, v2, vm0, $0xb8;
	[tilespmem:$0x18100] =	vst v63  }
0xd4: {  	s30 =	simm.s32 $0x3900  }
0xd5: {  	[tilespmem:s30], [sflag:$0x1] =	stream.indirect_vreg.gather [hbm4b:s11+s3], $0x80, v2, vm0, $0xb8;
	[tilespmem:$0x18100] =	vst v63  }
0xd6: {  	_ =	swait.ge [sflag:s16], $0x4000  }
0xd7: {  	[sflag:s16] =	ssyncset.done $0x0  }
0xd8: {  	s12 =	simm.s32 $0x4100;
	s0 =	rddreg [dreg:$0x5];
	[sflag:s16] =	ssyncadd.s32 $0xFFFFC000  }
0xd9: {  	[hbm4b:s0+s3] =	stream.linear.scatter [tilespmem:s12], [sflag:$0x8], $0x4000, $0x38;
	[tilespmem:$0x18100] =	vst v63  }
0xda: {  	_ =	swait.ge [sflag:s17], $0x4000  }
0xdb: {  	[sflag:s17] =	ssyncset.done $0x0  }
0xdc: {  	[sflag:s17] =	ssyncadd.s32 $0xFFFFC000  }
0xdd: {  	v2 =	vld.msk [tilespmem:$0x38], $0xff;
	_ =	sdelay $0x4  }
0xde: {  	v3 =	vshll.u32 v2, $0x4  }
0xdf: {  	v2 =	vand.u32 $0x7, v2;
	v3 =	vand.u32 $0xFFFFFF80, v3  }
0xe0: {  	v2 =	vor.u32 v2, v3  }
0xe1: {  	v2 =	vperm.xlane v2, v0;
	_ =	sdelay $0x1  }
0xe2: {  	v2 =	vadd.s32 v1, v2;
	_ =	sdelay $0x4  }
0xe3: {  	[tilespmem:s12], [sflag:$0x2] =	stream.indirect_vreg.gather [hbm4b:s2+s3], $0x80, v2, vm0, $0xb8;
	[tilespmem:$0x18100] =	vst v63  }
0xe4: {  	s22 =	simm.s32 $0x4900  }
0xe5: {  	[tilespmem:s22], [sflag:$0x2] =	stream.indirect_vreg.gather [hbm4b:s5+s3], $0x80, v2, vm0, $0xb8;
	[tilespmem:$0x18100] =	vst v63  }
0xe6: {  	s28 =	simm.s32 $0x5100  }
0xe7: {  	[tilespmem:s28], [sflag:$0x2] =	stream.indirect_vreg.gather [hbm4b:s6+s3], $0x80, v2, vm0, $0xb8;
	[tilespmem:$0x18100] =	vst v63  }
0xe8: {  	s30 =	simm.s32 $0x5900  }
0xe9: {  	[tilespmem:s30], [sflag:$0x2] =	stream.indirect_vreg.gather [hbm4b:s7+s3], $0x80, v2, vm0, $0xb8;
	[tilespmem:$0x18100] =	vst v63  }
0xea: {  	s12 =	simm.s32 $0x6100  }
0xeb: {  	[tilespmem:s12], [sflag:$0x2] =	stream.indirect_vreg.gather [hbm4b:s8+s3], $0x80, v2, vm0, $0xb8;
	[tilespmem:$0x18100] =	vst v63  }
0xec: {  	s22 =	simm.s32 $0x6900  }
0xed: {  	[tilespmem:s22], [sflag:$0x2] =	stream.indirect_vreg.gather [hbm4b:s9+s3], $0x80, v2, vm0, $0xb8;
	[tilespmem:$0x18100] =	vst v63  }
0xee: {  	s28 =	simm.s32 $0x7100  }
0xef: {  	[tilespmem:s28], [sflag:$0x2] =	stream.indirect_vreg.gather [hbm4b:s10+s3], $0x80, v2, vm0, $0xb8;
	[tilespmem:$0x18100] =	vst v63  }
0xf0: {  	s30 =	simm.s32 $0x7900  }
0xf1: {  	[tilespmem:s30], [sflag:$0x2] =	stream.indirect_vreg.gather [hbm4b:s11+s3], $0x80, v2, vm0, $0xb8;
	[tilespmem:$0x18100] =	vst v63  }
0xf2: {  	_ =	swait.ge [sflag:s18], $0x4000  }
0xf3: {  	[sflag:s18] =	ssyncset.done $0x0  }
0xf4: {  	s22 =	simm.s32 $0x8100;
	s12 =	rddreg [dreg:$0x6];
	[sflag:s18] =	ssyncadd.s32 $0xFFFFC000  }
0xf5: {  	[hbm4b:s12+s3] =	stream.linear.scatter [tilespmem:s22], [sflag:$0x9], $0x4000, $0x38;
	[tilespmem:$0x18100] =	vst v63  }
0xf6: {  	_ =	swait.ge [sflag:s19], $0x4000  }
0xf7: {  	[sflag:s19] =	ssyncset.done $0x0  }
0xf8: {  	[sflag:s19] =	ssyncadd.s32 $0xFFFFC000  }
0xf9: {  	v2 =	vld.msk [tilespmem:$0x40], $0xff;
	_ =	sdelay $0x4  }
0xfa: {  	v3 =	vshll.u32 v2, $0x4  }
0xfb: {  	v2 =	vand.u32 $0x7, v2;
	v3 =	vand.u32 $0xFFFFFF80, v3  }
0xfc: {  	v2 =	vor.u32 v2, v3  }
0xfd: {  	v2 =	vperm.xlane v2, v0;
	_ =	sdelay $0x1  }
0xfe: {  	v2 =	vadd.s32 v1, v2;
	_ =	sdelay $0x4  }
0xff: {  	[tilespmem:s22], [sflag:$0x3] =	stream.indirect_vreg.gather [hbm4b:s2+s3], $0x80, v2, vm0, $0xb8;
	[tilespmem:$0x18100] =	vst v63  }
0x100: {  	s22 =	simm.s32 $0x8900  }
0x101: {  	[tilespmem:s22], [sflag:$0x3] =	stream.indirect_vreg.gather [hbm4b:s5+s3], $0x80, v2, vm0, $0xb8;
	[tilespmem:$0x18100] =	vst v63  }
0x102: {  	s28 =	simm.s32 $0x9100  }
0x103: {  	[tilespmem:s28], [sflag:$0x3] =	stream.indirect_vreg.gather [hbm4b:s6+s3], $0x80, v2, vm0, $0xb8;
	[tilespmem:$0x18100] =	vst v63  }
0x104: {  	s30 =	simm.s32 $0x9900  }
0x105: {  	[tilespmem:s30], [sflag:$0x3] =	stream.indirect_vreg.gather [hbm4b:s7+s3], $0x80, v2, vm0, $0xb8;
	[tilespmem:$0x18100] =	vst v63  }
0x106: {  	s12 =	simm.s32 $0xA100  }
0x107: {  	[tilespmem:s12], [sflag:$0x3] =	stream.indirect_vreg.gather [hbm4b:s8+s3], $0x80, v2, vm0, $0xb8;
	[tilespmem:$0x18100] =	vst v63  }
0x108: {  	s28 =	simm.s32 $0xA900  }
0x109: {  	[tilespmem:s28], [sflag:$0x3] =	stream.indirect_vreg.gather [hbm4b:s9+s3], $0x80, v2, vm0, $0xb8;
	[tilespmem:$0x18100] =	vst v63  }
0x10a: {  	s30 =	simm.s32 $0xB100  }
0x10b: {  	[tilespmem:s30], [sflag:$0x3] =	stream.indirect_vreg.gather [hbm4b:s10+s3], $0x80, v2, vm0, $0xb8;
	[tilespmem:$0x18100] =	vst v63  }
0x10c: {  	s13 =	simm.s32 $0xB900  }
0x10d: {  	[tilespmem:s13], [sflag:$0x3] =	stream.indirect_vreg.gather [hbm4b:s11+s3], $0x80, v2, vm0, $0xb8;
	[tilespmem:$0x18100] =	vst v63  }
0x10e: {  	_ =	swait.ge [sflag:s20], $0x4000  }
0x10f: {  	[sflag:s20] =	ssyncset.done $0x0  }
0x110: {  	s13 =	simm.s32 $0xC100;
	s12 =	rddreg [dreg:$0x7];
	[sflag:s20] =	ssyncadd.s32 $0xFFFFC000  }
0x111: {  	[hbm4b:s12+s3] =	stream.linear.scatter [tilespmem:s13], [sflag:$0xA], $0x4000, $0x38;
	[tilespmem:$0x18100] =	vst v63  }
0x112: {  	_ =	swait.ge [sflag:s21], $0x4000  }
0x113: {  	[sflag:s21] =	ssyncset.done $0x0  }
0x114: {  	[sflag:s21] =	ssyncadd.s32 $0xFFFFC000  }
0x115: {  	v2 =	vld.msk [tilespmem:$0x48], $0xff;
	_ =	sdelay $0x4  }
0x116: {  	v3 =	vshll.u32 v2, $0x4  }
0x117: {  	v2 =	vand.u32 $0x7, v2;
	v3 =	vand.u32 $0xFFFFFF80, v3  }
0x118: {  	v2 =	vor.u32 v2, v3  }
0x119: {  	v2 =	vperm.xlane v2, v0;
	_ =	sdelay $0x1  }
0x11a: {  	v2 =	vadd.s32 v1, v2;
	_ =	sdelay $0x4  }
0x11b: {  	[tilespmem:s13], [sflag:$0x4] =	stream.indirect_vreg.gather [hbm4b:s2+s3], $0x80, v2, vm0, $0xb8;
	[tilespmem:$0x18100] =	vst v63  }
0x11c: {  	s4 =	simm.s32 $0xC900  }
0x11d: {  	[tilespmem:s4], [sflag:$0x4] =	stream.indirect_vreg.gather [hbm4b:s5+s3], $0x80, v2, vm0, $0xb8;
	[tilespmem:$0x18100] =	vst v63  }
0x11e: {  	s30 =	simm.s32 $0xD100  }
0x11f: {  	[tilespmem:s30], [sflag:$0x4] =	stream.indirect_vreg.gather [hbm4b:s6+s3], $0x80, v2, vm0, $0xb8;
	[tilespmem:$0x18100] =	vst v63  }
0x120: {  	s31 =	simm.s32 $0xD900  }
0x121: {  	[tilespmem:s31], [sflag:$0x4] =	stream.indirect_vreg.gather [hbm4b:s7+s3], $0x80, v2, vm0, $0xb8;
	[tilespmem:$0x18100] =	vst v63  }
0x122: {  	s4 =	simm.s32 $0xE100  }
0x123: {  	[tilespmem:s4], [sflag:$0x4] =	stream.indirect_vreg.gather [hbm4b:s8+s3], $0x80, v2, vm0, $0xb8;
	[tilespmem:$0x18100] =	vst v63  }
0x124: {  	s29 =	simm.s32 $0xE900  }
0x125: {  	[tilespmem:s29], [sflag:$0x4] =	stream.indirect_vreg.gather [hbm4b:s9+s3], $0x80, v2, vm0, $0xb8;
	[tilespmem:$0x18100] =	vst v63  }
0x126: {  	s13 =	simm.s32 $0xF100  }
0x127: {  	[tilespmem:s13], [sflag:$0x4] =	stream.indirect_vreg.gather [hbm4b:s10+s3], $0x80, v2, vm0, $0xb8;
	[tilespmem:$0x18100] =	vst v63  }
0x128: {  	s31 =	simm.s32 $0xF900  }
0x129: {  	[tilespmem:s31], [sflag:$0x4] =	stream.indirect_vreg.gather [hbm4b:s11+s3], $0x80, v2, vm0, $0xb8;
	[tilespmem:$0x18100] =	vst v63  }
0x12a: {  	_ =	swait.ge [sflag:s23], $0x4000  }
0x12b: {  	[sflag:s23] =	ssyncset.done $0x0  }
0x12c: {  	s12 =	simm.s32 $0x10100;
	s0 =	rddreg [dreg:$0x8];
	[sflag:s23] =	ssyncadd.s32 $0xFFFFC000  }
0x12d: {  	[hbm4b:s0+s3] =	stream.linear.scatter [tilespmem:s12], [sflag:$0xB], $0x4000, $0x38;
	[tilespmem:$0x18100] =	vst v63  }
0x12e: {  	_ =	swait.ge [sflag:s24], $0x4000  }
0x12f: {  	[sflag:s24] =	ssyncset.done $0x0  }
0x130: {  	[sflag:s24] =	ssyncadd.s32 $0xFFFFC000  }
0x131: {  	v2 =	vld.msk [tilespmem:$0x50], $0xff;
	_ =	sdelay $0x4  }
0x132: {  	v3 =	vshll.u32 v2, $0x4  }
0x133: {  	v2 =	vand.u32 $0x7, v2;
	v3 =	vand.u32 $0xFFFFFF80, v3  }
0x134: {  	v2 =	vor.u32 v2, v3  }
0x135: {  	v2 =	vperm.xlane v2, v0;
	_ =	sdelay $0x1  }
0x136: {  	v2 =	vadd.s32 v1, v2;
	_ =	sdelay $0x4  }
0x137: {  	[tilespmem:s12], [sflag:$0x5] =	stream.indirect_vreg.gather [hbm4b:s2+s3], $0x80, v2, vm0, $0xb8;
	[tilespmem:$0x18100] =	vst v63  }
0x138: {  	s28 =	simm.s32 $0x10900  }
0x139: {  	[tilespmem:s28], [sflag:$0x5] =	stream.indirect_vreg.gather [hbm4b:s5+s3], $0x80, v2, vm0, $0xb8;
	[tilespmem:$0x18100] =	vst v63  }
0x13a: {  	s31 =	simm.s32 $0x11100  }
0x13b: {  	[tilespmem:s31], [sflag:$0x5] =	stream.indirect_vreg.gather [hbm4b:s6+s3], $0x80, v2, vm0, $0xb8;
	[tilespmem:$0x18100] =	vst v63  }
0x13c: {  	s30 =	simm.s32 $0x11900  }
0x13d: {  	[tilespmem:s30], [sflag:$0x5] =	stream.indirect_vreg.gather [hbm4b:s7+s3], $0x80, v2, vm0, $0xb8;
	[tilespmem:$0x18100] =	vst v63  }
0x13e: {  	s29 =	simm.s32 $0x12100  }
0x13f: {  	[tilespmem:s29], [sflag:$0x5] =	stream.indirect_vreg.gather [hbm4b:s8+s3], $0x80, v2, vm0, $0xb8;
	[tilespmem:$0x18100] =	vst v63  }
0x140: {  	s12 =	simm.s32 $0x12900  }
0x141: {  	[tilespmem:s12], [sflag:$0x5] =	stream.indirect_vreg.gather [hbm4b:s9+s3], $0x80, v2, vm0, $0xb8;
	[tilespmem:$0x18100] =	vst v63  }
0x142: {  	s28 =	simm.s32 $0x13100  }
0x143: {  	[tilespmem:s28], [sflag:$0x5] =	stream.indirect_vreg.gather [hbm4b:s10+s3], $0x80, v2, vm0, $0xb8;
	[tilespmem:$0x18100] =	vst v63  }
0x144: {  	s29 =	simm.s32 $0x13900  }
0x145: {  	[tilespmem:s29], [sflag:$0x5] =	stream.indirect_vreg.gather [hbm4b:s11+s3], $0x80, v2, vm0, $0xb8;
	[tilespmem:$0x18100] =	vst v63  }
0x146: {  	_ =	swait.ge [sflag:s25], $0x4000  }
0x147: {  	[sflag:s25] =	ssyncset.done $0x0  }
0x148: {  	s12 =	simm.s32 $0x14100;
	s0 =	rddreg [dreg:$0x9];
	[sflag:s25] =	ssyncadd.s32 $0xFFFFC000  }
0x149: {  	[hbm4b:s0+s3] =	stream.linear.scatter [tilespmem:s12], [sflag:$0xC], $0x4000, $0x38;
	[tilespmem:$0x18100] =	vst v63  }
0x14a: {  	_ =	swait.ge [sflag:s26], $0x4000  }
0x14b: {  	[sflag:s26] =	ssyncset.done $0x0  }
0x14c: {  	[sflag:s26] =	ssyncadd.s32 $0xFFFFC000  }
0x14d: {  	v2 =	vld.msk [tilespmem:$0x58], $0xff;
	_ =	sdelay $0x4  }
0x14e: {  	v3 =	vshll.u32 v2, $0x4  }
0x14f: {  	v2 =	vand.u32 $0x7, v2;
	v3 =	vand.u32 $0xFFFFFF80, v3  }
0x150: {  	v2 =	vor.u32 v2, v3  }
0x151: {  	v2 =	vperm.xlane v2, v0;
	_ =	sdelay $0x1  }
0x152: {  	v2 =	vadd.s32 v1, v2;
	_ =	sdelay $0x4  }
0x153: {  	[tilespmem:s12], [sflag:$0x6] =	stream.indirect_vreg.gather [hbm4b:s2+s3], $0x80, v2, vm0, $0xb8;
	[tilespmem:$0x18100] =	vst v63  }
0x154: {  	s29 =	simm.s32 $0x14900  }
0x155: {  	[tilespmem:s29], [sflag:$0x6] =	stream.indirect_vreg.gather [hbm4b:s5+s3], $0x80, v2, vm0, $0xb8;
	[tilespmem:$0x18100] =	vst v63  }
0x156: {  	s12 =	simm.s32 $0x15100  }
0x157: {  	[tilespmem:s12], [sflag:$0x6] =	stream.indirect_vreg.gather [hbm4b:s6+s3], $0x80, v2, vm0, $0xb8;
	[tilespmem:$0x18100] =	vst v63  }
0x158: {  	s28 =	simm.s32 $0x15900  }
0x159: {  	[tilespmem:s28], [sflag:$0x6] =	stream.indirect_vreg.gather [hbm4b:s7+s3], $0x80, v2, vm0, $0xb8;
	[tilespmem:$0x18100] =	vst v63  }
0x15a: {  	s29 =	simm.s32 $0x16100  }
0x15b: {  	[tilespmem:s29], [sflag:$0x6] =	stream.indirect_vreg.gather [hbm4b:s8+s3], $0x80, v2, vm0, $0xb8;
	[tilespmem:$0x18100] =	vst v63  }
0x15c: {  	s12 =	simm.s32 $0x16900  }
0x15d: {  	[tilespmem:s12], [sflag:$0x6] =	stream.indirect_vreg.gather [hbm4b:s9+s3], $0x80, v2, vm0, $0xb8;
	[tilespmem:$0x18100] =	vst v63  }
0x15e: {  	s28 =	simm.s32 $0x17100  }
0x15f: {  	[tilespmem:s28], [sflag:$0x6] =	stream.indirect_vreg.gather [hbm4b:s10+s3], $0x80, v2, vm0, $0xb8;
	[tilespmem:$0x18100] =	vst v63  }
0x160: {  	s29 =	simm.s32 $0x17900  }
0x161: {  	[tilespmem:s29], [sflag:$0x6] =	stream.indirect_vreg.gather [hbm4b:s11+s3], $0x80, v2, vm0, $0xb8;
	[tilespmem:$0x18100] =	vst v63  }
0x162: {  	_ =	swait.ge [sflag:s14], $0x4000  }
0x163: {  	[sflag:s14] =	ssyncset.done $0x0  }
0x164: {  	s12 =	rddreg [dreg:$0xa];
	[sflag:s14] =	ssyncadd.s32 $0xFFFFC000  }
0x165: {  	[hbm4b:s12+s3] =	stream.linear.scatter [tilespmem:s1], [sflag:$0x7], $0x4000, $0x38;
	[tilespmem:$0x18100] =	vst v63  }
0x166: {  	_ =	swait.ge [sflag:s15], $0x4000  }
0x167: {  	[sflag:s15] =	ssyncset.done $0x0  }
0x168: {  	[sflag:s15] =	ssyncadd.s32 $0xFFFFC000  }
0x169: {  	v2 =	vld.msk [tilespmem:$0x60], $0xff;
	_ =	sdelay $0x4  }
0x16a: {  	v3 =	vshll.u32 v2, $0x4  }
0x16b: {  	v2 =	vand.u32 $0x7, v2;
	v3 =	vand.u32 $0xFFFFFF80, v3  }
0x16c: {  	v2 =	vor.u32 v2, v3  }
0x16d: {  	v2 =	vperm.xlane v2, v0;
	_ =	sdelay $0x1  }
0x16e: {  	v2 =	vadd.s32 v1, v2;
	_ =	sdelay $0x4  }
0x16f: {  	[tilespmem:s1], [sflag:$0x1] =	stream.indirect_vreg.gather [hbm4b:s2+s3], $0x80, v2, vm0, $0xb8;
	[tilespmem:$0x18100] =	vst v63  }
0x170: {  	s29 =	simm.s32 $0x900  }
0x171: {  	[tilespmem:s29], [sflag:$0x1] =	stream.indirect_vreg.gather [hbm4b:s5+s3], $0x80, v2, vm0, $0xb8;
	[tilespmem:$0x18100] =	vst v63  }
0x172: {  	s12 =	simm.s32 $0x1100  }
0x173: {  	[tilespmem:s12], [sflag:$0x1] =	stream.indirect_vreg.gather [hbm4b:s6+s3], $0x80, v2, vm0, $0xb8;
	[tilespmem:$0x18100] =	vst v63  }
0x174: {  	s28 =	simm.s32 $0x1900  }
0x175: {  	[tilespmem:s28], [sflag:$0x1] =	stream.indirect_vreg.gather [hbm4b:s7+s3], $0x80, v2, vm0, $0xb8;
	[tilespmem:$0x18100] =	vst v63  }
0x176: {  	s29 =	simm.s32 $0x2100  }
0x177: {  	[tilespmem:s29], [sflag:$0x1] =	stream.indirect_vreg.gather [hbm4b:s8+s3], $0x80, v2, vm0, $0xb8;
	[tilespmem:$0x18100] =	vst v63  }
0x178: {  	s12 =	simm.s32 $0x2900  }
0x179: {  	[tilespmem:s12], [sflag:$0x1] =	stream.indirect_vreg.gather [hbm4b:s9+s3], $0x80, v2, vm0, $0xb8;
	[tilespmem:$0x18100] =	vst v63  }
0x17a: {  	s28 =	simm.s32 $0x3100  }
0x17b: {  	[tilespmem:s28], [sflag:$0x1] =	stream.indirect_vreg.gather [hbm4b:s10+s3], $0x80, v2, vm0, $0xb8;
	[tilespmem:$0x18100] =	vst v63  }
0x17c: {  	s29 =	simm.s32 $0x3900  }
0x17d: {  	[tilespmem:s29], [sflag:$0x1] =	stream.indirect_vreg.gather [hbm4b:s11+s3], $0x80, v2, vm0, $0xb8;
	[tilespmem:$0x18100] =	vst v63  }
0x17e: {  	_ =	swait.ge [sflag:s16], $0x4000  }
0x17f: {  	[sflag:s16] =	ssyncset.done $0x0  }
0x180: {  	s12 =	simm.s32 $0x4100;
	s0 =	rddreg [dreg:$0xb];
	[sflag:s16] =	ssyncadd.s32 $0xFFFFC000  }
0x181: {  	[hbm4b:s0+s3] =	stream.linear.scatter [tilespmem:s12], [sflag:$0x8], $0x4000, $0x38;
	[tilespmem:$0x18100] =	vst v63  }
0x182: {  	_ =	swait.ge [sflag:s17], $0x4000  }
0x183: {  	[sflag:s17] =	ssyncset.done $0x0  }
0x184: {  	[sflag:s17] =	ssyncadd.s32 $0xFFFFC000  }
0x185: {  	v2 =	vld.msk [tilespmem:$0x68], $0xff;
	_ =	sdelay $0x4  }
0x186: {  	v3 =	vshll.u32 v2, $0x4  }
0x187: {  	v2 =	vand.u32 $0x7, v2;
	v3 =	vand.u32 $0xFFFFFF80, v3  }
0x188: {  	v2 =	vor.u32 v2, v3  }
0x189: {  	v2 =	vperm.xlane v2, v0;
	_ =	sdelay $0x1  }
0x18a: {  	v2 =	vadd.s32 v1, v2;
	_ =	sdelay $0x4  }
0x18b: {  	[tilespmem:s12], [sflag:$0x2] =	stream.indirect_vreg.gather [hbm4b:s2+s3], $0x80, v2, vm0, $0xb8;
	[tilespmem:$0x18100] =	vst v63  }
0x18c: {  	s29 =	simm.s32 $0x4900  }
0x18d: {  	[tilespmem:s29], [sflag:$0x2] =	stream.indirect_vreg.gather [hbm4b:s5+s3], $0x80, v2, vm0, $0xb8;
	[tilespmem:$0x18100] =	vst v63  }
0x18e: {  	s12 =	simm.s32 $0x5100  }
0x18f: {  	[tilespmem:s12], [sflag:$0x2] =	stream.indirect_vreg.gather [hbm4b:s6+s3], $0x80, v2, vm0, $0xb8;
	[tilespmem:$0x18100] =	vst v63  }
0x190: {  	s28 =	simm.s32 $0x5900  }
0x191: {  	[tilespmem:s28], [sflag:$0x2] =	stream.indirect_vreg.gather [hbm4b:s7+s3], $0x80, v2, vm0, $0xb8;
	[tilespmem:$0x18100] =	vst v63  }
0x192: {  	s29 =	simm.s32 $0x6100  }
0x193: {  	[tilespmem:s29], [sflag:$0x2] =	stream.indirect_vreg.gather [hbm4b:s8+s3], $0x80, v2, vm0, $0xb8;
	[tilespmem:$0x18100] =	vst v63  }
0x194: {  	s12 =	simm.s32 $0x6900  }
0x195: {  	[tilespmem:s12], [sflag:$0x2] =	stream.indirect_vreg.gather [hbm4b:s9+s3], $0x80, v2, vm0, $0xb8;
	[tilespmem:$0x18100] =	vst v63  }
0x196: {  	s28 =	simm.s32 $0x7100  }
0x197: {  	[tilespmem:s28], [sflag:$0x2] =	stream.indirect_vreg.gather [hbm4b:s10+s3], $0x80, v2, vm0, $0xb8;
	[tilespmem:$0x18100] =	vst v63  }
0x198: {  	s29 =	simm.s32 $0x7900  }
0x199: {  	[tilespmem:s29], [sflag:$0x2] =	stream.indirect_vreg.gather [hbm4b:s11+s3], $0x80, v2, vm0, $0xb8;
	[tilespmem:$0x18100] =	vst v63  }
0x19a: {  	_ =	swait.ge [sflag:s18], $0x4000  }
0x19b: {  	[sflag:s18] =	ssyncset.done $0x0  }
0x19c: {  	s12 =	simm.s32 $0x8100;
	s0 =	rddreg [dreg:$0xc];
	[sflag:s18] =	ssyncadd.s32 $0xFFFFC000  }
0x19d: {  	[hbm4b:s0+s3] =	stream.linear.scatter [tilespmem:s12], [sflag:$0x9], $0x4000, $0x38;
	[tilespmem:$0x18100] =	vst v63  }
0x19e: {  	_ =	swait.ge [sflag:s19], $0x4000  }
0x19f: {  	[sflag:s19] =	ssyncset.done $0x0  }
0x1a0: {  	[sflag:s19] =	ssyncadd.s32 $0xFFFFC000  }
0x1a1: {  	v2 =	vld.msk [tilespmem:$0x70], $0xff;
	_ =	sdelay $0x4  }
0x1a2: {  	v3 =	vshll.u32 v2, $0x4  }
0x1a3: {  	v2 =	vand.u32 $0x7, v2;
	v3 =	vand.u32 $0xFFFFFF80, v3  }
0x1a4: {  	v2 =	vor.u32 v2, v3  }
0x1a5: {  	v2 =	vperm.xlane v2, v0;
	_ =	sdelay $0x1  }
0x1a6: {  	v2 =	vadd.s32 v1, v2;
	_ =	sdelay $0x4  }
0x1a7: {  	[tilespmem:s12], [sflag:$0x3] =	stream.indirect_vreg.gather [hbm4b:s2+s3], $0x80, v2, vm0, $0xb8;
	[tilespmem:$0x18100] =	vst v63  }
0x1a8: {  	_ = 	snop  }
0x1a9: {  	[tilespmem:s22], [sflag:$0x3] =	stream.indirect_vreg.gather [hbm4b:s5+s3], $0x80, v2, vm0, $0xb8;
	[tilespmem:$0x18100] =	vst v63  }
0x1aa: {  	s28 =	simm.s32 $0x9100  }
0x1ab: {  	[tilespmem:s28], [sflag:$0x3] =	stream.indirect_vreg.gather [hbm4b:s6+s3], $0x80, v2, vm0, $0xb8;
	[tilespmem:$0x18100] =	vst v63  }
0x1ac: {  	s29 =	simm.s32 $0x9900  }
0x1ad: {  	[tilespmem:s29], [sflag:$0x3] =	stream.indirect_vreg.gather [hbm4b:s7+s3], $0x80, v2, vm0, $0xb8;
	[tilespmem:$0x18100] =	vst v63  }
0x1ae: {  	s22 =	simm.s32 $0xA100  }
0x1af: {  	[tilespmem:s22], [sflag:$0x3] =	stream.indirect_vreg.gather [hbm4b:s8+s3], $0x80, v2, vm0, $0xb8;
	[tilespmem:$0x18100] =	vst v63  }
0x1b0: {  	s28 =	simm.s32 $0xA900  }
0x1b1: {  	[tilespmem:s28], [sflag:$0x3] =	stream.indirect_vreg.gather [hbm4b:s9+s3], $0x80, v2, vm0, $0xb8;
	[tilespmem:$0x18100] =	vst v63  }
0x1b2: {  	s29 =	simm.s32 $0xB100  }
0x1b3: {  	[tilespmem:s29], [sflag:$0x3] =	stream.indirect_vreg.gather [hbm4b:s10+s3], $0x80, v2, vm0, $0xb8;
	[tilespmem:$0x18100] =	vst v63  }
0x1b4: {  	s29 =	simm.s32 $0xB900  }
0x1b5: {  	[tilespmem:s29], [sflag:$0x3] =	stream.indirect_vreg.gather [hbm4b:s11+s3], $0x80, v2, vm0, $0xb8;
	[tilespmem:$0x18100] =	vst v63  }
0x1b6: {  	_ =	swait.ge [sflag:s20], $0x4000  }
0x1b7: {  	[sflag:s20] =	ssyncset.done $0x0  }
0x1b8: {  	s22 =	simm.s32 $0xC100;
	s12 =	rddreg [dreg:$0xd];
	[sflag:s20] =	ssyncadd.s32 $0xFFFFC000  }
0x1b9: {  	[hbm4b:s12+s3] =	stream.linear.scatter [tilespmem:s22], [sflag:$0xA], $0x4000, $0x38;
	[tilespmem:$0x18100] =	vst v63  }
0x1ba: {  	_ =	swait.ge [sflag:s21], $0x4000  }
0x1bb: {  	[sflag:s21] =	ssyncset.done $0x0  }
0x1bc: {  	[sflag:s21] =	ssyncadd.s32 $0xFFFFC000  }
0x1bd: {  	v2 =	vld.msk [tilespmem:$0x78], $0xff;
	_ =	sdelay $0x4  }
0x1be: {  	v3 =	vshll.u32 v2, $0x4  }
0x1bf: {  	v2 =	vand.u32 $0x7, v2;
	v3 =	vand.u32 $0xFFFFFF80, v3  }
0x1c0: {  	v2 =	vor.u32 v2, v3  }
0x1c1: {  	v2 =	vperm.xlane v2, v0;
	_ =	sdelay $0x1  }
0x1c2: {  	v2 =	vadd.s32 v1, v2;
	_ =	sdelay $0x4  }
0x1c3: {  	[tilespmem:s22], [sflag:$0x4] =	stream.indirect_vreg.gather [hbm4b:s2+s3], $0x80, v2, vm0, $0xb8;
	[tilespmem:$0x18100] =	vst v63  }
0x1c4: {  	s12 =	simm.s32 $0xC900  }
0x1c5: {  	[tilespmem:s12], [sflag:$0x4] =	stream.indirect_vreg.gather [hbm4b:s5+s3], $0x80, v2, vm0, $0xb8;
	[tilespmem:$0x18100] =	vst v63  }
0x1c6: {  	s28 =	simm.s32 $0xD100  }
0x1c7: {  	[tilespmem:s28], [sflag:$0x4] =	stream.indirect_vreg.gather [hbm4b:s6+s3], $0x80, v2, vm0, $0xb8;
	[tilespmem:$0x18100] =	vst v63  }
0x1c8: {  	s28 =	simm.s32 $0xD900  }
0x1c9: {  	[tilespmem:s28], [sflag:$0x4] =	stream.indirect_vreg.gather [hbm4b:s7+s3], $0x80, v2, vm0, $0xb8;
	[tilespmem:$0x18100] =	vst v63  }
0x1ca: {  	_ = 	snop  }
0x1cb: {  	[tilespmem:s4], [sflag:$0x4] =	stream.indirect_vreg.gather [hbm4b:s8+s3], $0x80, v2, vm0, $0xb8;
	[tilespmem:$0x18100] =	vst v63  }
0x1cc: {  	s12 =	simm.s32 $0xE900  }
0x1cd: {  	[tilespmem:s12], [sflag:$0x4] =	stream.indirect_vreg.gather [hbm4b:s9+s3], $0x80, v2, vm0, $0xb8;
	[tilespmem:$0x18100] =	vst v63  }
0x1ce: {  	_ = 	snop  }
0x1cf: {  	[tilespmem:s13], [sflag:$0x4] =	stream.indirect_vreg.gather [hbm4b:s10+s3], $0x80, v2, vm0, $0xb8;
	[tilespmem:$0x18100] =	vst v63  }
0x1d0: {  	s28 =	simm.s32 $0xF900  }
0x1d1: {  	[tilespmem:s28], [sflag:$0x4] =	stream.indirect_vreg.gather [hbm4b:s11+s3], $0x80, v2, vm0, $0xb8;
	[tilespmem:$0x18100] =	vst v63  }
0x1d2: {  	_ =	swait.ge [sflag:s23], $0x4000  }
0x1d3: {  	[sflag:s23] =	ssyncset.done $0x0  }
0x1d4: {  	s13 =	simm.s32 $0x10100;
	s12 =	rddreg [dreg:$0xe];
	[sflag:s23] =	ssyncadd.s32 $0xFFFFC000  }
0x1d5: {  	[hbm4b:s12+s3] =	stream.linear.scatter [tilespmem:s13], [sflag:$0xB], $0x4000, $0x38;
	[tilespmem:$0x18100] =	vst v63  }
0x1d6: {  	_ =	swait.ge [sflag:s24], $0x4000  }
0x1d7: {  	[sflag:s24] =	ssyncset.done $0x0  }
0x1d8: {  	[sflag:s24] =	ssyncadd.s32 $0xFFFFC000  }
0x1d9: {  	v2 =	vld.msk [tilespmem:$0x80], $0xff;
	_ =	sdelay $0x4  }
0x1da: {  	v3 =	vshll.u32 v2, $0x4  }
0x1db: {  	v2 =	vand.u32 $0x7, v2;
	v3 =	vand.u32 $0xFFFFFF80, v3  }
0x1dc: {  	v2 =	vor.u32 v2, v3  }
0x1dd: {  	v2 =	vperm.xlane v2, v0;
	_ =	sdelay $0x1  }
0x1de: {  	v2 =	vadd.s32 v1, v2;
	_ =	sdelay $0x4  }
0x1df: {  	[tilespmem:s13], [sflag:$0x5] =	stream.indirect_vreg.gather [hbm4b:s2+s3], $0x80, v2, vm0, $0xb8;
	[tilespmem:$0x18100] =	vst v63  }
0x1e0: {  	s28 =	simm.s32 $0x10900  }
0x1e1: {  	[tilespmem:s28], [sflag:$0x5] =	stream.indirect_vreg.gather [hbm4b:s5+s3], $0x80, v2, vm0, $0xb8;
	[tilespmem:$0x18100] =	vst v63  }
0x1e2: {  	_ = 	snop  }
0x1e3: {  	[tilespmem:s31], [sflag:$0x5] =	stream.indirect_vreg.gather [hbm4b:s6+s3], $0x80, v2, vm0, $0xb8;
	[tilespmem:$0x18100] =	vst v63  }
0x1e4: {  	_ = 	snop  }
0x1e5: {  	[tilespmem:s30], [sflag:$0x5] =	stream.indirect_vreg.gather [hbm4b:s7+s3], $0x80, v2, vm0, $0xb8;
	[tilespmem:$0x18100] =	vst v63  }
0x1e6: {  	s13 =	simm.s32 $0x12100  }
0x1e7: {  	[tilespmem:s13], [sflag:$0x5] =	stream.indirect_vreg.gather [hbm4b:s8+s3], $0x80, v2, vm0, $0xb8;
	[tilespmem:$0x18100] =	vst v63  }
0x1e8: {  	s28 =	simm.s32 $0x12900  }
0x1e9: {  	[tilespmem:s28], [sflag:$0x5] =	stream.indirect_vreg.gather [hbm4b:s9+s3], $0x80, v2, vm0, $0xb8;
	[tilespmem:$0x18100] =	vst v63  }
0x1ea: {  	s13 =	simm.s32 $0x13100  }
0x1eb: {  	[tilespmem:s13], [sflag:$0x5] =	stream.indirect_vreg.gather [hbm4b:s10+s3], $0x80, v2, vm0, $0xb8;
	[tilespmem:$0x18100] =	vst v63  }
0x1ec: {  	s28 =	simm.s32 $0x13900  }
0x1ed: {  	[tilespmem:s28], [sflag:$0x5] =	stream.indirect_vreg.gather [hbm4b:s11+s3], $0x80, v2, vm0, $0xb8;
	[tilespmem:$0x18100] =	vst v63  }
0x1ee: {  	_ =	swait.ge [sflag:s25], $0x4000  }
0x1ef: {  	[sflag:s25] =	ssyncset.done $0x0  }
0x1f0: {  	s13 =	simm.s32 $0x14100;
	s12 =	rddreg [dreg:$0xf];
	[sflag:s25] =	ssyncadd.s32 $0xFFFFC000  }
0x1f1: {  	[hbm4b:s12+s3] =	stream.linear.scatter [tilespmem:s13], [sflag:$0xC], $0x4000, $0x38;
	[tilespmem:$0x18100] =	vst v63  }
0x1f2: {  	_ =	swait.ge [sflag:s26], $0x4000  }
0x1f3: {  	[sflag:s26] =	ssyncset.done $0x0  }
0x1f4: {  	[sflag:s26] =	ssyncadd.s32 $0xFFFFC000  }
0x1f5: {  	v2 =	vld.msk [tilespmem:$0x88], $0xff;
	_ =	sdelay $0x4  }
0x1f6: {  	v3 =	vshll.u32 v2, $0x4  }
0x1f7: {  	v2 =	vand.u32 $0x7, v2;
	v3 =	vand.u32 $0xFFFFFF80, v3  }
0x1f8: {  	v2 =	vor.u32 v2, v3  }
0x1f9: {  	v2 =	vperm.xlane v2, v0;
	_ =	sdelay $0x1  }
0x1fa: {  	v2 =	vadd.s32 v1, v2;
	_ =	sdelay $0x4  }
0x1fb: {  	[tilespmem:s13], [sflag:$0x6] =	stream.indirect_vreg.gather [hbm4b:s2+s3], $0x80, v2, vm0, $0xb8;
	[tilespmem:$0x18100] =	vst v63  }
0x1fc: {  	s28 =	simm.s32 $0x14900  }
0x1fd: {  	[tilespmem:s28], [sflag:$0x6] =	stream.indirect_vreg.gather [hbm4b:s5+s3], $0x80, v2, vm0, $0xb8;
	[tilespmem:$0x18100] =	vst v63  }
0x1fe: {  	s28 =	simm.s32 $0x15100  }
0x1ff: {  	[tilespmem:s28], [sflag:$0x6] =	stream.indirect_vreg.gather [hbm4b:s6+s3], $0x80, v2, vm0, $0xb8;
	[tilespmem:$0x18100] =	vst v63  }
0x200: {  	s28 =	simm.s32 $0x15900  }
0x201: {  	[tilespmem:s28], [sflag:$0x6] =	stream.indirect_vreg.gather [hbm4b:s7+s3], $0x80, v2, vm0, $0xb8;
	[tilespmem:$0x18100] =	vst v63  }
0x202: {  	s28 =	simm.s32 $0x16100  }
0x203: {  	[tilespmem:s28], [sflag:$0x6] =	stream.indirect_vreg.gather [hbm4b:s8+s3], $0x80, v2, vm0, $0xb8;
	[tilespmem:$0x18100] =	vst v63  }
0x204: {  	s28 =	simm.s32 $0x16900  }
0x205: {  	[tilespmem:s28], [sflag:$0x6] =	stream.indirect_vreg.gather [hbm4b:s9+s3], $0x80, v2, vm0, $0xb8;
	[tilespmem:$0x18100] =	vst v63  }
0x206: {  	s28 =	simm.s32 $0x17100  }
0x207: {  	[tilespmem:s28], [sflag:$0x6] =	stream.indirect_vreg.gather [hbm4b:s10+s3], $0x80, v2, vm0, $0xb8;
	[tilespmem:$0x18100] =	vst v63  }
0x208: {  	s28 =	simm.s32 $0x17900  }
0x209: {  	[tilespmem:s28], [sflag:$0x6] =	stream.indirect_vreg.gather [hbm4b:s11+s3], $0x80, v2, vm0, $0xb8;
	[tilespmem:$0x18100] =	vst v63  }
0x20a: {  	_ =	swait.ge [sflag:s14], $0x4000  }
0x20b: {  	[sflag:s14] =	ssyncset.done $0x0  }
0x20c: {  	s12 =	rddreg [dreg:$0x10];
	[sflag:s14] =	ssyncadd.s32 $0xFFFFC000  }
0x20d: {  	[hbm4b:s12+s3] =	stream.linear.scatter [tilespmem:s1], [sflag:$0x7], $0x4000, $0x38;
	[tilespmem:$0x18100] =	vst v63  }
0x20e: {  	_ =	swait.ge [sflag:s15], $0x4000  }
0x20f: {  	[sflag:s15] =	ssyncset.done $0x0  }
0x210: {  	[sflag:s15] =	ssyncadd.s32 $0xFFFFC000  }
0x211: {  	v2 =	vld.msk [tilespmem:$0x90], $0xff;
	_ =	sdelay $0x4  }
0x212: {  	v3 =	vshll.u32 v2, $0x4  }
0x213: {  	v2 =	vand.u32 $0x7, v2;
	v3 =	vand.u32 $0xFFFFFF80, v3  }
0x214: {  	v2 =	vor.u32 v2, v3  }
0x215: {  	v2 =	vperm.xlane v2, v0;
	_ =	sdelay $0x1  }
0x216: {  	v2 =	vadd.s32 v1, v2;
	_ =	sdelay $0x4  }
0x217: {  	[tilespmem:s1], [sflag:$0x1] =	stream.indirect_vreg.gather [hbm4b:s2+s3], $0x80, v2, vm0, $0xb8;
	[tilespmem:$0x18100] =	vst v63  }
0x218: {  	s28 =	simm.s32 $0x900  }
0x219: {  	[tilespmem:s28], [sflag:$0x1] =	stream.indirect_vreg.gather [hbm4b:s5+s3], $0x80, v2, vm0, $0xb8;
	[tilespmem:$0x18100] =	vst v63  }
0x21a: {  	s28 =	simm.s32 $0x1100  }
0x21b: {  	[tilespmem:s28], [sflag:$0x1] =	stream.indirect_vreg.gather [hbm4b:s6+s3], $0x80, v2, vm0, $0xb8;
	[tilespmem:$0x18100] =	vst v63  }
0x21c: {  	s28 =	simm.s32 $0x1900  }
0x21d: {  	[tilespmem:s28], [sflag:$0x1] =	stream.indirect_vreg.gather [hbm4b:s7+s3], $0x80, v2, vm0, $0xb8;
	[tilespmem:$0x18100] =	vst v63  }
0x21e: {  	s28 =	simm.s32 $0x2100  }
0x21f: {  	[tilespmem:s28], [sflag:$0x1] =	stream.indirect_vreg.gather [hbm4b:s8+s3], $0x80, v2, vm0, $0xb8;
	[tilespmem:$0x18100] =	vst v63  }
0x220: {  	s28 =	simm.s32 $0x2900  }
0x221: {  	[tilespmem:s28], [sflag:$0x1] =	stream.indirect_vreg.gather [hbm4b:s9+s3], $0x80, v2, vm0, $0xb8;
	[tilespmem:$0x18100] =	vst v63  }
0x222: {  	s28 =	simm.s32 $0x3100  }
0x223: {  	[tilespmem:s28], [sflag:$0x1] =	stream.indirect_vreg.gather [hbm4b:s10+s3], $0x80, v2, vm0, $0xb8;
	[tilespmem:$0x18100] =	vst v63  }
0x224: {  	s28 =	simm.s32 $0x3900  }
0x225: {  	[tilespmem:s28], [sflag:$0x1] =	stream.indirect_vreg.gather [hbm4b:s11+s3], $0x80, v2, vm0, $0xb8;
	[tilespmem:$0x18100] =	vst v63  }
0x226: {  	_ =	swait.ge [sflag:s16], $0x4000  }
0x227: {  	[sflag:s16] =	ssyncset.done $0x0  }
0x228: {  	s12 =	simm.s32 $0x4100;
	s28 =	rddreg [dreg:$0x11];
	[sflag:s16] =	ssyncadd.s32 $0xFFFFC000  }
0x229: {  	[hbm4b:s28+s3] =	stream.linear.scatter [tilespmem:s12], [sflag:$0x8], $0x4000, $0x38;
	[tilespmem:$0x18100] =	vst v63  }
0x22a: {  	_ =	swait.ge [sflag:s17], $0x4000  }
0x22b: {  	[sflag:s17] =	ssyncset.done $0x0  }
0x22c: {  	[sflag:s17] =	ssyncadd.s32 $0xFFFFC000  }
0x22d: {  	v2 =	vld.msk [tilespmem:$0x98], $0xff;
	_ =	sdelay $0x4  }
0x22e: {  	v3 =	vshll.u32 v2, $0x4  }
0x22f: {  	v2 =	vand.u32 $0x7, v2;
	v3 =	vand.u32 $0xFFFFFF80, v3  }
0x230: {  	v2 =	vor.u32 v2, v3  }
0x231: {  	v2 =	vperm.xlane v2, v0;
	_ =	sdelay $0x1  }
0x232: {  	v2 =	vadd.s32 v1, v2;
	_ =	sdelay $0x4  }
0x233: {  	[tilespmem:s12], [sflag:$0x2] =	stream.indirect_vreg.gather [hbm4b:s2+s3], $0x80, v2, vm0, $0xb8;
	[tilespmem:$0x18100] =	vst v63  }
0x234: {  	s28 =	simm.s32 $0x4900  }
0x235: {  	[tilespmem:s28], [sflag:$0x2] =	stream.indirect_vreg.gather [hbm4b:s5+s3], $0x80, v2, vm0, $0xb8;
	[tilespmem:$0x18100] =	vst v63  }
0x236: {  	s28 =	simm.s32 $0x5100  }
0x237: {  	[tilespmem:s28], [sflag:$0x2] =	stream.indirect_vreg.gather [hbm4b:s6+s3], $0x80, v2, vm0, $0xb8;
	[tilespmem:$0x18100] =	vst v63  }
0x238: {  	s28 =	simm.s32 $0x5900  }
0x239: {  	[tilespmem:s28], [sflag:$0x2] =	stream.indirect_vreg.gather [hbm4b:s7+s3], $0x80, v2, vm0, $0xb8;
	[tilespmem:$0x18100] =	vst v63  }
0x23a: {  	s28 =	simm.s32 $0x6100  }
0x23b: {  	[tilespmem:s28], [sflag:$0x2] =	stream.indirect_vreg.gather [hbm4b:s8+s3], $0x80, v2, vm0, $0xb8;
	[tilespmem:$0x18100] =	vst v63  }
0x23c: {  	s28 =	simm.s32 $0x6900  }
0x23d: {  	[tilespmem:s28], [sflag:$0x2] =	stream.indirect_vreg.gather [hbm4b:s9+s3], $0x80, v2, vm0, $0xb8;
	[tilespmem:$0x18100] =	vst v63  }
0x23e: {  	s28 =	simm.s32 $0x7100  }
0x23f: {  	[tilespmem:s28], [sflag:$0x2] =	stream.indirect_vreg.gather [hbm4b:s10+s3], $0x80, v2, vm0, $0xb8;
	[tilespmem:$0x18100] =	vst v63  }
0x240: {  	s28 =	simm.s32 $0x7900  }
0x241: {  	[tilespmem:s28], [sflag:$0x2] =	stream.indirect_vreg.gather [hbm4b:s11+s3], $0x80, v2, vm0, $0xb8;
	[tilespmem:$0x18100] =	vst v63  }
0x242: {  	_ =	swait.ge [sflag:s18], $0x4000  }
0x243: {  	[sflag:s18] =	ssyncset.done $0x0  }
0x244: {  	s0 =	simm.s32 $0x8100;
	s28 =	rddreg [dreg:$0x12];
	[sflag:s18] =	ssyncadd.s32 $0xFFFFC000  }
0x245: {  	[hbm4b:s28+s3] =	stream.linear.scatter [tilespmem:s0], [sflag:$0x9], $0x4000, $0x38;
	[tilespmem:$0x18100] =	vst v63  }
0x246: {  	_ =	swait.ge [sflag:s19], $0x4000  }
0x247: {  	[sflag:s19] =	ssyncset.done $0x0  }
0x248: {  	[sflag:s19] =	ssyncadd.s32 $0xFFFFC000  }
0x249: {  	v2 =	vld.msk [tilespmem:$0xA0], $0xff;
	_ =	sdelay $0x4  }
0x24a: {  	v3 =	vshll.u32 v2, $0x4  }
0x24b: {  	v2 =	vand.u32 $0x7, v2;
	v3 =	vand.u32 $0xFFFFFF80, v3  }
0x24c: {  	v2 =	vor.u32 v2, v3  }
0x24d: {  	v2 =	vperm.xlane v2, v0;
	_ =	sdelay $0x1  }
0x24e: {  	v2 =	vadd.s32 v1, v2;
	_ =	sdelay $0x4  }
0x24f: {  	[tilespmem:s0], [sflag:$0x3] =	stream.indirect_vreg.gather [hbm4b:s2+s3], $0x80, v2, vm0, $0xb8;
	[tilespmem:$0x18100] =	vst v63  }
0x250: {  	s28 =	simm.s32 $0x8900  }
0x251: {  	[tilespmem:s28], [sflag:$0x3] =	stream.indirect_vreg.gather [hbm4b:s5+s3], $0x80, v2, vm0, $0xb8;
	[tilespmem:$0x18100] =	vst v63  }
0x252: {  	s28 =	simm.s32 $0x9100  }
0x253: {  	[tilespmem:s28], [sflag:$0x3] =	stream.indirect_vreg.gather [hbm4b:s6+s3], $0x80, v2, vm0, $0xb8;
	[tilespmem:$0x18100] =	vst v63  }
0x254: {  	s28 =	simm.s32 $0x9900  }
0x255: {  	[tilespmem:s28], [sflag:$0x3] =	stream.indirect_vreg.gather [hbm4b:s7+s3], $0x80, v2, vm0, $0xb8;
	[tilespmem:$0x18100] =	vst v63  }
0x256: {  	s28 =	simm.s32 $0xA100  }
0x257: {  	[tilespmem:s28], [sflag:$0x3] =	stream.indirect_vreg.gather [hbm4b:s8+s3], $0x80, v2, vm0, $0xb8;
	[tilespmem:$0x18100] =	vst v63  }
0x258: {  	s28 =	simm.s32 $0xA900  }
0x259: {  	[tilespmem:s28], [sflag:$0x3] =	stream.indirect_vreg.gather [hbm4b:s9+s3], $0x80, v2, vm0, $0xb8;
	[tilespmem:$0x18100] =	vst v63  }
0x25a: {  	s28 =	simm.s32 $0xB100  }
0x25b: {  	[tilespmem:s28], [sflag:$0x3] =	stream.indirect_vreg.gather [hbm4b:s10+s3], $0x80, v2, vm0, $0xb8;
	[tilespmem:$0x18100] =	vst v63  }
0x25c: {  	_ = 	snop  }
0x25d: {  	[tilespmem:s29], [sflag:$0x3] =	stream.indirect_vreg.gather [hbm4b:s11+s3], $0x80, v2, vm0, $0xb8;
	[tilespmem:$0x18100] =	vst v63  }
0x25e: {  	_ =	swait.ge [sflag:s20], $0x4000  }
0x25f: {  	[sflag:s20] =	ssyncset.done $0x0  }
0x260: {  	s22 =	simm.s32 $0xC100;
	s0 =	rddreg [dreg:$0x13];
	[sflag:s20] =	ssyncadd.s32 $0xFFFFC000  }
0x261: {  	[hbm4b:s0+s3] =	stream.linear.scatter [tilespmem:s22], [sflag:$0xA], $0x4000, $0x38;
	[tilespmem:$0x18100] =	vst v63  }
0x262: {  	_ =	swait.ge [sflag:s21], $0x4000  }
0x263: {  	[sflag:s21] =	ssyncset.done $0x0  }
0x264: {  	[sflag:s21] =	ssyncadd.s32 $0xFFFFC000  }
0x265: {  	v2 =	vld.msk [tilespmem:$0xA8], $0xff;
	_ =	sdelay $0x4  }
0x266: {  	v3 =	vshll.u32 v2, $0x4  }
0x267: {  	v2 =	vand.u32 $0x7, v2;
	v3 =	vand.u32 $0xFFFFFF80, v3  }
0x268: {  	v2 =	vor.u32 v2, v3  }
0x269: {  	v2 =	vperm.xlane v2, v0;
	_ =	sdelay $0x1  }
0x26a: {  	v2 =	vadd.s32 v1, v2;
	_ =	sdelay $0x4  }
0x26b: {  	[tilespmem:s22], [sflag:$0x4] =	stream.indirect_vreg.gather [hbm4b:s2+s3], $0x80, v2, vm0, $0xb8;
	[tilespmem:$0x18100] =	vst v63  }
0x26c: {  	s29 =	simm.s32 $0xC900  }
0x26d: {  	[tilespmem:s29], [sflag:$0x4] =	stream.indirect_vreg.gather [hbm4b:s5+s3], $0x80, v2, vm0, $0xb8;
	[tilespmem:$0x18100] =	vst v63  }
0x26e: {  	s22 =	simm.s32 $0xD100  }
0x26f: {  	[tilespmem:s22], [sflag:$0x4] =	stream.indirect_vreg.gather [hbm4b:s6+s3], $0x80, v2, vm0, $0xb8;
	[tilespmem:$0x18100] =	vst v63  }
0x270: {  	s28 =	simm.s32 $0xD900  }
0x271: {  	[tilespmem:s28], [sflag:$0x4] =	stream.indirect_vreg.gather [hbm4b:s7+s3], $0x80, v2, vm0, $0xb8;
	[tilespmem:$0x18100] =	vst v63  }
0x272: {  	s22 =	simm.s32 $0xE100  }
0x273: {  	[tilespmem:s22], [sflag:$0x4] =	stream.indirect_vreg.gather [hbm4b:s8+s3], $0x80, v2, vm0, $0xb8;
	[tilespmem:$0x18100] =	vst v63  }
0x274: {  	s28 =	simm.s32 $0xE900  }
0x275: {  	[tilespmem:s28], [sflag:$0x4] =	stream.indirect_vreg.gather [hbm4b:s9+s3], $0x80, v2, vm0, $0xb8;
	[tilespmem:$0x18100] =	vst v63  }
0x276: {  	s22 =	simm.s32 $0xF100  }
0x277: {  	[tilespmem:s22], [sflag:$0x4] =	stream.indirect_vreg.gather [hbm4b:s10+s3], $0x80, v2, vm0, $0xb8;
	[tilespmem:$0x18100] =	vst v63  }
0x278: {  	s28 =	simm.s32 $0xF900  }
0x279: {  	[tilespmem:s28], [sflag:$0x4] =	stream.indirect_vreg.gather [hbm4b:s11+s3], $0x80, v2, vm0, $0xb8;
	[tilespmem:$0x18100] =	vst v63  }
0x27a: {  	_ =	swait.ge [sflag:s23], $0x4000  }
0x27b: {  	[sflag:s23] =	ssyncset.done $0x0  }
0x27c: {  	s4 =	simm.s32 $0x10100;
	s22 =	rddreg [dreg:$0x14];
	[sflag:s23] =	ssyncadd.s32 $0xFFFFC000  }
0x27d: {  	[hbm4b:s22+s3] =	stream.linear.scatter [tilespmem:s4], [sflag:$0xB], $0x4000, $0x38;
	[tilespmem:$0x18100] =	vst v63  }
0x27e: {  	_ =	swait.ge [sflag:s24], $0x4000  }
0x27f: {  	[sflag:s24] =	ssyncset.done $0x0  }
0x280: {  	[sflag:s24] =	ssyncadd.s32 $0xFFFFC000  }
0x281: {  	v2 =	vld.msk [tilespmem:$0xB0], $0xff;
	_ =	sdelay $0x4  }
0x282: {  	v3 =	vshll.u32 v2, $0x4  }
0x283: {  	v2 =	vand.u32 $0x7, v2;
	v3 =	vand.u32 $0xFFFFFF80, v3  }
0x284: {  	v2 =	vor.u32 v2, v3  }
0x285: {  	v2 =	vperm.xlane v2, v0;
	_ =	sdelay $0x1  }
0x286: {  	v2 =	vadd.s32 v1, v2;
	_ =	sdelay $0x4  }
0x287: {  	[tilespmem:s4], [sflag:$0x5] =	stream.indirect_vreg.gather [hbm4b:s2+s3], $0x80, v2, vm0, $0xb8;
	[tilespmem:$0x18100] =	vst v63  }
0x288: {  	s28 =	simm.s32 $0x10900  }
0x289: {  	[tilespmem:s28], [sflag:$0x5] =	stream.indirect_vreg.gather [hbm4b:s5+s3], $0x80, v2, vm0, $0xb8;
	[tilespmem:$0x18100] =	vst v63  }
0x28a: {  	s31 =	simm.s32 $0x11100  }
0x28b: {  	[tilespmem:s31], [sflag:$0x5] =	stream.indirect_vreg.gather [hbm4b:s6+s3], $0x80, v2, vm0, $0xb8;
	[tilespmem:$0x18100] =	vst v63  }
0x28c: {  	s30 =	simm.s32 $0x11900  }
0x28d: {  	[tilespmem:s30], [sflag:$0x5] =	stream.indirect_vreg.gather [hbm4b:s7+s3], $0x80, v2, vm0, $0xb8;
	[tilespmem:$0x18100] =	vst v63  }
0x28e: {  	s30 =	simm.s32 $0x12100  }
0x28f: {  	[tilespmem:s30], [sflag:$0x5] =	stream.indirect_vreg.gather [hbm4b:s8+s3], $0x80, v2, vm0, $0xb8;
	[tilespmem:$0x18100] =	vst v63  }
0x290: {  	s31 =	simm.s32 $0x12900  }
0x291: {  	[tilespmem:s31], [sflag:$0x5] =	stream.indirect_vreg.gather [hbm4b:s9+s3], $0x80, v2, vm0, $0xb8;
	[tilespmem:$0x18100] =	vst v63  }
0x292: {  	s22 =	simm.s32 $0x13100  }
0x293: {  	[tilespmem:s22], [sflag:$0x5] =	stream.indirect_vreg.gather [hbm4b:s10+s3], $0x80, v2, vm0, $0xb8;
	[tilespmem:$0x18100] =	vst v63  }
0x294: {  	s28 =	simm.s32 $0x13900  }
0x295: {  	[tilespmem:s28], [sflag:$0x5] =	stream.indirect_vreg.gather [hbm4b:s11+s3], $0x80, v2, vm0, $0xb8;
	[tilespmem:$0x18100] =	vst v63  }
0x296: {  	_ =	swait.ge [sflag:s25], $0x4000  }
0x297: {  	[sflag:s25] =	ssyncset.done $0x0  }
0x298: {  	s13 =	simm.s32 $0x14100;
	s22 =	rddreg [dreg:$0x15];
	[sflag:s25] =	ssyncadd.s32 $0xFFFFC000  }
0x299: {  	[hbm4b:s22+s3] =	stream.linear.scatter [tilespmem:s13], [sflag:$0xC], $0x4000, $0x38;
	[tilespmem:$0x18100] =	vst v63  }
0x29a: {  	_ =	swait.ge [sflag:s26], $0x4000  }
0x29b: {  	[sflag:s26] =	ssyncset.done $0x0  }
0x29c: {  	[sflag:s26] =	ssyncadd.s32 $0xFFFFC000  }
0x29d: {  	v2 =	vld.msk [tilespmem:$0xB8], $0xff;
	_ =	sdelay $0x4  }
0x29e: {  	v3 =	vshll.u32 v2, $0x4  }
0x29f: {  	v2 =	vand.u32 $0x7, v2;
	v3 =	vand.u32 $0xFFFFFF80, v3  }
0x2a0: {  	v2 =	vor.u32 v2, v3  }
0x2a1: {  	v2 =	vperm.xlane v2, v0;
	_ =	sdelay $0x1  }
0x2a2: {  	v2 =	vadd.s32 v1, v2;
	_ =	sdelay $0x4  }
0x2a3: {  	[tilespmem:s13], [sflag:$0x6] =	stream.indirect_vreg.gather [hbm4b:s2+s3], $0x80, v2, vm0, $0xb8;
	[tilespmem:$0x18100] =	vst v63  }
0x2a4: {  	s28 =	simm.s32 $0x14900  }
0x2a5: {  	[tilespmem:s28], [sflag:$0x6] =	stream.indirect_vreg.gather [hbm4b:s5+s3], $0x80, v2, vm0, $0xb8;
	[tilespmem:$0x18100] =	vst v63  }
0x2a6: {  	s13 =	simm.s32 $0x15100  }
0x2a7: {  	[tilespmem:s13], [sflag:$0x6] =	stream.indirect_vreg.gather [hbm4b:s6+s3], $0x80, v2, vm0, $0xb8;
	[tilespmem:$0x18100] =	vst v63  }
0x2a8: {  	s22 =	simm.s32 $0x15900  }
0x2a9: {  	[tilespmem:s22], [sflag:$0x6] =	stream.indirect_vreg.gather [hbm4b:s7+s3], $0x80, v2, vm0, $0xb8;
	[tilespmem:$0x18100] =	vst v63  }
0x2aa: {  	s28 =	simm.s32 $0x16100  }
0x2ab: {  	[tilespmem:s28], [sflag:$0x6] =	stream.indirect_vreg.gather [hbm4b:s8+s3], $0x80, v2, vm0, $0xb8;
	[tilespmem:$0x18100] =	vst v63  }
0x2ac: {  	s13 =	simm.s32 $0x16900  }
0x2ad: {  	[tilespmem:s13], [sflag:$0x6] =	stream.indirect_vreg.gather [hbm4b:s9+s3], $0x80, v2, vm0, $0xb8;
	[tilespmem:$0x18100] =	vst v63  }
0x2ae: {  	s22 =	simm.s32 $0x17100  }
0x2af: {  	[tilespmem:s22], [sflag:$0x6] =	stream.indirect_vreg.gather [hbm4b:s10+s3], $0x80, v2, vm0, $0xb8;
	[tilespmem:$0x18100] =	vst v63  }
0x2b0: {  	s28 =	simm.s32 $0x17900  }
0x2b1: {  	[tilespmem:s28], [sflag:$0x6] =	stream.indirect_vreg.gather [hbm4b:s11+s3], $0x80, v2, vm0, $0xb8;
	[tilespmem:$0x18100] =	vst v63  }
0x2b2: {  	_ =	swait.ge [sflag:s14], $0x4000  }
0x2b3: {  	[sflag:s14] =	ssyncset.done $0x0  }
0x2b4: {  	s0 =	rddreg [dreg:$0x16];
	[sflag:s14] =	ssyncadd.s32 $0xFFFFC000  }
0x2b5: {  	[hbm4b:s0+s3] =	stream.linear.scatter [tilespmem:s1], [sflag:$0x7], $0x4000, $0x38;
	[tilespmem:$0x18100] =	vst v63  }
0x2b6: {  	_ =	swait.ge [sflag:s15], $0x4000  }
0x2b7: {  	[sflag:s15] =	ssyncset.done $0x0  }
0x2b8: {  	[sflag:s15] =	ssyncadd.s32 $0xFFFFC000  }
0x2b9: {  	v2 =	vld.msk [tilespmem:$0xC0], $0xff;
	_ =	sdelay $0x4  }
0x2ba: {  	v3 =	vshll.u32 v2, $0x4  }
0x2bb: {  	v2 =	vand.u32 $0x7, v2;
	v3 =	vand.u32 $0xFFFFFF80, v3  }
0x2bc: {  	v2 =	vor.u32 v2, v3  }
0x2bd: {  	v2 =	vperm.xlane v2, v0;
	_ =	sdelay $0x1  }
0x2be: {  	v2 =	vadd.s32 v1, v2;
	_ =	sdelay $0x4  }
0x2bf: {  	[tilespmem:s1], [sflag:$0x1] =	stream.indirect_vreg.gather [hbm4b:s2+s3], $0x80, v2, vm0, $0xb8;
	[tilespmem:$0x18100] =	vst v63  }
0x2c0: {  	s13 =	simm.s32 $0x900  }
0x2c1: {  	[tilespmem:s13], [sflag:$0x1] =	stream.indirect_vreg.gather [hbm4b:s5+s3], $0x80, v2, vm0, $0xb8;
	[tilespmem:$0x18100] =	vst v63  }
0x2c2: {  	s22 =	simm.s32 $0x1100  }
0x2c3: {  	[tilespmem:s22], [sflag:$0x1] =	stream.indirect_vreg.gather [hbm4b:s6+s3], $0x80, v2, vm0, $0xb8;
	[tilespmem:$0x18100] =	vst v63  }
0x2c4: {  	s28 =	simm.s32 $0x1900  }
0x2c5: {  	[tilespmem:s28], [sflag:$0x1] =	stream.indirect_vreg.gather [hbm4b:s7+s3], $0x80, v2, vm0, $0xb8;
	[tilespmem:$0x18100] =	vst v63  }
0x2c6: {  	s13 =	simm.s32 $0x2100  }
0x2c7: {  	[tilespmem:s13], [sflag:$0x1] =	stream.indirect_vreg.gather [hbm4b:s8+s3], $0x80, v2, vm0, $0xb8;
	[tilespmem:$0x18100] =	vst v63  }
0x2c8: {  	s22 =	simm.s32 $0x2900  }
0x2c9: {  	[tilespmem:s22], [sflag:$0x1] =	stream.indirect_vreg.gather [hbm4b:s9+s3], $0x80, v2, vm0, $0xb8;
	[tilespmem:$0x18100] =	vst v63  }
0x2ca: {  	s28 =	simm.s32 $0x3100  }
0x2cb: {  	[tilespmem:s28], [sflag:$0x1] =	stream.indirect_vreg.gather [hbm4b:s10+s3], $0x80, v2, vm0, $0xb8;
	[tilespmem:$0x18100] =	vst v63  }
0x2cc: {  	s13 =	simm.s32 $0x3900  }
0x2cd: {  	[tilespmem:s13], [sflag:$0x1] =	stream.indirect_vreg.gather [hbm4b:s11+s3], $0x80, v2, vm0, $0xb8;
	[tilespmem:$0x18100] =	vst v63  }
0x2ce: {  	_ =	swait.ge [sflag:s16], $0x4000  }
0x2cf: {  	[sflag:s16] =	ssyncset.done $0x0  }
0x2d0: {  	s12 =	simm.s32 $0x4100;
	s22 =	rddreg [dreg:$0x17];
	[sflag:s16] =	ssyncadd.s32 $0xFFFFC000  }
0x2d1: {  	[hbm4b:s22+s3] =	stream.linear.scatter [tilespmem:s12], [sflag:$0x8], $0x4000, $0x38;
	[tilespmem:$0x18100] =	vst v63  }
0x2d2: {  	_ =	swait.ge [sflag:s17], $0x4000  }
0x2d3: {  	[sflag:s17] =	ssyncset.done $0x0  }
0x2d4: {  	[sflag:s17] =	ssyncadd.s32 $0xFFFFC000  }
0x2d5: {  	v2 =	vld.msk [tilespmem:$0xC8], $0xff;
	_ =	sdelay $0x4  }
0x2d6: {  	v3 =	vshll.u32 v2, $0x4  }
0x2d7: {  	v2 =	vand.u32 $0x7, v2;
	v3 =	vand.u32 $0xFFFFFF80, v3  }
0x2d8: {  	v2 =	vor.u32 v2, v3  }
0x2d9: {  	v2 =	vperm.xlane v2, v0;
	_ =	sdelay $0x1  }
0x2da: {  	v2 =	vadd.s32 v1, v2;
	_ =	sdelay $0x4  }
0x2db: {  	[tilespmem:s12], [sflag:$0x2] =	stream.indirect_vreg.gather [hbm4b:s2+s3], $0x80, v2, vm0, $0xb8;
	[tilespmem:$0x18100] =	vst v63  }
0x2dc: {  	s28 =	simm.s32 $0x4900  }
0x2dd: {  	[tilespmem:s28], [sflag:$0x2] =	stream.indirect_vreg.gather [hbm4b:s5+s3], $0x80, v2, vm0, $0xb8;
	[tilespmem:$0x18100] =	vst v63  }
0x2de: {  	s12 =	simm.s32 $0x5100  }
0x2df: {  	[tilespmem:s12], [sflag:$0x2] =	stream.indirect_vreg.gather [hbm4b:s6+s3], $0x80, v2, vm0, $0xb8;
	[tilespmem:$0x18100] =	vst v63  }
0x2e0: {  	s22 =	simm.s32 $0x5900  }
0x2e1: {  	[tilespmem:s22], [sflag:$0x2] =	stream.indirect_vreg.gather [hbm4b:s7+s3], $0x80, v2, vm0, $0xb8;
	[tilespmem:$0x18100] =	vst v63  }
0x2e2: {  	s28 =	simm.s32 $0x6100  }
0x2e3: {  	[tilespmem:s28], [sflag:$0x2] =	stream.indirect_vreg.gather [hbm4b:s8+s3], $0x80, v2, vm0, $0xb8;
	[tilespmem:$0x18100] =	vst v63  }
0x2e4: {  	s12 =	simm.s32 $0x6900  }
0x2e5: {  	[tilespmem:s12], [sflag:$0x2] =	stream.indirect_vreg.gather [hbm4b:s9+s3], $0x80, v2, vm0, $0xb8;
	[tilespmem:$0x18100] =	vst v63  }
0x2e6: {  	s22 =	simm.s32 $0x7100  }
0x2e7: {  	[tilespmem:s22], [sflag:$0x2] =	stream.indirect_vreg.gather [hbm4b:s10+s3], $0x80, v2, vm0, $0xb8;
	[tilespmem:$0x18100] =	vst v63  }
0x2e8: {  	s28 =	simm.s32 $0x7900  }
0x2e9: {  	[tilespmem:s28], [sflag:$0x2] =	stream.indirect_vreg.gather [hbm4b:s11+s3], $0x80, v2, vm0, $0xb8;
	[tilespmem:$0x18100] =	vst v63  }
0x2ea: {  	_ =	swait.ge [sflag:s18], $0x4000  }
0x2eb: {  	[sflag:s18] =	ssyncset.done $0x0  }
0x2ec: {  	s22 =	simm.s32 $0x8100;
	s12 =	rddreg [dreg:$0x18];
	[sflag:s18] =	ssyncadd.s32 $0xFFFFC000  }
0x2ed: {  	[hbm4b:s12+s3] =	stream.linear.scatter [tilespmem:s22], [sflag:$0x9], $0x4000, $0x38;
	[tilespmem:$0x18100] =	vst v63  }
0x2ee: {  	_ =	swait.ge [sflag:s19], $0x4000  }
0x2ef: {  	[sflag:s19] =	ssyncset.done $0x0  }
0x2f0: {  	[sflag:s19] =	ssyncadd.s32 $0xFFFFC000  }
0x2f1: {  	v2 =	vld.msk [tilespmem:$0xD0], $0xff;
	_ =	sdelay $0x4  }
0x2f2: {  	v3 =	vshll.u32 v2, $0x4  }
0x2f3: {  	v2 =	vand.u32 $0x7, v2;
	v3 =	vand.u32 $0xFFFFFF80, v3  }
0x2f4: {  	v2 =	vor.u32 v2, v3  }
0x2f5: {  	v2 =	vperm.xlane v2, v0;
	_ =	sdelay $0x1  }
0x2f6: {  	v2 =	vadd.s32 v1, v2;
	_ =	sdelay $0x4  }
0x2f7: {  	[tilespmem:s22], [sflag:$0x3] =	stream.indirect_vreg.gather [hbm4b:s2+s3], $0x80, v2, vm0, $0xb8;
	[tilespmem:$0x18100] =	vst v63  }
0x2f8: {  	s28 =	simm.s32 $0x8900  }
0x2f9: {  	[tilespmem:s28], [sflag:$0x3] =	stream.indirect_vreg.gather [hbm4b:s5+s3], $0x80, v2, vm0, $0xb8;
	[tilespmem:$0x18100] =	vst v63  }
0x2fa: {  	s22 =	simm.s32 $0x9100  }
0x2fb: {  	[tilespmem:s22], [sflag:$0x3] =	stream.indirect_vreg.gather [hbm4b:s6+s3], $0x80, v2, vm0, $0xb8;
	[tilespmem:$0x18100] =	vst v63  }
0x2fc: {  	s28 =	simm.s32 $0x9900  }
0x2fd: {  	[tilespmem:s28], [sflag:$0x3] =	stream.indirect_vreg.gather [hbm4b:s7+s3], $0x80, v2, vm0, $0xb8;
	[tilespmem:$0x18100] =	vst v63  }
0x2fe: {  	s22 =	simm.s32 $0xA100  }
0x2ff: {  	[tilespmem:s22], [sflag:$0x3] =	stream.indirect_vreg.gather [hbm4b:s8+s3], $0x80, v2, vm0, $0xb8;
	[tilespmem:$0x18100] =	vst v63  }
0x300: {  	s28 =	simm.s32 $0xA900  }
0x301: {  	[tilespmem:s28], [sflag:$0x3] =	stream.indirect_vreg.gather [hbm4b:s9+s3], $0x80, v2, vm0, $0xb8;
	[tilespmem:$0x18100] =	vst v63  }
0x302: {  	s22 =	simm.s32 $0xB100  }
0x303: {  	[tilespmem:s22], [sflag:$0x3] =	stream.indirect_vreg.gather [hbm4b:s10+s3], $0x80, v2, vm0, $0xb8;
	[tilespmem:$0x18100] =	vst v63  }
0x304: {  	s28 =	simm.s32 $0xB900  }
0x305: {  	[tilespmem:s28], [sflag:$0x3] =	stream.indirect_vreg.gather [hbm4b:s11+s3], $0x80, v2, vm0, $0xb8;
	[tilespmem:$0x18100] =	vst v63  }
0x306: {  	_ =	swait.ge [sflag:s20], $0x4000  }
0x307: {  	[sflag:s20] =	ssyncset.done $0x0  }
0x308: {  	s12 =	simm.s32 $0xC100;
	s22 =	rddreg [dreg:$0x19];
	[sflag:s20] =	ssyncadd.s32 $0xFFFFC000  }
0x309: {  	[hbm4b:s22+s3] =	stream.linear.scatter [tilespmem:s12], [sflag:$0xA], $0x4000, $0x38;
	[tilespmem:$0x18100] =	vst v63  }
0x30a: {  	_ =	swait.ge [sflag:s21], $0x4000  }
0x30b: {  	[sflag:s21] =	ssyncset.done $0x0  }
0x30c: {  	[sflag:s21] =	ssyncadd.s32 $0xFFFFC000  }
0x30d: {  	v2 =	vld.msk [tilespmem:$0xD8], $0xff;
	_ =	sdelay $0x4  }
0x30e: {  	v3 =	vshll.u32 v2, $0x4  }
0x30f: {  	v2 =	vand.u32 $0x7, v2;
	v3 =	vand.u32 $0xFFFFFF80, v3  }
0x310: {  	v2 =	vor.u32 v2, v3  }
0x311: {  	v2 =	vperm.xlane v2, v0;
	_ =	sdelay $0x1  }
0x312: {  	v2 =	vadd.s32 v1, v2;
	_ =	sdelay $0x4  }
0x313: {  	[tilespmem:s12], [sflag:$0x4] =	stream.indirect_vreg.gather [hbm4b:s2+s3], $0x80, v2, vm0, $0xb8;
	[tilespmem:$0x18100] =	vst v63  }
0x314: {  	s29 =	simm.s32 $0xC900  }
0x315: {  	[tilespmem:s29], [sflag:$0x4] =	stream.indirect_vreg.gather [hbm4b:s5+s3], $0x80, v2, vm0, $0xb8;
	[tilespmem:$0x18100] =	vst v63  }
0x316: {  	s28 =	simm.s32 $0xD100  }
0x317: {  	[tilespmem:s28], [sflag:$0x4] =	stream.indirect_vreg.gather [hbm4b:s6+s3], $0x80, v2, vm0, $0xb8;
	[tilespmem:$0x18100] =	vst v63  }
0x318: {  	s29 =	simm.s32 $0xD900  }
0x319: {  	[tilespmem:s29], [sflag:$0x4] =	stream.indirect_vreg.gather [hbm4b:s7+s3], $0x80, v2, vm0, $0xb8;
	[tilespmem:$0x18100] =	vst v63  }
0x31a: {  	s28 =	simm.s32 $0xE100  }
0x31b: {  	[tilespmem:s28], [sflag:$0x4] =	stream.indirect_vreg.gather [hbm4b:s8+s3], $0x80, v2, vm0, $0xb8;
	[tilespmem:$0x18100] =	vst v63  }
0x31c: {  	s29 =	simm.s32 $0xE900  }
0x31d: {  	[tilespmem:s29], [sflag:$0x4] =	stream.indirect_vreg.gather [hbm4b:s9+s3], $0x80, v2, vm0, $0xb8;
	[tilespmem:$0x18100] =	vst v63  }
0x31e: {  	s28 =	simm.s32 $0xF100  }
0x31f: {  	[tilespmem:s28], [sflag:$0x4] =	stream.indirect_vreg.gather [hbm4b:s10+s3], $0x80, v2, vm0, $0xb8;
	[tilespmem:$0x18100] =	vst v63  }
0x320: {  	s29 =	simm.s32 $0xF900  }
0x321: {  	[tilespmem:s29], [sflag:$0x4] =	stream.indirect_vreg.gather [hbm4b:s11+s3], $0x80, v2, vm0, $0xb8;
	[tilespmem:$0x18100] =	vst v63  }
0x322: {  	_ =	swait.ge [sflag:s23], $0x4000  }
0x323: {  	[sflag:s23] =	ssyncset.done $0x0  }
0x324: {  	s12 =	simm.s32 $0x10100;
	s28 =	rddreg [dreg:$0x1a];
	[sflag:s23] =	ssyncadd.s32 $0xFFFFC000  }
0x325: {  	[hbm4b:s28+s3] =	stream.linear.scatter [tilespmem:s12], [sflag:$0xB], $0x4000, $0x38;
	[tilespmem:$0x18100] =	vst v63  }
0x326: {  	_ =	swait.ge [sflag:s24], $0x4000  }
0x327: {  	[sflag:s24] =	ssyncset.done $0x0  }
0x328: {  	[sflag:s24] =	ssyncadd.s32 $0xFFFFC000  }
0x329: {  	v2 =	vld.msk [tilespmem:$0xE0], $0xff;
	_ =	sdelay $0x4  }
0x32a: {  	v3 =	vshll.u32 v2, $0x4  }
0x32b: {  	v2 =	vand.u32 $0x7, v2;
	v3 =	vand.u32 $0xFFFFFF80, v3  }
0x32c: {  	v2 =	vor.u32 v2, v3  }
0x32d: {  	v2 =	vperm.xlane v2, v0;
	_ =	sdelay $0x1  }
0x32e: {  	v2 =	vadd.s32 v1, v2;
	_ =	sdelay $0x4  }
0x32f: {  	[tilespmem:s12], [sflag:$0x5] =	stream.indirect_vreg.gather [hbm4b:s2+s3], $0x80, v2, vm0, $0xb8;
	[tilespmem:$0x18100] =	vst v63  }
0x330: {  	s4 =	simm.s32 $0x10900  }
0x331: {  	[tilespmem:s4], [sflag:$0x5] =	stream.indirect_vreg.gather [hbm4b:s5+s3], $0x80, v2, vm0, $0xb8;
	[tilespmem:$0x18100] =	vst v63  }
0x332: {  	s12 =	simm.s32 $0x11100  }
0x333: {  	[tilespmem:s12], [sflag:$0x5] =	stream.indirect_vreg.gather [hbm4b:s6+s3], $0x80, v2, vm0, $0xb8;
	[tilespmem:$0x18100] =	vst v63  }
0x334: {  	s28 =	simm.s32 $0x11900  }
0x335: {  	[tilespmem:s28], [sflag:$0x5] =	stream.indirect_vreg.gather [hbm4b:s7+s3], $0x80, v2, vm0, $0xb8;
	[tilespmem:$0x18100] =	vst v63  }
0x336: {  	s30 =	simm.s32 $0x12100  }
0x337: {  	[tilespmem:s30], [sflag:$0x5] =	stream.indirect_vreg.gather [hbm4b:s8+s3], $0x80, v2, vm0, $0xb8;
	[tilespmem:$0x18100] =	vst v63  }
0x338: {  	s31 =	simm.s32 $0x12900  }
0x339: {  	[tilespmem:s31], [sflag:$0x5] =	stream.indirect_vreg.gather [hbm4b:s9+s3], $0x80, v2, vm0, $0xb8;
	[tilespmem:$0x18100] =	vst v63  }
0x33a: {  	s30 =	simm.s32 $0x13100  }
0x33b: {  	[tilespmem:s30], [sflag:$0x5] =	stream.indirect_vreg.gather [hbm4b:s10+s3], $0x80, v2, vm0, $0xb8;
	[tilespmem:$0x18100] =	vst v63  }
0x33c: {  	s31 =	simm.s32 $0x13900  }
0x33d: {  	[tilespmem:s31], [sflag:$0x5] =	stream.indirect_vreg.gather [hbm4b:s11+s3], $0x80, v2, vm0, $0xb8;
	[tilespmem:$0x18100] =	vst v63  }
0x33e: {  	_ =	swait.ge [sflag:s25], $0x4000  }
0x33f: {  	[sflag:s25] =	ssyncset.done $0x0  }
0x340: {  	s12 =	simm.s32 $0x14100;
	s4 =	rddreg [dreg:$0x1b];
	[sflag:s25] =	ssyncadd.s32 $0xFFFFC000  }
0x341: {  	[hbm4b:s4+s3] =	stream.linear.scatter [tilespmem:s12], [sflag:$0xC], $0x4000, $0x38;
	[tilespmem:$0x18100] =	vst v63  }
0x342: {  	_ =	swait.ge [sflag:s26], $0x4000  }
0x343: {  	[sflag:s26] =	ssyncset.done $0x0  }
0x344: {  	[sflag:s26] =	ssyncadd.s32 $0xFFFFC000  }
0x345: {  	v2 =	vld.msk [tilespmem:$0xE8], $0xff;
	_ =	sdelay $0x4  }
0x346: {  	v3 =	vshll.u32 v2, $0x4  }
0x347: {  	v2 =	vand.u32 $0x7, v2;
	v3 =	vand.u32 $0xFFFFFF80, v3  }
0x348: {  	v2 =	vor.u32 v2, v3  }
0x349: {  	v2 =	vperm.xlane v2, v0;
	_ =	sdelay $0x1  }
0x34a: {  	v2 =	vadd.s32 v1, v2;
	_ =	sdelay $0x4  }
0x34b: {  	[tilespmem:s12], [sflag:$0x6] =	stream.indirect_vreg.gather [hbm4b:s2+s3], $0x80, v2, vm0, $0xb8;
	[tilespmem:$0x18100] =	vst v63  }
0x34c: {  	s28 =	simm.s32 $0x14900  }
0x34d: {  	[tilespmem:s28], [sflag:$0x6] =	stream.indirect_vreg.gather [hbm4b:s5+s3], $0x80, v2, vm0, $0xb8;
	[tilespmem:$0x18100] =	vst v63  }
0x34e: {  	s30 =	simm.s32 $0x15100  }
0x34f: {  	[tilespmem:s30], [sflag:$0x6] =	stream.indirect_vreg.gather [hbm4b:s6+s3], $0x80, v2, vm0, $0xb8;
	[tilespmem:$0x18100] =	vst v63  }
0x350: {  	s31 =	simm.s32 $0x15900  }
0x351: {  	[tilespmem:s31], [sflag:$0x6] =	stream.indirect_vreg.gather [hbm4b:s7+s3], $0x80, v2, vm0, $0xb8;
	[tilespmem:$0x18100] =	vst v63  }
0x352: {  	s28 =	simm.s32 $0x16100  }
0x353: {  	[tilespmem:s28], [sflag:$0x6] =	stream.indirect_vreg.gather [hbm4b:s8+s3], $0x80, v2, vm0, $0xb8;
	[tilespmem:$0x18100] =	vst v63  }
0x354: {  	s30 =	simm.s32 $0x16900  }
0x355: {  	[tilespmem:s30], [sflag:$0x6] =	stream.indirect_vreg.gather [hbm4b:s9+s3], $0x80, v2, vm0, $0xb8;
	[tilespmem:$0x18100] =	vst v63  }
0x356: {  	s31 =	simm.s32 $0x17100  }
0x357: {  	[tilespmem:s31], [sflag:$0x6] =	stream.indirect_vreg.gather [hbm4b:s10+s3], $0x80, v2, vm0, $0xb8;
	[tilespmem:$0x18100] =	vst v63  }
0x358: {  	s28 =	simm.s32 $0x17900  }
0x359: {  	[tilespmem:s28], [sflag:$0x6] =	stream.indirect_vreg.gather [hbm4b:s11+s3], $0x80, v2, vm0, $0xb8;
	[tilespmem:$0x18100] =	vst v63  }
0x35a: {  	_ =	swait.ge [sflag:s14], $0x4000  }
0x35b: {  	[sflag:s14] =	ssyncset.done $0x0  }
0x35c: {  	s30 =	rddreg [dreg:$0x1c];
	[sflag:s14] =	ssyncadd.s32 $0xFFFFC000  }
0x35d: {  	[hbm4b:s30+s3] =	stream.linear.scatter [tilespmem:s1], [sflag:$0x7], $0x4000, $0x38;
	[tilespmem:$0x18100] =	vst v63  }
0x35e: {  	_ =	swait.ge [sflag:s15], $0x4000  }
0x35f: {  	[sflag:s15] =	ssyncset.done $0x0  }
0x360: {  	[sflag:s15] =	ssyncadd.s32 $0xFFFFC000  }
0x361: {  	v2 =	vld.msk [tilespmem:$0xF0], $0xff;
	_ =	sdelay $0x4  }
0x362: {  	v3 =	vshll.u32 v2, $0x4  }
0x363: {  	v2 =	vand.u32 $0x7, v2;
	v3 =	vand.u32 $0xFFFFFF80, v3  }
0x364: {  	v2 =	vor.u32 v2, v3  }
0x365: {  	v2 =	vperm.xlane v2, v0;
	_ =	sdelay $0x1  }
0x366: {  	v2 =	vadd.s32 v1, v2;
	_ =	sdelay $0x4  }
0x367: {  	[tilespmem:s1], [sflag:$0x1] =	stream.indirect_vreg.gather [hbm4b:s2+s3], $0x80, v2, vm0, $0xb8;
	[tilespmem:$0x18100] =	vst v63  }
0x368: {  	s31 =	simm.s32 $0x900  }
0x369: {  	[tilespmem:s31], [sflag:$0x1] =	stream.indirect_vreg.gather [hbm4b:s5+s3], $0x80, v2, vm0, $0xb8;
	[tilespmem:$0x18100] =	vst v63  }
0x36a: {  	s28 =	simm.s32 $0x1100  }
0x36b: {  	[tilespmem:s28], [sflag:$0x1] =	stream.indirect_vreg.gather [hbm4b:s6+s3], $0x80, v2, vm0, $0xb8;
	[tilespmem:$0x18100] =	vst v63  }
0x36c: {  	s30 =	simm.s32 $0x1900  }
0x36d: {  	[tilespmem:s30], [sflag:$0x1] =	stream.indirect_vreg.gather [hbm4b:s7+s3], $0x80, v2, vm0, $0xb8;
	[tilespmem:$0x18100] =	vst v63  }
0x36e: {  	s31 =	simm.s32 $0x2100  }
0x36f: {  	[tilespmem:s31], [sflag:$0x1] =	stream.indirect_vreg.gather [hbm4b:s8+s3], $0x80, v2, vm0, $0xb8;
	[tilespmem:$0x18100] =	vst v63  }
0x370: {  	s28 =	simm.s32 $0x2900  }
0x371: {  	[tilespmem:s28], [sflag:$0x1] =	stream.indirect_vreg.gather [hbm4b:s9+s3], $0x80, v2, vm0, $0xb8;
	[tilespmem:$0x18100] =	vst v63  }
0x372: {  	s30 =	simm.s32 $0x3100  }
0x373: {  	[tilespmem:s30], [sflag:$0x1] =	stream.indirect_vreg.gather [hbm4b:s10+s3], $0x80, v2, vm0, $0xb8;
	[tilespmem:$0x18100] =	vst v63  }
0x374: {  	s31 =	simm.s32 $0x3900  }
0x375: {  	[tilespmem:s31], [sflag:$0x1] =	stream.indirect_vreg.gather [hbm4b:s11+s3], $0x80, v2, vm0, $0xb8;
	[tilespmem:$0x18100] =	vst v63  }
0x376: {  	_ =	swait.ge [sflag:s16], $0x4000  }
0x377: {  	[sflag:s16] =	ssyncset.done $0x0  }
0x378: {  	s30 =	simm.s32 $0x4100;
	s12 =	rddreg [dreg:$0x1d];
	[sflag:s16] =	ssyncadd.s32 $0xFFFFC000  }
0x379: {  	[hbm4b:s12+s3] =	stream.linear.scatter [tilespmem:s30], [sflag:$0x8], $0x4000, $0x38;
	[tilespmem:$0x18100] =	vst v63  }
0x37a: {  	_ =	swait.ge [sflag:s17], $0x4000  }
0x37b: {  	[sflag:s17] =	ssyncset.done $0x0  }
0x37c: {  	[sflag:s17] =	ssyncadd.s32 $0xFFFFC000  }
0x37d: {  	v2 =	vld.msk [tilespmem:$0xF8], $0xff;
	_ =	sdelay $0x4  }
0x37e: {  	v3 =	vshll.u32 v2, $0x4  }
0x37f: {  	v2 =	vand.u32 $0x7, v2;
	v3 =	vand.u32 $0xFFFFFF80, v3  }
0x380: {  	v2 =	vor.u32 v2, v3  }
0x381: {  	v2 =	vperm.xlane v2, v0;
	_ =	sdelay $0x1  }
0x382: {  	v2 =	vadd.s32 v1, v2;
	_ =	sdelay $0x4  }
0x383: {  	[tilespmem:s30], [sflag:$0x2] =	stream.indirect_vreg.gather [hbm4b:s2+s3], $0x80, v2, vm0, $0xb8;
	[tilespmem:$0x18100] =	vst v63  }
0x384: {  	s13 =	simm.s32 $0x4900  }
0x385: {  	[tilespmem:s13], [sflag:$0x2] =	stream.indirect_vreg.gather [hbm4b:s5+s3], $0x80, v2, vm0, $0xb8;
	[tilespmem:$0x18100] =	vst v63  }
0x386: {  	s31 =	simm.s32 $0x5100  }
0x387: {  	[tilespmem:s31], [sflag:$0x2] =	stream.indirect_vreg.gather [hbm4b:s6+s3], $0x80, v2, vm0, $0xb8;
	[tilespmem:$0x18100] =	vst v63  }
0x388: {  	s28 =	simm.s32 $0x5900  }
0x389: {  	[tilespmem:s28], [sflag:$0x2] =	stream.indirect_vreg.gather [hbm4b:s7+s3], $0x80, v2, vm0, $0xb8;
	[tilespmem:$0x18100] =	vst v63  }
0x38a: {  	s30 =	simm.s32 $0x6100  }
0x38b: {  	[tilespmem:s30], [sflag:$0x2] =	stream.indirect_vreg.gather [hbm4b:s8+s3], $0x80, v2, vm0, $0xb8;
	[tilespmem:$0x18100] =	vst v63  }
0x38c: {  	s31 =	simm.s32 $0x6900  }
0x38d: {  	[tilespmem:s31], [sflag:$0x2] =	stream.indirect_vreg.gather [hbm4b:s9+s3], $0x80, v2, vm0, $0xb8;
	[tilespmem:$0x18100] =	vst v63  }
0x38e: {  	s28 =	simm.s32 $0x7100  }
0x38f: {  	[tilespmem:s28], [sflag:$0x2] =	stream.indirect_vreg.gather [hbm4b:s10+s3], $0x80, v2, vm0, $0xb8;
	[tilespmem:$0x18100] =	vst v63  }
0x390: {  	s30 =	simm.s32 $0x7900  }
0x391: {  	[tilespmem:s30], [sflag:$0x2] =	stream.indirect_vreg.gather [hbm4b:s11+s3], $0x80, v2, vm0, $0xb8;
	[tilespmem:$0x18100] =	vst v63  }
0x392: {  	_ =	swait.ge [sflag:s18], $0x4000  }
0x393: {  	[sflag:s18] =	ssyncset.done $0x0  }
0x394: {  	s0 =	simm.s32 $0x8100;
	s31 =	rddreg [dreg:$0x1e];
	[sflag:s18] =	ssyncadd.s32 $0xFFFFC000  }
0x395: {  	[hbm4b:s31+s3] =	stream.linear.scatter [tilespmem:s0], [sflag:$0x9], $0x4000, $0x38;
	[tilespmem:$0x18100] =	vst v63  }
0x396: {  	_ =	swait.ge [sflag:s20], $0x4000  }
0x397: {  	[sflag:s20] =	ssyncset.done $0x0  }
0x398: {  	s22 =	simm.s32 $0xC100;
	s0 =	rddreg [dreg:$0x1f];
	[sflag:s20] =	ssyncadd.s32 $0xFFFFC000  }
0x399: {  	[hbm4b:s0+s3] =	stream.linear.scatter [tilespmem:s22], [sflag:$0xA], $0x4000, $0x38;
	[tilespmem:$0x18100] =	vst v63  }
0x39a: {  	_ =	swait.ge [sflag:s23], $0x4000  }
0x39b: {  	s13 =	sld [smem:$0x7F8]  }
0x39c: {  	[sflag:s23] =	ssyncset.done $0x0  }
0x39d: {  	s29 =	simm.s32 $0x10100;
	[sflag:s23] =	ssyncadd.s32 $0xFFFFC000  }
0x39e: {  	[hbm4b:s13+s3] =	stream.linear.scatter [tilespmem:s29], [sflag:$0xB], $0x4000, $0x38;
	[tilespmem:$0x18100] =	vst v63  }
0x39f: {  	_ =	swait.ge [sflag:s25], $0x4000  }
0x3a0: {  	s22 =	sld [smem:$0x7F9]  }
0x3a1: {  	[sflag:s25] =	ssyncset.done $0x0  }
0x3a2: {  	s4 =	simm.s32 $0x14100;
	[sflag:s25] =	ssyncadd.s32 $0xFFFFC000  }
0x3a3: {  	[hbm4b:s22+s3] =	stream.linear.scatter [tilespmem:s4], [sflag:$0xC], $0x4000, $0x38;
	[tilespmem:$0x18100] =	vst v63  }
0x3a4: {  	_ =	swait.ge [sflag:s14], $0x4000  }
0x3a5: {  	s29 =	sld [smem:$0x7FA]  }
0x3a6: {  	[sflag:s14] =	ssyncset.done $0x0  }
0x3a7: {  	[sflag:s14] =	ssyncadd.s32 $0xFFFFC000  }
0x3a8: {  	[hbm4b:s29+s3] =	stream.linear.scatter [tilespmem:s1], [sflag:$0x7], $0x4000, $0x38;
	[tilespmem:$0x18100] =	vst v63  }
0x3a9: {  	s30 =	sld [smem:$0x7F7];
	_ =	swait.ge [sflag:s16], $0x4000  }
0x3aa: {  	s31 =	sld [smem:$0x7FC]  }
0x3ab: {  	[sflag:s16] =	ssyncset.done $0x0  }
0x3ac: {  	s12 =	simm.s32 $0x4100;
	[sflag:s16] =	ssyncadd.s32 $0xFFFFC000  }
0x3ad: {  	[hbm4b:s31+s3] =	stream.linear.scatter [tilespmem:s12], [sflag:$0x8], $0x4000, $0x38;
	[tilespmem:$0x18100] =	vst v63  }
0x3ae: {  	_ =	swait.ge [sflag:s19], $0x4000  }
0x3af: {  	[sflag:s19] =	ssyncset.done $0x0  }
0x3b0: {  	[sflag:s19] =	ssyncadd.s32 $0xFFFFC000  }
0x3b1: {  	_ =	swait.ge [sflag:s21], $0x4000  }
0x3b2: {  	[sflag:s21] =	ssyncset.done $0x0  }
0x3b3: {  	[sflag:s21] =	ssyncadd.s32 $0xFFFFC000  }
0x3b4: {  	_ =	swait.ge [sflag:s24], $0x4000  }
0x3b5: {  	[sflag:s24] =	ssyncset.done $0x0  }
0x3b6: {  	[sflag:s24] =	ssyncadd.s32 $0xFFFFC000  }
0x3b7: {  	_ =	swait.ge [sflag:s26], $0x4000  }
0x3b8: {  	[sflag:s26] =	ssyncset.done $0x0  }
0x3b9: {  	[sflag:s26] =	ssyncadd.s32 $0xFFFFC000  }
0x3ba: {  	p0 =	sne.s32 s30, $0x1;
	_ =	swait.ge [sflag:s15], $0x4000  }
.Ltmp0:
0x3bb: {  	[sflag:s15] =	ssyncset.done $0x0;
	(pc) =	sbr.rel @p0 .LBB2_1-.Ltmp0, $4  }
0x3bc: {  	[sflag:s15] =	ssyncadd.s32 $0xFFFFC000  }
0x3bd: {  	_ =	swait.ge [sflag:s17], $0x4000  }
0x3be: {  	[sflag:s17] =	ssyncset.done $0x0  }
0x3bf: {  	s1 =	sadd.s32 $0xFFFFFFFF, s30;
	[sflag:s17] =	ssyncadd.s32 $0xFFFFC000  }
0x3c0: {  	_ =	sfence.sel $0x180000  }
0x3c1: {  	[bflag:$0x0] =	sbarrier.arrive $0xFFFF  }
0x3c2: {  	_ =	strace $0x90000047  }
0x3c3: {  	s0 =	stileid.u32;
	[bflag:$0x2] =	sbarrier.arrive $0xFFFF  }
0x3c4: {  	p0 =	sne.s32 s0, $0x0;
	s0 =	rddreg [dreg:$0x3]  }
0x3c5: {  	s0 =	sadd.s32 @!p0 $0x100000, s0  }
0x3c6: {  	[sflag:s0] =	ssyncadd.tile.s32 @!p0 $0x1;
	_ =	shalt  }
.Lfunc_end2:
_tile_overlayer_lowered:
.L_overlay_start_2:
0x3c7: {  	(tag) =	ssettag $0x2  }
0x3c8: {  	s0 =	rddreg [dreg:$0x0];
	s2 =	stileid.u32  }
0x3c9: {  	s1 =	rddreg [dreg:$0x1];
	p0 =	sne.s32 s2, $0x0  }
0x3ca: {  	s3 =	rddreg [dreg:$0x2];
	[bflag:$0x3] =	sbarrier.arrive $0xFFFF;
	s2 =	simm.s32 @!p0 $0x1C0D  }
0x3cb: {  	[timem:s3], [sflag:s2] =	dma.local @!p0 [hbm:s0], s1  }
0x3cc: {  	s0 =	simm.s32 @!p0 $0xD  }
0x3cd: {  	_ =	swait.ge @!p0 [sflag:s0], s1  }
0x3ce: {  	s1 =	ssub.s32 @!p0 $0x0, s1;
	[sflag:s0] =	ssyncset.done @!p0 $0x0  }
0x3cf: {  	[sflag:s0] =	ssyncadd.s32 @!p0 s1  }
0x3d0: {  	[bflag:$0x3] =	sbarrier.arrive $0xFFFF  }
0x3d1: {  	_ =	shalt  }

</sc_bundles>
